<compile_context>
chip_gen: v7x
topology: tpu7x:2x2x1
jax: 0.10.2.dev20260603
libtpu: 0.0.44.dev20260713+nightly
codegen_flags: <defaults>
</compile_context>

<pallas_src>
import functools

import jax
import jax.numpy as jnp
from jax import lax
from jax.experimental import pallas as pl
from jax.experimental.pallas import tpu as pltpu, tpu_sc as plsc

N = 50000
E = 1600000
IN_DIM = 128
EM = 32
ODIM = 16
ORB = 4
M = 2 * ORB
D = M * EM
DO = M * ODIM
INV_NBR = 1.0 / 32.0

NP = 53248
NB = 4096
NBLK = 13
BLK_PER_SC = 7
SUB = 256
ACCR = 264
NC = 2
NS = 16
L = 16
EPT = E // NS
CHUNK = 4000
NCHUNKS = EPT // CHUNK
STG = 2048
CAP = EPT + 2 * STG + 96
PCH = 2048
K = 64
ZROWS = 64


ROWS = 512
GRID = NP // ROWS


def _embed_body(x_ref, z_ref, w_ref, b_ref, h_ref, zz_ref):
    w = w_ref[...]
    b = b_ref[...]
    h_ref[...] = jax.nn.sigmoid(
        jnp.dot(x_ref[...], w, preferred_element_type=jnp.float32) + b)
    zz_ref[...] = jax.nn.sigmoid(
        jnp.dot(z_ref[...], w, preferred_element_type=jnp.float32) + b)


def _tc_embed(xp, zp, wcat, bcat):
    return pl.pallas_call(
        _embed_body,
        grid=(GRID,),
        in_specs=[
            pl.BlockSpec((ROWS, IN_DIM), lambda i: (i, 0)),
            pl.BlockSpec((ROWS, IN_DIM), lambda i: (i, 0)),
            pl.BlockSpec((IN_DIM, D), lambda i: (0, 0)),
            pl.BlockSpec((1, D), lambda i: (0, 0)),
        ],
        out_specs=[
            pl.BlockSpec((ROWS, D), lambda i: (i, 0)),
            pl.BlockSpec((ROWS, D), lambda i: (i, 0)),
        ],
        out_shape=[
            jax.ShapeDtypeStruct((NP, D), jnp.float32),
            jax.ShapeDtypeStruct((NP, D), jnp.float32),
        ],
    )(xp, zp, wcat, bcat)


def _update_body(h_ref, a_ref, zz_ref, ws_ref, wn_ref, out_ref):
    agg = a_ref[...] * INV_NBR
    pre = (jnp.dot(h_ref[...], ws_ref[...], preferred_element_type=jnp.float32)
           + jnp.dot(agg, wn_ref[...], preferred_element_type=jnp.float32))
    out_ref[...] = jax.nn.silu(pre) * zz_ref[...]


def _tc_update(h, agg, zz, ws_bd, wn_bd):
    return pl.pallas_call(
        _update_body,
        grid=(GRID,),
        in_specs=[
            pl.BlockSpec((ROWS, D), lambda i: (i, 0)),
            pl.BlockSpec((ROWS, D), lambda i: (i, 0)),
            pl.BlockSpec((ROWS, D), lambda i: (i, 0)),
            pl.BlockSpec((D, D), lambda i: (0, 0)),
            pl.BlockSpec((D, D), lambda i: (0, 0)),
        ],
        out_specs=pl.BlockSpec((ROWS, D), lambda i: (i, 0)),
        out_shape=jax.ShapeDtypeStruct((NP, D), jnp.float32),
    )(h, agg, zz, ws_bd, wn_bd)


def _head_body(h_ref, wo_ref, s_ref, g_ref, out_ref):
    o = jnp.dot(h_ref[...], wo_ref[...], preferred_element_type=jnp.float32)
    t = jnp.abs(jax.nn.silu(o))
    ss = jnp.dot(t * t, s_ref[...], preferred_element_type=jnp.float32)
    out_ref[...] = -(g_ref[...] * t) / (jnp.sqrt(ss) + 1e-8)


def _tc_head(h, wo_bd, smat, gvec):
    return pl.pallas_call(
        _head_body,
        grid=(GRID,),
        in_specs=[
            pl.BlockSpec((ROWS, D), lambda i: (i, 0)),
            pl.BlockSpec((D, DO), lambda i: (0, 0)),
            pl.BlockSpec((DO, DO), lambda i: (0, 0)),
            pl.BlockSpec((1, DO), lambda i: (0, 0)),
        ],
        out_specs=pl.BlockSpec((ROWS, DO), lambda i: (i, 0)),
        out_shape=jax.ShapeDtypeStruct((NP, DO), jnp.float32),
    )(h, wo_bd, smat, gvec)



def _sc_body(h_hbm, src_hbm, dst_hbm,
             agg_hbm, pairs_hbm, counts_hbm,
             src_v, dst_v, stg_v, my_v, pch_v, gsrc_v, gloc_v,
             rows_v, cnt_v, counts_v, acc_v, sem):
    c = lax.axis_index("c")
    s = lax.axis_index("s")
    w = c * NS + s
    lanes = lax.iota(jnp.int32, L)
    zvec = jnp.zeros((L,), jnp.float32)

    def _zero_acc():
        def _zrow(r, _):
            def _zcol(q, _):
                acc_v[r, pl.ds(q * L, L)] = zvec
                return 0
            return lax.fori_loop(0, D // L, _zcol, 0)
        lax.fori_loop(0, ACCR, _zrow, 0)
    _zero_acc()

    def block_body(bi, _):
        b = jnp.where(c == 0, bi, BLK_PER_SC + bi)
        valid_blk = b < NBLK
        base = b * NB

        @pl.when(valid_blk)
        def _():
            def chunk_body(k, total):
                eb = s * EPT + k * CHUNK
                pltpu.sync_copy(src_hbm.at[pl.ds(eb, CHUNK)], src_v)
                pltpu.sync_copy(dst_hbm.at[pl.ds(eb, CHUNK)], dst_v)

                def vreg_body(i, tot):
                    dvec = dst_v[pl.ds(i * L, L)]
                    svec = src_v[pl.ds(i * L, L)]
                    dloc = dvec - base
                    mask = (dloc >= 0) & (dloc < NB)
                    pref = plsc.cumsum(mask.astype(jnp.int32))
                    pos = (tot & (STG - 1)) + pref - 1
                    pack = (svec << 13) | dloc
                    plsc.store_scatter(stg_v, [pos], pack, mask=mask)
                    cnt = jnp.sum(mask.astype(jnp.int32))
                    new = tot + cnt

                    @pl.when((new >> 11) > (tot >> 11))
                    def _():
                        pltpu.sync_copy(
                            stg_v.at[pl.ds(0, STG)],
                            pairs_hbm.at[pl.ds(w * CAP + (tot >> 11) * STG, STG)])
                        stg_v[pl.ds(0, L)] = stg_v[pl.ds(STG, L)]
                    return new
                return lax.fori_loop(0, CHUNK // L, vreg_body, total)
            total = lax.fori_loop(0, NCHUNKS, chunk_body, 0)
            pltpu.sync_copy(stg_v.at[pl.ds(0, STG)],
                            pairs_hbm.at[pl.ds(w * CAP + (total >> 11) * STG, STG)])
            cnt_v[pl.ds(0, L)] = jnp.where(lanes == 0, total, 0)
            pltpu.sync_copy(cnt_v, counts_hbm.at[pl.ds(w * L, L)])
        plsc.subcore_barrier()

        @pl.when(valid_blk)
        def _():
            pltpu.sync_copy(counts_hbm.at[pl.ds(c * NS * L, NS * L)], counts_v)

            def consume(nbat, _):
                def one(j, _):
                    for t in range(K // L):
                        p = my_v[pl.ds(j * K + t * L, L)]
                        gsrc_v[pl.ds(t * L, L)] = p >> 13
                        gloc_v[pl.ds(t * L, L)] = p & 511
                    pltpu.async_copy(h_hbm.at[gsrc_v], rows_v, sem).wait()

                    def edge(i, _):
                        lvec = gloc_v[pl.ds((i >> 4) * L, L)]
                        dl = jnp.sum(jnp.where(lanes == (i & 15), lvec, 0))
                        for q in range(D // L):
                            plsc.addupdate(acc_v.at[dl, pl.ds(q * L, L)],
                                           rows_v[i, pl.ds(q * L, L)])
                        return 0
                    lax.fori_loop(0, K, edge, 0)
                    return 0
                lax.fori_loop(0, nbat, one, 0)
                return 0

            def seg_body(sg, mycnt):
                crow = counts_v[pl.ds(sg * L, L)]
                cnt_s = jnp.sum(jnp.where(lanes == 0, crow, 0))
                nch = (cnt_s + PCH - 1) >> 11

                def pch_body(ch, myc):
                    pltpu.sync_copy(
                        pairs_hbm.at[pl.ds((c * NS + sg) * CAP + ch * PCH,
                                           PCH)],
                        pch_v)
                    left = cnt_s - ch * PCH

                    def fil(i, mc):
                        p = pch_v[pl.ds(i * L, L)]
                        dloc = p & 8191
                        mine = ((dloc >> 8) == s) & (lanes < left - i * L)
                        pref = plsc.cumsum(mine.astype(jnp.int32))
                        pos = mc + pref - 1
                        plsc.store_scatter(my_v, [pos],
                                           (p & ~jnp.int32(8191)) | (dloc & 255),
                                           mask=mine)
                        return mc + jnp.sum(mine.astype(jnp.int32))
                    myc = lax.fori_loop(0, PCH // L, fil, myc)
                    nbat = myc >> 6
                    consume(nbat, 0)
                    rem = myc & 63

                    for t in range(K // L):
                        my_v[pl.ds(t * L, L)] = my_v[pl.ds(nbat * K + t * L, L)]
                    return rem
                return lax.fori_loop(0, nch, pch_body, mycnt)
            mycnt = lax.fori_loop(0, NS, seg_body, 0)

            @pl.when(mycnt > 0)
            def _():
                mix = s * 131 + bi * 29
                for t in range(K // L):
                    dummy = (((lanes + t * L + mix) & 16383) << 13) | \
                        (SUB + ((lanes + t) & 7))
                    pvec = my_v[pl.ds(t * L, L)]
                    keep = (t * L + lanes) < mycnt
                    my_v[pl.ds(t * L, L)] = jnp.where(keep, pvec, dummy)
                consume(1, 0)

            pltpu.sync_copy(acc_v.at[pl.ds(0, SUB)],
                            agg_hbm.at[pl.ds(base + s * SUB, SUB)])
            _zero_acc()
        plsc.subcore_barrier()
        return 0
    lax.fori_loop(0, BLK_PER_SC, block_body, 0)


def _sc_segment_sum(h, src, dst):
    mesh = plsc.VectorSubcoreMesh(core_axis_name="c", subcore_axis_name="s",
                                  num_cores=NC, num_subcores=NS)
    fn = pl.kernel(
        _sc_body,
        out_type=[
            jax.ShapeDtypeStruct((NP, D), jnp.float32),
            jax.ShapeDtypeStruct((NC * NS * CAP,), jnp.int32),
            jax.ShapeDtypeStruct((NC * NS * L,), jnp.int32),
        ],
        mesh=mesh,
        compiler_params=pltpu.CompilerParams(needs_layout_passes=False),
        scratch_types=[
            pltpu.VMEM((CHUNK,), jnp.int32),
            pltpu.VMEM((CHUNK,), jnp.int32),
            pltpu.VMEM((STG + L,), jnp.int32),
            pltpu.VMEM((PCH + K + L,), jnp.int32),
            pltpu.VMEM((PCH,), jnp.int32),
            pltpu.VMEM((K,), jnp.int32),
            pltpu.VMEM((K,), jnp.int32),
            pltpu.VMEM((K, D), jnp.float32),
            pltpu.VMEM((L,), jnp.int32),
            pltpu.VMEM((NS * L,), jnp.int32),
            pltpu.VMEM((ACCR, D), jnp.float32),
            pltpu.SemaphoreType.DMA,
        ],
    )
    return fn(h, src, dst)[0]



def kernel(x, z, edge_index, W_em, b_em, W_self, W_nbr, W_out, gamma):
    src = edge_index[0]
    dst = edge_index[1]

    eye = jnp.eye(M, dtype=jnp.float32)
    wcat = jnp.transpose(W_em, (1, 0, 2)).reshape(IN_DIM, D)
    bcat = b_em.reshape(1, D)
    ws_bd = [jnp.einsum("mij,mn->minj", W_self[:, l], eye).reshape(D, D)
             for l in range(2)]
    wn_bd = [jnp.einsum("mij,mn->minj", W_nbr[:, l], eye).reshape(D, D)
             for l in range(2)]
    wo_bd = jnp.einsum("mij,mn->minj", W_out, eye).reshape(D, DO)
    smat = jnp.einsum("mn,ij->minj", eye,
                      jnp.ones((ODIM, ODIM), jnp.float32)).reshape(DO, DO)
    gvec = jnp.repeat(gamma, ODIM).reshape(1, DO)

    pad = ((0, NP - N), (0, 0))
    xp = jnp.pad(x, pad)
    zp = jnp.pad(z, pad)

    h, zz = _tc_embed(xp, zp, wcat, bcat)
    for l in range(2):
        agg = _sc_segment_sum(h, src, dst)
        h = _tc_update(h, agg, zz, ws_bd[l], wn_bd[l])
    r = _tc_head(h, wo_bd, smat, gvec)

    r = r[:N].reshape(N, M, ODIM).transpose(0, 2, 1)
    r = r.reshape(N, ODIM, 2, ORB).transpose(0, 1, 3, 2)
    return r

# --- scband reference (transcript-rebuilt; emitter-appended) ---
"""Pipeline reference for scband-crystal-self-energy-network-75539884802839 (READ-ONLY COPY).

The authoritative reference and input builder live on the scoring server;
editing this copy changes nothing except your own understanding.
"""

import jax, jax.numpy as jnp
import numpy as np

N = 50000
E = 1600000
IN_DIM = 128
EM_DIM = 32
OUT_DIM = 16
ORB = 4
LAYERS = 2
M = 2 * ORB  # real models [0..ORB-1], imag models [ORB..2*ORB-1]
NUM_NEIGHBORS = 32.0


def setup_inputs(seed: int = 0) -> dict:
    key = jax.random.key(seed)
    ks = jax.random.split(key, 9)
    x = jax.random.normal(ks[0], (N, IN_DIM), dtype=jnp.float32)
    z = jax.random.normal(ks[1], (N, IN_DIM), dtype=jnp.float32)
    edge_index = jax.random.randint(ks[2], (2, E), 0, N, dtype=jnp.int32)
    W_em = 0.05 * jax.random.normal(ks[3], (M, IN_DIM, EM_DIM), dtype=jnp.float32)
    b_em = jnp.zeros((M, EM_DIM), dtype=jnp.float32)
    W_self = 0.05 * jax.random.normal(ks[4], (M, LAYERS, EM_DIM, EM_DIM), dtype=jnp.float32)
    W_nbr = 0.05 * jax.random.normal(ks[5], (M, LAYERS, EM_DIM, EM_DIM), dtype=jnp.float32)
    W_out = 0.05 * jax.random.normal(ks[6], (M, EM_DIM, OUT_DIM), dtype=jnp.float32)
    gamma = jnp.ones((M,), dtype=jnp.float32)
    return {"x": x, "z": z, "edge_index": edge_index, "W_em": W_em, "b_em": b_em,
            "W_self": W_self, "W_nbr": W_nbr, "W_out": W_out, "gamma": gamma}


def _periodic_network(x, z, src, dst, W_em_m, b_em_m, W_self_m, W_nbr_m, W_out_m, gamma_m):
    # embedding + sigmoid (PeriodicNetwork.forward head)
    h = jax.nn.sigmoid(x @ W_em_m + b_em_m)
    zz = jax.nn.sigmoid(z @ W_em_m + b_em_m)
    # message-passing body (stand-in for e3nn Network): gather on src,
    # scatter-add to dst, normalize by num_neighbors, gate by node attr zz
    for l in range(LAYERS):
        msg = h[src]
        agg = jax.ops.segment_sum(msg, dst, num_segments=N) / NUM_NEIGHBORS
        h = jax.nn.silu(h @ W_self_m[l] + agg @ W_nbr_m[l]) * zz
    out = h @ W_out_m
    # PeriodicNetwork tail: abs(silu), L2-normalize per node, gamma scale, negate
    out = jnp.abs(jax.nn.silu(out))
    norm = jnp.linalg.norm(out, axis=1, keepdims=True)
    out = gamma_m * out / (norm + 1e-8)
    return -out


def reference(x, z, edge_index, W_em, b_em, W_self, W_nbr, W_out, gamma):
    src = edge_index[0]
    dst = edge_index[1]
    reals = []
    imags = []
    for o in range(ORB):
        mr = o
        mi = ORB + o
        reals.append(_periodic_network(x, z, src, dst, W_em[mr], b_em[mr], W_self[mr], W_nbr[mr], W_out[mr], gamma[mr]))
        imags.append(_periodic_network(x, z, src, dst, W_em[mi], b_em[mi], W_self[mi], W_nbr[mi], W_out[mi], gamma[mi]))
    real_t = jnp.stack(reals, axis=-1)  # cat of unsqueeze(-1) == stack
    imag_t = jnp.stack(imags, axis=-1)
    output = jnp.stack([real_t, imag_t], axis=-1)  # [N, out_dim, orbital_count, 2]
    return output

if __name__ == "__main__":
    import jax
    _d = setup_inputs()
    print(jax.jit(kernel)(*tuple(_d.values())))

</pallas_src>

<mosaic_0001>
#map = affine_map<(d0, d1) -> (0, 0)>
#map1 = affine_map<(d0, d1) -> (0)>
module attributes {stable_mosaic.version = 14 : i64} {
  func.func @_sc_body(%arg0: i32, %arg1: i32, %arg2: memref<53248x256xf32, #tpu.memory_space<hbm>>, %arg3: memref<1600000xi32, #tpu.memory_space<hbm>>, %arg4: memref<1600000xi32, #tpu.memory_space<hbm>>, %arg5: memref<53248x256xf32, #tpu.memory_space<hbm>>, %arg6: memref<3334144xi32, #tpu.memory_space<hbm>>, %arg7: memref<512xi32, #tpu.memory_space<hbm>>, %arg8: memref<4000xi32, #tpu.memory_space<vmem>>, %arg9: memref<4000xi32, #tpu.memory_space<vmem>>, %arg10: memref<2064xi32, #tpu.memory_space<vmem>>, %arg11: memref<2128xi32, #tpu.memory_space<vmem>>, %arg12: memref<2048xi32, #tpu.memory_space<vmem>>, %arg13: memref<64xi32, #tpu.memory_space<vmem>>, %arg14: memref<64xi32, #tpu.memory_space<vmem>>, %arg15: memref<64x256xf32, #tpu.memory_space<vmem>>, %arg16: memref<16xi32, #tpu.memory_space<vmem>>, %arg17: memref<256xi32, #tpu.memory_space<vmem>>, %arg18: memref<264x256xf32, #tpu.memory_space<vmem>>, %arg19: memref<!tpu.dma_semaphore, #tpu.memory_space<semaphore_mem>>) attributes {dimension_semantics = [#tpu.dimension_semantics<core_parallel>, #tpu.dimension_semantics<subcore_parallel>], iteration_bounds = array<i64: 2, 16>, scalar_prefetch = 0 : i64, scratch_operands = 12 : i64, tpu.core_type = #tpu.core_type<sc_vector_subcore>, window_params = [{transform_indices = #map}, {transform_indices = #map1}, {transform_indices = #map1}, {transform_indices = #map}, {transform_indices = #map1}, {transform_indices = #map1}]} {
    %mul3A = arith.constant 16 : i32
    %mul3A_0 = arith.muli %arg0, %mul3A : i32
    %add3A = arith.addi %mul3A_0, %arg1 : i32
    %iota3A = tpu.iota {dimensions = array<i32: 0>} : vector<16xi32>
    %broadcast_in_dim3A = arith.constant 0.000000e+00 : f32
    %broadcast_in_dim3A_1 = vector.broadcast %broadcast_in_dim3A : f32 to vector<16xf32>
    %scan3A = arith.constant 0 : i32
    %scan3A_2 = arith.constant 0 : i32
    %scan3A_3 = arith.constant 264 : i32
    %scan3A_4 = arith.addi %scan3A_2, %scan3A_3 : i32
    %scan3A_5 = arith.constant 1 : i32
    %scan3A_6 = scf.for %scan3A_15 = %scan3A_2 to %scan3A_4 step %scan3A_5 iter_args(%scan3A_16 = %scan3A) -> (i32)  : i32 {
      %scan3A_17 = arith.constant 0 : i32
      %scan3A_18 = arith.constant 0 : i32
      %scan3A_19 = arith.constant 16 : i32
      %scan3A_20 = arith.addi %scan3A_18, %scan3A_19 : i32
      %scan3A_21 = arith.constant 1 : i32
      %scan3A_22 = scf.for %scan3A_24 = %scan3A_18 to %scan3A_20 step %scan3A_21 iter_args(%scan3A_25 = %scan3A_17) -> (i32)  : i32 {
        %mul3A_26 = arith.constant 16 : i32
        %mul3A_27 = arith.muli %scan3A_24, %mul3A_26 : i32
        %swap3A = arith.index_cast %scan3A_15 : i32 to index
        %swap3A_28 = arith.index_cast %mul3A_27 : i32 to index
        %swap3A_29 = tpu.vector_load %arg18[%swap3A, %swap3A_28] {strides = array<i32>} : memref<264x256xf32, #tpu.memory_space<vmem>>, vector<16xf32>,
        tpu.vector_store %arg18[%swap3A, %swap3A_28], %broadcast_in_dim3A_1 {strides = array<i32>} : memref<264x256xf32, #tpu.memory_space<vmem>>, vector<16xf32>,
        %scan3A_30 = arith.constant 0 : i32
        scf.yield %scan3A_30 : i32
      }
      %scan3A_23 = arith.constant 16 : i32
      scf.yield %scan3A_22 : i32
    }
    %scan3A_7 = arith.constant 264 : i32
    %scan3A_8 = arith.constant 0 : i32
    %scan3A_9 = arith.constant 0 : i32
    %scan3A_10 = arith.constant 7 : i32
    %scan3A_11 = arith.addi %scan3A_9, %scan3A_10 : i32
    %scan3A_12 = arith.constant 1 : i32
    %scan3A_13 = scf.for %scan3A_15 = %scan3A_9 to %scan3A_11 step %scan3A_12 iter_args(%scan3A_16 = %scan3A_8) -> (i32)  : i32 {
      %eq3A = arith.constant 0 : i32
      %eq3A_17 = arith.cmpi eq, %arg0, %eq3A : i32
      %add3A_18 = arith.constant 7 : i32
      %add3A_19 = arith.addi %add3A_18, %scan3A_15 : i32
      %select_n3A = arith.select %eq3A_17, %scan3A_15, %add3A_19 : i32
      %lt3A = arith.constant 13 : i32
      %lt3A_20 = arith.cmpi slt, %select_n3A, %lt3A : i32
      %mul3A_21 = arith.constant 4096 : i32
      %mul3A_22 = arith.muli %select_n3A, %mul3A_21 : i32
      %convert_element_type3A = arith.extui %lt3A_20 : i1 to i32
      %cond3A = arith.constant 0 : i32
      %cond3A_23 = arith.cmpi ne, %convert_element_type3A, %cond3A : i32
      scf.if %cond3A_23 {
        %scan3A_29 = arith.constant 0 : i32
        %scan3A_30 = arith.constant 0 : i32
        %scan3A_31 = arith.constant 25 : i32
        %scan3A_32 = arith.addi %scan3A_30, %scan3A_31 : i32
        %scan3A_33 = arith.constant 1 : i32
        %scan3A_34 = scf.for %scan3A_51 = %scan3A_30 to %scan3A_32 step %scan3A_33 iter_args(%scan3A_52 = %scan3A_29) -> (i32)  : i32 {
          %mul3A_53 = arith.constant 100000 : i32
          %mul3A_54 = arith.muli %arg1, %mul3A_53 : i32
          %mul3A_55 = arith.constant 4000 : i32
          %mul3A_56 = arith.muli %scan3A_51, %mul3A_55 : i32
          %add3A_57 = arith.addi %mul3A_54, %mul3A_56 : i32
          "tpu.region"() ({
            %run_scoped3A = tpu.sem_alloc : memref<!tpu.dma_semaphore, #tpu.memory_space<semaphore_mem>>
            %dma_start3A = tpu.memref_slice %arg3[%add3A_57] : memref<1600000xi32, #tpu.memory_space<hbm>> -> memref<4000xi32, #tpu.memory_space<hbm>>
            %dma_start3A_64 = tpu.memref_slice %arg3[%add3A_57] : memref<1600000xi32, #tpu.memory_space<hbm>> -> memref<4000xi32, #tpu.memory_space<hbm>>
            tpu.enqueue_dma source(%dma_start3A_64 : memref<4000xi32, #tpu.memory_space<hbm>>) target(%arg8 : memref<4000xi32, #tpu.memory_space<vmem>>) target_semaphore(%run_scoped3A : memref<!tpu.dma_semaphore, #tpu.memory_space<semaphore_mem>>)
            %dma_wait3A = tpu.memref_slice %arg3[%add3A_57] : memref<1600000xi32, #tpu.memory_space<hbm>> -> memref<4000xi32, #tpu.memory_space<hbm>>
            %dma_wait3A_65 = tpu.memref_slice %arg3[%add3A_57] : memref<1600000xi32, #tpu.memory_space<hbm>> -> memref<4000xi32, #tpu.memory_space<hbm>>
            tpu.wait_dma2 semaphore(%run_scoped3A : memref<!tpu.dma_semaphore, #tpu.memory_space<semaphore_mem>>) src(%dma_wait3A_65 : memref<4000xi32, #tpu.memory_space<hbm>>) dst(%arg8 : memref<4000xi32, #tpu.memory_space<vmem>>)
            tpu.yield
          }) : () -> ()
          "tpu.region"() ({
            %run_scoped3A = tpu.sem_alloc : memref<!tpu.dma_semaphore, #tpu.memory_space<semaphore_mem>>
            %dma_start3A = tpu.memref_slice %arg4[%add3A_57] : memref<1600000xi32, #tpu.memory_space<hbm>> -> memref<4000xi32, #tpu.memory_space<hbm>>
            %dma_start3A_64 = tpu.memref_slice %arg4[%add3A_57] : memref<1600000xi32, #tpu.memory_space<hbm>> -> memref<4000xi32, #tpu.memory_space<hbm>>
            tpu.enqueue_dma source(%dma_start3A_64 : memref<4000xi32, #tpu.memory_space<hbm>>) target(%arg9 : memref<4000xi32, #tpu.memory_space<vmem>>) target_semaphore(%run_scoped3A : memref<!tpu.dma_semaphore, #tpu.memory_space<semaphore_mem>>)
            %dma_wait3A = tpu.memref_slice %arg4[%add3A_57] : memref<1600000xi32, #tpu.memory_space<hbm>> -> memref<4000xi32, #tpu.memory_space<hbm>>
            %dma_wait3A_65 = tpu.memref_slice %arg4[%add3A_57] : memref<1600000xi32, #tpu.memory_space<hbm>> -> memref<4000xi32, #tpu.memory_space<hbm>>
            tpu.wait_dma2 semaphore(%run_scoped3A : memref<!tpu.dma_semaphore, #tpu.memory_space<semaphore_mem>>) src(%dma_wait3A_65 : memref<4000xi32, #tpu.memory_space<hbm>>) dst(%arg9 : memref<4000xi32, #tpu.memory_space<vmem>>)
            tpu.yield
          }) : () -> ()
          %scan3A_58 = arith.constant 0 : i32
          %scan3A_59 = arith.constant 250 : i32
          %scan3A_60 = arith.addi %scan3A_58, %scan3A_59 : i32
          %scan3A_61 = arith.constant 1 : i32
          %scan3A_62 = scf.for %scan3A_64 = %scan3A_58 to %scan3A_60 step %scan3A_61 iter_args(%scan3A_65 = %scan3A_52) -> (i32)  : i32 {
            %mul3A_66 = arith.constant 16 : i32
            %mul3A_67 = arith.muli %scan3A_64, %mul3A_66 : i32
            %get3A = arith.index_cast %mul3A_67 : i32 to index
            %get3A_68 = tpu.vector_load %arg9[%get3A] {strides = array<i32>} : memref<4000xi32, #tpu.memory_space<vmem>>, vector<16xi32>,
            %mul3A_69 = arith.constant 16 : i32
            %mul3A_70 = arith.muli %scan3A_64, %mul3A_69 : i32
            %get3A_71 = arith.index_cast %mul3A_70 : i32 to index
            %get3A_72 = tpu.vector_load %arg8[%get3A_71] {strides = array<i32>} : memref<4000xi32, #tpu.memory_space<vmem>>, vector<16xi32>,
            %sub3A = vector.broadcast %mul3A_22 : i32 to vector<16xi32>
            %sub3A_73 = arith.subi %get3A_68, %sub3A : vector<16xi32>
            %ge3A = arith.constant 0 : i32
            %ge3A_74 = vector.broadcast %ge3A : i32 to vector<16xi32>
            %ge3A_75 = arith.cmpi sge, %sub3A_73, %ge3A_74 : vector<16xi32>
            %lt3A_76 = arith.constant 4096 : i32
            %lt3A_77 = vector.broadcast %lt3A_76 : i32 to vector<16xi32>
            %lt3A_78 = arith.cmpi slt, %sub3A_73, %lt3A_77 : vector<16xi32>
            %and3A = arith.andi %ge3A_75, %lt3A_78 : vector<16xi1>
            %convert_element_type3A_79 = arith.extui %and3A : vector<16xi1> to vector<16xi32>
            %broadcast_in_dim3A_80 = arith.constant true
            %broadcast_in_dim3A_81 = vector.broadcast %broadcast_in_dim3A_80 : i1 to vector<16xi1>
            %masked_cumsum3A = tpu.scan <sum>, %convert_element_type3A_79 masked %broadcast_in_dim3A_81 : vector<16xi32>, vector<16xi1> -> vector<16xi32>
            %and3A_82 = arith.constant 2047 : i32
            %and3A_83 = arith.andi %scan3A_65, %and3A_82 : i32
            %add3A_84 = vector.broadcast %and3A_83 : i32 to vector<16xi32>
            %add3A_85 = arith.addi %add3A_84, %masked_cumsum3A : vector<16xi32>
            %sub3A_86 = arith.constant 1 : i32
            %sub3A_87 = vector.broadcast %sub3A_86 : i32 to vector<16xi32>
            %sub3A_88 = arith.subi %add3A_85, %sub3A_87 : vector<16xi32>
            %shift_left3A = arith.constant 13 : i32
            %shift_left3A_89 = vector.broadcast %shift_left3A : i32 to vector<16xi32>
            %shift_left3A_90 = arith.shli %get3A_72, %shift_left3A_89 : vector<16xi32>
            %or3A = arith.ori %shift_left3A_90, %sub3A_73 : vector<16xi32>
            tpu.vector_store_idx %arg10[%sub3A_88], %or3A masked %and3A : memref<2064xi32, #tpu.memory_space<vmem>>[vector<16xi32>], vector<16xi32>, vector<16xi1>
            %convert_element_type3A_91 = arith.extui %and3A : vector<16xi1> to vector<16xi32>
            %reduce_sum3A = arith.constant true
            %reduce_sum3A_92 = vector.broadcast %reduce_sum3A : i1 to vector<16xi1>
            %reduce_sum3A_93 = tpu.scan <sum>, %convert_element_type3A_91 masked %reduce_sum3A_92 : vector<16xi32>, vector<16xi1> -> vector<16xi32>
            %reduce_sum3A_94 = vector.extract %reduce_sum3A_93[15] : i32 from vector<16xi32>
            %add3A_95 = arith.addi %scan3A_65, %reduce_sum3A_94 : i32
            %shift_right_arithmetic3A_96 = arith.constant 11 : i32
            %shift_right_arithmetic3A_97 = arith.shrsi %add3A_95, %shift_right_arithmetic3A_96 : i32
            %shift_right_arithmetic3A_98 = arith.constant 11 : i32
            %shift_right_arithmetic3A_99 = arith.shrsi %scan3A_65, %shift_right_arithmetic3A_98 : i32
            %gt3A = arith.cmpi sgt, %shift_right_arithmetic3A_97, %shift_right_arithmetic3A_99 : i32
            %convert_element_type3A_100 = arith.extui %gt3A : i1 to i32
            %cond3A_101 = arith.constant 0 : i32
            %cond3A_102 = arith.cmpi ne, %convert_element_type3A_100, %cond3A_101 : i32
            scf.if %cond3A_102 {
              %mul3A_103 = arith.constant 104192 : i32
              %mul3A_104 = arith.muli %add3A, %mul3A_103 : i32
              %shift_right_arithmetic3A_105 = arith.constant 11 : i32
              %shift_right_arithmetic3A_106 = arith.shrsi %scan3A_65, %shift_right_arithmetic3A_105 : i32
              %mul3A_107 = arith.constant 2048 : i32
              %mul3A_108 = arith.muli %shift_right_arithmetic3A_106, %mul3A_107 : i32
              %add3A_109 = arith.addi %mul3A_104, %mul3A_108 : i32
              "tpu.region"() ({
                %run_scoped3A = tpu.sem_alloc : memref<!tpu.dma_semaphore, #tpu.memory_space<semaphore_mem>>
                %dma_start3A = arith.constant 0 : i32
                %dma_start3A_114 = tpu.memref_slice %arg10[%dma_start3A] : memref<2064xi32, #tpu.memory_space<vmem>> -> memref<2048xi32, #tpu.memory_space<vmem>>
                %dma_start3A_115 = tpu.memref_slice %arg6[%add3A_109] : memref<3334144xi32, #tpu.memory_space<hbm>> -> memref<2048xi32, #tpu.memory_space<hbm>>
                %dma_start3A_116 = tpu.memref_slice %arg6[%add3A_109] : memref<3334144xi32, #tpu.memory_space<hbm>> -> memref<2048xi32, #tpu.memory_space<hbm>>
                %dma_start3A_117 = arith.constant 0 : i32
                %dma_start3A_118 = tpu.memref_slice %arg10[%dma_start3A_117] : memref<2064xi32, #tpu.memory_space<vmem>> -> memref<2048xi32, #tpu.memory_space<vmem>>
                tpu.enqueue_dma source(%dma_start3A_118 : memref<2048xi32, #tpu.memory_space<vmem>>) target(%dma_start3A_116 : memref<2048xi32, #tpu.memory_space<hbm>>) target_semaphore(%run_scoped3A : memref<!tpu.dma_semaphore, #tpu.memory_space<semaphore_mem>>)
                %dma_wait3A = arith.constant 0 : i32
                %dma_wait3A_119 = tpu.memref_slice %arg10[%dma_wait3A] : memref<2064xi32, #tpu.memory_space<vmem>> -> memref<2048xi32, #tpu.memory_space<vmem>>
                %dma_wait3A_120 = tpu.memref_slice %arg6[%add3A_109] : memref<3334144xi32, #tpu.memory_space<hbm>> -> memref<2048xi32, #tpu.memory_space<hbm>>
                %dma_wait3A_121 = tpu.memref_slice %arg6[%add3A_109] : memref<3334144xi32, #tpu.memory_space<hbm>> -> memref<2048xi32, #tpu.memory_space<hbm>>
                %dma_wait3A_122 = arith.constant 0 : i32
                %dma_wait3A_123 = tpu.memref_slice %arg10[%dma_wait3A_122] : memref<2064xi32, #tpu.memory_space<vmem>> -> memref<2048xi32, #tpu.memory_space<vmem>>
                tpu.wait_dma2 semaphore(%run_scoped3A : memref<!tpu.dma_semaphore, #tpu.memory_space<semaphore_mem>>) src(%dma_wait3A_123 : memref<2048xi32, #tpu.memory_space<vmem>>) dst(%dma_wait3A_121 : memref<2048xi32, #tpu.memory_space<hbm>>)
                tpu.yield
              }) : () -> ()
              %get3A_110 = arith.constant 2048 : index
              %get3A_111 = tpu.vector_load %arg10[%get3A_110] {strides = array<i32>} : memref<2064xi32, #tpu.memory_space<vmem>>, vector<16xi32>,
              %swap3A_112 = arith.constant 0 : index
              %swap3A_113 = tpu.vector_load %arg10[%swap3A_112] {strides = array<i32>} : memref<2064xi32, #tpu.memory_space<vmem>>, vector<16xi32>,
              tpu.vector_store %arg10[%swap3A_112], %get3A_111 {strides = array<i32>} : memref<2064xi32, #tpu.memory_space<vmem>>, vector<16xi32>,
            } else {
            }
            scf.yield %add3A_95 : i32
          }
          %scan3A_63 = arith.constant 250 : i32
          scf.yield %scan3A_62 : i32
        }
        %scan3A_35 = arith.constant 25 : i32
        %mul3A_36 = arith.constant 104192 : i32
        %mul3A_37 = arith.muli %add3A, %mul3A_36 : i32
        %shift_right_arithmetic3A = arith.constant 11 : i32
        %shift_right_arithmetic3A_38 = arith.shrsi %scan3A_34, %shift_right_arithmetic3A : i32
        %mul3A_39 = arith.constant 2048 : i32
        %mul3A_40 = arith.muli %shift_right_arithmetic3A_38, %mul3A_39 : i32
        %add3A_41 = arith.addi %mul3A_37, %mul3A_40 : i32
        "tpu.region"() ({
          %run_scoped3A = tpu.sem_alloc : memref<!tpu.dma_semaphore, #tpu.memory_space<semaphore_mem>>
          %dma_start3A = arith.constant 0 : i32
          %dma_start3A_51 = tpu.memref_slice %arg10[%dma_start3A] : memref<2064xi32, #tpu.memory_space<vmem>> -> memref<2048xi32, #tpu.memory_space<vmem>>
          %dma_start3A_52 = tpu.memref_slice %arg6[%add3A_41] : memref<3334144xi32, #tpu.memory_space<hbm>> -> memref<2048xi32, #tpu.memory_space<hbm>>
          %dma_start3A_53 = tpu.memref_slice %arg6[%add3A_41] : memref<3334144xi32, #tpu.memory_space<hbm>> -> memref<2048xi32, #tpu.memory_space<hbm>>
          %dma_start3A_54 = arith.constant 0 : i32
          %dma_start3A_55 = tpu.memref_slice %arg10[%dma_start3A_54] : memref<2064xi32, #tpu.memory_space<vmem>> -> memref<2048xi32, #tpu.memory_space<vmem>>
          tpu.enqueue_dma source(%dma_start3A_55 : memref<2048xi32, #tpu.memory_space<vmem>>) target(%dma_start3A_53 : memref<2048xi32, #tpu.memory_space<hbm>>) target_semaphore(%run_scoped3A : memref<!tpu.dma_semaphore, #tpu.memory_space<semaphore_mem>>)
          %dma_wait3A = arith.constant 0 : i32
          %dma_wait3A_56 = tpu.memref_slice %arg10[%dma_wait3A] : memref<2064xi32, #tpu.memory_space<vmem>> -> memref<2048xi32, #tpu.memory_space<vmem>>
          %dma_wait3A_57 = tpu.memref_slice %arg6[%add3A_41] : memref<3334144xi32, #tpu.memory_space<hbm>> -> memref<2048xi32, #tpu.memory_space<hbm>>
          %dma_wait3A_58 = tpu.memref_slice %arg6[%add3A_41] : memref<3334144xi32, #tpu.memory_space<hbm>> -> memref<2048xi32, #tpu.memory_space<hbm>>
          %dma_wait3A_59 = arith.constant 0 : i32
          %dma_wait3A_60 = tpu.memref_slice %arg10[%dma_wait3A_59] : memref<2064xi32, #tpu.memory_space<vmem>> -> memref<2048xi32, #tpu.memory_space<vmem>>
          tpu.wait_dma2 semaphore(%run_scoped3A : memref<!tpu.dma_semaphore, #tpu.memory_space<semaphore_mem>>) src(%dma_wait3A_60 : memref<2048xi32, #tpu.memory_space<vmem>>) dst(%dma_wait3A_58 : memref<2048xi32, #tpu.memory_space<hbm>>)
          tpu.yield
        }) : () -> ()
        %eq3A_42 = arith.constant 0 : i32
        %eq3A_43 = vector.broadcast %eq3A_42 : i32 to vector<16xi32>
        %eq3A_44 = arith.cmpi eq, %iota3A, %eq3A_43 : vector<16xi32>
        %jit3A = arith.constant 0 : i32
        %broadcast_in_dim3A_45 = vector.broadcast %scan3A_34 : i32 to vector<16xi32>
        %broadcast_in_dim3A_46 = vector.broadcast %jit3A : i32 to vector<16xi32>
        %select_n3A_47 = arith.select %eq3A_44, %broadcast_in_dim3A_45, %broadcast_in_dim3A_46 : vector<16xi1>, vector<16xi32>
        %swap3A = arith.constant 0 : index
        %swap3A_48 = tpu.vector_load %arg16[%swap3A] {strides = array<i32>} : memref<16xi32, #tpu.memory_space<vmem>>, vector<16xi32>,
        tpu.vector_store %arg16[%swap3A], %select_n3A_47 {strides = array<i32>} : memref<16xi32, #tpu.memory_space<vmem>>, vector<16xi32>,
        %mul3A_49 = arith.constant 16 : i32
        %mul3A_50 = arith.muli %add3A, %mul3A_49 : i32
        "tpu.region"() ({
          %run_scoped3A = tpu.sem_alloc : memref<!tpu.dma_semaphore, #tpu.memory_space<semaphore_mem>>
          %dma_start3A = tpu.memref_slice %arg7[%mul3A_50] : memref<512xi32, #tpu.memory_space<hbm>> -> memref<16xi32, #tpu.memory_space<hbm>>
          %dma_start3A_51 = tpu.memref_slice %arg7[%mul3A_50] : memref<512xi32, #tpu.memory_space<hbm>> -> memref<16xi32, #tpu.memory_space<hbm>>
          tpu.enqueue_dma source(%arg16 : memref<16xi32, #tpu.memory_space<vmem>>) target(%dma_start3A_51 : memref<16xi32, #tpu.memory_space<hbm>>) target_semaphore(%run_scoped3A : memref<!tpu.dma_semaphore, #tpu.memory_space<semaphore_mem>>)
          %dma_wait3A = tpu.memref_slice %arg7[%mul3A_50] : memref<512xi32, #tpu.memory_space<hbm>> -> memref<16xi32, #tpu.memory_space<hbm>>
          %dma_wait3A_52 = tpu.memref_slice %arg7[%mul3A_50] : memref<512xi32, #tpu.memory_space<hbm>> -> memref<16xi32, #tpu.memory_space<hbm>>
          tpu.wait_dma2 semaphore(%run_scoped3A : memref<!tpu.dma_semaphore, #tpu.memory_space<semaphore_mem>>) src(%arg16 : memref<16xi32, #tpu.memory_space<vmem>>) dst(%dma_wait3A_52 : memref<16xi32, #tpu.memory_space<hbm>>)
          tpu.yield
        }) : () -> ()
      } else {
      }
      %barrier3A = arith.constant 0 : index
      tpu.barrier barrier_id(%barrier3A)
      %convert_element_type3A_24 = arith.extui %lt3A_20 : i1 to i32
      %cond3A_25 = arith.constant 0 : i32
      %cond3A_26 = arith.cmpi ne, %convert_element_type3A_24, %cond3A_25 : i32
      scf.if %cond3A_26 {
        %mul3A_29 = arith.constant 16 : i32
        %mul3A_30 = arith.muli %arg0, %mul3A_29 : i32
        %mul3A_31 = arith.constant 16 : i32
        %mul3A_32 = arith.muli %mul3A_30, %mul3A_31 : i32
        "tpu.region"() ({
          %run_scoped3A = tpu.sem_alloc : memref<!tpu.dma_semaphore, #tpu.memory_space<semaphore_mem>>
          %dma_start3A = tpu.memref_slice %arg7[%mul3A_32] : memref<512xi32, #tpu.memory_space<hbm>> -> memref<256xi32, #tpu.memory_space<hbm>>
          %dma_start3A_54 = tpu.memref_slice %arg7[%mul3A_32] : memref<512xi32, #tpu.memory_space<hbm>> -> memref<256xi32, #tpu.memory_space<hbm>>
          tpu.enqueue_dma source(%dma_start3A_54 : memref<256xi32, #tpu.memory_space<hbm>>) target(%arg17 : memref<256xi32, #tpu.memory_space<vmem>>) target_semaphore(%run_scoped3A : memref<!tpu.dma_semaphore, #tpu.memory_space<semaphore_mem>>)
          %dma_wait3A = tpu.memref_slice %arg7[%mul3A_32] : memref<512xi32, #tpu.memory_space<hbm>> -> memref<256xi32, #tpu.memory_space<hbm>>
          %dma_wait3A_55 = tpu.memref_slice %arg7[%mul3A_32] : memref<512xi32, #tpu.memory_space<hbm>> -> memref<256xi32, #tpu.memory_space<hbm>>
          tpu.wait_dma2 semaphore(%run_scoped3A : memref<!tpu.dma_semaphore, #tpu.memory_space<semaphore_mem>>) src(%dma_wait3A_55 : memref<256xi32, #tpu.memory_space<hbm>>) dst(%arg17 : memref<256xi32, #tpu.memory_space<vmem>>)
          tpu.yield
        }) : () -> ()
        %scan3A_33 = arith.constant 0 : i32
        %scan3A_34 = arith.constant 0 : i32
        %scan3A_35 = arith.constant 16 : i32
        %scan3A_36 = arith.addi %scan3A_34, %scan3A_35 : i32
        %scan3A_37 = arith.constant 1 : i32
        %scan3A_38 = scf.for %scan3A_54 = %scan3A_34 to %scan3A_36 step %scan3A_37 iter_args(%scan3A_55 = %scan3A_33) -> (i32)  : i32 {
          %mul3A_56 = arith.constant 16 : i32
          %mul3A_57 = arith.muli %scan3A_54, %mul3A_56 : i32
          %get3A = arith.index_cast %mul3A_57 : i32 to index
          %get3A_58 = tpu.vector_load %arg17[%get3A] {strides = array<i32>} : memref<256xi32, #tpu.memory_space<vmem>>, vector<16xi32>,
          %eq3A_59 = arith.constant 0 : i32
          %eq3A_60 = vector.broadcast %eq3A_59 : i32 to vector<16xi32>
          %eq3A_61 = arith.cmpi eq, %iota3A, %eq3A_60 : vector<16xi32>
          %jit3A = arith.constant 0 : i32
          %broadcast_in_dim3A_62 = vector.broadcast %jit3A : i32 to vector<16xi32>
          %select_n3A_63 = arith.select %eq3A_61, %get3A_58, %broadcast_in_dim3A_62 : vector<16xi1>, vector<16xi32>
          %reduce_sum3A = arith.constant true
          %reduce_sum3A_64 = vector.broadcast %reduce_sum3A : i1 to vector<16xi1>
          %reduce_sum3A_65 = tpu.scan <sum>, %select_n3A_63 masked %reduce_sum3A_64 : vector<16xi32>, vector<16xi1> -> vector<16xi32>
          %reduce_sum3A_66 = vector.extract %reduce_sum3A_65[15] : i32 from vector<16xi32>
          %add3A_67 = arith.constant 2048 : i32
          %add3A_68 = arith.addi %reduce_sum3A_66, %add3A_67 : i32
          %sub3A = arith.constant 1 : i32
          %sub3A_69 = arith.subi %add3A_68, %sub3A : i32
          %shift_right_arithmetic3A = arith.constant 11 : i32
          %shift_right_arithmetic3A_70 = arith.shrsi %sub3A_69, %shift_right_arithmetic3A : i32
          %while3A = arith.constant 0 : i32
          %while3A_71 = arith.subi %shift_right_arithmetic3A_70, %while3A : i32
          %while3A_72 = arith.addi %while3A, %while3A_71 : i32
          %while3A_73 = arith.constant 1 : i32
          %while3A_74 = arith.divsi %while3A_71, %while3A_73 : i32
          %while3A_75 = arith.muli %while3A_74, %while3A_73 : i32
          %while3A_76 = arith.addi %while3A, %while3A_75 : i32
          %while3A_77 = arith.constant 1 : i32
          %while3A_78 = scf.for %while3A_81 = %while3A to %while3A_76 step %while3A_77 iter_args(%while3A_82 = %scan3A_55) -> (i32)  : i32 {
            %mul3A_83 = arith.constant 16 : i32
            %mul3A_84 = arith.muli %arg0, %mul3A_83 : i32
            %add3A_85 = arith.addi %mul3A_84, %scan3A_54 : i32
            %mul3A_86 = arith.constant 104192 : i32
            %mul3A_87 = arith.muli %add3A_85, %mul3A_86 : i32
            %mul3A_88 = arith.constant 2048 : i32
            %mul3A_89 = arith.muli %while3A_81, %mul3A_88 : i32
            %add3A_90 = arith.addi %mul3A_87, %mul3A_89 : i32
            "tpu.region"() ({
              %run_scoped3A = tpu.sem_alloc : memref<!tpu.dma_semaphore, #tpu.memory_space<semaphore_mem>>
              %dma_start3A = tpu.memref_slice %arg6[%add3A_90] : memref<3334144xi32, #tpu.memory_space<hbm>> -> memref<2048xi32, #tpu.memory_space<hbm>>
              %dma_start3A_146 = tpu.memref_slice %arg6[%add3A_90] : memref<3334144xi32, #tpu.memory_space<hbm>> -> memref<2048xi32, #tpu.memory_space<hbm>>
              tpu.enqueue_dma source(%dma_start3A_146 : memref<2048xi32, #tpu.memory_space<hbm>>) target(%arg12 : memref<2048xi32, #tpu.memory_space<vmem>>) target_semaphore(%run_scoped3A : memref<!tpu.dma_semaphore, #tpu.memory_space<semaphore_mem>>)
              %dma_wait3A = tpu.memref_slice %arg6[%add3A_90] : memref<3334144xi32, #tpu.memory_space<hbm>> -> memref<2048xi32, #tpu.memory_space<hbm>>
              %dma_wait3A_147 = tpu.memref_slice %arg6[%add3A_90] : memref<3334144xi32, #tpu.memory_space<hbm>> -> memref<2048xi32, #tpu.memory_space<hbm>>
              tpu.wait_dma2 semaphore(%run_scoped3A : memref<!tpu.dma_semaphore, #tpu.memory_space<semaphore_mem>>) src(%dma_wait3A_147 : memref<2048xi32, #tpu.memory_space<hbm>>) dst(%arg12 : memref<2048xi32, #tpu.memory_space<vmem>>)
              tpu.yield
            }) : () -> ()
            %mul3A_91 = arith.constant 2048 : i32
            %mul3A_92 = arith.muli %while3A_81, %mul3A_91 : i32
            %sub3A_93 = arith.subi %reduce_sum3A_66, %mul3A_92 : i32
            %scan3A_94 = arith.constant 0 : i32
            %scan3A_95 = arith.constant 128 : i32
            %scan3A_96 = arith.addi %scan3A_94, %scan3A_95 : i32
            %scan3A_97 = arith.constant 1 : i32
            %scan3A_98 = scf.for %scan3A_146 = %scan3A_94 to %scan3A_96 step %scan3A_97 iter_args(%scan3A_147 = %while3A_82) -> (i32)  : i32 {
              %mul3A_148 = arith.constant 16 : i32
              %mul3A_149 = arith.muli %scan3A_146, %mul3A_148 : i32
              %get3A_150 = arith.index_cast %mul3A_149 : i32 to index
              %get3A_151 = tpu.vector_load %arg12[%get3A_150] {strides = array<i32>} : memref<2048xi32, #tpu.memory_space<vmem>>, vector<16xi32>,
              %and3A_152 = arith.constant 8191 : i32
              %and3A_153 = vector.broadcast %and3A_152 : i32 to vector<16xi32>
              %and3A_154 = arith.andi %get3A_151, %and3A_153 : vector<16xi32>
              %shift_right_arithmetic3A_155 = arith.constant 8 : i32
              %shift_right_arithmetic3A_156 = vector.broadcast %shift_right_arithmetic3A_155 : i32 to vector<16xi32>
              %shift_right_arithmetic3A_157 = arith.shrsi %and3A_154, %shift_right_arithmetic3A_156 : vector<16xi32>
              %eq3A_158 = vector.broadcast %arg1 : i32 to vector<16xi32>
              %eq3A_159 = arith.cmpi eq, %shift_right_arithmetic3A_157, %eq3A_158 : vector<16xi32>
              %mul3A_160 = arith.constant 16 : i32
              %mul3A_161 = arith.muli %scan3A_146, %mul3A_160 : i32
              %sub3A_162 = arith.subi %sub3A_93, %mul3A_161 : i32
              %lt3A_163 = vector.broadcast %sub3A_162 : i32 to vector<16xi32>
              %lt3A_164 = arith.cmpi slt, %iota3A, %lt3A_163 : vector<16xi32>
              %and3A_165 = arith.andi %eq3A_159, %lt3A_164 : vector<16xi1>
              %convert_element_type3A_166 = arith.extui %and3A_165 : vector<16xi1> to vector<16xi32>
              %broadcast_in_dim3A_167 = arith.constant true
              %broadcast_in_dim3A_168 = vector.broadcast %broadcast_in_dim3A_167 : i1 to vector<16xi1>
              %masked_cumsum3A = tpu.scan <sum>, %convert_element_type3A_166 masked %broadcast_in_dim3A_168 : vector<16xi32>, vector<16xi1> -> vector<16xi32>
              %add3A_169 = vector.broadcast %scan3A_147 : i32 to vector<16xi32>
              %add3A_170 = arith.addi %add3A_169, %masked_cumsum3A : vector<16xi32>
              %sub3A_171 = arith.constant 1 : i32
              %sub3A_172 = vector.broadcast %sub3A_171 : i32 to vector<16xi32>
              %sub3A_173 = arith.subi %add3A_170, %sub3A_172 : vector<16xi32>
              %not3A = arith.constant 8191 : i32
              %not3A_174 = arith.constant -1 : i32
              %not3A_175 = arith.xori %not3A, %not3A_174 : i32
              %and3A_176 = vector.broadcast %not3A_175 : i32 to vector<16xi32>
              %and3A_177 = arith.andi %get3A_151, %and3A_176 : vector<16xi32>
              %and3A_178 = arith.constant 255 : i32
              %and3A_179 = vector.broadcast %and3A_178 : i32 to vector<16xi32>
              %and3A_180 = arith.andi %and3A_154, %and3A_179 : vector<16xi32>
              %or3A = arith.ori %and3A_177, %and3A_180 : vector<16xi32>
              tpu.vector_store_idx %arg11[%sub3A_173], %or3A masked %and3A_165 : memref<2128xi32, #tpu.memory_space<vmem>>[vector<16xi32>], vector<16xi32>, vector<16xi1>
              %convert_element_type3A_181 = arith.extui %and3A_165 : vector<16xi1> to vector<16xi32>
              %reduce_sum3A_182 = arith.constant true
              %reduce_sum3A_183 = vector.broadcast %reduce_sum3A_182 : i1 to vector<16xi1>
              %reduce_sum3A_184 = tpu.scan <sum>, %convert_element_type3A_181 masked %reduce_sum3A_183 : vector<16xi32>, vector<16xi1> -> vector<16xi32>
              %reduce_sum3A_185 = vector.extract %reduce_sum3A_184[15] : i32 from vector<16xi32>
              %add3A_186 = arith.addi %scan3A_147, %reduce_sum3A_185 : i32
              scf.yield %add3A_186 : i32
            }
            %scan3A_99 = arith.constant 128 : i32
            %shift_right_arithmetic3A_100 = arith.constant 6 : i32
            %shift_right_arithmetic3A_101 = arith.shrsi %scan3A_98, %shift_right_arithmetic3A_100 : i32
            %while3A_102 = arith.constant 0 : i32
            %while3A_103 = arith.constant 0 : i32
            %while3A_104 = arith.subi %shift_right_arithmetic3A_101, %while3A_102 : i32
            %while3A_105 = arith.addi %while3A_102, %while3A_104 : i32
            %while3A_106 = arith.constant 1 : i32
            %while3A_107 = arith.divsi %while3A_104, %while3A_106 : i32
            %while3A_108 = arith.muli %while3A_107, %while3A_106 : i32
            %while3A_109 = arith.addi %while3A_102, %while3A_108 : i32
            %while3A_110 = arith.constant 1 : i32
            %while3A_111 = scf.for %while3A_146 = %while3A_102 to %while3A_109 step %while3A_110 iter_args(%while3A_147 = %while3A_103) -> (i32)  : i32 {
              %mul3A_148 = arith.constant 64 : i32
              %mul3A_149 = arith.muli %while3A_146, %mul3A_148 : i32
              %add3A_150 = arith.constant 0 : i32
              %add3A_151 = arith.addi %mul3A_149, %add3A_150 : i32
              %get3A_152 = arith.index_cast %add3A_151 : i32 to index
              %get3A_153 = tpu.vector_load %arg11[%get3A_152] {strides = array<i32>} : memref<2128xi32, #tpu.memory_space<vmem>>, vector<16xi32>,
              %shift_right_arithmetic3A_154 = arith.constant 13 : i32
              %shift_right_arithmetic3A_155 = vector.broadcast %shift_right_arithmetic3A_154 : i32 to vector<16xi32>
              %shift_right_arithmetic3A_156 = arith.shrsi %get3A_153, %shift_right_arithmetic3A_155 : vector<16xi32>
              %swap3A_157 = arith.constant 0 : index
              %swap3A_158 = tpu.vector_load %arg13[%swap3A_157] {strides = array<i32>} : memref<64xi32, #tpu.memory_space<vmem>>, vector<16xi32>,
              tpu.vector_store %arg13[%swap3A_157], %shift_right_arithmetic3A_156 {strides = array<i32>} : memref<64xi32, #tpu.memory_space<vmem>>, vector<16xi32>,
              %and3A_159 = arith.constant 511 : i32
              %and3A_160 = vector.broadcast %and3A_159 : i32 to vector<16xi32>
              %and3A_161 = arith.andi %get3A_153, %and3A_160 : vector<16xi32>
              %swap3A_162 = arith.constant 0 : index
              %swap3A_163 = tpu.vector_load %arg14[%swap3A_162] {strides = array<i32>} : memref<64xi32, #tpu.memory_space<vmem>>, vector<16xi32>,
              tpu.vector_store %arg14[%swap3A_162], %and3A_161 {strides = array<i32>} : memref<64xi32, #tpu.memory_space<vmem>>, vector<16xi32>,
              %mul3A_164 = arith.constant 64 : i32
              %mul3A_165 = arith.muli %while3A_146, %mul3A_164 : i32
              %add3A_166 = arith.constant 16 : i32
              %add3A_167 = arith.addi %mul3A_165, %add3A_166 : i32
              %get3A_168 = arith.index_cast %add3A_167 : i32 to index
              %get3A_169 = tpu.vector_load %arg11[%get3A_168] {strides = array<i32>} : memref<2128xi32, #tpu.memory_space<vmem>>, vector<16xi32>,
              %shift_right_arithmetic3A_170 = arith.constant 13 : i32
              %shift_right_arithmetic3A_171 = vector.broadcast %shift_right_arithmetic3A_170 : i32 to vector<16xi32>
              %shift_right_arithmetic3A_172 = arith.shrsi %get3A_169, %shift_right_arithmetic3A_171 : vector<16xi32>
              %swap3A_173 = arith.constant 16 : index
              %swap3A_174 = tpu.vector_load %arg13[%swap3A_173] {strides = array<i32>} : memref<64xi32, #tpu.memory_space<vmem>>, vector<16xi32>,
              tpu.vector_store %arg13[%swap3A_173], %shift_right_arithmetic3A_172 {strides = array<i32>} : memref<64xi32, #tpu.memory_space<vmem>>, vector<16xi32>,
              %and3A_175 = arith.constant 511 : i32
              %and3A_176 = vector.broadcast %and3A_175 : i32 to vector<16xi32>
              %and3A_177 = arith.andi %get3A_169, %and3A_176 : vector<16xi32>
              %swap3A_178 = arith.constant 16 : index
              %swap3A_179 = tpu.vector_load %arg14[%swap3A_178] {strides = array<i32>} : memref<64xi32, #tpu.memory_space<vmem>>, vector<16xi32>,
              tpu.vector_store %arg14[%swap3A_178], %and3A_177 {strides = array<i32>} : memref<64xi32, #tpu.memory_space<vmem>>, vector<16xi32>,
              %mul3A_180 = arith.constant 64 : i32
              %mul3A_181 = arith.muli %while3A_146, %mul3A_180 : i32
              %add3A_182 = arith.constant 32 : i32
              %add3A_183 = arith.addi %mul3A_181, %add3A_182 : i32
              %get3A_184 = arith.index_cast %add3A_183 : i32 to index
              %get3A_185 = tpu.vector_load %arg11[%get3A_184] {strides = array<i32>} : memref<2128xi32, #tpu.memory_space<vmem>>, vector<16xi32>,
              %shift_right_arithmetic3A_186 = arith.constant 13 : i32
              %shift_right_arithmetic3A_187 = vector.broadcast %shift_right_arithmetic3A_186 : i32 to vector<16xi32>
              %shift_right_arithmetic3A_188 = arith.shrsi %get3A_185, %shift_right_arithmetic3A_187 : vector<16xi32>
              %swap3A_189 = arith.constant 32 : index
              %swap3A_190 = tpu.vector_load %arg13[%swap3A_189] {strides = array<i32>} : memref<64xi32, #tpu.memory_space<vmem>>, vector<16xi32>,
              tpu.vector_store %arg13[%swap3A_189], %shift_right_arithmetic3A_188 {strides = array<i32>} : memref<64xi32, #tpu.memory_space<vmem>>, vector<16xi32>,
              %and3A_191 = arith.constant 511 : i32
              %and3A_192 = vector.broadcast %and3A_191 : i32 to vector<16xi32>
              %and3A_193 = arith.andi %get3A_185, %and3A_192 : vector<16xi32>
              %swap3A_194 = arith.constant 32 : index
              %swap3A_195 = tpu.vector_load %arg14[%swap3A_194] {strides = array<i32>} : memref<64xi32, #tpu.memory_space<vmem>>, vector<16xi32>,
              tpu.vector_store %arg14[%swap3A_194], %and3A_193 {strides = array<i32>} : memref<64xi32, #tpu.memory_space<vmem>>, vector<16xi32>,
              %mul3A_196 = arith.constant 64 : i32
              %mul3A_197 = arith.muli %while3A_146, %mul3A_196 : i32
              %add3A_198 = arith.constant 48 : i32
              %add3A_199 = arith.addi %mul3A_197, %add3A_198 : i32
              %get3A_200 = arith.index_cast %add3A_199 : i32 to index
              %get3A_201 = tpu.vector_load %arg11[%get3A_200] {strides = array<i32>} : memref<2128xi32, #tpu.memory_space<vmem>>, vector<16xi32>,
              %shift_right_arithmetic3A_202 = arith.constant 13 : i32
              %shift_right_arithmetic3A_203 = vector.broadcast %shift_right_arithmetic3A_202 : i32 to vector<16xi32>
              %shift_right_arithmetic3A_204 = arith.shrsi %get3A_201, %shift_right_arithmetic3A_203 : vector<16xi32>
              %swap3A_205 = arith.constant 48 : index
              %swap3A_206 = tpu.vector_load %arg13[%swap3A_205] {strides = array<i32>} : memref<64xi32, #tpu.memory_space<vmem>>, vector<16xi32>,
              tpu.vector_store %arg13[%swap3A_205], %shift_right_arithmetic3A_204 {strides = array<i32>} : memref<64xi32, #tpu.memory_space<vmem>>, vector<16xi32>,
              %and3A_207 = arith.constant 511 : i32
              %and3A_208 = vector.broadcast %and3A_207 : i32 to vector<16xi32>
              %and3A_209 = arith.andi %get3A_201, %and3A_208 : vector<16xi32>
              %swap3A_210 = arith.constant 48 : index
              %swap3A_211 = tpu.vector_load %arg14[%swap3A_210] {strides = array<i32>} : memref<64xi32, #tpu.memory_space<vmem>>, vector<16xi32>,
              tpu.vector_store %arg14[%swap3A_210], %and3A_209 {strides = array<i32>} : memref<64xi32, #tpu.memory_space<vmem>>, vector<16xi32>,
              %dma_start3A = arith.constant 0 : i32
              %dma_start3A_212 = arith.constant 0 : i32
              %dma_start3A_213 = tpu.memref_slice %arg2[%dma_start3A, %dma_start3A_212] : memref<53248x256xf32, #tpu.memory_space<hbm>> -> memref<53248x256xf32, #tpu.memory_space<hbm>>
              tpu.enqueue_indirect_dma source(%dma_start3A_213 : memref<53248x256xf32, #tpu.memory_space<hbm>>) target(%arg15 : memref<64x256xf32, #tpu.memory_space<vmem>>) offsets(%arg13 : memref<64xi32, #tpu.memory_space<vmem>>) semaphore(%arg19 : memref<!tpu.dma_semaphore, #tpu.memory_space<semaphore_mem>>)
              %dma_wait3A = arith.constant 0 : i32
              %dma_wait3A_214 = arith.constant 0 : i32
              %dma_wait3A_215 = tpu.memref_slice %arg2[%dma_wait3A, %dma_wait3A_214] : memref<53248x256xf32, #tpu.memory_space<hbm>> -> memref<53248x256xf32, #tpu.memory_space<hbm>>
              tpu.wait_indirect_dma semaphore(%arg19 : memref<!tpu.dma_semaphore, #tpu.memory_space<semaphore_mem>>) src(%dma_wait3A_215 : memref<53248x256xf32, #tpu.memory_space<hbm>>) dst(%arg15 : memref<64x256xf32, #tpu.memory_space<vmem>>)
              %scan3A_216 = arith.constant 0 : i32
              %scan3A_217 = arith.constant 0 : i32
              %scan3A_218 = arith.constant 64 : i32
              %scan3A_219 = arith.addi %scan3A_217, %scan3A_218 : i32
              %scan3A_220 = arith.constant 1 : i32
              %scan3A_221 = scf.for %scan3A_224 = %scan3A_217 to %scan3A_219 step %scan3A_220 iter_args(%scan3A_225 = %scan3A_216) -> (i32)  : i32 {
                %shift_right_arithmetic3A_226 = arith.constant 4 : i32
                %shift_right_arithmetic3A_227 = arith.shrsi %scan3A_224, %shift_right_arithmetic3A_226 : i32
                %mul3A_228 = arith.constant 16 : i32
                %mul3A_229 = arith.muli %shift_right_arithmetic3A_227, %mul3A_228 : i32
                %get3A_230 = arith.index_cast %mul3A_229 : i32 to index
                %get3A_231 = tpu.vector_load %arg14[%get3A_230] {strides = array<i32>} : memref<64xi32, #tpu.memory_space<vmem>>, vector<16xi32>,
                %and3A_232 = arith.constant 15 : i32
                %and3A_233 = arith.andi %scan3A_224, %and3A_232 : i32
                %eq3A_234 = vector.broadcast %and3A_233 : i32 to vector<16xi32>
                %eq3A_235 = arith.cmpi eq, %iota3A, %eq3A_234 : vector<16xi32>
                %jit3A_236 = arith.constant 0 : i32
                %broadcast_in_dim3A_237 = vector.broadcast %jit3A_236 : i32 to vector<16xi32>
                %select_n3A_238 = arith.select %eq3A_235, %get3A_231, %broadcast_in_dim3A_237 : vector<16xi1>, vector<16xi32>
                %reduce_sum3A_239 = arith.constant true
                %reduce_sum3A_240 = vector.broadcast %reduce_sum3A_239 : i1 to vector<16xi1>
                %reduce_sum3A_241 = tpu.scan <sum>, %select_n3A_238 masked %reduce_sum3A_240 : vector<16xi32>, vector<16xi1> -> vector<16xi32>
                %reduce_sum3A_242 = vector.extract %reduce_sum3A_241[15] : i32 from vector<16xi32>
                %get3A_243 = arith.index_cast %scan3A_224 : i32 to index
                %get3A_244 = arith.constant 0 : index
                %get3A_245 = tpu.vector_load %arg15[%get3A_243, %get3A_244] {strides = array<i32>} : memref<64x256xf32, #tpu.memory_space<vmem>>, vector<16xf32>,
                %swap3A_246 = arith.index_cast %reduce_sum3A_242 : i32 to index
                %swap3A_247 = arith.constant 0 : index
                %swap3A_248 = tpu.vector_load %arg18[%swap3A_246, %swap3A_247] {strides = array<i32>} : memref<264x256xf32, #tpu.memory_space<vmem>>, vector<16xf32>,
                tpu.vector_store %arg18[%swap3A_246, %swap3A_247], %get3A_245 {add = true, strides = array<i32>} : memref<264x256xf32, #tpu.memory_space<vmem>>, vector<16xf32>,
                %get3A_249 = arith.index_cast %scan3A_224 : i32 to index
                %get3A_250 = arith.constant 16 : index
                %get3A_251 = tpu.vector_load %arg15[%get3A_249, %get3A_250] {strides = array<i32>} : memref<64x256xf32, #tpu.memory_space<vmem>>, vector<16xf32>,
                %swap3A_252 = arith.index_cast %reduce_sum3A_242 : i32 to index
                %swap3A_253 = arith.constant 16 : index
                %swap3A_254 = tpu.vector_load %arg18[%swap3A_252, %swap3A_253] {strides = array<i32>} : memref<264x256xf32, #tpu.memory_space<vmem>>, vector<16xf32>,
                tpu.vector_store %arg18[%swap3A_252, %swap3A_253], %get3A_251 {add = true, strides = array<i32>} : memref<264x256xf32, #tpu.memory_space<vmem>>, vector<16xf32>,
                %get3A_255 = arith.index_cast %scan3A_224 : i32 to index
                %get3A_256 = arith.constant 32 : index
                %get3A_257 = tpu.vector_load %arg15[%get3A_255, %get3A_256] {strides = array<i32>} : memref<64x256xf32, #tpu.memory_space<vmem>>, vector<16xf32>,
                %swap3A_258 = arith.index_cast %reduce_sum3A_242 : i32 to index
                %swap3A_259 = arith.constant 32 : index
                %swap3A_260 = tpu.vector_load %arg18[%swap3A_258, %swap3A_259] {strides = array<i32>} : memref<264x256xf32, #tpu.memory_space<vmem>>, vector<16xf32>,
                tpu.vector_store %arg18[%swap3A_258, %swap3A_259], %get3A_257 {add = true, strides = array<i32>} : memref<264x256xf32, #tpu.memory_space<vmem>>, vector<16xf32>,
                %get3A_261 = arith.index_cast %scan3A_224 : i32 to index
                %get3A_262 = arith.constant 48 : index
                %get3A_263 = tpu.vector_load %arg15[%get3A_261, %get3A_262] {strides = array<i32>} : memref<64x256xf32, #tpu.memory_space<vmem>>, vector<16xf32>,
                %swap3A_264 = arith.index_cast %reduce_sum3A_242 : i32 to index
                %swap3A_265 = arith.constant 48 : index
                %swap3A_266 = tpu.vector_load %arg18[%swap3A_264, %swap3A_265] {strides = array<i32>} : memref<264x256xf32, #tpu.memory_space<vmem>>, vector<16xf32>,
                tpu.vector_store %arg18[%swap3A_264, %swap3A_265], %get3A_263 {add = true, strides = array<i32>} : memref<264x256xf32, #tpu.memory_space<vmem>>, vector<16xf32>,
                %get3A_267 = arith.index_cast %scan3A_224 : i32 to index
                %get3A_268 = arith.constant 64 : index
                %get3A_269 = tpu.vector_load %arg15[%get3A_267, %get3A_268] {strides = array<i32>} : memref<64x256xf32, #tpu.memory_space<vmem>>, vector<16xf32>,
                %swap3A_270 = arith.index_cast %reduce_sum3A_242 : i32 to index
                %swap3A_271 = arith.constant 64 : index
                %swap3A_272 = tpu.vector_load %arg18[%swap3A_270, %swap3A_271] {strides = array<i32>} : memref<264x256xf32, #tpu.memory_space<vmem>>, vector<16xf32>,
                tpu.vector_store %arg18[%swap3A_270, %swap3A_271], %get3A_269 {add = true, strides = array<i32>} : memref<264x256xf32, #tpu.memory_space<vmem>>, vector<16xf32>,
                %get3A_273 = arith.index_cast %scan3A_224 : i32 to index
                %get3A_274 = arith.constant 80 : index
                %get3A_275 = tpu.vector_load %arg15[%get3A_273, %get3A_274] {strides = array<i32>} : memref<64x256xf32, #tpu.memory_space<vmem>>, vector<16xf32>,
                %swap3A_276 = arith.index_cast %reduce_sum3A_242 : i32 to index
                %swap3A_277 = arith.constant 80 : index
                %swap3A_278 = tpu.vector_load %arg18[%swap3A_276, %swap3A_277] {strides = array<i32>} : memref<264x256xf32, #tpu.memory_space<vmem>>, vector<16xf32>,
                tpu.vector_store %arg18[%swap3A_276, %swap3A_277], %get3A_275 {add = true, strides = array<i32>} : memref<264x256xf32, #tpu.memory_space<vmem>>, vector<16xf32>,
                %get3A_279 = arith.index_cast %scan3A_224 : i32 to index
                %get3A_280 = arith.constant 96 : index
                %get3A_281 = tpu.vector_load %arg15[%get3A_279, %get3A_280] {strides = array<i32>} : memref<64x256xf32, #tpu.memory_space<vmem>>, vector<16xf32>,
                %swap3A_282 = arith.index_cast %reduce_sum3A_242 : i32 to index
                %swap3A_283 = arith.constant 96 : index
                %swap3A_284 = tpu.vector_load %arg18[%swap3A_282, %swap3A_283] {strides = array<i32>} : memref<264x256xf32, #tpu.memory_space<vmem>>, vector<16xf32>,
                tpu.vector_store %arg18[%swap3A_282, %swap3A_283], %get3A_281 {add = true, strides = array<i32>} : memref<264x256xf32, #tpu.memory_space<vmem>>, vector<16xf32>,
                %get3A_285 = arith.index_cast %scan3A_224 : i32 to index
                %get3A_286 = arith.constant 112 : index
                %get3A_287 = tpu.vector_load %arg15[%get3A_285, %get3A_286] {strides = array<i32>} : memref<64x256xf32, #tpu.memory_space<vmem>>, vector<16xf32>,
                %swap3A_288 = arith.index_cast %reduce_sum3A_242 : i32 to index
                %swap3A_289 = arith.constant 112 : index
                %swap3A_290 = tpu.vector_load %arg18[%swap3A_288, %swap3A_289] {strides = array<i32>} : memref<264x256xf32, #tpu.memory_space<vmem>>, vector<16xf32>,
                tpu.vector_store %arg18[%swap3A_288, %swap3A_289], %get3A_287 {add = true, strides = array<i32>} : memref<264x256xf32, #tpu.memory_space<vmem>>, vector<16xf32>,
                %get3A_291 = arith.index_cast %scan3A_224 : i32 to index
                %get3A_292 = arith.constant 128 : index
                %get3A_293 = tpu.vector_load %arg15[%get3A_291, %get3A_292] {strides = array<i32>} : memref<64x256xf32, #tpu.memory_space<vmem>>, vector<16xf32>,
                %swap3A_294 = arith.index_cast %reduce_sum3A_242 : i32 to index
                %swap3A_295 = arith.constant 128 : index
                %swap3A_296 = tpu.vector_load %arg18[%swap3A_294, %swap3A_295] {strides = array<i32>} : memref<264x256xf32, #tpu.memory_space<vmem>>, vector<16xf32>,
                tpu.vector_store %arg18[%swap3A_294, %swap3A_295], %get3A_293 {add = true, strides = array<i32>} : memref<264x256xf32, #tpu.memory_space<vmem>>, vector<16xf32>,
                %get3A_297 = arith.index_cast %scan3A_224 : i32 to index
                %get3A_298 = arith.constant 144 : index
                %get3A_299 = tpu.vector_load %arg15[%get3A_297, %get3A_298] {strides = array<i32>} : memref<64x256xf32, #tpu.memory_space<vmem>>, vector<16xf32>,
                %swap3A_300 = arith.index_cast %reduce_sum3A_242 : i32 to index
                %swap3A_301 = arith.constant 144 : index
                %swap3A_302 = tpu.vector_load %arg18[%swap3A_300, %swap3A_301] {strides = array<i32>} : memref<264x256xf32, #tpu.memory_space<vmem>>, vector<16xf32>,
                tpu.vector_store %arg18[%swap3A_300, %swap3A_301], %get3A_299 {add = true, strides = array<i32>} : memref<264x256xf32, #tpu.memory_space<vmem>>, vector<16xf32>,
                %get3A_303 = arith.index_cast %scan3A_224 : i32 to index
                %get3A_304 = arith.constant 160 : index
                %get3A_305 = tpu.vector_load %arg15[%get3A_303, %get3A_304] {strides = array<i32>} : memref<64x256xf32, #tpu.memory_space<vmem>>, vector<16xf32>,
                %swap3A_306 = arith.index_cast %reduce_sum3A_242 : i32 to index
                %swap3A_307 = arith.constant 160 : index
                %swap3A_308 = tpu.vector_load %arg18[%swap3A_306, %swap3A_307] {strides = array<i32>} : memref<264x256xf32, #tpu.memory_space<vmem>>, vector<16xf32>,
                tpu.vector_store %arg18[%swap3A_306, %swap3A_307], %get3A_305 {add = true, strides = array<i32>} : memref<264x256xf32, #tpu.memory_space<vmem>>, vector<16xf32>,
                %get3A_309 = arith.index_cast %scan3A_224 : i32 to index
                %get3A_310 = arith.constant 176 : index
                %get3A_311 = tpu.vector_load %arg15[%get3A_309, %get3A_310] {strides = array<i32>} : memref<64x256xf32, #tpu.memory_space<vmem>>, vector<16xf32>,
                %swap3A_312 = arith.index_cast %reduce_sum3A_242 : i32 to index
                %swap3A_313 = arith.constant 176 : index
                %swap3A_314 = tpu.vector_load %arg18[%swap3A_312, %swap3A_313] {strides = array<i32>} : memref<264x256xf32, #tpu.memory_space<vmem>>, vector<16xf32>,
                tpu.vector_store %arg18[%swap3A_312, %swap3A_313], %get3A_311 {add = true, strides = array<i32>} : memref<264x256xf32, #tpu.memory_space<vmem>>, vector<16xf32>,
                %get3A_315 = arith.index_cast %scan3A_224 : i32 to index
                %get3A_316 = arith.constant 192 : index
                %get3A_317 = tpu.vector_load %arg15[%get3A_315, %get3A_316] {strides = array<i32>} : memref<64x256xf32, #tpu.memory_space<vmem>>, vector<16xf32>,
                %swap3A_318 = arith.index_cast %reduce_sum3A_242 : i32 to index
                %swap3A_319 = arith.constant 192 : index
                %swap3A_320 = tpu.vector_load %arg18[%swap3A_318, %swap3A_319] {strides = array<i32>} : memref<264x256xf32, #tpu.memory_space<vmem>>, vector<16xf32>,
                tpu.vector_store %arg18[%swap3A_318, %swap3A_319], %get3A_317 {add = true, strides = array<i32>} : memref<264x256xf32, #tpu.memory_space<vmem>>, vector<16xf32>,
                %get3A_321 = arith.index_cast %scan3A_224 : i32 to index
                %get3A_322 = arith.constant 208 : index
                %get3A_323 = tpu.vector_load %arg15[%get3A_321, %get3A_322] {strides = array<i32>} : memref<64x256xf32, #tpu.memory_space<vmem>>, vector<16xf32>,
                %swap3A_324 = arith.index_cast %reduce_sum3A_242 : i32 to index
                %swap3A_325 = arith.constant 208 : index
                %swap3A_326 = tpu.vector_load %arg18[%swap3A_324, %swap3A_325] {strides = array<i32>} : memref<264x256xf32, #tpu.memory_space<vmem>>, vector<16xf32>,
                tpu.vector_store %arg18[%swap3A_324, %swap3A_325], %get3A_323 {add = true, strides = array<i32>} : memref<264x256xf32, #tpu.memory_space<vmem>>, vector<16xf32>,
                %get3A_327 = arith.index_cast %scan3A_224 : i32 to index
                %get3A_328 = arith.constant 224 : index
                %get3A_329 = tpu.vector_load %arg15[%get3A_327, %get3A_328] {strides = array<i32>} : memref<64x256xf32, #tpu.memory_space<vmem>>, vector<16xf32>,
                %swap3A_330 = arith.index_cast %reduce_sum3A_242 : i32 to index
                %swap3A_331 = arith.constant 224 : index
                %swap3A_332 = tpu.vector_load %arg18[%swap3A_330, %swap3A_331] {strides = array<i32>} : memref<264x256xf32, #tpu.memory_space<vmem>>, vector<16xf32>,
                tpu.vector_store %arg18[%swap3A_330, %swap3A_331], %get3A_329 {add = true, strides = array<i32>} : memref<264x256xf32, #tpu.memory_space<vmem>>, vector<16xf32>,
                %get3A_333 = arith.index_cast %scan3A_224 : i32 to index
                %get3A_334 = arith.constant 240 : index
                %get3A_335 = tpu.vector_load %arg15[%get3A_333, %get3A_334] {strides = array<i32>} : memref<64x256xf32, #tpu.memory_space<vmem>>, vector<16xf32>,
                %swap3A_336 = arith.index_cast %reduce_sum3A_242 : i32 to index
                %swap3A_337 = arith.constant 240 : index
                %swap3A_338 = tpu.vector_load %arg18[%swap3A_336, %swap3A_337] {strides = array<i32>} : memref<264x256xf32, #tpu.memory_space<vmem>>, vector<16xf32>,
                tpu.vector_store %arg18[%swap3A_336, %swap3A_337], %get3A_335 {add = true, strides = array<i32>} : memref<264x256xf32, #tpu.memory_space<vmem>>, vector<16xf32>,
                %scan3A_339 = arith.constant 0 : i32
                scf.yield %scan3A_339 : i32
              }
              %scan3A_222 = arith.constant 64 : i32
              %while3A_223 = arith.constant 0 : i32
              scf.yield %while3A_223 : i32
            }
            %while3A_112 = arith.constant 1 : i32
            %while3A_113 = scf.for %while3A_146 = %while3A_109 to %while3A_105 step %while3A_112 iter_args(%while3A_147 = %while3A_111) -> (i32)  : i32 {
              %mul3A_148 = arith.constant 64 : i32
              %mul3A_149 = arith.muli %while3A_146, %mul3A_148 : i32
              %add3A_150 = arith.constant 0 : i32
              %add3A_151 = arith.addi %mul3A_149, %add3A_150 : i32
              %get3A_152 = arith.index_cast %add3A_151 : i32 to index
              %get3A_153 = tpu.vector_load %arg11[%get3A_152] {strides = array<i32>} : memref<2128xi32, #tpu.memory_space<vmem>>, vector<16xi32>,
              %shift_right_arithmetic3A_154 = arith.constant 13 : i32
              %shift_right_arithmetic3A_155 = vector.broadcast %shift_right_arithmetic3A_154 : i32 to vector<16xi32>
              %shift_right_arithmetic3A_156 = arith.shrsi %get3A_153, %shift_right_arithmetic3A_155 : vector<16xi32>
              %swap3A_157 = arith.constant 0 : index
              %swap3A_158 = tpu.vector_load %arg13[%swap3A_157] {strides = array<i32>} : memref<64xi32, #tpu.memory_space<vmem>>, vector<16xi32>,
              tpu.vector_store %arg13[%swap3A_157], %shift_right_arithmetic3A_156 {strides = array<i32>} : memref<64xi32, #tpu.memory_space<vmem>>, vector<16xi32>,
              %and3A_159 = arith.constant 511 : i32
              %and3A_160 = vector.broadcast %and3A_159 : i32 to vector<16xi32>
              %and3A_161 = arith.andi %get3A_153, %and3A_160 : vector<16xi32>
              %swap3A_162 = arith.constant 0 : index
              %swap3A_163 = tpu.vector_load %arg14[%swap3A_162] {strides = array<i32>} : memref<64xi32, #tpu.memory_space<vmem>>, vector<16xi32>,
              tpu.vector_store %arg14[%swap3A_162], %and3A_161 {strides = array<i32>} : memref<64xi32, #tpu.memory_space<vmem>>, vector<16xi32>,
              %mul3A_164 = arith.constant 64 : i32
              %mul3A_165 = arith.muli %while3A_146, %mul3A_164 : i32
              %add3A_166 = arith.constant 16 : i32
              %add3A_167 = arith.addi %mul3A_165, %add3A_166 : i32
              %get3A_168 = arith.index_cast %add3A_167 : i32 to index
              %get3A_169 = tpu.vector_load %arg11[%get3A_168] {strides = array<i32>} : memref<2128xi32, #tpu.memory_space<vmem>>, vector<16xi32>,
              %shift_right_arithmetic3A_170 = arith.constant 13 : i32
              %shift_right_arithmetic3A_171 = vector.broadcast %shift_right_arithmetic3A_170 : i32 to vector<16xi32>
              %shift_right_arithmetic3A_172 = arith.shrsi %get3A_169, %shift_right_arithmetic3A_171 : vector<16xi32>
              %swap3A_173 = arith.constant 16 : index
              %swap3A_174 = tpu.vector_load %arg13[%swap3A_173] {strides = array<i32>} : memref<64xi32, #tpu.memory_space<vmem>>, vector<16xi32>,
              tpu.vector_store %arg13[%swap3A_173], %shift_right_arithmetic3A_172 {strides = array<i32>} : memref<64xi32, #tpu.memory_space<vmem>>, vector<16xi32>,
              %and3A_175 = arith.constant 511 : i32
              %and3A_176 = vector.broadcast %and3A_175 : i32 to vector<16xi32>
              %and3A_177 = arith.andi %get3A_169, %and3A_176 : vector<16xi32>
              %swap3A_178 = arith.constant 16 : index
              %swap3A_179 = tpu.vector_load %arg14[%swap3A_178] {strides = array<i32>} : memref<64xi32, #tpu.memory_space<vmem>>, vector<16xi32>,
              tpu.vector_store %arg14[%swap3A_178], %and3A_177 {strides = array<i32>} : memref<64xi32, #tpu.memory_space<vmem>>, vector<16xi32>,
              %mul3A_180 = arith.constant 64 : i32
              %mul3A_181 = arith.muli %while3A_146, %mul3A_180 : i32
              %add3A_182 = arith.constant 32 : i32
              %add3A_183 = arith.addi %mul3A_181, %add3A_182 : i32
              %get3A_184 = arith.index_cast %add3A_183 : i32 to index
              %get3A_185 = tpu.vector_load %arg11[%get3A_184] {strides = array<i32>} : memref<2128xi32, #tpu.memory_space<vmem>>, vector<16xi32>,
              %shift_right_arithmetic3A_186 = arith.constant 13 : i32
              %shift_right_arithmetic3A_187 = vector.broadcast %shift_right_arithmetic3A_186 : i32 to vector<16xi32>
              %shift_right_arithmetic3A_188 = arith.shrsi %get3A_185, %shift_right_arithmetic3A_187 : vector<16xi32>
              %swap3A_189 = arith.constant 32 : index
              %swap3A_190 = tpu.vector_load %arg13[%swap3A_189] {strides = array<i32>} : memref<64xi32, #tpu.memory_space<vmem>>, vector<16xi32>,
              tpu.vector_store %arg13[%swap3A_189], %shift_right_arithmetic3A_188 {strides = array<i32>} : memref<64xi32, #tpu.memory_space<vmem>>, vector<16xi32>,
              %and3A_191 = arith.constant 511 : i32
              %and3A_192 = vector.broadcast %and3A_191 : i32 to vector<16xi32>
              %and3A_193 = arith.andi %get3A_185, %and3A_192 : vector<16xi32>
              %swap3A_194 = arith.constant 32 : index
              %swap3A_195 = tpu.vector_load %arg14[%swap3A_194] {strides = array<i32>} : memref<64xi32, #tpu.memory_space<vmem>>, vector<16xi32>,
              tpu.vector_store %arg14[%swap3A_194], %and3A_193 {strides = array<i32>} : memref<64xi32, #tpu.memory_space<vmem>>, vector<16xi32>,
              %mul3A_196 = arith.constant 64 : i32
              %mul3A_197 = arith.muli %while3A_146, %mul3A_196 : i32
              %add3A_198 = arith.constant 48 : i32
              %add3A_199 = arith.addi %mul3A_197, %add3A_198 : i32
              %get3A_200 = arith.index_cast %add3A_199 : i32 to index
              %get3A_201 = tpu.vector_load %arg11[%get3A_200] {strides = array<i32>} : memref<2128xi32, #tpu.memory_space<vmem>>, vector<16xi32>,
              %shift_right_arithmetic3A_202 = arith.constant 13 : i32
              %shift_right_arithmetic3A_203 = vector.broadcast %shift_right_arithmetic3A_202 : i32 to vector<16xi32>
              %shift_right_arithmetic3A_204 = arith.shrsi %get3A_201, %shift_right_arithmetic3A_203 : vector<16xi32>
              %swap3A_205 = arith.constant 48 : index
              %swap3A_206 = tpu.vector_load %arg13[%swap3A_205] {strides = array<i32>} : memref<64xi32, #tpu.memory_space<vmem>>, vector<16xi32>,
              tpu.vector_store %arg13[%swap3A_205], %shift_right_arithmetic3A_204 {strides = array<i32>} : memref<64xi32, #tpu.memory_space<vmem>>, vector<16xi32>,
              %and3A_207 = arith.constant 511 : i32
              %and3A_208 = vector.broadcast %and3A_207 : i32 to vector<16xi32>
              %and3A_209 = arith.andi %get3A_201, %and3A_208 : vector<16xi32>
              %swap3A_210 = arith.constant 48 : index
              %swap3A_211 = tpu.vector_load %arg14[%swap3A_210] {strides = array<i32>} : memref<64xi32, #tpu.memory_space<vmem>>, vector<16xi32>,
              tpu.vector_store %arg14[%swap3A_210], %and3A_209 {strides = array<i32>} : memref<64xi32, #tpu.memory_space<vmem>>, vector<16xi32>,
              %dma_start3A = arith.constant 0 : i32
              %dma_start3A_212 = arith.constant 0 : i32
              %dma_start3A_213 = tpu.memref_slice %arg2[%dma_start3A, %dma_start3A_212] : memref<53248x256xf32, #tpu.memory_space<hbm>> -> memref<53248x256xf32, #tpu.memory_space<hbm>>
              tpu.enqueue_indirect_dma source(%dma_start3A_213 : memref<53248x256xf32, #tpu.memory_space<hbm>>) target(%arg15 : memref<64x256xf32, #tpu.memory_space<vmem>>) offsets(%arg13 : memref<64xi32, #tpu.memory_space<vmem>>) semaphore(%arg19 : memref<!tpu.dma_semaphore, #tpu.memory_space<semaphore_mem>>)
              %dma_wait3A = arith.constant 0 : i32
              %dma_wait3A_214 = arith.constant 0 : i32
              %dma_wait3A_215 = tpu.memref_slice %arg2[%dma_wait3A, %dma_wait3A_214] : memref<53248x256xf32, #tpu.memory_space<hbm>> -> memref<53248x256xf32, #tpu.memory_space<hbm>>
              tpu.wait_indirect_dma semaphore(%arg19 : memref<!tpu.dma_semaphore, #tpu.memory_space<semaphore_mem>>) src(%dma_wait3A_215 : memref<53248x256xf32, #tpu.memory_space<hbm>>) dst(%arg15 : memref<64x256xf32, #tpu.memory_space<vmem>>)
              %scan3A_216 = arith.constant 0 : i32
              %scan3A_217 = arith.constant 0 : i32
              %scan3A_218 = arith.constant 64 : i32
              %scan3A_219 = arith.addi %scan3A_217, %scan3A_218 : i32
              %scan3A_220 = arith.constant 1 : i32
              %scan3A_221 = scf.for %scan3A_224 = %scan3A_217 to %scan3A_219 step %scan3A_220 iter_args(%scan3A_225 = %scan3A_216) -> (i32)  : i32 {
                %shift_right_arithmetic3A_226 = arith.constant 4 : i32
                %shift_right_arithmetic3A_227 = arith.shrsi %scan3A_224, %shift_right_arithmetic3A_226 : i32
                %mul3A_228 = arith.constant 16 : i32
                %mul3A_229 = arith.muli %shift_right_arithmetic3A_227, %mul3A_228 : i32
                %get3A_230 = arith.index_cast %mul3A_229 : i32 to index
                %get3A_231 = tpu.vector_load %arg14[%get3A_230] {strides = array<i32>} : memref<64xi32, #tpu.memory_space<vmem>>, vector<16xi32>,
                %and3A_232 = arith.constant 15 : i32
                %and3A_233 = arith.andi %scan3A_224, %and3A_232 : i32
                %eq3A_234 = vector.broadcast %and3A_233 : i32 to vector<16xi32>
                %eq3A_235 = arith.cmpi eq, %iota3A, %eq3A_234 : vector<16xi32>
                %jit3A_236 = arith.constant 0 : i32
                %broadcast_in_dim3A_237 = vector.broadcast %jit3A_236 : i32 to vector<16xi32>
                %select_n3A_238 = arith.select %eq3A_235, %get3A_231, %broadcast_in_dim3A_237 : vector<16xi1>, vector<16xi32>
                %reduce_sum3A_239 = arith.constant true
                %reduce_sum3A_240 = vector.broadcast %reduce_sum3A_239 : i1 to vector<16xi1>
                %reduce_sum3A_241 = tpu.scan <sum>, %select_n3A_238 masked %reduce_sum3A_240 : vector<16xi32>, vector<16xi1> -> vector<16xi32>
                %reduce_sum3A_242 = vector.extract %reduce_sum3A_241[15] : i32 from vector<16xi32>
                %get3A_243 = arith.index_cast %scan3A_224 : i32 to index
                %get3A_244 = arith.constant 0 : index
                %get3A_245 = tpu.vector_load %arg15[%get3A_243, %get3A_244] {strides = array<i32>} : memref<64x256xf32, #tpu.memory_space<vmem>>, vector<16xf32>,
                %swap3A_246 = arith.index_cast %reduce_sum3A_242 : i32 to index
                %swap3A_247 = arith.constant 0 : index
                %swap3A_248 = tpu.vector_load %arg18[%swap3A_246, %swap3A_247] {strides = array<i32>} : memref<264x256xf32, #tpu.memory_space<vmem>>, vector<16xf32>,
                tpu.vector_store %arg18[%swap3A_246, %swap3A_247], %get3A_245 {add = true, strides = array<i32>} : memref<264x256xf32, #tpu.memory_space<vmem>>, vector<16xf32>,
                %get3A_249 = arith.index_cast %scan3A_224 : i32 to index
                %get3A_250 = arith.constant 16 : index
                %get3A_251 = tpu.vector_load %arg15[%get3A_249, %get3A_250] {strides = array<i32>} : memref<64x256xf32, #tpu.memory_space<vmem>>, vector<16xf32>,
                %swap3A_252 = arith.index_cast %reduce_sum3A_242 : i32 to index
                %swap3A_253 = arith.constant 16 : index
                %swap3A_254 = tpu.vector_load %arg18[%swap3A_252, %swap3A_253] {strides = array<i32>} : memref<264x256xf32, #tpu.memory_space<vmem>>, vector<16xf32>,
                tpu.vector_store %arg18[%swap3A_252, %swap3A_253], %get3A_251 {add = true, strides = array<i32>} : memref<264x256xf32, #tpu.memory_space<vmem>>, vector<16xf32>,
                %get3A_255 = arith.index_cast %scan3A_224 : i32 to index
                %get3A_256 = arith.constant 32 : index
                %get3A_257 = tpu.vector_load %arg15[%get3A_255, %get3A_256] {strides = array<i32>} : memref<64x256xf32, #tpu.memory_space<vmem>>, vector<16xf32>,
                %swap3A_258 = arith.index_cast %reduce_sum3A_242 : i32 to index
                %swap3A_259 = arith.constant 32 : index
                %swap3A_260 = tpu.vector_load %arg18[%swap3A_258, %swap3A_259] {strides = array<i32>} : memref<264x256xf32, #tpu.memory_space<vmem>>, vector<16xf32>,
                tpu.vector_store %arg18[%swap3A_258, %swap3A_259], %get3A_257 {add = true, strides = array<i32>} : memref<264x256xf32, #tpu.memory_space<vmem>>, vector<16xf32>,
                %get3A_261 = arith.index_cast %scan3A_224 : i32 to index
                %get3A_262 = arith.constant 48 : index
                %get3A_263 = tpu.vector_load %arg15[%get3A_261, %get3A_262] {strides = array<i32>} : memref<64x256xf32, #tpu.memory_space<vmem>>, vector<16xf32>,
                %swap3A_264 = arith.index_cast %reduce_sum3A_242 : i32 to index
                %swap3A_265 = arith.constant 48 : index
                %swap3A_266 = tpu.vector_load %arg18[%swap3A_264, %swap3A_265] {strides = array<i32>} : memref<264x256xf32, #tpu.memory_space<vmem>>, vector<16xf32>,
                tpu.vector_store %arg18[%swap3A_264, %swap3A_265], %get3A_263 {add = true, strides = array<i32>} : memref<264x256xf32, #tpu.memory_space<vmem>>, vector<16xf32>,
                %get3A_267 = arith.index_cast %scan3A_224 : i32 to index
                %get3A_268 = arith.constant 64 : index
                %get3A_269 = tpu.vector_load %arg15[%get3A_267, %get3A_268] {strides = array<i32>} : memref<64x256xf32, #tpu.memory_space<vmem>>, vector<16xf32>,
                %swap3A_270 = arith.index_cast %reduce_sum3A_242 : i32 to index
                %swap3A_271 = arith.constant 64 : index
                %swap3A_272 = tpu.vector_load %arg18[%swap3A_270, %swap3A_271] {strides = array<i32>} : memref<264x256xf32, #tpu.memory_space<vmem>>, vector<16xf32>,
                tpu.vector_store %arg18[%swap3A_270, %swap3A_271], %get3A_269 {add = true, strides = array<i32>} : memref<264x256xf32, #tpu.memory_space<vmem>>, vector<16xf32>,
                %get3A_273 = arith.index_cast %scan3A_224 : i32 to index
                %get3A_274 = arith.constant 80 : index
                %get3A_275 = tpu.vector_load %arg15[%get3A_273, %get3A_274] {strides = array<i32>} : memref<64x256xf32, #tpu.memory_space<vmem>>, vector<16xf32>,
                %swap3A_276 = arith.index_cast %reduce_sum3A_242 : i32 to index
                %swap3A_277 = arith.constant 80 : index
                %swap3A_278 = tpu.vector_load %arg18[%swap3A_276, %swap3A_277] {strides = array<i32>} : memref<264x256xf32, #tpu.memory_space<vmem>>, vector<16xf32>,
                tpu.vector_store %arg18[%swap3A_276, %swap3A_277], %get3A_275 {add = true, strides = array<i32>} : memref<264x256xf32, #tpu.memory_space<vmem>>, vector<16xf32>,
                %get3A_279 = arith.index_cast %scan3A_224 : i32 to index
                %get3A_280 = arith.constant 96 : index
                %get3A_281 = tpu.vector_load %arg15[%get3A_279, %get3A_280] {strides = array<i32>} : memref<64x256xf32, #tpu.memory_space<vmem>>, vector<16xf32>,
                %swap3A_282 = arith.index_cast %reduce_sum3A_242 : i32 to index
                %swap3A_283 = arith.constant 96 : index
                %swap3A_284 = tpu.vector_load %arg18[%swap3A_282, %swap3A_283] {strides = array<i32>} : memref<264x256xf32, #tpu.memory_space<vmem>>, vector<16xf32>,
                tpu.vector_store %arg18[%swap3A_282, %swap3A_283], %get3A_281 {add = true, strides = array<i32>} : memref<264x256xf32, #tpu.memory_space<vmem>>, vector<16xf32>,
                %get3A_285 = arith.index_cast %scan3A_224 : i32 to index
                %get3A_286 = arith.constant 112 : index
                %get3A_287 = tpu.vector_load %arg15[%get3A_285, %get3A_286] {strides = array<i32>} : memref<64x256xf32, #tpu.memory_space<vmem>>, vector<16xf32>,
                %swap3A_288 = arith.index_cast %reduce_sum3A_242 : i32 to index
                %swap3A_289 = arith.constant 112 : index
                %swap3A_290 = tpu.vector_load %arg18[%swap3A_288, %swap3A_289] {strides = array<i32>} : memref<264x256xf32, #tpu.memory_space<vmem>>, vector<16xf32>,
                tpu.vector_store %arg18[%swap3A_288, %swap3A_289], %get3A_287 {add = true, strides = array<i32>} : memref<264x256xf32, #tpu.memory_space<vmem>>, vector<16xf32>,
                %get3A_291 = arith.index_cast %scan3A_224 : i32 to index
                %get3A_292 = arith.constant 128 : index
                %get3A_293 = tpu.vector_load %arg15[%get3A_291, %get3A_292] {strides = array<i32>} : memref<64x256xf32, #tpu.memory_space<vmem>>, vector<16xf32>,
                %swap3A_294 = arith.index_cast %reduce_sum3A_242 : i32 to index
                %swap3A_295 = arith.constant 128 : index
                %swap3A_296 = tpu.vector_load %arg18[%swap3A_294, %swap3A_295] {strides = array<i32>} : memref<264x256xf32, #tpu.memory_space<vmem>>, vector<16xf32>,
                tpu.vector_store %arg18[%swap3A_294, %swap3A_295], %get3A_293 {add = true, strides = array<i32>} : memref<264x256xf32, #tpu.memory_space<vmem>>, vector<16xf32>,
                %get3A_297 = arith.index_cast %scan3A_224 : i32 to index
                %get3A_298 = arith.constant 144 : index
                %get3A_299 = tpu.vector_load %arg15[%get3A_297, %get3A_298] {strides = array<i32>} : memref<64x256xf32, #tpu.memory_space<vmem>>, vector<16xf32>,
                %swap3A_300 = arith.index_cast %reduce_sum3A_242 : i32 to index
                %swap3A_301 = arith.constant 144 : index
                %swap3A_302 = tpu.vector_load %arg18[%swap3A_300, %swap3A_301] {strides = array<i32>} : memref<264x256xf32, #tpu.memory_space<vmem>>, vector<16xf32>,
                tpu.vector_store %arg18[%swap3A_300, %swap3A_301], %get3A_299 {add = true, strides = array<i32>} : memref<264x256xf32, #tpu.memory_space<vmem>>, vector<16xf32>,
                %get3A_303 = arith.index_cast %scan3A_224 : i32 to index
                %get3A_304 = arith.constant 160 : index
                %get3A_305 = tpu.vector_load %arg15[%get3A_303, %get3A_304] {strides = array<i32>} : memref<64x256xf32, #tpu.memory_space<vmem>>, vector<16xf32>,
                %swap3A_306 = arith.index_cast %reduce_sum3A_242 : i32 to index
                %swap3A_307 = arith.constant 160 : index
                %swap3A_308 = tpu.vector_load %arg18[%swap3A_306, %swap3A_307] {strides = array<i32>} : memref<264x256xf32, #tpu.memory_space<vmem>>, vector<16xf32>,
                tpu.vector_store %arg18[%swap3A_306, %swap3A_307], %get3A_305 {add = true, strides = array<i32>} : memref<264x256xf32, #tpu.memory_space<vmem>>, vector<16xf32>,
                %get3A_309 = arith.index_cast %scan3A_224 : i32 to index
                %get3A_310 = arith.constant 176 : index
                %get3A_311 = tpu.vector_load %arg15[%get3A_309, %get3A_310] {strides = array<i32>} : memref<64x256xf32, #tpu.memory_space<vmem>>, vector<16xf32>,
                %swap3A_312 = arith.index_cast %reduce_sum3A_242 : i32 to index
                %swap3A_313 = arith.constant 176 : index
                %swap3A_314 = tpu.vector_load %arg18[%swap3A_312, %swap3A_313] {strides = array<i32>} : memref<264x256xf32, #tpu.memory_space<vmem>>, vector<16xf32>,
                tpu.vector_store %arg18[%swap3A_312, %swap3A_313], %get3A_311 {add = true, strides = array<i32>} : memref<264x256xf32, #tpu.memory_space<vmem>>, vector<16xf32>,
                %get3A_315 = arith.index_cast %scan3A_224 : i32 to index
                %get3A_316 = arith.constant 192 : index
                %get3A_317 = tpu.vector_load %arg15[%get3A_315, %get3A_316] {strides = array<i32>} : memref<64x256xf32, #tpu.memory_space<vmem>>, vector<16xf32>,
                %swap3A_318 = arith.index_cast %reduce_sum3A_242 : i32 to index
                %swap3A_319 = arith.constant 192 : index
                %swap3A_320 = tpu.vector_load %arg18[%swap3A_318, %swap3A_319] {strides = array<i32>} : memref<264x256xf32, #tpu.memory_space<vmem>>, vector<16xf32>,
                tpu.vector_store %arg18[%swap3A_318, %swap3A_319], %get3A_317 {add = true, strides = array<i32>} : memref<264x256xf32, #tpu.memory_space<vmem>>, vector<16xf32>,
                %get3A_321 = arith.index_cast %scan3A_224 : i32 to index
                %get3A_322 = arith.constant 208 : index
                %get3A_323 = tpu.vector_load %arg15[%get3A_321, %get3A_322] {strides = array<i32>} : memref<64x256xf32, #tpu.memory_space<vmem>>, vector<16xf32>,
                %swap3A_324 = arith.index_cast %reduce_sum3A_242 : i32 to index
                %swap3A_325 = arith.constant 208 : index
                %swap3A_326 = tpu.vector_load %arg18[%swap3A_324, %swap3A_325] {strides = array<i32>} : memref<264x256xf32, #tpu.memory_space<vmem>>, vector<16xf32>,
                tpu.vector_store %arg18[%swap3A_324, %swap3A_325], %get3A_323 {add = true, strides = array<i32>} : memref<264x256xf32, #tpu.memory_space<vmem>>, vector<16xf32>,
                %get3A_327 = arith.index_cast %scan3A_224 : i32 to index
                %get3A_328 = arith.constant 224 : index
                %get3A_329 = tpu.vector_load %arg15[%get3A_327, %get3A_328] {strides = array<i32>} : memref<64x256xf32, #tpu.memory_space<vmem>>, vector<16xf32>,
                %swap3A_330 = arith.index_cast %reduce_sum3A_242 : i32 to index
                %swap3A_331 = arith.constant 224 : index
                %swap3A_332 = tpu.vector_load %arg18[%swap3A_330, %swap3A_331] {strides = array<i32>} : memref<264x256xf32, #tpu.memory_space<vmem>>, vector<16xf32>,
                tpu.vector_store %arg18[%swap3A_330, %swap3A_331], %get3A_329 {add = true, strides = array<i32>} : memref<264x256xf32, #tpu.memory_space<vmem>>, vector<16xf32>,
                %get3A_333 = arith.index_cast %scan3A_224 : i32 to index
                %get3A_334 = arith.constant 240 : index
                %get3A_335 = tpu.vector_load %arg15[%get3A_333, %get3A_334] {strides = array<i32>} : memref<64x256xf32, #tpu.memory_space<vmem>>, vector<16xf32>,
                %swap3A_336 = arith.index_cast %reduce_sum3A_242 : i32 to index
                %swap3A_337 = arith.constant 240 : index
                %swap3A_338 = tpu.vector_load %arg18[%swap3A_336, %swap3A_337] {strides = array<i32>} : memref<264x256xf32, #tpu.memory_space<vmem>>, vector<16xf32>,
                tpu.vector_store %arg18[%swap3A_336, %swap3A_337], %get3A_335 {add = true, strides = array<i32>} : memref<264x256xf32, #tpu.memory_space<vmem>>, vector<16xf32>,
                %scan3A_339 = arith.constant 0 : i32
                scf.yield %scan3A_339 : i32
              }
              %scan3A_222 = arith.constant 64 : i32
              %while3A_223 = arith.constant 0 : i32
              scf.yield %while3A_223 : i32
            }
            %and3A = arith.constant 63 : i32
            %and3A_114 = arith.andi %scan3A_98, %and3A : i32
            %mul3A_115 = arith.constant 64 : i32
            %mul3A_116 = arith.muli %shift_right_arithmetic3A_101, %mul3A_115 : i32
            %add3A_117 = arith.constant 0 : i32
            %add3A_118 = arith.addi %mul3A_116, %add3A_117 : i32
            %get3A_119 = arith.index_cast %add3A_118 : i32 to index
            %get3A_120 = tpu.vector_load %arg11[%get3A_119] {strides = array<i32>} : memref<2128xi32, #tpu.memory_space<vmem>>, vector<16xi32>,
            %swap3A = arith.constant 0 : index
            %swap3A_121 = tpu.vector_load %arg11[%swap3A] {strides = array<i32>} : memref<2128xi32, #tpu.memory_space<vmem>>, vector<16xi32>,
            tpu.vector_store %arg11[%swap3A], %get3A_120 {strides = array<i32>} : memref<2128xi32, #tpu.memory_space<vmem>>, vector<16xi32>,
            %mul3A_122 = arith.constant 64 : i32
            %mul3A_123 = arith.muli %shift_right_arithmetic3A_101, %mul3A_122 : i32
            %add3A_124 = arith.constant 16 : i32
            %add3A_125 = arith.addi %mul3A_123, %add3A_124 : i32
            %get3A_126 = arith.index_cast %add3A_125 : i32 to index
            %get3A_127 = tpu.vector_load %arg11[%get3A_126] {strides = array<i32>} : memref<2128xi32, #tpu.memory_space<vmem>>, vector<16xi32>,
            %swap3A_128 = arith.constant 16 : index
            %swap3A_129 = tpu.vector_load %arg11[%swap3A_128] {strides = array<i32>} : memref<2128xi32, #tpu.memory_space<vmem>>, vector<16xi32>,
            tpu.vector_store %arg11[%swap3A_128], %get3A_127 {strides = array<i32>} : memref<2128xi32, #tpu.memory_space<vmem>>, vector<16xi32>,
            %mul3A_130 = arith.constant 64 : i32
            %mul3A_131 = arith.muli %shift_right_arithmetic3A_101, %mul3A_130 : i32
            %add3A_132 = arith.constant 32 : i32
            %add3A_133 = arith.addi %mul3A_131, %add3A_132 : i32
            %get3A_134 = arith.index_cast %add3A_133 : i32 to index
            %get3A_135 = tpu.vector_load %arg11[%get3A_134] {strides = array<i32>} : memref<2128xi32, #tpu.memory_space<vmem>>, vector<16xi32>,
            %swap3A_136 = arith.constant 32 : index
            %swap3A_137 = tpu.vector_load %arg11[%swap3A_136] {strides = array<i32>} : memref<2128xi32, #tpu.memory_space<vmem>>, vector<16xi32>,
            tpu.vector_store %arg11[%swap3A_136], %get3A_135 {strides = array<i32>} : memref<2128xi32, #tpu.memory_space<vmem>>, vector<16xi32>,
            %mul3A_138 = arith.constant 64 : i32
            %mul3A_139 = arith.muli %shift_right_arithmetic3A_101, %mul3A_138 : i32
            %add3A_140 = arith.constant 48 : i32
            %add3A_141 = arith.addi %mul3A_139, %add3A_140 : i32
            %get3A_142 = arith.index_cast %add3A_141 : i32 to index
            %get3A_143 = tpu.vector_load %arg11[%get3A_142] {strides = array<i32>} : memref<2128xi32, #tpu.memory_space<vmem>>, vector<16xi32>,
            %swap3A_144 = arith.constant 48 : index
            %swap3A_145 = tpu.vector_load %arg11[%swap3A_144] {strides = array<i32>} : memref<2128xi32, #tpu.memory_space<vmem>>, vector<16xi32>,
            tpu.vector_store %arg11[%swap3A_144], %get3A_143 {strides = array<i32>} : memref<2128xi32, #tpu.memory_space<vmem>>, vector<16xi32>,
            scf.yield %and3A_114 : i32
          }
          %while3A_79 = arith.constant 1 : i32
          %while3A_80 = scf.for %while3A_81 = %while3A_76 to %while3A_72 step %while3A_79 iter_args(%while3A_82 = %while3A_78) -> (i32)  : i32 {
            %mul3A_83 = arith.constant 16 : i32
            %mul3A_84 = arith.muli %arg0, %mul3A_83 : i32
            %add3A_85 = arith.addi %mul3A_84, %scan3A_54 : i32
            %mul3A_86 = arith.constant 104192 : i32
            %mul3A_87 = arith.muli %add3A_85, %mul3A_86 : i32
            %mul3A_88 = arith.constant 2048 : i32
            %mul3A_89 = arith.muli %while3A_81, %mul3A_88 : i32
            %add3A_90 = arith.addi %mul3A_87, %mul3A_89 : i32
            "tpu.region"() ({
              %run_scoped3A = tpu.sem_alloc : memref<!tpu.dma_semaphore, #tpu.memory_space<semaphore_mem>>
              %dma_start3A = tpu.memref_slice %arg6[%add3A_90] : memref<3334144xi32, #tpu.memory_space<hbm>> -> memref<2048xi32, #tpu.memory_space<hbm>>
              %dma_start3A_146 = tpu.memref_slice %arg6[%add3A_90] : memref<3334144xi32, #tpu.memory_space<hbm>> -> memref<2048xi32, #tpu.memory_space<hbm>>
              tpu.enqueue_dma source(%dma_start3A_146 : memref<2048xi32, #tpu.memory_space<hbm>>) target(%arg12 : memref<2048xi32, #tpu.memory_space<vmem>>) target_semaphore(%run_scoped3A : memref<!tpu.dma_semaphore, #tpu.memory_space<semaphore_mem>>)
              %dma_wait3A = tpu.memref_slice %arg6[%add3A_90] : memref<3334144xi32, #tpu.memory_space<hbm>> -> memref<2048xi32, #tpu.memory_space<hbm>>
              %dma_wait3A_147 = tpu.memref_slice %arg6[%add3A_90] : memref<3334144xi32, #tpu.memory_space<hbm>> -> memref<2048xi32, #tpu.memory_space<hbm>>
              tpu.wait_dma2 semaphore(%run_scoped3A : memref<!tpu.dma_semaphore, #tpu.memory_space<semaphore_mem>>) src(%dma_wait3A_147 : memref<2048xi32, #tpu.memory_space<hbm>>) dst(%arg12 : memref<2048xi32, #tpu.memory_space<vmem>>)
              tpu.yield
            }) : () -> ()
            %mul3A_91 = arith.constant 2048 : i32
            %mul3A_92 = arith.muli %while3A_81, %mul3A_91 : i32
            %sub3A_93 = arith.subi %reduce_sum3A_66, %mul3A_92 : i32
            %scan3A_94 = arith.constant 0 : i32
            %scan3A_95 = arith.constant 128 : i32
            %scan3A_96 = arith.addi %scan3A_94, %scan3A_95 : i32
            %scan3A_97 = arith.constant 1 : i32
            %scan3A_98 = scf.for %scan3A_146 = %scan3A_94 to %scan3A_96 step %scan3A_97 iter_args(%scan3A_147 = %while3A_82) -> (i32)  : i32 {
              %mul3A_148 = arith.constant 16 : i32
              %mul3A_149 = arith.muli %scan3A_146, %mul3A_148 : i32
              %get3A_150 = arith.index_cast %mul3A_149 : i32 to index
              %get3A_151 = tpu.vector_load %arg12[%get3A_150] {strides = array<i32>} : memref<2048xi32, #tpu.memory_space<vmem>>, vector<16xi32>,
              %and3A_152 = arith.constant 8191 : i32
              %and3A_153 = vector.broadcast %and3A_152 : i32 to vector<16xi32>
              %and3A_154 = arith.andi %get3A_151, %and3A_153 : vector<16xi32>
              %shift_right_arithmetic3A_155 = arith.constant 8 : i32
              %shift_right_arithmetic3A_156 = vector.broadcast %shift_right_arithmetic3A_155 : i32 to vector<16xi32>
              %shift_right_arithmetic3A_157 = arith.shrsi %and3A_154, %shift_right_arithmetic3A_156 : vector<16xi32>
              %eq3A_158 = vector.broadcast %arg1 : i32 to vector<16xi32>
              %eq3A_159 = arith.cmpi eq, %shift_right_arithmetic3A_157, %eq3A_158 : vector<16xi32>
              %mul3A_160 = arith.constant 16 : i32
              %mul3A_161 = arith.muli %scan3A_146, %mul3A_160 : i32
              %sub3A_162 = arith.subi %sub3A_93, %mul3A_161 : i32
              %lt3A_163 = vector.broadcast %sub3A_162 : i32 to vector<16xi32>
              %lt3A_164 = arith.cmpi slt, %iota3A, %lt3A_163 : vector<16xi32>
              %and3A_165 = arith.andi %eq3A_159, %lt3A_164 : vector<16xi1>
              %convert_element_type3A_166 = arith.extui %and3A_165 : vector<16xi1> to vector<16xi32>
              %broadcast_in_dim3A_167 = arith.constant true
              %broadcast_in_dim3A_168 = vector.broadcast %broadcast_in_dim3A_167 : i1 to vector<16xi1>
              %masked_cumsum3A = tpu.scan <sum>, %convert_element_type3A_166 masked %broadcast_in_dim3A_168 : vector<16xi32>, vector<16xi1> -> vector<16xi32>
              %add3A_169 = vector.broadcast %scan3A_147 : i32 to vector<16xi32>
              %add3A_170 = arith.addi %add3A_169, %masked_cumsum3A : vector<16xi32>
              %sub3A_171 = arith.constant 1 : i32
              %sub3A_172 = vector.broadcast %sub3A_171 : i32 to vector<16xi32>
              %sub3A_173 = arith.subi %add3A_170, %sub3A_172 : vector<16xi32>
              %not3A = arith.constant 8191 : i32
              %not3A_174 = arith.constant -1 : i32
              %not3A_175 = arith.xori %not3A, %not3A_174 : i32
              %and3A_176 = vector.broadcast %not3A_175 : i32 to vector<16xi32>
              %and3A_177 = arith.andi %get3A_151, %and3A_176 : vector<16xi32>
              %and3A_178 = arith.constant 255 : i32
              %and3A_179 = vector.broadcast %and3A_178 : i32 to vector<16xi32>
              %and3A_180 = arith.andi %and3A_154, %and3A_179 : vector<16xi32>
              %or3A = arith.ori %and3A_177, %and3A_180 : vector<16xi32>
              tpu.vector_store_idx %arg11[%sub3A_173], %or3A masked %and3A_165 : memref<2128xi32, #tpu.memory_space<vmem>>[vector<16xi32>], vector<16xi32>, vector<16xi1>
              %convert_element_type3A_181 = arith.extui %and3A_165 : vector<16xi1> to vector<16xi32>
              %reduce_sum3A_182 = arith.constant true
              %reduce_sum3A_183 = vector.broadcast %reduce_sum3A_182 : i1 to vector<16xi1>
              %reduce_sum3A_184 = tpu.scan <sum>, %convert_element_type3A_181 masked %reduce_sum3A_183 : vector<16xi32>, vector<16xi1> -> vector<16xi32>
              %reduce_sum3A_185 = vector.extract %reduce_sum3A_184[15] : i32 from vector<16xi32>
              %add3A_186 = arith.addi %scan3A_147, %reduce_sum3A_185 : i32
              scf.yield %add3A_186 : i32
            }
            %scan3A_99 = arith.constant 128 : i32
            %shift_right_arithmetic3A_100 = arith.constant 6 : i32
            %shift_right_arithmetic3A_101 = arith.shrsi %scan3A_98, %shift_right_arithmetic3A_100 : i32
            %while3A_102 = arith.constant 0 : i32
            %while3A_103 = arith.constant 0 : i32
            %while3A_104 = arith.subi %shift_right_arithmetic3A_101, %while3A_102 : i32
            %while3A_105 = arith.addi %while3A_102, %while3A_104 : i32
            %while3A_106 = arith.constant 1 : i32
            %while3A_107 = arith.divsi %while3A_104, %while3A_106 : i32
            %while3A_108 = arith.muli %while3A_107, %while3A_106 : i32
            %while3A_109 = arith.addi %while3A_102, %while3A_108 : i32
            %while3A_110 = arith.constant 1 : i32
            %while3A_111 = scf.for %while3A_146 = %while3A_102 to %while3A_109 step %while3A_110 iter_args(%while3A_147 = %while3A_103) -> (i32)  : i32 {
              %mul3A_148 = arith.constant 64 : i32
              %mul3A_149 = arith.muli %while3A_146, %mul3A_148 : i32
              %add3A_150 = arith.constant 0 : i32
              %add3A_151 = arith.addi %mul3A_149, %add3A_150 : i32
              %get3A_152 = arith.index_cast %add3A_151 : i32 to index
              %get3A_153 = tpu.vector_load %arg11[%get3A_152] {strides = array<i32>} : memref<2128xi32, #tpu.memory_space<vmem>>, vector<16xi32>,
              %shift_right_arithmetic3A_154 = arith.constant 13 : i32
              %shift_right_arithmetic3A_155 = vector.broadcast %shift_right_arithmetic3A_154 : i32 to vector<16xi32>
              %shift_right_arithmetic3A_156 = arith.shrsi %get3A_153, %shift_right_arithmetic3A_155 : vector<16xi32>
              %swap3A_157 = arith.constant 0 : index
              %swap3A_158 = tpu.vector_load %arg13[%swap3A_157] {strides = array<i32>} : memref<64xi32, #tpu.memory_space<vmem>>, vector<16xi32>,
              tpu.vector_store %arg13[%swap3A_157], %shift_right_arithmetic3A_156 {strides = array<i32>} : memref<64xi32, #tpu.memory_space<vmem>>, vector<16xi32>,
              %and3A_159 = arith.constant 511 : i32
              %and3A_160 = vector.broadcast %and3A_159 : i32 to vector<16xi32>
              %and3A_161 = arith.andi %get3A_153, %and3A_160 : vector<16xi32>
              %swap3A_162 = arith.constant 0 : index
              %swap3A_163 = tpu.vector_load %arg14[%swap3A_162] {strides = array<i32>} : memref<64xi32, #tpu.memory_space<vmem>>, vector<16xi32>,
              tpu.vector_store %arg14[%swap3A_162], %and3A_161 {strides = array<i32>} : memref<64xi32, #tpu.memory_space<vmem>>, vector<16xi32>,
              %mul3A_164 = arith.constant 64 : i32
              %mul3A_165 = arith.muli %while3A_146, %mul3A_164 : i32
              %add3A_166 = arith.constant 16 : i32
              %add3A_167 = arith.addi %mul3A_165, %add3A_166 : i32
              %get3A_168 = arith.index_cast %add3A_167 : i32 to index
              %get3A_169 = tpu.vector_load %arg11[%get3A_168] {strides = array<i32>} : memref<2128xi32, #tpu.memory_space<vmem>>, vector<16xi32>,
              %shift_right_arithmetic3A_170 = arith.constant 13 : i32
              %shift_right_arithmetic3A_171 = vector.broadcast %shift_right_arithmetic3A_170 : i32 to vector<16xi32>
              %shift_right_arithmetic3A_172 = arith.shrsi %get3A_169, %shift_right_arithmetic3A_171 : vector<16xi32>
              %swap3A_173 = arith.constant 16 : index
              %swap3A_174 = tpu.vector_load %arg13[%swap3A_173] {strides = array<i32>} : memref<64xi32, #tpu.memory_space<vmem>>, vector<16xi32>,
              tpu.vector_store %arg13[%swap3A_173], %shift_right_arithmetic3A_172 {strides = array<i32>} : memref<64xi32, #tpu.memory_space<vmem>>, vector<16xi32>,
              %and3A_175 = arith.constant 511 : i32
              %and3A_176 = vector.broadcast %and3A_175 : i32 to vector<16xi32>
              %and3A_177 = arith.andi %get3A_169, %and3A_176 : vector<16xi32>
              %swap3A_178 = arith.constant 16 : index
              %swap3A_179 = tpu.vector_load %arg14[%swap3A_178] {strides = array<i32>} : memref<64xi32, #tpu.memory_space<vmem>>, vector<16xi32>,
              tpu.vector_store %arg14[%swap3A_178], %and3A_177 {strides = array<i32>} : memref<64xi32, #tpu.memory_space<vmem>>, vector<16xi32>,
              %mul3A_180 = arith.constant 64 : i32
              %mul3A_181 = arith.muli %while3A_146, %mul3A_180 : i32
              %add3A_182 = arith.constant 32 : i32
              %add3A_183 = arith.addi %mul3A_181, %add3A_182 : i32
              %get3A_184 = arith.index_cast %add3A_183 : i32 to index
              %get3A_185 = tpu.vector_load %arg11[%get3A_184] {strides = array<i32>} : memref<2128xi32, #tpu.memory_space<vmem>>, vector<16xi32>,
              %shift_right_arithmetic3A_186 = arith.constant 13 : i32
              %shift_right_arithmetic3A_187 = vector.broadcast %shift_right_arithmetic3A_186 : i32 to vector<16xi32>
              %shift_right_arithmetic3A_188 = arith.shrsi %get3A_185, %shift_right_arithmetic3A_187 : vector<16xi32>
              %swap3A_189 = arith.constant 32 : index
              %swap3A_190 = tpu.vector_load %arg13[%swap3A_189] {strides = array<i32>} : memref<64xi32, #tpu.memory_space<vmem>>, vector<16xi32>,
              tpu.vector_store %arg13[%swap3A_189], %shift_right_arithmetic3A_188 {strides = array<i32>} : memref<64xi32, #tpu.memory_space<vmem>>, vector<16xi32>,
              %and3A_191 = arith.constant 511 : i32
              %and3A_192 = vector.broadcast %and3A_191 : i32 to vector<16xi32>
              %and3A_193 = arith.andi %get3A_185, %and3A_192 : vector<16xi32>
              %swap3A_194 = arith.constant 32 : index
              %swap3A_195 = tpu.vector_load %arg14[%swap3A_194] {strides = array<i32>} : memref<64xi32, #tpu.memory_space<vmem>>, vector<16xi32>,
              tpu.vector_store %arg14[%swap3A_194], %and3A_193 {strides = array<i32>} : memref<64xi32, #tpu.memory_space<vmem>>, vector<16xi32>,
              %mul3A_196 = arith.constant 64 : i32
              %mul3A_197 = arith.muli %while3A_146, %mul3A_196 : i32
              %add3A_198 = arith.constant 48 : i32
              %add3A_199 = arith.addi %mul3A_197, %add3A_198 : i32
              %get3A_200 = arith.index_cast %add3A_199 : i32 to index
              %get3A_201 = tpu.vector_load %arg11[%get3A_200] {strides = array<i32>} : memref<2128xi32, #tpu.memory_space<vmem>>, vector<16xi32>,
              %shift_right_arithmetic3A_202 = arith.constant 13 : i32
              %shift_right_arithmetic3A_203 = vector.broadcast %shift_right_arithmetic3A_202 : i32 to vector<16xi32>
              %shift_right_arithmetic3A_204 = arith.shrsi %get3A_201, %shift_right_arithmetic3A_203 : vector<16xi32>
              %swap3A_205 = arith.constant 48 : index
              %swap3A_206 = tpu.vector_load %arg13[%swap3A_205] {strides = array<i32>} : memref<64xi32, #tpu.memory_space<vmem>>, vector<16xi32>,
              tpu.vector_store %arg13[%swap3A_205], %shift_right_arithmetic3A_204 {strides = array<i32>} : memref<64xi32, #tpu.memory_space<vmem>>, vector<16xi32>,
              %and3A_207 = arith.constant 511 : i32
              %and3A_208 = vector.broadcast %and3A_207 : i32 to vector<16xi32>
              %and3A_209 = arith.andi %get3A_201, %and3A_208 : vector<16xi32>
              %swap3A_210 = arith.constant 48 : index
              %swap3A_211 = tpu.vector_load %arg14[%swap3A_210] {strides = array<i32>} : memref<64xi32, #tpu.memory_space<vmem>>, vector<16xi32>,
              tpu.vector_store %arg14[%swap3A_210], %and3A_209 {strides = array<i32>} : memref<64xi32, #tpu.memory_space<vmem>>, vector<16xi32>,
              %dma_start3A = arith.constant 0 : i32
              %dma_start3A_212 = arith.constant 0 : i32
              %dma_start3A_213 = tpu.memref_slice %arg2[%dma_start3A, %dma_start3A_212] : memref<53248x256xf32, #tpu.memory_space<hbm>> -> memref<53248x256xf32, #tpu.memory_space<hbm>>
              tpu.enqueue_indirect_dma source(%dma_start3A_213 : memref<53248x256xf32, #tpu.memory_space<hbm>>) target(%arg15 : memref<64x256xf32, #tpu.memory_space<vmem>>) offsets(%arg13 : memref<64xi32, #tpu.memory_space<vmem>>) semaphore(%arg19 : memref<!tpu.dma_semaphore, #tpu.memory_space<semaphore_mem>>)
              %dma_wait3A = arith.constant 0 : i32
              %dma_wait3A_214 = arith.constant 0 : i32
              %dma_wait3A_215 = tpu.memref_slice %arg2[%dma_wait3A, %dma_wait3A_214] : memref<53248x256xf32, #tpu.memory_space<hbm>> -> memref<53248x256xf32, #tpu.memory_space<hbm>>
              tpu.wait_indirect_dma semaphore(%arg19 : memref<!tpu.dma_semaphore, #tpu.memory_space<semaphore_mem>>) src(%dma_wait3A_215 : memref<53248x256xf32, #tpu.memory_space<hbm>>) dst(%arg15 : memref<64x256xf32, #tpu.memory_space<vmem>>)
              %scan3A_216 = arith.constant 0 : i32
              %scan3A_217 = arith.constant 0 : i32
              %scan3A_218 = arith.constant 64 : i32
              %scan3A_219 = arith.addi %scan3A_217, %scan3A_218 : i32
              %scan3A_220 = arith.constant 1 : i32
              %scan3A_221 = scf.for %scan3A_224 = %scan3A_217 to %scan3A_219 step %scan3A_220 iter_args(%scan3A_225 = %scan3A_216) -> (i32)  : i32 {
                %shift_right_arithmetic3A_226 = arith.constant 4 : i32
                %shift_right_arithmetic3A_227 = arith.shrsi %scan3A_224, %shift_right_arithmetic3A_226 : i32
                %mul3A_228 = arith.constant 16 : i32
                %mul3A_229 = arith.muli %shift_right_arithmetic3A_227, %mul3A_228 : i32
                %get3A_230 = arith.index_cast %mul3A_229 : i32 to index
                %get3A_231 = tpu.vector_load %arg14[%get3A_230] {strides = array<i32>} : memref<64xi32, #tpu.memory_space<vmem>>, vector<16xi32>,
                %and3A_232 = arith.constant 15 : i32
                %and3A_233 = arith.andi %scan3A_224, %and3A_232 : i32
                %eq3A_234 = vector.broadcast %and3A_233 : i32 to vector<16xi32>
                %eq3A_235 = arith.cmpi eq, %iota3A, %eq3A_234 : vector<16xi32>
                %jit3A_236 = arith.constant 0 : i32
                %broadcast_in_dim3A_237 = vector.broadcast %jit3A_236 : i32 to vector<16xi32>
                %select_n3A_238 = arith.select %eq3A_235, %get3A_231, %broadcast_in_dim3A_237 : vector<16xi1>, vector<16xi32>
                %reduce_sum3A_239 = arith.constant true
                %reduce_sum3A_240 = vector.broadcast %reduce_sum3A_239 : i1 to vector<16xi1>
                %reduce_sum3A_241 = tpu.scan <sum>, %select_n3A_238 masked %reduce_sum3A_240 : vector<16xi32>, vector<16xi1> -> vector<16xi32>
                %reduce_sum3A_242 = vector.extract %reduce_sum3A_241[15] : i32 from vector<16xi32>
                %get3A_243 = arith.index_cast %scan3A_224 : i32 to index
                %get3A_244 = arith.constant 0 : index
                %get3A_245 = tpu.vector_load %arg15[%get3A_243, %get3A_244] {strides = array<i32>} : memref<64x256xf32, #tpu.memory_space<vmem>>, vector<16xf32>,
                %swap3A_246 = arith.index_cast %reduce_sum3A_242 : i32 to index
                %swap3A_247 = arith.constant 0 : index
                %swap3A_248 = tpu.vector_load %arg18[%swap3A_246, %swap3A_247] {strides = array<i32>} : memref<264x256xf32, #tpu.memory_space<vmem>>, vector<16xf32>,
                tpu.vector_store %arg18[%swap3A_246, %swap3A_247], %get3A_245 {add = true, strides = array<i32>} : memref<264x256xf32, #tpu.memory_space<vmem>>, vector<16xf32>,
                %get3A_249 = arith.index_cast %scan3A_224 : i32 to index
                %get3A_250 = arith.constant 16 : index
                %get3A_251 = tpu.vector_load %arg15[%get3A_249, %get3A_250] {strides = array<i32>} : memref<64x256xf32, #tpu.memory_space<vmem>>, vector<16xf32>,
                %swap3A_252 = arith.index_cast %reduce_sum3A_242 : i32 to index
                %swap3A_253 = arith.constant 16 : index
                %swap3A_254 = tpu.vector_load %arg18[%swap3A_252, %swap3A_253] {strides = array<i32>} : memref<264x256xf32, #tpu.memory_space<vmem>>, vector<16xf32>,
                tpu.vector_store %arg18[%swap3A_252, %swap3A_253], %get3A_251 {add = true, strides = array<i32>} : memref<264x256xf32, #tpu.memory_space<vmem>>, vector<16xf32>,
                %get3A_255 = arith.index_cast %scan3A_224 : i32 to index
                %get3A_256 = arith.constant 32 : index
                %get3A_257 = tpu.vector_load %arg15[%get3A_255, %get3A_256] {strides = array<i32>} : memref<64x256xf32, #tpu.memory_space<vmem>>, vector<16xf32>,
                %swap3A_258 = arith.index_cast %reduce_sum3A_242 : i32 to index
                %swap3A_259 = arith.constant 32 : index
                %swap3A_260 = tpu.vector_load %arg18[%swap3A_258, %swap3A_259] {strides = array<i32>} : memref<264x256xf32, #tpu.memory_space<vmem>>, vector<16xf32>,
                tpu.vector_store %arg18[%swap3A_258, %swap3A_259], %get3A_257 {add = true, strides = array<i32>} : memref<264x256xf32, #tpu.memory_space<vmem>>, vector<16xf32>,
                %get3A_261 = arith.index_cast %scan3A_224 : i32 to index
                %get3A_262 = arith.constant 48 : index
                %get3A_263 = tpu.vector_load %arg15[%get3A_261, %get3A_262] {strides = array<i32>} : memref<64x256xf32, #tpu.memory_space<vmem>>, vector<16xf32>,
                %swap3A_264 = arith.index_cast %reduce_sum3A_242 : i32 to index
                %swap3A_265 = arith.constant 48 : index
                %swap3A_266 = tpu.vector_load %arg18[%swap3A_264, %swap3A_265] {strides = array<i32>} : memref<264x256xf32, #tpu.memory_space<vmem>>, vector<16xf32>,
                tpu.vector_store %arg18[%swap3A_264, %swap3A_265], %get3A_263 {add = true, strides = array<i32>} : memref<264x256xf32, #tpu.memory_space<vmem>>, vector<16xf32>,
                %get3A_267 = arith.index_cast %scan3A_224 : i32 to index
                %get3A_268 = arith.constant 64 : index
                %get3A_269 = tpu.vector_load %arg15[%get3A_267, %get3A_268] {strides = array<i32>} : memref<64x256xf32, #tpu.memory_space<vmem>>, vector<16xf32>,
                %swap3A_270 = arith.index_cast %reduce_sum3A_242 : i32 to index
                %swap3A_271 = arith.constant 64 : index
                %swap3A_272 = tpu.vector_load %arg18[%swap3A_270, %swap3A_271] {strides = array<i32>} : memref<264x256xf32, #tpu.memory_space<vmem>>, vector<16xf32>,
                tpu.vector_store %arg18[%swap3A_270, %swap3A_271], %get3A_269 {add = true, strides = array<i32>} : memref<264x256xf32, #tpu.memory_space<vmem>>, vector<16xf32>,
                %get3A_273 = arith.index_cast %scan3A_224 : i32 to index
                %get3A_274 = arith.constant 80 : index
                %get3A_275 = tpu.vector_load %arg15[%get3A_273, %get3A_274] {strides = array<i32>} : memref<64x256xf32, #tpu.memory_space<vmem>>, vector<16xf32>,
                %swap3A_276 = arith.index_cast %reduce_sum3A_242 : i32 to index
                %swap3A_277 = arith.constant 80 : index
                %swap3A_278 = tpu.vector_load %arg18[%swap3A_276, %swap3A_277] {strides = array<i32>} : memref<264x256xf32, #tpu.memory_space<vmem>>, vector<16xf32>,
                tpu.vector_store %arg18[%swap3A_276, %swap3A_277], %get3A_275 {add = true, strides = array<i32>} : memref<264x256xf32, #tpu.memory_space<vmem>>, vector<16xf32>,
                %get3A_279 = arith.index_cast %scan3A_224 : i32 to index
                %get3A_280 = arith.constant 96 : index
                %get3A_281 = tpu.vector_load %arg15[%get3A_279, %get3A_280] {strides = array<i32>} : memref<64x256xf32, #tpu.memory_space<vmem>>, vector<16xf32>,
                %swap3A_282 = arith.index_cast %reduce_sum3A_242 : i32 to index
                %swap3A_283 = arith.constant 96 : index
                %swap3A_284 = tpu.vector_load %arg18[%swap3A_282, %swap3A_283] {strides = array<i32>} : memref<264x256xf32, #tpu.memory_space<vmem>>, vector<16xf32>,
                tpu.vector_store %arg18[%swap3A_282, %swap3A_283], %get3A_281 {add = true, strides = array<i32>} : memref<264x256xf32, #tpu.memory_space<vmem>>, vector<16xf32>,
                %get3A_285 = arith.index_cast %scan3A_224 : i32 to index
                %get3A_286 = arith.constant 112 : index
                %get3A_287 = tpu.vector_load %arg15[%get3A_285, %get3A_286] {strides = array<i32>} : memref<64x256xf32, #tpu.memory_space<vmem>>, vector<16xf32>,
                %swap3A_288 = arith.index_cast %reduce_sum3A_242 : i32 to index
                %swap3A_289 = arith.constant 112 : index
                %swap3A_290 = tpu.vector_load %arg18[%swap3A_288, %swap3A_289] {strides = array<i32>} : memref<264x256xf32, #tpu.memory_space<vmem>>, vector<16xf32>,
                tpu.vector_store %arg18[%swap3A_288, %swap3A_289], %get3A_287 {add = true, strides = array<i32>} : memref<264x256xf32, #tpu.memory_space<vmem>>, vector<16xf32>,
                %get3A_291 = arith.index_cast %scan3A_224 : i32 to index
                %get3A_292 = arith.constant 128 : index
                %get3A_293 = tpu.vector_load %arg15[%get3A_291, %get3A_292] {strides = array<i32>} : memref<64x256xf32, #tpu.memory_space<vmem>>, vector<16xf32>,
                %swap3A_294 = arith.index_cast %reduce_sum3A_242 : i32 to index
                %swap3A_295 = arith.constant 128 : index
                %swap3A_296 = tpu.vector_load %arg18[%swap3A_294, %swap3A_295] {strides = array<i32>} : memref<264x256xf32, #tpu.memory_space<vmem>>, vector<16xf32>,
                tpu.vector_store %arg18[%swap3A_294, %swap3A_295], %get3A_293 {add = true, strides = array<i32>} : memref<264x256xf32, #tpu.memory_space<vmem>>, vector<16xf32>,
                %get3A_297 = arith.index_cast %scan3A_224 : i32 to index
                %get3A_298 = arith.constant 144 : index
                %get3A_299 = tpu.vector_load %arg15[%get3A_297, %get3A_298] {strides = array<i32>} : memref<64x256xf32, #tpu.memory_space<vmem>>, vector<16xf32>,
                %swap3A_300 = arith.index_cast %reduce_sum3A_242 : i32 to index
                %swap3A_301 = arith.constant 144 : index
                %swap3A_302 = tpu.vector_load %arg18[%swap3A_300, %swap3A_301] {strides = array<i32>} : memref<264x256xf32, #tpu.memory_space<vmem>>, vector<16xf32>,
                tpu.vector_store %arg18[%swap3A_300, %swap3A_301], %get3A_299 {add = true, strides = array<i32>} : memref<264x256xf32, #tpu.memory_space<vmem>>, vector<16xf32>,
                %get3A_303 = arith.index_cast %scan3A_224 : i32 to index
                %get3A_304 = arith.constant 160 : index
                %get3A_305 = tpu.vector_load %arg15[%get3A_303, %get3A_304] {strides = array<i32>} : memref<64x256xf32, #tpu.memory_space<vmem>>, vector<16xf32>,
                %swap3A_306 = arith.index_cast %reduce_sum3A_242 : i32 to index
                %swap3A_307 = arith.constant 160 : index
                %swap3A_308 = tpu.vector_load %arg18[%swap3A_306, %swap3A_307] {strides = array<i32>} : memref<264x256xf32, #tpu.memory_space<vmem>>, vector<16xf32>,
                tpu.vector_store %arg18[%swap3A_306, %swap3A_307], %get3A_305 {add = true, strides = array<i32>} : memref<264x256xf32, #tpu.memory_space<vmem>>, vector<16xf32>,
                %get3A_309 = arith.index_cast %scan3A_224 : i32 to index
                %get3A_310 = arith.constant 176 : index
                %get3A_311 = tpu.vector_load %arg15[%get3A_309, %get3A_310] {strides = array<i32>} : memref<64x256xf32, #tpu.memory_space<vmem>>, vector<16xf32>,
                %swap3A_312 = arith.index_cast %reduce_sum3A_242 : i32 to index
                %swap3A_313 = arith.constant 176 : index
                %swap3A_314 = tpu.vector_load %arg18[%swap3A_312, %swap3A_313] {strides = array<i32>} : memref<264x256xf32, #tpu.memory_space<vmem>>, vector<16xf32>,
                tpu.vector_store %arg18[%swap3A_312, %swap3A_313], %get3A_311 {add = true, strides = array<i32>} : memref<264x256xf32, #tpu.memory_space<vmem>>, vector<16xf32>,
                %get3A_315 = arith.index_cast %scan3A_224 : i32 to index
                %get3A_316 = arith.constant 192 : index
                %get3A_317 = tpu.vector_load %arg15[%get3A_315, %get3A_316] {strides = array<i32>} : memref<64x256xf32, #tpu.memory_space<vmem>>, vector<16xf32>,
                %swap3A_318 = arith.index_cast %reduce_sum3A_242 : i32 to index
                %swap3A_319 = arith.constant 192 : index
                %swap3A_320 = tpu.vector_load %arg18[%swap3A_318, %swap3A_319] {strides = array<i32>} : memref<264x256xf32, #tpu.memory_space<vmem>>, vector<16xf32>,
                tpu.vector_store %arg18[%swap3A_318, %swap3A_319], %get3A_317 {add = true, strides = array<i32>} : memref<264x256xf32, #tpu.memory_space<vmem>>, vector<16xf32>,
                %get3A_321 = arith.index_cast %scan3A_224 : i32 to index
                %get3A_322 = arith.constant 208 : index
                %get3A_323 = tpu.vector_load %arg15[%get3A_321, %get3A_322] {strides = array<i32>} : memref<64x256xf32, #tpu.memory_space<vmem>>, vector<16xf32>,
                %swap3A_324 = arith.index_cast %reduce_sum3A_242 : i32 to index
                %swap3A_325 = arith.constant 208 : index
                %swap3A_326 = tpu.vector_load %arg18[%swap3A_324, %swap3A_325] {strides = array<i32>} : memref<264x256xf32, #tpu.memory_space<vmem>>, vector<16xf32>,
                tpu.vector_store %arg18[%swap3A_324, %swap3A_325], %get3A_323 {add = true, strides = array<i32>} : memref<264x256xf32, #tpu.memory_space<vmem>>, vector<16xf32>,
                %get3A_327 = arith.index_cast %scan3A_224 : i32 to index
                %get3A_328 = arith.constant 224 : index
                %get3A_329 = tpu.vector_load %arg15[%get3A_327, %get3A_328] {strides = array<i32>} : memref<64x256xf32, #tpu.memory_space<vmem>>, vector<16xf32>,
                %swap3A_330 = arith.index_cast %reduce_sum3A_242 : i32 to index
                %swap3A_331 = arith.constant 224 : index
                %swap3A_332 = tpu.vector_load %arg18[%swap3A_330, %swap3A_331] {strides = array<i32>} : memref<264x256xf32, #tpu.memory_space<vmem>>, vector<16xf32>,
                tpu.vector_store %arg18[%swap3A_330, %swap3A_331], %get3A_329 {add = true, strides = array<i32>} : memref<264x256xf32, #tpu.memory_space<vmem>>, vector<16xf32>,
                %get3A_333 = arith.index_cast %scan3A_224 : i32 to index
                %get3A_334 = arith.constant 240 : index
                %get3A_335 = tpu.vector_load %arg15[%get3A_333, %get3A_334] {strides = array<i32>} : memref<64x256xf32, #tpu.memory_space<vmem>>, vector<16xf32>,
                %swap3A_336 = arith.index_cast %reduce_sum3A_242 : i32 to index
                %swap3A_337 = arith.constant 240 : index
                %swap3A_338 = tpu.vector_load %arg18[%swap3A_336, %swap3A_337] {strides = array<i32>} : memref<264x256xf32, #tpu.memory_space<vmem>>, vector<16xf32>,
                tpu.vector_store %arg18[%swap3A_336, %swap3A_337], %get3A_335 {add = true, strides = array<i32>} : memref<264x256xf32, #tpu.memory_space<vmem>>, vector<16xf32>,
                %scan3A_339 = arith.constant 0 : i32
                scf.yield %scan3A_339 : i32
              }
              %scan3A_222 = arith.constant 64 : i32
              %while3A_223 = arith.constant 0 : i32
              scf.yield %while3A_223 : i32
            }
            %while3A_112 = arith.constant 1 : i32
            %while3A_113 = scf.for %while3A_146 = %while3A_109 to %while3A_105 step %while3A_112 iter_args(%while3A_147 = %while3A_111) -> (i32)  : i32 {
              %mul3A_148 = arith.constant 64 : i32
              %mul3A_149 = arith.muli %while3A_146, %mul3A_148 : i32
              %add3A_150 = arith.constant 0 : i32
              %add3A_151 = arith.addi %mul3A_149, %add3A_150 : i32
              %get3A_152 = arith.index_cast %add3A_151 : i32 to index
              %get3A_153 = tpu.vector_load %arg11[%get3A_152] {strides = array<i32>} : memref<2128xi32, #tpu.memory_space<vmem>>, vector<16xi32>,
              %shift_right_arithmetic3A_154 = arith.constant 13 : i32
              %shift_right_arithmetic3A_155 = vector.broadcast %shift_right_arithmetic3A_154 : i32 to vector<16xi32>
              %shift_right_arithmetic3A_156 = arith.shrsi %get3A_153, %shift_right_arithmetic3A_155 : vector<16xi32>
              %swap3A_157 = arith.constant 0 : index
              %swap3A_158 = tpu.vector_load %arg13[%swap3A_157] {strides = array<i32>} : memref<64xi32, #tpu.memory_space<vmem>>, vector<16xi32>,
              tpu.vector_store %arg13[%swap3A_157], %shift_right_arithmetic3A_156 {strides = array<i32>} : memref<64xi32, #tpu.memory_space<vmem>>, vector<16xi32>,
              %and3A_159 = arith.constant 511 : i32
              %and3A_160 = vector.broadcast %and3A_159 : i32 to vector<16xi32>
              %and3A_161 = arith.andi %get3A_153, %and3A_160 : vector<16xi32>
              %swap3A_162 = arith.constant 0 : index
              %swap3A_163 = tpu.vector_load %arg14[%swap3A_162] {strides = array<i32>} : memref<64xi32, #tpu.memory_space<vmem>>, vector<16xi32>,
              tpu.vector_store %arg14[%swap3A_162], %and3A_161 {strides = array<i32>} : memref<64xi32, #tpu.memory_space<vmem>>, vector<16xi32>,
              %mul3A_164 = arith.constant 64 : i32
              %mul3A_165 = arith.muli %while3A_146, %mul3A_164 : i32
              %add3A_166 = arith.constant 16 : i32
              %add3A_167 = arith.addi %mul3A_165, %add3A_166 : i32
              %get3A_168 = arith.index_cast %add3A_167 : i32 to index
              %get3A_169 = tpu.vector_load %arg11[%get3A_168] {strides = array<i32>} : memref<2128xi32, #tpu.memory_space<vmem>>, vector<16xi32>,
              %shift_right_arithmetic3A_170 = arith.constant 13 : i32
              %shift_right_arithmetic3A_171 = vector.broadcast %shift_right_arithmetic3A_170 : i32 to vector<16xi32>
              %shift_right_arithmetic3A_172 = arith.shrsi %get3A_169, %shift_right_arithmetic3A_171 : vector<16xi32>
              %swap3A_173 = arith.constant 16 : index
              %swap3A_174 = tpu.vector_load %arg13[%swap3A_173] {strides = array<i32>} : memref<64xi32, #tpu.memory_space<vmem>>, vector<16xi32>,
              tpu.vector_store %arg13[%swap3A_173], %shift_right_arithmetic3A_172 {strides = array<i32>} : memref<64xi32, #tpu.memory_space<vmem>>, vector<16xi32>,
              %and3A_175 = arith.constant 511 : i32
              %and3A_176 = vector.broadcast %and3A_175 : i32 to vector<16xi32>
              %and3A_177 = arith.andi %get3A_169, %and3A_176 : vector<16xi32>
              %swap3A_178 = arith.constant 16 : index
              %swap3A_179 = tpu.vector_load %arg14[%swap3A_178] {strides = array<i32>} : memref<64xi32, #tpu.memory_space<vmem>>, vector<16xi32>,
              tpu.vector_store %arg14[%swap3A_178], %and3A_177 {strides = array<i32>} : memref<64xi32, #tpu.memory_space<vmem>>, vector<16xi32>,
              %mul3A_180 = arith.constant 64 : i32
              %mul3A_181 = arith.muli %while3A_146, %mul3A_180 : i32
              %add3A_182 = arith.constant 32 : i32
              %add3A_183 = arith.addi %mul3A_181, %add3A_182 : i32
              %get3A_184 = arith.index_cast %add3A_183 : i32 to index
              %get3A_185 = tpu.vector_load %arg11[%get3A_184] {strides = array<i32>} : memref<2128xi32, #tpu.memory_space<vmem>>, vector<16xi32>,
              %shift_right_arithmetic3A_186 = arith.constant 13 : i32
              %shift_right_arithmetic3A_187 = vector.broadcast %shift_right_arithmetic3A_186 : i32 to vector<16xi32>
              %shift_right_arithmetic3A_188 = arith.shrsi %get3A_185, %shift_right_arithmetic3A_187 : vector<16xi32>
              %swap3A_189 = arith.constant 32 : index
              %swap3A_190 = tpu.vector_load %arg13[%swap3A_189] {strides = array<i32>} : memref<64xi32, #tpu.memory_space<vmem>>, vector<16xi32>,
              tpu.vector_store %arg13[%swap3A_189], %shift_right_arithmetic3A_188 {strides = array<i32>} : memref<64xi32, #tpu.memory_space<vmem>>, vector<16xi32>,
              %and3A_191 = arith.constant 511 : i32
              %and3A_192 = vector.broadcast %and3A_191 : i32 to vector<16xi32>
              %and3A_193 = arith.andi %get3A_185, %and3A_192 : vector<16xi32>
              %swap3A_194 = arith.constant 32 : index
              %swap3A_195 = tpu.vector_load %arg14[%swap3A_194] {strides = array<i32>} : memref<64xi32, #tpu.memory_space<vmem>>, vector<16xi32>,
              tpu.vector_store %arg14[%swap3A_194], %and3A_193 {strides = array<i32>} : memref<64xi32, #tpu.memory_space<vmem>>, vector<16xi32>,
              %mul3A_196 = arith.constant 64 : i32
              %mul3A_197 = arith.muli %while3A_146, %mul3A_196 : i32
              %add3A_198 = arith.constant 48 : i32
              %add3A_199 = arith.addi %mul3A_197, %add3A_198 : i32
              %get3A_200 = arith.index_cast %add3A_199 : i32 to index
              %get3A_201 = tpu.vector_load %arg11[%get3A_200] {strides = array<i32>} : memref<2128xi32, #tpu.memory_space<vmem>>, vector<16xi32>,
              %shift_right_arithmetic3A_202 = arith.constant 13 : i32
              %shift_right_arithmetic3A_203 = vector.broadcast %shift_right_arithmetic3A_202 : i32 to vector<16xi32>
              %shift_right_arithmetic3A_204 = arith.shrsi %get3A_201, %shift_right_arithmetic3A_203 : vector<16xi32>
              %swap3A_205 = arith.constant 48 : index
              %swap3A_206 = tpu.vector_load %arg13[%swap3A_205] {strides = array<i32>} : memref<64xi32, #tpu.memory_space<vmem>>, vector<16xi32>,
              tpu.vector_store %arg13[%swap3A_205], %shift_right_arithmetic3A_204 {strides = array<i32>} : memref<64xi32, #tpu.memory_space<vmem>>, vector<16xi32>,
              %and3A_207 = arith.constant 511 : i32
              %and3A_208 = vector.broadcast %and3A_207 : i32 to vector<16xi32>
              %and3A_209 = arith.andi %get3A_201, %and3A_208 : vector<16xi32>
              %swap3A_210 = arith.constant 48 : index
              %swap3A_211 = tpu.vector_load %arg14[%swap3A_210] {strides = array<i32>} : memref<64xi32, #tpu.memory_space<vmem>>, vector<16xi32>,
              tpu.vector_store %arg14[%swap3A_210], %and3A_209 {strides = array<i32>} : memref<64xi32, #tpu.memory_space<vmem>>, vector<16xi32>,
              %dma_start3A = arith.constant 0 : i32
              %dma_start3A_212 = arith.constant 0 : i32
              %dma_start3A_213 = tpu.memref_slice %arg2[%dma_start3A, %dma_start3A_212] : memref<53248x256xf32, #tpu.memory_space<hbm>> -> memref<53248x256xf32, #tpu.memory_space<hbm>>
              tpu.enqueue_indirect_dma source(%dma_start3A_213 : memref<53248x256xf32, #tpu.memory_space<hbm>>) target(%arg15 : memref<64x256xf32, #tpu.memory_space<vmem>>) offsets(%arg13 : memref<64xi32, #tpu.memory_space<vmem>>) semaphore(%arg19 : memref<!tpu.dma_semaphore, #tpu.memory_space<semaphore_mem>>)
              %dma_wait3A = arith.constant 0 : i32
              %dma_wait3A_214 = arith.constant 0 : i32
              %dma_wait3A_215 = tpu.memref_slice %arg2[%dma_wait3A, %dma_wait3A_214] : memref<53248x256xf32, #tpu.memory_space<hbm>> -> memref<53248x256xf32, #tpu.memory_space<hbm>>
              tpu.wait_indirect_dma semaphore(%arg19 : memref<!tpu.dma_semaphore, #tpu.memory_space<semaphore_mem>>) src(%dma_wait3A_215 : memref<53248x256xf32, #tpu.memory_space<hbm>>) dst(%arg15 : memref<64x256xf32, #tpu.memory_space<vmem>>)
              %scan3A_216 = arith.constant 0 : i32
              %scan3A_217 = arith.constant 0 : i32
              %scan3A_218 = arith.constant 64 : i32
              %scan3A_219 = arith.addi %scan3A_217, %scan3A_218 : i32
              %scan3A_220 = arith.constant 1 : i32
              %scan3A_221 = scf.for %scan3A_224 = %scan3A_217 to %scan3A_219 step %scan3A_220 iter_args(%scan3A_225 = %scan3A_216) -> (i32)  : i32 {
                %shift_right_arithmetic3A_226 = arith.constant 4 : i32
                %shift_right_arithmetic3A_227 = arith.shrsi %scan3A_224, %shift_right_arithmetic3A_226 : i32
                %mul3A_228 = arith.constant 16 : i32
                %mul3A_229 = arith.muli %shift_right_arithmetic3A_227, %mul3A_228 : i32
                %get3A_230 = arith.index_cast %mul3A_229 : i32 to index
                %get3A_231 = tpu.vector_load %arg14[%get3A_230] {strides = array<i32>} : memref<64xi32, #tpu.memory_space<vmem>>, vector<16xi32>,
                %and3A_232 = arith.constant 15 : i32
                %and3A_233 = arith.andi %scan3A_224, %and3A_232 : i32
                %eq3A_234 = vector.broadcast %and3A_233 : i32 to vector<16xi32>
                %eq3A_235 = arith.cmpi eq, %iota3A, %eq3A_234 : vector<16xi32>
                %jit3A_236 = arith.constant 0 : i32
                %broadcast_in_dim3A_237 = vector.broadcast %jit3A_236 : i32 to vector<16xi32>
                %select_n3A_238 = arith.select %eq3A_235, %get3A_231, %broadcast_in_dim3A_237 : vector<16xi1>, vector<16xi32>
                %reduce_sum3A_239 = arith.constant true
                %reduce_sum3A_240 = vector.broadcast %reduce_sum3A_239 : i1 to vector<16xi1>
                %reduce_sum3A_241 = tpu.scan <sum>, %select_n3A_238 masked %reduce_sum3A_240 : vector<16xi32>, vector<16xi1> -> vector<16xi32>
                %reduce_sum3A_242 = vector.extract %reduce_sum3A_241[15] : i32 from vector<16xi32>
                %get3A_243 = arith.index_cast %scan3A_224 : i32 to index
                %get3A_244 = arith.constant 0 : index
                %get3A_245 = tpu.vector_load %arg15[%get3A_243, %get3A_244] {strides = array<i32>} : memref<64x256xf32, #tpu.memory_space<vmem>>, vector<16xf32>,
                %swap3A_246 = arith.index_cast %reduce_sum3A_242 : i32 to index
                %swap3A_247 = arith.constant 0 : index
                %swap3A_248 = tpu.vector_load %arg18[%swap3A_246, %swap3A_247] {strides = array<i32>} : memref<264x256xf32, #tpu.memory_space<vmem>>, vector<16xf32>,
                tpu.vector_store %arg18[%swap3A_246, %swap3A_247], %get3A_245 {add = true, strides = array<i32>} : memref<264x256xf32, #tpu.memory_space<vmem>>, vector<16xf32>,
                %get3A_249 = arith.index_cast %scan3A_224 : i32 to index
                %get3A_250 = arith.constant 16 : index
                %get3A_251 = tpu.vector_load %arg15[%get3A_249, %get3A_250] {strides = array<i32>} : memref<64x256xf32, #tpu.memory_space<vmem>>, vector<16xf32>,
                %swap3A_252 = arith.index_cast %reduce_sum3A_242 : i32 to index
                %swap3A_253 = arith.constant 16 : index
                %swap3A_254 = tpu.vector_load %arg18[%swap3A_252, %swap3A_253] {strides = array<i32>} : memref<264x256xf32, #tpu.memory_space<vmem>>, vector<16xf32>,
                tpu.vector_store %arg18[%swap3A_252, %swap3A_253], %get3A_251 {add = true, strides = array<i32>} : memref<264x256xf32, #tpu.memory_space<vmem>>, vector<16xf32>,
                %get3A_255 = arith.index_cast %scan3A_224 : i32 to index
                %get3A_256 = arith.constant 32 : index
                %get3A_257 = tpu.vector_load %arg15[%get3A_255, %get3A_256] {strides = array<i32>} : memref<64x256xf32, #tpu.memory_space<vmem>>, vector<16xf32>,
                %swap3A_258 = arith.index_cast %reduce_sum3A_242 : i32 to index
                %swap3A_259 = arith.constant 32 : index
                %swap3A_260 = tpu.vector_load %arg18[%swap3A_258, %swap3A_259] {strides = array<i32>} : memref<264x256xf32, #tpu.memory_space<vmem>>, vector<16xf32>,
                tpu.vector_store %arg18[%swap3A_258, %swap3A_259], %get3A_257 {add = true, strides = array<i32>} : memref<264x256xf32, #tpu.memory_space<vmem>>, vector<16xf32>,
                %get3A_261 = arith.index_cast %scan3A_224 : i32 to index
                %get3A_262 = arith.constant 48 : index
                %get3A_263 = tpu.vector_load %arg15[%get3A_261, %get3A_262] {strides = array<i32>} : memref<64x256xf32, #tpu.memory_space<vmem>>, vector<16xf32>,
                %swap3A_264 = arith.index_cast %reduce_sum3A_242 : i32 to index
                %swap3A_265 = arith.constant 48 : index
                %swap3A_266 = tpu.vector_load %arg18[%swap3A_264, %swap3A_265] {strides = array<i32>} : memref<264x256xf32, #tpu.memory_space<vmem>>, vector<16xf32>,
                tpu.vector_store %arg18[%swap3A_264, %swap3A_265], %get3A_263 {add = true, strides = array<i32>} : memref<264x256xf32, #tpu.memory_space<vmem>>, vector<16xf32>,
                %get3A_267 = arith.index_cast %scan3A_224 : i32 to index
                %get3A_268 = arith.constant 64 : index
                %get3A_269 = tpu.vector_load %arg15[%get3A_267, %get3A_268] {strides = array<i32>} : memref<64x256xf32, #tpu.memory_space<vmem>>, vector<16xf32>,
                %swap3A_270 = arith.index_cast %reduce_sum3A_242 : i32 to index
                %swap3A_271 = arith.constant 64 : index
                %swap3A_272 = tpu.vector_load %arg18[%swap3A_270, %swap3A_271] {strides = array<i32>} : memref<264x256xf32, #tpu.memory_space<vmem>>, vector<16xf32>,
                tpu.vector_store %arg18[%swap3A_270, %swap3A_271], %get3A_269 {add = true, strides = array<i32>} : memref<264x256xf32, #tpu.memory_space<vmem>>, vector<16xf32>,
                %get3A_273 = arith.index_cast %scan3A_224 : i32 to index
                %get3A_274 = arith.constant 80 : index
                %get3A_275 = tpu.vector_load %arg15[%get3A_273, %get3A_274] {strides = array<i32>} : memref<64x256xf32, #tpu.memory_space<vmem>>, vector<16xf32>,
                %swap3A_276 = arith.index_cast %reduce_sum3A_242 : i32 to index
                %swap3A_277 = arith.constant 80 : index
                %swap3A_278 = tpu.vector_load %arg18[%swap3A_276, %swap3A_277] {strides = array<i32>} : memref<264x256xf32, #tpu.memory_space<vmem>>, vector<16xf32>,
                tpu.vector_store %arg18[%swap3A_276, %swap3A_277], %get3A_275 {add = true, strides = array<i32>} : memref<264x256xf32, #tpu.memory_space<vmem>>, vector<16xf32>,
                %get3A_279 = arith.index_cast %scan3A_224 : i32 to index
                %get3A_280 = arith.constant 96 : index
                %get3A_281 = tpu.vector_load %arg15[%get3A_279, %get3A_280] {strides = array<i32>} : memref<64x256xf32, #tpu.memory_space<vmem>>, vector<16xf32>,
                %swap3A_282 = arith.index_cast %reduce_sum3A_242 : i32 to index
                %swap3A_283 = arith.constant 96 : index
                %swap3A_284 = tpu.vector_load %arg18[%swap3A_282, %swap3A_283] {strides = array<i32>} : memref<264x256xf32, #tpu.memory_space<vmem>>, vector<16xf32>,
                tpu.vector_store %arg18[%swap3A_282, %swap3A_283], %get3A_281 {add = true, strides = array<i32>} : memref<264x256xf32, #tpu.memory_space<vmem>>, vector<16xf32>,
                %get3A_285 = arith.index_cast %scan3A_224 : i32 to index
                %get3A_286 = arith.constant 112 : index
                %get3A_287 = tpu.vector_load %arg15[%get3A_285, %get3A_286] {strides = array<i32>} : memref<64x256xf32, #tpu.memory_space<vmem>>, vector<16xf32>,
                %swap3A_288 = arith.index_cast %reduce_sum3A_242 : i32 to index
                %swap3A_289 = arith.constant 112 : index
                %swap3A_290 = tpu.vector_load %arg18[%swap3A_288, %swap3A_289] {strides = array<i32>} : memref<264x256xf32, #tpu.memory_space<vmem>>, vector<16xf32>,
                tpu.vector_store %arg18[%swap3A_288, %swap3A_289], %get3A_287 {add = true, strides = array<i32>} : memref<264x256xf32, #tpu.memory_space<vmem>>, vector<16xf32>,
                %get3A_291 = arith.index_cast %scan3A_224 : i32 to index
                %get3A_292 = arith.constant 128 : index
                %get3A_293 = tpu.vector_load %arg15[%get3A_291, %get3A_292] {strides = array<i32>} : memref<64x256xf32, #tpu.memory_space<vmem>>, vector<16xf32>,
                %swap3A_294 = arith.index_cast %reduce_sum3A_242 : i32 to index
                %swap3A_295 = arith.constant 128 : index
                %swap3A_296 = tpu.vector_load %arg18[%swap3A_294, %swap3A_295] {strides = array<i32>} : memref<264x256xf32, #tpu.memory_space<vmem>>, vector<16xf32>,
                tpu.vector_store %arg18[%swap3A_294, %swap3A_295], %get3A_293 {add = true, strides = array<i32>} : memref<264x256xf32, #tpu.memory_space<vmem>>, vector<16xf32>,
                %get3A_297 = arith.index_cast %scan3A_224 : i32 to index
                %get3A_298 = arith.constant 144 : index
                %get3A_299 = tpu.vector_load %arg15[%get3A_297, %get3A_298] {strides = array<i32>} : memref<64x256xf32, #tpu.memory_space<vmem>>, vector<16xf32>,
                %swap3A_300 = arith.index_cast %reduce_sum3A_242 : i32 to index
                %swap3A_301 = arith.constant 144 : index
                %swap3A_302 = tpu.vector_load %arg18[%swap3A_300, %swap3A_301] {strides = array<i32>} : memref<264x256xf32, #tpu.memory_space<vmem>>, vector<16xf32>,
                tpu.vector_store %arg18[%swap3A_300, %swap3A_301], %get3A_299 {add = true, strides = array<i32>} : memref<264x256xf32, #tpu.memory_space<vmem>>, vector<16xf32>,
                %get3A_303 = arith.index_cast %scan3A_224 : i32 to index
                %get3A_304 = arith.constant 160 : index
                %get3A_305 = tpu.vector_load %arg15[%get3A_303, %get3A_304] {strides = array<i32>} : memref<64x256xf32, #tpu.memory_space<vmem>>, vector<16xf32>,
                %swap3A_306 = arith.index_cast %reduce_sum3A_242 : i32 to index
                %swap3A_307 = arith.constant 160 : index
                %swap3A_308 = tpu.vector_load %arg18[%swap3A_306, %swap3A_307] {strides = array<i32>} : memref<264x256xf32, #tpu.memory_space<vmem>>, vector<16xf32>,
                tpu.vector_store %arg18[%swap3A_306, %swap3A_307], %get3A_305 {add = true, strides = array<i32>} : memref<264x256xf32, #tpu.memory_space<vmem>>, vector<16xf32>,
                %get3A_309 = arith.index_cast %scan3A_224 : i32 to index
                %get3A_310 = arith.constant 176 : index
                %get3A_311 = tpu.vector_load %arg15[%get3A_309, %get3A_310] {strides = array<i32>} : memref<64x256xf32, #tpu.memory_space<vmem>>, vector<16xf32>,
                %swap3A_312 = arith.index_cast %reduce_sum3A_242 : i32 to index
                %swap3A_313 = arith.constant 176 : index
                %swap3A_314 = tpu.vector_load %arg18[%swap3A_312, %swap3A_313] {strides = array<i32>} : memref<264x256xf32, #tpu.memory_space<vmem>>, vector<16xf32>,
                tpu.vector_store %arg18[%swap3A_312, %swap3A_313], %get3A_311 {add = true, strides = array<i32>} : memref<264x256xf32, #tpu.memory_space<vmem>>, vector<16xf32>,
                %get3A_315 = arith.index_cast %scan3A_224 : i32 to index
                %get3A_316 = arith.constant 192 : index
                %get3A_317 = tpu.vector_load %arg15[%get3A_315, %get3A_316] {strides = array<i32>} : memref<64x256xf32, #tpu.memory_space<vmem>>, vector<16xf32>,
                %swap3A_318 = arith.index_cast %reduce_sum3A_242 : i32 to index
                %swap3A_319 = arith.constant 192 : index
                %swap3A_320 = tpu.vector_load %arg18[%swap3A_318, %swap3A_319] {strides = array<i32>} : memref<264x256xf32, #tpu.memory_space<vmem>>, vector<16xf32>,
                tpu.vector_store %arg18[%swap3A_318, %swap3A_319], %get3A_317 {add = true, strides = array<i32>} : memref<264x256xf32, #tpu.memory_space<vmem>>, vector<16xf32>,
                %get3A_321 = arith.index_cast %scan3A_224 : i32 to index
                %get3A_322 = arith.constant 208 : index
                %get3A_323 = tpu.vector_load %arg15[%get3A_321, %get3A_322] {strides = array<i32>} : memref<64x256xf32, #tpu.memory_space<vmem>>, vector<16xf32>,
                %swap3A_324 = arith.index_cast %reduce_sum3A_242 : i32 to index
                %swap3A_325 = arith.constant 208 : index
                %swap3A_326 = tpu.vector_load %arg18[%swap3A_324, %swap3A_325] {strides = array<i32>} : memref<264x256xf32, #tpu.memory_space<vmem>>, vector<16xf32>,
                tpu.vector_store %arg18[%swap3A_324, %swap3A_325], %get3A_323 {add = true, strides = array<i32>} : memref<264x256xf32, #tpu.memory_space<vmem>>, vector<16xf32>,
                %get3A_327 = arith.index_cast %scan3A_224 : i32 to index
                %get3A_328 = arith.constant 224 : index
                %get3A_329 = tpu.vector_load %arg15[%get3A_327, %get3A_328] {strides = array<i32>} : memref<64x256xf32, #tpu.memory_space<vmem>>, vector<16xf32>,
                %swap3A_330 = arith.index_cast %reduce_sum3A_242 : i32 to index
                %swap3A_331 = arith.constant 224 : index
                %swap3A_332 = tpu.vector_load %arg18[%swap3A_330, %swap3A_331] {strides = array<i32>} : memref<264x256xf32, #tpu.memory_space<vmem>>, vector<16xf32>,
                tpu.vector_store %arg18[%swap3A_330, %swap3A_331], %get3A_329 {add = true, strides = array<i32>} : memref<264x256xf32, #tpu.memory_space<vmem>>, vector<16xf32>,
                %get3A_333 = arith.index_cast %scan3A_224 : i32 to index
                %get3A_334 = arith.constant 240 : index
                %get3A_335 = tpu.vector_load %arg15[%get3A_333, %get3A_334] {strides = array<i32>} : memref<64x256xf32, #tpu.memory_space<vmem>>, vector<16xf32>,
                %swap3A_336 = arith.index_cast %reduce_sum3A_242 : i32 to index
                %swap3A_337 = arith.constant 240 : index
                %swap3A_338 = tpu.vector_load %arg18[%swap3A_336, %swap3A_337] {strides = array<i32>} : memref<264x256xf32, #tpu.memory_space<vmem>>, vector<16xf32>,
                tpu.vector_store %arg18[%swap3A_336, %swap3A_337], %get3A_335 {add = true, strides = array<i32>} : memref<264x256xf32, #tpu.memory_space<vmem>>, vector<16xf32>,
                %scan3A_339 = arith.constant 0 : i32
                scf.yield %scan3A_339 : i32
              }
              %scan3A_222 = arith.constant 64 : i32
              %while3A_223 = arith.constant 0 : i32
              scf.yield %while3A_223 : i32
            }
            %and3A = arith.constant 63 : i32
            %and3A_114 = arith.andi %scan3A_98, %and3A : i32
            %mul3A_115 = arith.constant 64 : i32
            %mul3A_116 = arith.muli %shift_right_arithmetic3A_101, %mul3A_115 : i32
            %add3A_117 = arith.constant 0 : i32
            %add3A_118 = arith.addi %mul3A_116, %add3A_117 : i32
            %get3A_119 = arith.index_cast %add3A_118 : i32 to index
            %get3A_120 = tpu.vector_load %arg11[%get3A_119] {strides = array<i32>} : memref<2128xi32, #tpu.memory_space<vmem>>, vector<16xi32>,
            %swap3A = arith.constant 0 : index
            %swap3A_121 = tpu.vector_load %arg11[%swap3A] {strides = array<i32>} : memref<2128xi32, #tpu.memory_space<vmem>>, vector<16xi32>,
            tpu.vector_store %arg11[%swap3A], %get3A_120 {strides = array<i32>} : memref<2128xi32, #tpu.memory_space<vmem>>, vector<16xi32>,
            %mul3A_122 = arith.constant 64 : i32
            %mul3A_123 = arith.muli %shift_right_arithmetic3A_101, %mul3A_122 : i32
            %add3A_124 = arith.constant 16 : i32
            %add3A_125 = arith.addi %mul3A_123, %add3A_124 : i32
            %get3A_126 = arith.index_cast %add3A_125 : i32 to index
            %get3A_127 = tpu.vector_load %arg11[%get3A_126] {strides = array<i32>} : memref<2128xi32, #tpu.memory_space<vmem>>, vector<16xi32>,
            %swap3A_128 = arith.constant 16 : index
            %swap3A_129 = tpu.vector_load %arg11[%swap3A_128] {strides = array<i32>} : memref<2128xi32, #tpu.memory_space<vmem>>, vector<16xi32>,
            tpu.vector_store %arg11[%swap3A_128], %get3A_127 {strides = array<i32>} : memref<2128xi32, #tpu.memory_space<vmem>>, vector<16xi32>,
            %mul3A_130 = arith.constant 64 : i32
            %mul3A_131 = arith.muli %shift_right_arithmetic3A_101, %mul3A_130 : i32
            %add3A_132 = arith.constant 32 : i32
            %add3A_133 = arith.addi %mul3A_131, %add3A_132 : i32
            %get3A_134 = arith.index_cast %add3A_133 : i32 to index
            %get3A_135 = tpu.vector_load %arg11[%get3A_134] {strides = array<i32>} : memref<2128xi32, #tpu.memory_space<vmem>>, vector<16xi32>,
            %swap3A_136 = arith.constant 32 : index
            %swap3A_137 = tpu.vector_load %arg11[%swap3A_136] {strides = array<i32>} : memref<2128xi32, #tpu.memory_space<vmem>>, vector<16xi32>,
            tpu.vector_store %arg11[%swap3A_136], %get3A_135 {strides = array<i32>} : memref<2128xi32, #tpu.memory_space<vmem>>, vector<16xi32>,
            %mul3A_138 = arith.constant 64 : i32
            %mul3A_139 = arith.muli %shift_right_arithmetic3A_101, %mul3A_138 : i32
            %add3A_140 = arith.constant 48 : i32
            %add3A_141 = arith.addi %mul3A_139, %add3A_140 : i32
            %get3A_142 = arith.index_cast %add3A_141 : i32 to index
            %get3A_143 = tpu.vector_load %arg11[%get3A_142] {strides = array<i32>} : memref<2128xi32, #tpu.memory_space<vmem>>, vector<16xi32>,
            %swap3A_144 = arith.constant 48 : index
            %swap3A_145 = tpu.vector_load %arg11[%swap3A_144] {strides = array<i32>} : memref<2128xi32, #tpu.memory_space<vmem>>, vector<16xi32>,
            tpu.vector_store %arg11[%swap3A_144], %get3A_143 {strides = array<i32>} : memref<2128xi32, #tpu.memory_space<vmem>>, vector<16xi32>,
            scf.yield %and3A_114 : i32
          }
          scf.yield %while3A_80 : i32
        }
        %scan3A_39 = arith.constant 16 : i32
        %gt3A = arith.constant 0 : i32
        %gt3A_40 = arith.cmpi sgt, %scan3A_38, %gt3A : i32
        %convert_element_type3A_41 = arith.extui %gt3A_40 : i1 to i32
        %cond3A_42 = arith.constant 0 : i32
        %cond3A_43 = arith.cmpi ne, %convert_element_type3A_41, %cond3A_42 : i32
        scf.if %cond3A_43 {
          %mul3A_54 = arith.constant 131 : i32
          %mul3A_55 = arith.muli %arg1, %mul3A_54 : i32
          %mul3A_56 = arith.constant 29 : i32
          %mul3A_57 = arith.muli %scan3A_15, %mul3A_56 : i32
          %add3A_58 = arith.addi %mul3A_55, %mul3A_57 : i32
          %add3A_59 = arith.constant 0 : i32
          %add3A_60 = vector.broadcast %add3A_59 : i32 to vector<16xi32>
          %add3A_61 = arith.addi %iota3A, %add3A_60 : vector<16xi32>
          %add3A_62 = vector.broadcast %add3A_58 : i32 to vector<16xi32>
          %add3A_63 = arith.addi %add3A_61, %add3A_62 : vector<16xi32>
          %and3A = arith.constant 16383 : i32
          %and3A_64 = vector.broadcast %and3A : i32 to vector<16xi32>
          %and3A_65 = arith.andi %add3A_63, %and3A_64 : vector<16xi32>
          %shift_left3A = arith.constant 13 : i32
          %shift_left3A_66 = vector.broadcast %shift_left3A : i32 to vector<16xi32>
          %shift_left3A_67 = arith.shli %and3A_65, %shift_left3A_66 : vector<16xi32>
          %add3A_68 = arith.constant 0 : i32
          %add3A_69 = vector.broadcast %add3A_68 : i32 to vector<16xi32>
          %add3A_70 = arith.addi %iota3A, %add3A_69 : vector<16xi32>
          %and3A_71 = arith.constant 7 : i32
          %and3A_72 = vector.broadcast %and3A_71 : i32 to vector<16xi32>
          %and3A_73 = arith.andi %add3A_70, %and3A_72 : vector<16xi32>
          %add3A_74 = arith.constant 256 : i32
          %add3A_75 = vector.broadcast %add3A_74 : i32 to vector<16xi32>
          %add3A_76 = arith.addi %add3A_75, %and3A_73 : vector<16xi32>
          %or3A = arith.ori %shift_left3A_67, %add3A_76 : vector<16xi32>
          %get3A = arith.constant 0 : index
          %get3A_77 = tpu.vector_load %arg11[%get3A] {strides = array<i32>} : memref<2128xi32, #tpu.memory_space<vmem>>, vector<16xi32>,
          %add3A_78 = arith.constant 0 : i32
          %add3A_79 = vector.broadcast %add3A_78 : i32 to vector<16xi32>
          %add3A_80 = arith.addi %add3A_79, %iota3A : vector<16xi32>
          %lt3A_81 = vector.broadcast %scan3A_38 : i32 to vector<16xi32>
          %lt3A_82 = arith.cmpi slt, %add3A_80, %lt3A_81 : vector<16xi32>
          %select_n3A_83 = arith.select %lt3A_82, %get3A_77, %or3A : vector<16xi1>, vector<16xi32>
          %swap3A = arith.constant 0 : index
          %swap3A_84 = tpu.vector_load %arg11[%swap3A] {strides = array<i32>} : memref<2128xi32, #tpu.memory_space<vmem>>, vector<16xi32>,
          tpu.vector_store %arg11[%swap3A], %select_n3A_83 {strides = array<i32>} : memref<2128xi32, #tpu.memory_space<vmem>>, vector<16xi32>,
          %add3A_85 = arith.constant 16 : i32
          %add3A_86 = vector.broadcast %add3A_85 : i32 to vector<16xi32>
          %add3A_87 = arith.addi %iota3A, %add3A_86 : vector<16xi32>
          %add3A_88 = vector.broadcast %add3A_58 : i32 to vector<16xi32>
          %add3A_89 = arith.addi %add3A_87, %add3A_88 : vector<16xi32>
          %and3A_90 = arith.constant 16383 : i32
          %and3A_91 = vector.broadcast %and3A_90 : i32 to vector<16xi32>
          %and3A_92 = arith.andi %add3A_89, %and3A_91 : vector<16xi32>
          %shift_left3A_93 = arith.constant 13 : i32
          %shift_left3A_94 = vector.broadcast %shift_left3A_93 : i32 to vector<16xi32>
          %shift_left3A_95 = arith.shli %and3A_92, %shift_left3A_94 : vector<16xi32>
          %add3A_96 = arith.constant 1 : i32
          %add3A_97 = vector.broadcast %add3A_96 : i32 to vector<16xi32>
          %add3A_98 = arith.addi %iota3A, %add3A_97 : vector<16xi32>
          %and3A_99 = arith.constant 7 : i32
          %and3A_100 = vector.broadcast %and3A_99 : i32 to vector<16xi32>
          %and3A_101 = arith.andi %add3A_98, %and3A_100 : vector<16xi32>
          %add3A_102 = arith.constant 256 : i32
          %add3A_103 = vector.broadcast %add3A_102 : i32 to vector<16xi32>
          %add3A_104 = arith.addi %add3A_103, %and3A_101 : vector<16xi32>
          %or3A_105 = arith.ori %shift_left3A_95, %add3A_104 : vector<16xi32>
          %get3A_106 = arith.constant 16 : index
          %get3A_107 = tpu.vector_load %arg11[%get3A_106] {strides = array<i32>} : memref<2128xi32, #tpu.memory_space<vmem>>, vector<16xi32>,
          %add3A_108 = arith.constant 16 : i32
          %add3A_109 = vector.broadcast %add3A_108 : i32 to vector<16xi32>
          %add3A_110 = arith.addi %add3A_109, %iota3A : vector<16xi32>
          %lt3A_111 = vector.broadcast %scan3A_38 : i32 to vector<16xi32>
          %lt3A_112 = arith.cmpi slt, %add3A_110, %lt3A_111 : vector<16xi32>
          %select_n3A_113 = arith.select %lt3A_112, %get3A_107, %or3A_105 : vector<16xi1>, vector<16xi32>
          %swap3A_114 = arith.constant 16 : index
          %swap3A_115 = tpu.vector_load %arg11[%swap3A_114] {strides = array<i32>} : memref<2128xi32, #tpu.memory_space<vmem>>, vector<16xi32>,
          tpu.vector_store %arg11[%swap3A_114], %select_n3A_113 {strides = array<i32>} : memref<2128xi32, #tpu.memory_space<vmem>>, vector<16xi32>,
          %add3A_116 = arith.constant 32 : i32
          %add3A_117 = vector.broadcast %add3A_116 : i32 to vector<16xi32>
          %add3A_118 = arith.addi %iota3A, %add3A_117 : vector<16xi32>
          %add3A_119 = vector.broadcast %add3A_58 : i32 to vector<16xi32>
          %add3A_120 = arith.addi %add3A_118, %add3A_119 : vector<16xi32>
          %and3A_121 = arith.constant 16383 : i32
          %and3A_122 = vector.broadcast %and3A_121 : i32 to vector<16xi32>
          %and3A_123 = arith.andi %add3A_120, %and3A_122 : vector<16xi32>
          %shift_left3A_124 = arith.constant 13 : i32
          %shift_left3A_125 = vector.broadcast %shift_left3A_124 : i32 to vector<16xi32>
          %shift_left3A_126 = arith.shli %and3A_123, %shift_left3A_125 : vector<16xi32>
          %add3A_127 = arith.constant 2 : i32
          %add3A_128 = vector.broadcast %add3A_127 : i32 to vector<16xi32>
          %add3A_129 = arith.addi %iota3A, %add3A_128 : vector<16xi32>
          %and3A_130 = arith.constant 7 : i32
          %and3A_131 = vector.broadcast %and3A_130 : i32 to vector<16xi32>
          %and3A_132 = arith.andi %add3A_129, %and3A_131 : vector<16xi32>
          %add3A_133 = arith.constant 256 : i32
          %add3A_134 = vector.broadcast %add3A_133 : i32 to vector<16xi32>
          %add3A_135 = arith.addi %add3A_134, %and3A_132 : vector<16xi32>
          %or3A_136 = arith.ori %shift_left3A_126, %add3A_135 : vector<16xi32>
          %get3A_137 = arith.constant 32 : index
          %get3A_138 = tpu.vector_load %arg11[%get3A_137] {strides = array<i32>} : memref<2128xi32, #tpu.memory_space<vmem>>, vector<16xi32>,
          %add3A_139 = arith.constant 32 : i32
          %add3A_140 = vector.broadcast %add3A_139 : i32 to vector<16xi32>
          %add3A_141 = arith.addi %add3A_140, %iota3A : vector<16xi32>
          %lt3A_142 = vector.broadcast %scan3A_38 : i32 to vector<16xi32>
          %lt3A_143 = arith.cmpi slt, %add3A_141, %lt3A_142 : vector<16xi32>
          %select_n3A_144 = arith.select %lt3A_143, %get3A_138, %or3A_136 : vector<16xi1>, vector<16xi32>
          %swap3A_145 = arith.constant 32 : index
          %swap3A_146 = tpu.vector_load %arg11[%swap3A_145] {strides = array<i32>} : memref<2128xi32, #tpu.memory_space<vmem>>, vector<16xi32>,
          tpu.vector_store %arg11[%swap3A_145], %select_n3A_144 {strides = array<i32>} : memref<2128xi32, #tpu.memory_space<vmem>>, vector<16xi32>,
          %add3A_147 = arith.constant 48 : i32
          %add3A_148 = vector.broadcast %add3A_147 : i32 to vector<16xi32>
          %add3A_149 = arith.addi %iota3A, %add3A_148 : vector<16xi32>
          %add3A_150 = vector.broadcast %add3A_58 : i32 to vector<16xi32>
          %add3A_151 = arith.addi %add3A_149, %add3A_150 : vector<16xi32>
          %and3A_152 = arith.constant 16383 : i32
          %and3A_153 = vector.broadcast %and3A_152 : i32 to vector<16xi32>
          %and3A_154 = arith.andi %add3A_151, %and3A_153 : vector<16xi32>
          %shift_left3A_155 = arith.constant 13 : i32
          %shift_left3A_156 = vector.broadcast %shift_left3A_155 : i32 to vector<16xi32>
          %shift_left3A_157 = arith.shli %and3A_154, %shift_left3A_156 : vector<16xi32>
          %add3A_158 = arith.constant 3 : i32
          %add3A_159 = vector.broadcast %add3A_158 : i32 to vector<16xi32>
          %add3A_160 = arith.addi %iota3A, %add3A_159 : vector<16xi32>
          %and3A_161 = arith.constant 7 : i32
          %and3A_162 = vector.broadcast %and3A_161 : i32 to vector<16xi32>
          %and3A_163 = arith.andi %add3A_160, %and3A_162 : vector<16xi32>
          %add3A_164 = arith.constant 256 : i32
          %add3A_165 = vector.broadcast %add3A_164 : i32 to vector<16xi32>
          %add3A_166 = arith.addi %add3A_165, %and3A_163 : vector<16xi32>
          %or3A_167 = arith.ori %shift_left3A_157, %add3A_166 : vector<16xi32>
          %get3A_168 = arith.constant 48 : index
          %get3A_169 = tpu.vector_load %arg11[%get3A_168] {strides = array<i32>} : memref<2128xi32, #tpu.memory_space<vmem>>, vector<16xi32>,
          %add3A_170 = arith.constant 48 : i32
          %add3A_171 = vector.broadcast %add3A_170 : i32 to vector<16xi32>
          %add3A_172 = arith.addi %add3A_171, %iota3A : vector<16xi32>
          %lt3A_173 = vector.broadcast %scan3A_38 : i32 to vector<16xi32>
          %lt3A_174 = arith.cmpi slt, %add3A_172, %lt3A_173 : vector<16xi32>
          %select_n3A_175 = arith.select %lt3A_174, %get3A_169, %or3A_167 : vector<16xi1>, vector<16xi32>
          %swap3A_176 = arith.constant 48 : index
          %swap3A_177 = tpu.vector_load %arg11[%swap3A_176] {strides = array<i32>} : memref<2128xi32, #tpu.memory_space<vmem>>, vector<16xi32>,
          tpu.vector_store %arg11[%swap3A_176], %select_n3A_175 {strides = array<i32>} : memref<2128xi32, #tpu.memory_space<vmem>>, vector<16xi32>,
          %scan3A_178 = arith.constant 0 : i32
          %scan3A_179 = arith.constant 0 : i32
          %mul3A_180 = arith.constant 64 : i32
          %mul3A_181 = arith.muli %scan3A_179, %mul3A_180 : i32
          %add3A_182 = arith.constant 0 : i32
          %add3A_183 = arith.addi %mul3A_181, %add3A_182 : i32
          %get3A_184 = arith.index_cast %add3A_183 : i32 to index
          %get3A_185 = tpu.vector_load %arg11[%get3A_184] {strides = array<i32>} : memref<2128xi32, #tpu.memory_space<vmem>>, vector<16xi32>,
          %shift_right_arithmetic3A = arith.constant 13 : i32
          %shift_right_arithmetic3A_186 = vector.broadcast %shift_right_arithmetic3A : i32 to vector<16xi32>
          %shift_right_arithmetic3A_187 = arith.shrsi %get3A_185, %shift_right_arithmetic3A_186 : vector<16xi32>
          %swap3A_188 = arith.constant 0 : index
          %swap3A_189 = tpu.vector_load %arg13[%swap3A_188] {strides = array<i32>} : memref<64xi32, #tpu.memory_space<vmem>>, vector<16xi32>,
          tpu.vector_store %arg13[%swap3A_188], %shift_right_arithmetic3A_187 {strides = array<i32>} : memref<64xi32, #tpu.memory_space<vmem>>, vector<16xi32>,
          %and3A_190 = arith.constant 511 : i32
          %and3A_191 = vector.broadcast %and3A_190 : i32 to vector<16xi32>
          %and3A_192 = arith.andi %get3A_185, %and3A_191 : vector<16xi32>
          %swap3A_193 = arith.constant 0 : index
          %swap3A_194 = tpu.vector_load %arg14[%swap3A_193] {strides = array<i32>} : memref<64xi32, #tpu.memory_space<vmem>>, vector<16xi32>,
          tpu.vector_store %arg14[%swap3A_193], %and3A_192 {strides = array<i32>} : memref<64xi32, #tpu.memory_space<vmem>>, vector<16xi32>,
          %mul3A_195 = arith.constant 64 : i32
          %mul3A_196 = arith.muli %scan3A_179, %mul3A_195 : i32
          %add3A_197 = arith.constant 16 : i32
          %add3A_198 = arith.addi %mul3A_196, %add3A_197 : i32
          %get3A_199 = arith.index_cast %add3A_198 : i32 to index
          %get3A_200 = tpu.vector_load %arg11[%get3A_199] {strides = array<i32>} : memref<2128xi32, #tpu.memory_space<vmem>>, vector<16xi32>,
          %shift_right_arithmetic3A_201 = arith.constant 13 : i32
          %shift_right_arithmetic3A_202 = vector.broadcast %shift_right_arithmetic3A_201 : i32 to vector<16xi32>
          %shift_right_arithmetic3A_203 = arith.shrsi %get3A_200, %shift_right_arithmetic3A_202 : vector<16xi32>
          %swap3A_204 = arith.constant 16 : index
          %swap3A_205 = tpu.vector_load %arg13[%swap3A_204] {strides = array<i32>} : memref<64xi32, #tpu.memory_space<vmem>>, vector<16xi32>,
          tpu.vector_store %arg13[%swap3A_204], %shift_right_arithmetic3A_203 {strides = array<i32>} : memref<64xi32, #tpu.memory_space<vmem>>, vector<16xi32>,
          %and3A_206 = arith.constant 511 : i32
          %and3A_207 = vector.broadcast %and3A_206 : i32 to vector<16xi32>
          %and3A_208 = arith.andi %get3A_200, %and3A_207 : vector<16xi32>
          %swap3A_209 = arith.constant 16 : index
          %swap3A_210 = tpu.vector_load %arg14[%swap3A_209] {strides = array<i32>} : memref<64xi32, #tpu.memory_space<vmem>>, vector<16xi32>,
          tpu.vector_store %arg14[%swap3A_209], %and3A_208 {strides = array<i32>} : memref<64xi32, #tpu.memory_space<vmem>>, vector<16xi32>,
          %mul3A_211 = arith.constant 64 : i32
          %mul3A_212 = arith.muli %scan3A_179, %mul3A_211 : i32
          %add3A_213 = arith.constant 32 : i32
          %add3A_214 = arith.addi %mul3A_212, %add3A_213 : i32
          %get3A_215 = arith.index_cast %add3A_214 : i32 to index
          %get3A_216 = tpu.vector_load %arg11[%get3A_215] {strides = array<i32>} : memref<2128xi32, #tpu.memory_space<vmem>>, vector<16xi32>,
          %shift_right_arithmetic3A_217 = arith.constant 13 : i32
          %shift_right_arithmetic3A_218 = vector.broadcast %shift_right_arithmetic3A_217 : i32 to vector<16xi32>
          %shift_right_arithmetic3A_219 = arith.shrsi %get3A_216, %shift_right_arithmetic3A_218 : vector<16xi32>
          %swap3A_220 = arith.constant 32 : index
          %swap3A_221 = tpu.vector_load %arg13[%swap3A_220] {strides = array<i32>} : memref<64xi32, #tpu.memory_space<vmem>>, vector<16xi32>,
          tpu.vector_store %arg13[%swap3A_220], %shift_right_arithmetic3A_219 {strides = array<i32>} : memref<64xi32, #tpu.memory_space<vmem>>, vector<16xi32>,
          %and3A_222 = arith.constant 511 : i32
          %and3A_223 = vector.broadcast %and3A_222 : i32 to vector<16xi32>
          %and3A_224 = arith.andi %get3A_216, %and3A_223 : vector<16xi32>
          %swap3A_225 = arith.constant 32 : index
          %swap3A_226 = tpu.vector_load %arg14[%swap3A_225] {strides = array<i32>} : memref<64xi32, #tpu.memory_space<vmem>>, vector<16xi32>,
          tpu.vector_store %arg14[%swap3A_225], %and3A_224 {strides = array<i32>} : memref<64xi32, #tpu.memory_space<vmem>>, vector<16xi32>,
          %mul3A_227 = arith.constant 64 : i32
          %mul3A_228 = arith.muli %scan3A_179, %mul3A_227 : i32
          %add3A_229 = arith.constant 48 : i32
          %add3A_230 = arith.addi %mul3A_228, %add3A_229 : i32
          %get3A_231 = arith.index_cast %add3A_230 : i32 to index
          %get3A_232 = tpu.vector_load %arg11[%get3A_231] {strides = array<i32>} : memref<2128xi32, #tpu.memory_space<vmem>>, vector<16xi32>,
          %shift_right_arithmetic3A_233 = arith.constant 13 : i32
          %shift_right_arithmetic3A_234 = vector.broadcast %shift_right_arithmetic3A_233 : i32 to vector<16xi32>
          %shift_right_arithmetic3A_235 = arith.shrsi %get3A_232, %shift_right_arithmetic3A_234 : vector<16xi32>
          %swap3A_236 = arith.constant 48 : index
          %swap3A_237 = tpu.vector_load %arg13[%swap3A_236] {strides = array<i32>} : memref<64xi32, #tpu.memory_space<vmem>>, vector<16xi32>,
          tpu.vector_store %arg13[%swap3A_236], %shift_right_arithmetic3A_235 {strides = array<i32>} : memref<64xi32, #tpu.memory_space<vmem>>, vector<16xi32>,
          %and3A_238 = arith.constant 511 : i32
          %and3A_239 = vector.broadcast %and3A_238 : i32 to vector<16xi32>
          %and3A_240 = arith.andi %get3A_232, %and3A_239 : vector<16xi32>
          %swap3A_241 = arith.constant 48 : index
          %swap3A_242 = tpu.vector_load %arg14[%swap3A_241] {strides = array<i32>} : memref<64xi32, #tpu.memory_space<vmem>>, vector<16xi32>,
          tpu.vector_store %arg14[%swap3A_241], %and3A_240 {strides = array<i32>} : memref<64xi32, #tpu.memory_space<vmem>>, vector<16xi32>,
          %dma_start3A = arith.constant 0 : i32
          %dma_start3A_243 = arith.constant 0 : i32
          %dma_start3A_244 = tpu.memref_slice %arg2[%dma_start3A, %dma_start3A_243] : memref<53248x256xf32, #tpu.memory_space<hbm>> -> memref<53248x256xf32, #tpu.memory_space<hbm>>
          tpu.enqueue_indirect_dma source(%dma_start3A_244 : memref<53248x256xf32, #tpu.memory_space<hbm>>) target(%arg15 : memref<64x256xf32, #tpu.memory_space<vmem>>) offsets(%arg13 : memref<64xi32, #tpu.memory_space<vmem>>) semaphore(%arg19 : memref<!tpu.dma_semaphore, #tpu.memory_space<semaphore_mem>>)
          %dma_wait3A = arith.constant 0 : i32
          %dma_wait3A_245 = arith.constant 0 : i32
          %dma_wait3A_246 = tpu.memref_slice %arg2[%dma_wait3A, %dma_wait3A_245] : memref<53248x256xf32, #tpu.memory_space<hbm>> -> memref<53248x256xf32, #tpu.memory_space<hbm>>
          tpu.wait_indirect_dma semaphore(%arg19 : memref<!tpu.dma_semaphore, #tpu.memory_space<semaphore_mem>>) src(%dma_wait3A_246 : memref<53248x256xf32, #tpu.memory_space<hbm>>) dst(%arg15 : memref<64x256xf32, #tpu.memory_space<vmem>>)
          %scan3A_247 = arith.constant 0 : i32
          %scan3A_248 = arith.constant 0 : i32
          %scan3A_249 = arith.constant 64 : i32
          %scan3A_250 = arith.addi %scan3A_248, %scan3A_249 : i32
          %scan3A_251 = arith.constant 1 : i32
          %scan3A_252 = scf.for %scan3A_256 = %scan3A_248 to %scan3A_250 step %scan3A_251 iter_args(%scan3A_257 = %scan3A_247) -> (i32)  : i32 {
            %shift_right_arithmetic3A_258 = arith.constant 4 : i32
            %shift_right_arithmetic3A_259 = arith.shrsi %scan3A_256, %shift_right_arithmetic3A_258 : i32
            %mul3A_260 = arith.constant 16 : i32
            %mul3A_261 = arith.muli %shift_right_arithmetic3A_259, %mul3A_260 : i32
            %get3A_262 = arith.index_cast %mul3A_261 : i32 to index
            %get3A_263 = tpu.vector_load %arg14[%get3A_262] {strides = array<i32>} : memref<64xi32, #tpu.memory_space<vmem>>, vector<16xi32>,
            %and3A_264 = arith.constant 15 : i32
            %and3A_265 = arith.andi %scan3A_256, %and3A_264 : i32
            %eq3A_266 = vector.broadcast %and3A_265 : i32 to vector<16xi32>
            %eq3A_267 = arith.cmpi eq, %iota3A, %eq3A_266 : vector<16xi32>
            %jit3A = arith.constant 0 : i32
            %broadcast_in_dim3A_268 = vector.broadcast %jit3A : i32 to vector<16xi32>
            %select_n3A_269 = arith.select %eq3A_267, %get3A_263, %broadcast_in_dim3A_268 : vector<16xi1>, vector<16xi32>
            %reduce_sum3A = arith.constant true
            %reduce_sum3A_270 = vector.broadcast %reduce_sum3A : i1 to vector<16xi1>
            %reduce_sum3A_271 = tpu.scan <sum>, %select_n3A_269 masked %reduce_sum3A_270 : vector<16xi32>, vector<16xi1> -> vector<16xi32>
            %reduce_sum3A_272 = vector.extract %reduce_sum3A_271[15] : i32 from vector<16xi32>
            %get3A_273 = arith.index_cast %scan3A_256 : i32 to index
            %get3A_274 = arith.constant 0 : index
            %get3A_275 = tpu.vector_load %arg15[%get3A_273, %get3A_274] {strides = array<i32>} : memref<64x256xf32, #tpu.memory_space<vmem>>, vector<16xf32>,
            %swap3A_276 = arith.index_cast %reduce_sum3A_272 : i32 to index
            %swap3A_277 = arith.constant 0 : index
            %swap3A_278 = tpu.vector_load %arg18[%swap3A_276, %swap3A_277] {strides = array<i32>} : memref<264x256xf32, #tpu.memory_space<vmem>>, vector<16xf32>,
            tpu.vector_store %arg18[%swap3A_276, %swap3A_277], %get3A_275 {add = true, strides = array<i32>} : memref<264x256xf32, #tpu.memory_space<vmem>>, vector<16xf32>,
            %get3A_279 = arith.index_cast %scan3A_256 : i32 to index
            %get3A_280 = arith.constant 16 : index
            %get3A_281 = tpu.vector_load %arg15[%get3A_279, %get3A_280] {strides = array<i32>} : memref<64x256xf32, #tpu.memory_space<vmem>>, vector<16xf32>,
            %swap3A_282 = arith.index_cast %reduce_sum3A_272 : i32 to index
            %swap3A_283 = arith.constant 16 : index
            %swap3A_284 = tpu.vector_load %arg18[%swap3A_282, %swap3A_283] {strides = array<i32>} : memref<264x256xf32, #tpu.memory_space<vmem>>, vector<16xf32>,
            tpu.vector_store %arg18[%swap3A_282, %swap3A_283], %get3A_281 {add = true, strides = array<i32>} : memref<264x256xf32, #tpu.memory_space<vmem>>, vector<16xf32>,
            %get3A_285 = arith.index_cast %scan3A_256 : i32 to index
            %get3A_286 = arith.constant 32 : index
            %get3A_287 = tpu.vector_load %arg15[%get3A_285, %get3A_286] {strides = array<i32>} : memref<64x256xf32, #tpu.memory_space<vmem>>, vector<16xf32>,
            %swap3A_288 = arith.index_cast %reduce_sum3A_272 : i32 to index
            %swap3A_289 = arith.constant 32 : index
            %swap3A_290 = tpu.vector_load %arg18[%swap3A_288, %swap3A_289] {strides = array<i32>} : memref<264x256xf32, #tpu.memory_space<vmem>>, vector<16xf32>,
            tpu.vector_store %arg18[%swap3A_288, %swap3A_289], %get3A_287 {add = true, strides = array<i32>} : memref<264x256xf32, #tpu.memory_space<vmem>>, vector<16xf32>,
            %get3A_291 = arith.index_cast %scan3A_256 : i32 to index
            %get3A_292 = arith.constant 48 : index
            %get3A_293 = tpu.vector_load %arg15[%get3A_291, %get3A_292] {strides = array<i32>} : memref<64x256xf32, #tpu.memory_space<vmem>>, vector<16xf32>,
            %swap3A_294 = arith.index_cast %reduce_sum3A_272 : i32 to index
            %swap3A_295 = arith.constant 48 : index
            %swap3A_296 = tpu.vector_load %arg18[%swap3A_294, %swap3A_295] {strides = array<i32>} : memref<264x256xf32, #tpu.memory_space<vmem>>, vector<16xf32>,
            tpu.vector_store %arg18[%swap3A_294, %swap3A_295], %get3A_293 {add = true, strides = array<i32>} : memref<264x256xf32, #tpu.memory_space<vmem>>, vector<16xf32>,
            %get3A_297 = arith.index_cast %scan3A_256 : i32 to index
            %get3A_298 = arith.constant 64 : index
            %get3A_299 = tpu.vector_load %arg15[%get3A_297, %get3A_298] {strides = array<i32>} : memref<64x256xf32, #tpu.memory_space<vmem>>, vector<16xf32>,
            %swap3A_300 = arith.index_cast %reduce_sum3A_272 : i32 to index
            %swap3A_301 = arith.constant 64 : index
            %swap3A_302 = tpu.vector_load %arg18[%swap3A_300, %swap3A_301] {strides = array<i32>} : memref<264x256xf32, #tpu.memory_space<vmem>>, vector<16xf32>,
            tpu.vector_store %arg18[%swap3A_300, %swap3A_301], %get3A_299 {add = true, strides = array<i32>} : memref<264x256xf32, #tpu.memory_space<vmem>>, vector<16xf32>,
            %get3A_303 = arith.index_cast %scan3A_256 : i32 to index
            %get3A_304 = arith.constant 80 : index
            %get3A_305 = tpu.vector_load %arg15[%get3A_303, %get3A_304] {strides = array<i32>} : memref<64x256xf32, #tpu.memory_space<vmem>>, vector<16xf32>,
            %swap3A_306 = arith.index_cast %reduce_sum3A_272 : i32 to index
            %swap3A_307 = arith.constant 80 : index
            %swap3A_308 = tpu.vector_load %arg18[%swap3A_306, %swap3A_307] {strides = array<i32>} : memref<264x256xf32, #tpu.memory_space<vmem>>, vector<16xf32>,
            tpu.vector_store %arg18[%swap3A_306, %swap3A_307], %get3A_305 {add = true, strides = array<i32>} : memref<264x256xf32, #tpu.memory_space<vmem>>, vector<16xf32>,
            %get3A_309 = arith.index_cast %scan3A_256 : i32 to index
            %get3A_310 = arith.constant 96 : index
            %get3A_311 = tpu.vector_load %arg15[%get3A_309, %get3A_310] {strides = array<i32>} : memref<64x256xf32, #tpu.memory_space<vmem>>, vector<16xf32>,
            %swap3A_312 = arith.index_cast %reduce_sum3A_272 : i32 to index
            %swap3A_313 = arith.constant 96 : index
            %swap3A_314 = tpu.vector_load %arg18[%swap3A_312, %swap3A_313] {strides = array<i32>} : memref<264x256xf32, #tpu.memory_space<vmem>>, vector<16xf32>,
            tpu.vector_store %arg18[%swap3A_312, %swap3A_313], %get3A_311 {add = true, strides = array<i32>} : memref<264x256xf32, #tpu.memory_space<vmem>>, vector<16xf32>,
            %get3A_315 = arith.index_cast %scan3A_256 : i32 to index
            %get3A_316 = arith.constant 112 : index
            %get3A_317 = tpu.vector_load %arg15[%get3A_315, %get3A_316] {strides = array<i32>} : memref<64x256xf32, #tpu.memory_space<vmem>>, vector<16xf32>,
            %swap3A_318 = arith.index_cast %reduce_sum3A_272 : i32 to index
            %swap3A_319 = arith.constant 112 : index
            %swap3A_320 = tpu.vector_load %arg18[%swap3A_318, %swap3A_319] {strides = array<i32>} : memref<264x256xf32, #tpu.memory_space<vmem>>, vector<16xf32>,
            tpu.vector_store %arg18[%swap3A_318, %swap3A_319], %get3A_317 {add = true, strides = array<i32>} : memref<264x256xf32, #tpu.memory_space<vmem>>, vector<16xf32>,
            %get3A_321 = arith.index_cast %scan3A_256 : i32 to index
            %get3A_322 = arith.constant 128 : index
            %get3A_323 = tpu.vector_load %arg15[%get3A_321, %get3A_322] {strides = array<i32>} : memref<64x256xf32, #tpu.memory_space<vmem>>, vector<16xf32>,
            %swap3A_324 = arith.index_cast %reduce_sum3A_272 : i32 to index
            %swap3A_325 = arith.constant 128 : index
            %swap3A_326 = tpu.vector_load %arg18[%swap3A_324, %swap3A_325] {strides = array<i32>} : memref<264x256xf32, #tpu.memory_space<vmem>>, vector<16xf32>,
            tpu.vector_store %arg18[%swap3A_324, %swap3A_325], %get3A_323 {add = true, strides = array<i32>} : memref<264x256xf32, #tpu.memory_space<vmem>>, vector<16xf32>,
            %get3A_327 = arith.index_cast %scan3A_256 : i32 to index
            %get3A_328 = arith.constant 144 : index
            %get3A_329 = tpu.vector_load %arg15[%get3A_327, %get3A_328] {strides = array<i32>} : memref<64x256xf32, #tpu.memory_space<vmem>>, vector<16xf32>,
            %swap3A_330 = arith.index_cast %reduce_sum3A_272 : i32 to index
            %swap3A_331 = arith.constant 144 : index
            %swap3A_332 = tpu.vector_load %arg18[%swap3A_330, %swap3A_331] {strides = array<i32>} : memref<264x256xf32, #tpu.memory_space<vmem>>, vector<16xf32>,
            tpu.vector_store %arg18[%swap3A_330, %swap3A_331], %get3A_329 {add = true, strides = array<i32>} : memref<264x256xf32, #tpu.memory_space<vmem>>, vector<16xf32>,
            %get3A_333 = arith.index_cast %scan3A_256 : i32 to index
            %get3A_334 = arith.constant 160 : index
            %get3A_335 = tpu.vector_load %arg15[%get3A_333, %get3A_334] {strides = array<i32>} : memref<64x256xf32, #tpu.memory_space<vmem>>, vector<16xf32>,
            %swap3A_336 = arith.index_cast %reduce_sum3A_272 : i32 to index
            %swap3A_337 = arith.constant 160 : index
            %swap3A_338 = tpu.vector_load %arg18[%swap3A_336, %swap3A_337] {strides = array<i32>} : memref<264x256xf32, #tpu.memory_space<vmem>>, vector<16xf32>,
            tpu.vector_store %arg18[%swap3A_336, %swap3A_337], %get3A_335 {add = true, strides = array<i32>} : memref<264x256xf32, #tpu.memory_space<vmem>>, vector<16xf32>,
            %get3A_339 = arith.index_cast %scan3A_256 : i32 to index
            %get3A_340 = arith.constant 176 : index
            %get3A_341 = tpu.vector_load %arg15[%get3A_339, %get3A_340] {strides = array<i32>} : memref<64x256xf32, #tpu.memory_space<vmem>>, vector<16xf32>,
            %swap3A_342 = arith.index_cast %reduce_sum3A_272 : i32 to index
            %swap3A_343 = arith.constant 176 : index
            %swap3A_344 = tpu.vector_load %arg18[%swap3A_342, %swap3A_343] {strides = array<i32>} : memref<264x256xf32, #tpu.memory_space<vmem>>, vector<16xf32>,
            tpu.vector_store %arg18[%swap3A_342, %swap3A_343], %get3A_341 {add = true, strides = array<i32>} : memref<264x256xf32, #tpu.memory_space<vmem>>, vector<16xf32>,
            %get3A_345 = arith.index_cast %scan3A_256 : i32 to index
            %get3A_346 = arith.constant 192 : index
            %get3A_347 = tpu.vector_load %arg15[%get3A_345, %get3A_346] {strides = array<i32>} : memref<64x256xf32, #tpu.memory_space<vmem>>, vector<16xf32>,
            %swap3A_348 = arith.index_cast %reduce_sum3A_272 : i32 to index
            %swap3A_349 = arith.constant 192 : index
            %swap3A_350 = tpu.vector_load %arg18[%swap3A_348, %swap3A_349] {strides = array<i32>} : memref<264x256xf32, #tpu.memory_space<vmem>>, vector<16xf32>,
            tpu.vector_store %arg18[%swap3A_348, %swap3A_349], %get3A_347 {add = true, strides = array<i32>} : memref<264x256xf32, #tpu.memory_space<vmem>>, vector<16xf32>,
            %get3A_351 = arith.index_cast %scan3A_256 : i32 to index
            %get3A_352 = arith.constant 208 : index
            %get3A_353 = tpu.vector_load %arg15[%get3A_351, %get3A_352] {strides = array<i32>} : memref<64x256xf32, #tpu.memory_space<vmem>>, vector<16xf32>,
            %swap3A_354 = arith.index_cast %reduce_sum3A_272 : i32 to index
            %swap3A_355 = arith.constant 208 : index
            %swap3A_356 = tpu.vector_load %arg18[%swap3A_354, %swap3A_355] {strides = array<i32>} : memref<264x256xf32, #tpu.memory_space<vmem>>, vector<16xf32>,
            tpu.vector_store %arg18[%swap3A_354, %swap3A_355], %get3A_353 {add = true, strides = array<i32>} : memref<264x256xf32, #tpu.memory_space<vmem>>, vector<16xf32>,
            %get3A_357 = arith.index_cast %scan3A_256 : i32 to index
            %get3A_358 = arith.constant 224 : index
            %get3A_359 = tpu.vector_load %arg15[%get3A_357, %get3A_358] {strides = array<i32>} : memref<64x256xf32, #tpu.memory_space<vmem>>, vector<16xf32>,
            %swap3A_360 = arith.index_cast %reduce_sum3A_272 : i32 to index
            %swap3A_361 = arith.constant 224 : index
            %swap3A_362 = tpu.vector_load %arg18[%swap3A_360, %swap3A_361] {strides = array<i32>} : memref<264x256xf32, #tpu.memory_space<vmem>>, vector<16xf32>,
            tpu.vector_store %arg18[%swap3A_360, %swap3A_361], %get3A_359 {add = true, strides = array<i32>} : memref<264x256xf32, #tpu.memory_space<vmem>>, vector<16xf32>,
            %get3A_363 = arith.index_cast %scan3A_256 : i32 to index
            %get3A_364 = arith.constant 240 : index
            %get3A_365 = tpu.vector_load %arg15[%get3A_363, %get3A_364] {strides = array<i32>} : memref<64x256xf32, #tpu.memory_space<vmem>>, vector<16xf32>,
            %swap3A_366 = arith.index_cast %reduce_sum3A_272 : i32 to index
            %swap3A_367 = arith.constant 240 : index
            %swap3A_368 = tpu.vector_load %arg18[%swap3A_366, %swap3A_367] {strides = array<i32>} : memref<264x256xf32, #tpu.memory_space<vmem>>, vector<16xf32>,
            tpu.vector_store %arg18[%swap3A_366, %swap3A_367], %get3A_365 {add = true, strides = array<i32>} : memref<264x256xf32, #tpu.memory_space<vmem>>, vector<16xf32>,
            %scan3A_369 = arith.constant 0 : i32
            scf.yield %scan3A_369 : i32
          }
          %scan3A_253 = arith.constant 64 : i32
          %scan3A_254 = arith.constant 0 : i32
          %scan3A_255 = arith.constant 1 : i32
        } else {
        }
        %mul3A_44 = arith.constant 256 : i32
        %mul3A_45 = arith.muli %arg1, %mul3A_44 : i32
        %add3A_46 = arith.addi %mul3A_22, %mul3A_45 : i32
        "tpu.region"() ({
          %run_scoped3A = tpu.sem_alloc : memref<!tpu.dma_semaphore, #tpu.memory_space<semaphore_mem>>
          %dma_start3A = arith.constant 0 : i32
          %dma_start3A_54 = arith.constant 0 : i32
          %dma_start3A_55 = tpu.memref_slice %arg18[%dma_start3A, %dma_start3A_54] : memref<264x256xf32, #tpu.memory_space<vmem>> -> memref<256x256xf32, #tpu.memory_space<vmem>>
          %dma_start3A_56 = arith.constant 0 : i32
          %dma_start3A_57 = tpu.memref_slice %arg5[%add3A_46, %dma_start3A_56] : memref<53248x256xf32, #tpu.memory_space<hbm>> -> memref<256x256xf32, #tpu.memory_space<hbm>>
          %dma_start3A_58 = arith.constant 0 : i32
          %dma_start3A_59 = tpu.memref_slice %arg5[%add3A_46, %dma_start3A_58] : memref<53248x256xf32, #tpu.memory_space<hbm>> -> memref<256x256xf32, #tpu.memory_space<hbm>>
          %dma_start3A_60 = arith.constant 0 : i32
          %dma_start3A_61 = arith.constant 0 : i32
          %dma_start3A_62 = tpu.memref_slice %arg18[%dma_start3A_60, %dma_start3A_61] : memref<264x256xf32, #tpu.memory_space<vmem>> -> memref<256x256xf32, #tpu.memory_space<vmem>>
          tpu.enqueue_dma source(%dma_start3A_62 : memref<256x256xf32, #tpu.memory_space<vmem>>) target(%dma_start3A_59 : memref<256x256xf32, #tpu.memory_space<hbm>>) target_semaphore(%run_scoped3A : memref<!tpu.dma_semaphore, #tpu.memory_space<semaphore_mem>>)
          %dma_wait3A = arith.constant 0 : i32
          %dma_wait3A_63 = arith.constant 0 : i32
          %dma_wait3A_64 = tpu.memref_slice %arg18[%dma_wait3A, %dma_wait3A_63] : memref<264x256xf32, #tpu.memory_space<vmem>> -> memref<256x256xf32, #tpu.memory_space<vmem>>
          %dma_wait3A_65 = arith.constant 0 : i32
          %dma_wait3A_66 = tpu.memref_slice %arg5[%add3A_46, %dma_wait3A_65] : memref<53248x256xf32, #tpu.memory_space<hbm>> -> memref<256x256xf32, #tpu.memory_space<hbm>>
          %dma_wait3A_67 = arith.constant 0 : i32
          %dma_wait3A_68 = tpu.memref_slice %arg5[%add3A_46, %dma_wait3A_67] : memref<53248x256xf32, #tpu.memory_space<hbm>> -> memref<256x256xf32, #tpu.memory_space<hbm>>
          %dma_wait3A_69 = arith.constant 0 : i32
          %dma_wait3A_70 = arith.constant 0 : i32
          %dma_wait3A_71 = tpu.memref_slice %arg18[%dma_wait3A_69, %dma_wait3A_70] : memref<264x256xf32, #tpu.memory_space<vmem>> -> memref<256x256xf32, #tpu.memory_space<vmem>>
          tpu.wait_dma2 semaphore(%run_scoped3A : memref<!tpu.dma_semaphore, #tpu.memory_space<semaphore_mem>>) src(%dma_wait3A_71 : memref<256x256xf32, #tpu.memory_space<vmem>>) dst(%dma_wait3A_68 : memref<256x256xf32, #tpu.memory_space<hbm>>)
          tpu.yield
        }) : () -> ()
        %scan3A_47 = arith.constant 0 : i32
        %scan3A_48 = arith.constant 0 : i32
        %scan3A_49 = arith.constant 264 : i32
        %scan3A_50 = arith.addi %scan3A_48, %scan3A_49 : i32
        %scan3A_51 = arith.constant 1 : i32
        %scan3A_52 = scf.for %scan3A_54 = %scan3A_48 to %scan3A_50 step %scan3A_51 iter_args(%scan3A_55 = %scan3A_47) -> (i32)  : i32 {
          %scan3A_56 = arith.constant 0 : i32
          %scan3A_57 = arith.constant 0 : i32
          %scan3A_58 = arith.constant 16 : i32
          %scan3A_59 = arith.addi %scan3A_57, %scan3A_58 : i32
          %scan3A_60 = arith.constant 1 : i32
          %scan3A_61 = scf.for %scan3A_63 = %scan3A_57 to %scan3A_59 step %scan3A_60 iter_args(%scan3A_64 = %scan3A_56) -> (i32)  : i32 {
            %mul3A_65 = arith.constant 16 : i32
            %mul3A_66 = arith.muli %scan3A_63, %mul3A_65 : i32
            %swap3A = arith.index_cast %scan3A_54 : i32 to index
            %swap3A_67 = arith.index_cast %mul3A_66 : i32 to index
            %swap3A_68 = tpu.vector_load %arg18[%swap3A, %swap3A_67] {strides = array<i32>} : memref<264x256xf32, #tpu.memory_space<vmem>>, vector<16xf32>,
            tpu.vector_store %arg18[%swap3A, %swap3A_67], %broadcast_in_dim3A_1 {strides = array<i32>} : memref<264x256xf32, #tpu.memory_space<vmem>>, vector<16xf32>,
            %scan3A_69 = arith.constant 0 : i32
            scf.yield %scan3A_69 : i32
          }
          %scan3A_62 = arith.constant 16 : i32
          scf.yield %scan3A_61 : i32
        }
        %scan3A_53 = arith.constant 264 : i32
      } else {
      }
      %barrier3A_27 = arith.constant 0 : index
      tpu.barrier barrier_id(%barrier3A_27)
      %scan3A_28 = arith.constant 0 : i32
      scf.yield %scan3A_28 : i32
    }
    %scan3A_14 = arith.constant 7 : i32
    return
  }
}

#map = affine_map<(d0, d1) -> (0, 0)>
#map1 = affine_map<(d0, d1) -> (0)>
module attributes {stable_mosaic.version = 14 : i64} {
  func.func @_sc_body(%arg0: i32, %arg1: i32, %arg2: memref<53248x256xf32, #tpu.memory_space<hbm>>, %arg3: memref<1600000xi32, #tpu.memory_space<hbm>>, %arg4: memref<1600000xi32, #tpu.memory_space<hbm>>, %arg5: memref<53248x256xf32, #tpu.memory_space<hbm>>, %arg6: memref<3334144xi32, #tpu.memory_space<hbm>>, %arg7: memref<512xi32, #tpu.memory_space<hbm>>, %arg8: memref<4000xi32, #tpu.memory_space<vmem>>, %arg9: memref<4000xi32, #tpu.memory_space<vmem>>, %arg10: memref<2064xi32, #tpu.memory_space<vmem>>, %arg11: memref<2128xi32, #tpu.memory_space<vmem>>, %arg12: memref<2048xi32, #tpu.memory_space<vmem>>, %arg13: memref<64xi32, #tpu.memory_space<vmem>>, %arg14: memref<64xi32, #tpu.memory_space<vmem>>, %arg15: memref<64x256xf32, #tpu.memory_space<vmem>>, %arg16: memref<16xi32, #tpu.memory_space<vmem>>, %arg17: memref<256xi32, #tpu.memory_space<vmem>>, %arg18: memref<264x256xf32, #tpu.memory_space<vmem>>, %arg19: memref<!tpu.dma_semaphore, #tpu.memory_space<semaphore_mem>>) attributes {dimension_semantics = [#tpu.dimension_semantics<core_parallel>, #tpu.dimension_semantics<subcore_parallel>], iteration_bounds = array<i64: 2, 16>, scalar_prefetch = 0 : i64, scratch_operands = 12 : i64, tpu.core_type = #tpu.core_type<sc_vector_subcore>, window_params = [{transform_indices = #map}, {transform_indices = #map1}, {transform_indices = #map1}, {transform_indices = #map}, {transform_indices = #map1}, {transform_indices = #map1}]} {
    %mul3A = arith.constant 16 : i32
    %mul3A_0 = arith.muli %arg0, %mul3A : i32
    %add3A = arith.addi %mul3A_0, %arg1 : i32
    %iota3A = tpu.iota {dimensions = array<i32: 0>} : vector<16xi32>
    %broadcast_in_dim3A = arith.constant 0.000000e+00 : f32
    %broadcast_in_dim3A_1 = vector.broadcast %broadcast_in_dim3A : f32 to vector<16xf32>
    %scan3A = arith.constant 0 : i32
    %scan3A_2 = arith.constant 0 : i32
    %scan3A_3 = arith.constant 264 : i32
    %scan3A_4 = arith.addi %scan3A_2, %scan3A_3 : i32
    %scan3A_5 = arith.constant 1 : i32
    %scan3A_6 = scf.for %scan3A_15 = %scan3A_2 to %scan3A_4 step %scan3A_5 iter_args(%scan3A_16 = %scan3A) -> (i32)  : i32 {
      %scan3A_17 = arith.constant 0 : i32
      %scan3A_18 = arith.constant 0 : i32
      %scan3A_19 = arith.constant 16 : i32
      %scan3A_20 = arith.addi %scan3A_18, %scan3A_19 : i32
      %scan3A_21 = arith.constant 1 : i32
      %scan3A_22 = scf.for %scan3A_24 = %scan3A_18 to %scan3A_20 step %scan3A_21 iter_args(%scan3A_25 = %scan3A_17) -> (i32)  : i32 {
        %mul3A_26 = arith.constant 16 : i32
        %mul3A_27 = arith.muli %scan3A_24, %mul3A_26 : i32
        %swap3A = arith.index_cast %scan3A_15 : i32 to index
        %swap3A_28 = arith.index_cast %mul3A_27 : i32 to index
        %swap3A_29 = tpu.vector_load %arg18[%swap3A, %swap3A_28] {strides = array<i32>} : memref<264x256xf32, #tpu.memory_space<vmem>>, vector<16xf32>,
        tpu.vector_store %arg18[%swap3A, %swap3A_28], %broadcast_in_dim3A_1 {strides = array<i32>} : memref<264x256xf32, #tpu.memory_space<vmem>>, vector<16xf32>,
        %scan3A_30 = arith.constant 0 : i32
        scf.yield %scan3A_30 : i32
      }
      %scan3A_23 = arith.constant 16 : i32
      scf.yield %scan3A_22 : i32
    }
    %scan3A_7 = arith.constant 264 : i32
    %scan3A_8 = arith.constant 0 : i32
    %scan3A_9 = arith.constant 0 : i32
    %scan3A_10 = arith.constant 7 : i32
    %scan3A_11 = arith.addi %scan3A_9, %scan3A_10 : i32
    %scan3A_12 = arith.constant 1 : i32
    %scan3A_13 = scf.for %scan3A_15 = %scan3A_9 to %scan3A_11 step %scan3A_12 iter_args(%scan3A_16 = %scan3A_8) -> (i32)  : i32 {
      %eq3A = arith.constant 0 : i32
      %eq3A_17 = arith.cmpi eq, %arg0, %eq3A : i32
      %add3A_18 = arith.constant 7 : i32
      %add3A_19 = arith.addi %add3A_18, %scan3A_15 : i32
      %select_n3A = arith.select %eq3A_17, %scan3A_15, %add3A_19 : i32
      %lt3A = arith.constant 13 : i32
      %lt3A_20 = arith.cmpi slt, %select_n3A, %lt3A : i32
      %mul3A_21 = arith.constant 4096 : i32
      %mul3A_22 = arith.muli %select_n3A, %mul3A_21 : i32
      %convert_element_type3A = arith.extui %lt3A_20 : i1 to i32
      %cond3A = arith.constant 0 : i32
      %cond3A_23 = arith.cmpi ne, %convert_element_type3A, %cond3A : i32
      scf.if %cond3A_23 {
        %scan3A_29 = arith.constant 0 : i32
        %scan3A_30 = arith.constant 0 : i32
        %scan3A_31 = arith.constant 25 : i32
        %scan3A_32 = arith.addi %scan3A_30, %scan3A_31 : i32
        %scan3A_33 = arith.constant 1 : i32
        %scan3A_34 = scf.for %scan3A_51 = %scan3A_30 to %scan3A_32 step %scan3A_33 iter_args(%scan3A_52 = %scan3A_29) -> (i32)  : i32 {
          %mul3A_53 = arith.constant 100000 : i32
          %mul3A_54 = arith.muli %arg1, %mul3A_53 : i32
          %mul3A_55 = arith.constant 4000 : i32
          %mul3A_56 = arith.muli %scan3A_51, %mul3A_55 : i32
          %add3A_57 = arith.addi %mul3A_54, %mul3A_56 : i32
          "tpu.region"() ({
            %run_scoped3A = tpu.sem_alloc : memref<!tpu.dma_semaphore, #tpu.memory_space<semaphore_mem>>
            %dma_start3A = tpu.memref_slice %arg3[%add3A_57] : memref<1600000xi32, #tpu.memory_space<hbm>> -> memref<4000xi32, #tpu.memory_space<hbm>>
            %dma_start3A_64 = tpu.memref_slice %arg3[%add3A_57] : memref<1600000xi32, #tpu.memory_space<hbm>> -> memref<4000xi32, #tpu.memory_space<hbm>>
            tpu.enqueue_dma source(%dma_start3A_64 : memref<4000xi32, #tpu.memory_space<hbm>>) target(%arg8 : memref<4000xi32, #tpu.memory_space<vmem>>) target_semaphore(%run_scoped3A : memref<!tpu.dma_semaphore, #tpu.memory_space<semaphore_mem>>)
            %dma_wait3A = tpu.memref_slice %arg3[%add3A_57] : memref<1600000xi32, #tpu.memory_space<hbm>> -> memref<4000xi32, #tpu.memory_space<hbm>>
            %dma_wait3A_65 = tpu.memref_slice %arg3[%add3A_57] : memref<1600000xi32, #tpu.memory_space<hbm>> -> memref<4000xi32, #tpu.memory_space<hbm>>
            tpu.wait_dma2 semaphore(%run_scoped3A : memref<!tpu.dma_semaphore, #tpu.memory_space<semaphore_mem>>) src(%dma_wait3A_65 : memref<4000xi32, #tpu.memory_space<hbm>>) dst(%arg8 : memref<4000xi32, #tpu.memory_space<vmem>>)
            tpu.yield
          }) : () -> ()
          "tpu.region"() ({
            %run_scoped3A = tpu.sem_alloc : memref<!tpu.dma_semaphore, #tpu.memory_space<semaphore_mem>>
            %dma_start3A = tpu.memref_slice %arg4[%add3A_57] : memref<1600000xi32, #tpu.memory_space<hbm>> -> memref<4000xi32, #tpu.memory_space<hbm>>
            %dma_start3A_64 = tpu.memref_slice %arg4[%add3A_57] : memref<1600000xi32, #tpu.memory_space<hbm>> -> memref<4000xi32, #tpu.memory_space<hbm>>
            tpu.enqueue_dma source(%dma_start3A_64 : memref<4000xi32, #tpu.memory_space<hbm>>) target(%arg9 : memref<4000xi32, #tpu.memory_space<vmem>>) target_semaphore(%run_scoped3A : memref<!tpu.dma_semaphore, #tpu.memory_space<semaphore_mem>>)
            %dma_wait3A = tpu.memref_slice %arg4[%add3A_57] : memref<1600000xi32, #tpu.memory_space<hbm>> -> memref<4000xi32, #tpu.memory_space<hbm>>
            %dma_wait3A_65 = tpu.memref_slice %arg4[%add3A_57] : memref<1600000xi32, #tpu.memory_space<hbm>> -> memref<4000xi32, #tpu.memory_space<hbm>>
            tpu.wait_dma2 semaphore(%run_scoped3A : memref<!tpu.dma_semaphore, #tpu.memory_space<semaphore_mem>>) src(%dma_wait3A_65 : memref<4000xi32, #tpu.memory_space<hbm>>) dst(%arg9 : memref<4000xi32, #tpu.memory_space<vmem>>)
            tpu.yield
          }) : () -> ()
          %scan3A_58 = arith.constant 0 : i32
          %scan3A_59 = arith.constant 250 : i32
          %scan3A_60 = arith.addi %scan3A_58, %scan3A_59 : i32
          %scan3A_61 = arith.constant 1 : i32
          %scan3A_62 = scf.for %scan3A_64 = %scan3A_58 to %scan3A_60 step %scan3A_61 iter_args(%scan3A_65 = %scan3A_52) -> (i32)  : i32 {
            %mul3A_66 = arith.constant 16 : i32
            %mul3A_67 = arith.muli %scan3A_64, %mul3A_66 : i32
            %get3A = arith.index_cast %mul3A_67 : i32 to index
            %get3A_68 = tpu.vector_load %arg9[%get3A] {strides = array<i32>} : memref<4000xi32, #tpu.memory_space<vmem>>, vector<16xi32>,
            %mul3A_69 = arith.constant 16 : i32
            %mul3A_70 = arith.muli %scan3A_64, %mul3A_69 : i32
            %get3A_71 = arith.index_cast %mul3A_70 : i32 to index
            %get3A_72 = tpu.vector_load %arg8[%get3A_71] {strides = array<i32>} : memref<4000xi32, #tpu.memory_space<vmem>>, vector<16xi32>,
            %sub3A = vector.broadcast %mul3A_22 : i32 to vector<16xi32>
            %sub3A_73 = arith.subi %get3A_68, %sub3A : vector<16xi32>
            %ge3A = arith.constant 0 : i32
            %ge3A_74 = vector.broadcast %ge3A : i32 to vector<16xi32>
            %ge3A_75 = arith.cmpi sge, %sub3A_73, %ge3A_74 : vector<16xi32>
            %lt3A_76 = arith.constant 4096 : i32
            %lt3A_77 = vector.broadcast %lt3A_76 : i32 to vector<16xi32>
            %lt3A_78 = arith.cmpi slt, %sub3A_73, %lt3A_77 : vector<16xi32>
            %and3A = arith.andi %ge3A_75, %lt3A_78 : vector<16xi1>
            %convert_element_type3A_79 = arith.extui %and3A : vector<16xi1> to vector<16xi32>
            %broadcast_in_dim3A_80 = arith.constant true
            %broadcast_in_dim3A_81 = vector.broadcast %broadcast_in_dim3A_80 : i1 to vector<16xi1>
            %masked_cumsum3A = tpu.scan <sum>, %convert_element_type3A_79 masked %broadcast_in_dim3A_81 : vector<16xi32>, vector<16xi1> -> vector<16xi32>
            %and3A_82 = arith.constant 2047 : i32
            %and3A_83 = arith.andi %scan3A_65, %and3A_82 : i32
            %add3A_84 = vector.broadcast %and3A_83 : i32 to vector<16xi32>
            %add3A_85 = arith.addi %add3A_84, %masked_cumsum3A : vector<16xi32>
            %sub3A_86 = arith.constant 1 : i32
            %sub3A_87 = vector.broadcast %sub3A_86 : i32 to vector<16xi32>
            %sub3A_88 = arith.subi %add3A_85, %sub3A_87 : vector<16xi32>
            %shift_left3A = arith.constant 13 : i32
            %shift_left3A_89 = vector.broadcast %shift_left3A : i32 to vector<16xi32>
            %shift_left3A_90 = arith.shli %get3A_72, %shift_left3A_89 : vector<16xi32>
            %or3A = arith.ori %shift_left3A_90, %sub3A_73 : vector<16xi32>
            tpu.vector_store_idx %arg10[%sub3A_88], %or3A masked %and3A : memref<2064xi32, #tpu.memory_space<vmem>>[vector<16xi32>], vector<16xi32>, vector<16xi1>
            %convert_element_type3A_91 = arith.extui %and3A : vector<16xi1> to vector<16xi32>
            %reduce_sum3A = arith.constant true
            %reduce_sum3A_92 = vector.broadcast %reduce_sum3A : i1 to vector<16xi1>
            %reduce_sum3A_93 = tpu.scan <sum>, %convert_element_type3A_91 masked %reduce_sum3A_92 : vector<16xi32>, vector<16xi1> -> vector<16xi32>
            %reduce_sum3A_94 = vector.extract %reduce_sum3A_93[15] : i32 from vector<16xi32>
            %add3A_95 = arith.addi %scan3A_65, %reduce_sum3A_94 : i32
            %shift_right_arithmetic3A_96 = arith.constant 11 : i32
            %shift_right_arithmetic3A_97 = arith.shrsi %add3A_95, %shift_right_arithmetic3A_96 : i32
            %shift_right_arithmetic3A_98 = arith.constant 11 : i32
            %shift_right_arithmetic3A_99 = arith.shrsi %scan3A_65, %shift_right_arithmetic3A_98 : i32
            %gt3A = arith.cmpi sgt, %shift_right_arithmetic3A_97, %shift_right_arithmetic3A_99 : i32
            %convert_element_type3A_100 = arith.extui %gt3A : i1 to i32
            %cond3A_101 = arith.constant 0 : i32
            %cond3A_102 = arith.cmpi ne, %convert_element_type3A_100, %cond3A_101 : i32
            scf.if %cond3A_102 {
              %mul3A_103 = arith.constant 104192 : i32
              %mul3A_104 = arith.muli %add3A, %mul3A_103 : i32
              %shift_right_arithmetic3A_105 = arith.constant 11 : i32
              %shift_right_arithmetic3A_106 = arith.shrsi %scan3A_65, %shift_right_arithmetic3A_105 : i32
              %mul3A_107 = arith.constant 2048 : i32
              %mul3A_108 = arith.muli %shift_right_arithmetic3A_106, %mul3A_107 : i32
              %add3A_109 = arith.addi %mul3A_104, %mul3A_108 : i32
              "tpu.region"() ({
                %run_scoped3A = tpu.sem_alloc : memref<!tpu.dma_semaphore, #tpu.memory_space<semaphore_mem>>
                %dma_start3A = arith.constant 0 : i32
                %dma_start3A_114 = tpu.memref_slice %arg10[%dma_start3A] : memref<2064xi32, #tpu.memory_space<vmem>> -> memref<2048xi32, #tpu.memory_space<vmem>>
                %dma_start3A_115 = tpu.memref_slice %arg6[%add3A_109] : memref<3334144xi32, #tpu.memory_space<hbm>> -> memref<2048xi32, #tpu.memory_space<hbm>>
                %dma_start3A_116 = tpu.memref_slice %arg6[%add3A_109] : memref<3334144xi32, #tpu.memory_space<hbm>> -> memref<2048xi32, #tpu.memory_space<hbm>>
                %dma_start3A_117 = arith.constant 0 : i32
                %dma_start3A_118 = tpu.memref_slice %arg10[%dma_start3A_117] : memref<2064xi32, #tpu.memory_space<vmem>> -> memref<2048xi32, #tpu.memory_space<vmem>>
                tpu.enqueue_dma source(%dma_start3A_118 : memref<2048xi32, #tpu.memory_space<vmem>>) target(%dma_start3A_116 : memref<2048xi32, #tpu.memory_space<hbm>>) target_semaphore(%run_scoped3A : memref<!tpu.dma_semaphore, #tpu.memory_space<semaphore_mem>>)
                %dma_wait3A = arith.constant 0 : i32
                %dma_wait3A_119 = tpu.memref_slice %arg10[%dma_wait3A] : memref<2064xi32, #tpu.memory_space<vmem>> -> memref<2048xi32, #tpu.memory_space<vmem>>
                %dma_wait3A_120 = tpu.memref_slice %arg6[%add3A_109] : memref<3334144xi32, #tpu.memory_space<hbm>> -> memref<2048xi32, #tpu.memory_space<hbm>>
                %dma_wait3A_121 = tpu.memref_slice %arg6[%add3A_109] : memref<3334144xi32, #tpu.memory_space<hbm>> -> memref<2048xi32, #tpu.memory_space<hbm>>
                %dma_wait3A_122 = arith.constant 0 : i32
                %dma_wait3A_123 = tpu.memref_slice %arg10[%dma_wait3A_122] : memref<2064xi32, #tpu.memory_space<vmem>> -> memref<2048xi32, #tpu.memory_space<vmem>>
                tpu.wait_dma2 semaphore(%run_scoped3A : memref<!tpu.dma_semaphore, #tpu.memory_space<semaphore_mem>>) src(%dma_wait3A_123 : memref<2048xi32, #tpu.memory_space<vmem>>) dst(%dma_wait3A_121 : memref<2048xi32, #tpu.memory_space<hbm>>)
                tpu.yield
              }) : () -> ()
              %get3A_110 = arith.constant 2048 : index
              %get3A_111 = tpu.vector_load %arg10[%get3A_110] {strides = array<i32>} : memref<2064xi32, #tpu.memory_space<vmem>>, vector<16xi32>,
              %swap3A_112 = arith.constant 0 : index
              %swap3A_113 = tpu.vector_load %arg10[%swap3A_112] {strides = array<i32>} : memref<2064xi32, #tpu.memory_space<vmem>>, vector<16xi32>,
              tpu.vector_store %arg10[%swap3A_112], %get3A_111 {strides = array<i32>} : memref<2064xi32, #tpu.memory_space<vmem>>, vector<16xi32>,
            } else {
            }
            scf.yield %add3A_95 : i32
          }
          %scan3A_63 = arith.constant 250 : i32
          scf.yield %scan3A_62 : i32
        }
        %scan3A_35 = arith.constant 25 : i32
        %mul3A_36 = arith.constant 104192 : i32
        %mul3A_37 = arith.muli %add3A, %mul3A_36 : i32
        %shift_right_arithmetic3A = arith.constant 11 : i32
        %shift_right_arithmetic3A_38 = arith.shrsi %scan3A_34, %shift_right_arithmetic3A : i32
        %mul3A_39 = arith.constant 2048 : i32
        %mul3A_40 = arith.muli %shift_right_arithmetic3A_38, %mul3A_39 : i32
        %add3A_41 = arith.addi %mul3A_37, %mul3A_40 : i32
        "tpu.region"() ({
          %run_scoped3A = tpu.sem_alloc : memref<!tpu.dma_semaphore, #tpu.memory_space<semaphore_mem>>
          %dma_start3A = arith.constant 0 : i32
          %dma_start3A_51 = tpu.memref_slice %arg10[%dma_start3A] : memref<2064xi32, #tpu.memory_space<vmem>> -> memref<2048xi32, #tpu.memory_space<vmem>>
          %dma_start3A_52 = tpu.memref_slice %arg6[%add3A_41] : memref<3334144xi32, #tpu.memory_space<hbm>> -> memref<2048xi32, #tpu.memory_space<hbm>>
          %dma_start3A_53 = tpu.memref_slice %arg6[%add3A_41] : memref<3334144xi32, #tpu.memory_space<hbm>> -> memref<2048xi32, #tpu.memory_space<hbm>>
          %dma_start3A_54 = arith.constant 0 : i32
          %dma_start3A_55 = tpu.memref_slice %arg10[%dma_start3A_54] : memref<2064xi32, #tpu.memory_space<vmem>> -> memref<2048xi32, #tpu.memory_space<vmem>>
          tpu.enqueue_dma source(%dma_start3A_55 : memref<2048xi32, #tpu.memory_space<vmem>>) target(%dma_start3A_53 : memref<2048xi32, #tpu.memory_space<hbm>>) target_semaphore(%run_scoped3A : memref<!tpu.dma_semaphore, #tpu.memory_space<semaphore_mem>>)
          %dma_wait3A = arith.constant 0 : i32
          %dma_wait3A_56 = tpu.memref_slice %arg10[%dma_wait3A] : memref<2064xi32, #tpu.memory_space<vmem>> -> memref<2048xi32, #tpu.memory_space<vmem>>
          %dma_wait3A_57 = tpu.memref_slice %arg6[%add3A_41] : memref<3334144xi32, #tpu.memory_space<hbm>> -> memref<2048xi32, #tpu.memory_space<hbm>>
          %dma_wait3A_58 = tpu.memref_slice %arg6[%add3A_41] : memref<3334144xi32, #tpu.memory_space<hbm>> -> memref<2048xi32, #tpu.memory_space<hbm>>
          %dma_wait3A_59 = arith.constant 0 : i32
          %dma_wait3A_60 = tpu.memref_slice %arg10[%dma_wait3A_59] : memref<2064xi32, #tpu.memory_space<vmem>> -> memref<2048xi32, #tpu.memory_space<vmem>>
          tpu.wait_dma2 semaphore(%run_scoped3A : memref<!tpu.dma_semaphore, #tpu.memory_space<semaphore_mem>>) src(%dma_wait3A_60 : memref<2048xi32, #tpu.memory_space<vmem>>) dst(%dma_wait3A_58 : memref<2048xi32, #tpu.memory_space<hbm>>)
          tpu.yield
        }) : () -> ()
        %eq3A_42 = arith.constant 0 : i32
        %eq3A_43 = vector.broadcast %eq3A_42 : i32 to vector<16xi32>
        %eq3A_44 = arith.cmpi eq, %iota3A, %eq3A_43 : vector<16xi32>
        %jit3A = arith.constant 0 : i32
        %broadcast_in_dim3A_45 = vector.broadcast %scan3A_34 : i32 to vector<16xi32>
        %broadcast_in_dim3A_46 = vector.broadcast %jit3A : i32 to vector<16xi32>
        %select_n3A_47 = arith.select %eq3A_44, %broadcast_in_dim3A_45, %broadcast_in_dim3A_46 : vector<16xi1>, vector<16xi32>
        %swap3A = arith.constant 0 : index
        %swap3A_48 = tpu.vector_load %arg16[%swap3A] {strides = array<i32>} : memref<16xi32, #tpu.memory_space<vmem>>, vector<16xi32>,
        tpu.vector_store %arg16[%swap3A], %select_n3A_47 {strides = array<i32>} : memref<16xi32, #tpu.memory_space<vmem>>, vector<16xi32>,
        %mul3A_49 = arith.constant 16 : i32
        %mul3A_50 = arith.muli %add3A, %mul3A_49 : i32
        "tpu.region"() ({
          %run_scoped3A = tpu.sem_alloc : memref<!tpu.dma_semaphore, #tpu.memory_space<semaphore_mem>>
          %dma_start3A = tpu.memref_slice %arg7[%mul3A_50] : memref<512xi32, #tpu.memory_space<hbm>> -> memref<16xi32, #tpu.memory_space<hbm>>
          %dma_start3A_51 = tpu.memref_slice %arg7[%mul3A_50] : memref<512xi32, #tpu.memory_space<hbm>> -> memref<16xi32, #tpu.memory_space<hbm>>
          tpu.enqueue_dma source(%arg16 : memref<16xi32, #tpu.memory_space<vmem>>) target(%dma_start3A_51 : memref<16xi32, #tpu.memory_space<hbm>>) target_semaphore(%run_scoped3A : memref<!tpu.dma_semaphore, #tpu.memory_space<semaphore_mem>>)
          %dma_wait3A = tpu.memref_slice %arg7[%mul3A_50] : memref<512xi32, #tpu.memory_space<hbm>> -> memref<16xi32, #tpu.memory_space<hbm>>
          %dma_wait3A_52 = tpu.memref_slice %arg7[%mul3A_50] : memref<512xi32, #tpu.memory_space<hbm>> -> memref<16xi32, #tpu.memory_space<hbm>>
          tpu.wait_dma2 semaphore(%run_scoped3A : memref<!tpu.dma_semaphore, #tpu.memory_space<semaphore_mem>>) src(%arg16 : memref<16xi32, #tpu.memory_space<vmem>>) dst(%dma_wait3A_52 : memref<16xi32, #tpu.memory_space<hbm>>)
          tpu.yield
        }) : () -> ()
      } else {
      }
      %barrier3A = arith.constant 0 : index
      tpu.barrier barrier_id(%barrier3A)
      %convert_element_type3A_24 = arith.extui %lt3A_20 : i1 to i32
      %cond3A_25 = arith.constant 0 : i32
      %cond3A_26 = arith.cmpi ne, %convert_element_type3A_24, %cond3A_25 : i32
      scf.if %cond3A_26 {
        %mul3A_29 = arith.constant 16 : i32
        %mul3A_30 = arith.muli %arg0, %mul3A_29 : i32
        %mul3A_31 = arith.constant 16 : i32
        %mul3A_32 = arith.muli %mul3A_30, %mul3A_31 : i32
        "tpu.region"() ({
          %run_scoped3A = tpu.sem_alloc : memref<!tpu.dma_semaphore, #tpu.memory_space<semaphore_mem>>
          %dma_start3A = tpu.memref_slice %arg7[%mul3A_32] : memref<512xi32, #tpu.memory_space<hbm>> -> memref<256xi32, #tpu.memory_space<hbm>>
          %dma_start3A_54 = tpu.memref_slice %arg7[%mul3A_32] : memref<512xi32, #tpu.memory_space<hbm>> -> memref<256xi32, #tpu.memory_space<hbm>>
          tpu.enqueue_dma source(%dma_start3A_54 : memref<256xi32, #tpu.memory_space<hbm>>) target(%arg17 : memref<256xi32, #tpu.memory_space<vmem>>) target_semaphore(%run_scoped3A : memref<!tpu.dma_semaphore, #tpu.memory_space<semaphore_mem>>)
          %dma_wait3A = tpu.memref_slice %arg7[%mul3A_32] : memref<512xi32, #tpu.memory_space<hbm>> -> memref<256xi32, #tpu.memory_space<hbm>>
          %dma_wait3A_55 = tpu.memref_slice %arg7[%mul3A_32] : memref<512xi32, #tpu.memory_space<hbm>> -> memref<256xi32, #tpu.memory_space<hbm>>
          tpu.wait_dma2 semaphore(%run_scoped3A : memref<!tpu.dma_semaphore, #tpu.memory_space<semaphore_mem>>) src(%dma_wait3A_55 : memref<256xi32, #tpu.memory_space<hbm>>) dst(%arg17 : memref<256xi32, #tpu.memory_space<vmem>>)
          tpu.yield
        }) : () -> ()
        %scan3A_33 = arith.constant 0 : i32
        %scan3A_34 = arith.constant 0 : i32
        %scan3A_35 = arith.constant 16 : i32
        %scan3A_36 = arith.addi %scan3A_34, %scan3A_35 : i32
        %scan3A_37 = arith.constant 1 : i32
        %scan3A_38 = scf.for %scan3A_54 = %scan3A_34 to %scan3A_36 step %scan3A_37 iter_args(%scan3A_55 = %scan3A_33) -> (i32)  : i32 {
          %mul3A_56 = arith.constant 16 : i32
          %mul3A_57 = arith.muli %scan3A_54, %mul3A_56 : i32
          %get3A = arith.index_cast %mul3A_57 : i32 to index
          %get3A_58 = tpu.vector_load %arg17[%get3A] {strides = array<i32>} : memref<256xi32, #tpu.memory_space<vmem>>, vector<16xi32>,
          %eq3A_59 = arith.constant 0 : i32
          %eq3A_60 = vector.broadcast %eq3A_59 : i32 to vector<16xi32>
          %eq3A_61 = arith.cmpi eq, %iota3A, %eq3A_60 : vector<16xi32>
          %jit3A = arith.constant 0 : i32
          %broadcast_in_dim3A_62 = vector.broadcast %jit3A : i32 to vector<16xi32>
          %select_n3A_63 = arith.select %eq3A_61, %get3A_58, %broadcast_in_dim3A_62 : vector<16xi1>, vector<16xi32>
          %reduce_sum3A = arith.constant true
          %reduce_sum3A_64 = vector.broadcast %reduce_sum3A : i1 to vector<16xi1>
          %reduce_sum3A_65 = tpu.scan <sum>, %select_n3A_63 masked %reduce_sum3A_64 : vector<16xi32>, vector<16xi1> -> vector<16xi32>
          %reduce_sum3A_66 = vector.extract %reduce_sum3A_65[15] : i32 from vector<16xi32>
          %add3A_67 = arith.constant 2048 : i32
          %add3A_68 = arith.addi %reduce_sum3A_66, %add3A_67 : i32
          %sub3A = arith.constant 1 : i32
          %sub3A_69 = arith.subi %add3A_68, %sub3A : i32
          %shift_right_arithmetic3A = arith.constant 11 : i32
          %shift_right_arithmetic3A_70 = arith.shrsi %sub3A_69, %shift_right_arithmetic3A : i32
          %while3A = arith.constant 0 : i32
          %while3A_71 = arith.subi %shift_right_arithmetic3A_70, %while3A : i32
          %while3A_72 = arith.addi %while3A, %while3A_71 : i32
          %while3A_73 = arith.constant 1 : i32
          %while3A_74 = arith.divsi %while3A_71, %while3A_73 : i32
          %while3A_75 = arith.muli %while3A_74, %while3A_73 : i32
          %while3A_76 = arith.addi %while3A, %while3A_75 : i32
          %while3A_77 = arith.constant 1 : i32
          %while3A_78 = scf.for %while3A_81 = %while3A to %while3A_76 step %while3A_77 iter_args(%while3A_82 = %scan3A_55) -> (i32)  : i32 {
            %mul3A_83 = arith.constant 16 : i32
            %mul3A_84 = arith.muli %arg0, %mul3A_83 : i32
            %add3A_85 = arith.addi %mul3A_84, %scan3A_54 : i32
            %mul3A_86 = arith.constant 104192 : i32
            %mul3A_87 = arith.muli %add3A_85, %mul3A_86 : i32
            %mul3A_88 = arith.constant 2048 : i32
            %mul3A_89 = arith.muli %while3A_81, %mul3A_88 : i32
            %add3A_90 = arith.addi %mul3A_87, %mul3A_89 : i32
            "tpu.region"() ({
              %run_scoped3A = tpu.sem_alloc : memref<!tpu.dma_semaphore, #tpu.memory_space<semaphore_mem>>
              %dma_start3A = tpu.memref_slice %arg6[%add3A_90] : memref<3334144xi32, #tpu.memory_space<hbm>> -> memref<2048xi32, #tpu.memory_space<hbm>>
              %dma_start3A_146 = tpu.memref_slice %arg6[%add3A_90] : memref<3334144xi32, #tpu.memory_space<hbm>> -> memref<2048xi32, #tpu.memory_space<hbm>>
              tpu.enqueue_dma source(%dma_start3A_146 : memref<2048xi32, #tpu.memory_space<hbm>>) target(%arg12 : memref<2048xi32, #tpu.memory_space<vmem>>) target_semaphore(%run_scoped3A : memref<!tpu.dma_semaphore, #tpu.memory_space<semaphore_mem>>)
              %dma_wait3A = tpu.memref_slice %arg6[%add3A_90] : memref<3334144xi32, #tpu.memory_space<hbm>> -> memref<2048xi32, #tpu.memory_space<hbm>>
              %dma_wait3A_147 = tpu.memref_slice %arg6[%add3A_90] : memref<3334144xi32, #tpu.memory_space<hbm>> -> memref<2048xi32, #tpu.memory_space<hbm>>
              tpu.wait_dma2 semaphore(%run_scoped3A : memref<!tpu.dma_semaphore, #tpu.memory_space<semaphore_mem>>) src(%dma_wait3A_147 : memref<2048xi32, #tpu.memory_space<hbm>>) dst(%arg12 : memref<2048xi32, #tpu.memory_space<vmem>>)
              tpu.yield
            }) : () -> ()
            %mul3A_91 = arith.constant 2048 : i32
            %mul3A_92 = arith.muli %while3A_81, %mul3A_91 : i32
            %sub3A_93 = arith.subi %reduce_sum3A_66, %mul3A_92 : i32
            %scan3A_94 = arith.constant 0 : i32
            %scan3A_95 = arith.constant 128 : i32
            %scan3A_96 = arith.addi %scan3A_94, %scan3A_95 : i32
            %scan3A_97 = arith.constant 1 : i32
            %scan3A_98 = scf.for %scan3A_146 = %scan3A_94 to %scan3A_96 step %scan3A_97 iter_args(%scan3A_147 = %while3A_82) -> (i32)  : i32 {
              %mul3A_148 = arith.constant 16 : i32
              %mul3A_149 = arith.muli %scan3A_146, %mul3A_148 : i32
              %get3A_150 = arith.index_cast %mul3A_149 : i32 to index
              %get3A_151 = tpu.vector_load %arg12[%get3A_150] {strides = array<i32>} : memref<2048xi32, #tpu.memory_space<vmem>>, vector<16xi32>,
              %and3A_152 = arith.constant 8191 : i32
              %and3A_153 = vector.broadcast %and3A_152 : i32 to vector<16xi32>
              %and3A_154 = arith.andi %get3A_151, %and3A_153 : vector<16xi32>
              %shift_right_arithmetic3A_155 = arith.constant 8 : i32
              %shift_right_arithmetic3A_156 = vector.broadcast %shift_right_arithmetic3A_155 : i32 to vector<16xi32>
              %shift_right_arithmetic3A_157 = arith.shrsi %and3A_154, %shift_right_arithmetic3A_156 : vector<16xi32>
              %eq3A_158 = vector.broadcast %arg1 : i32 to vector<16xi32>
              %eq3A_159 = arith.cmpi eq, %shift_right_arithmetic3A_157, %eq3A_158 : vector<16xi32>
              %mul3A_160 = arith.constant 16 : i32
              %mul3A_161 = arith.muli %scan3A_146, %mul3A_160 : i32
              %sub3A_162 = arith.subi %sub3A_93, %mul3A_161 : i32
              %lt3A_163 = vector.broadcast %sub3A_162 : i32 to vector<16xi32>
              %lt3A_164 = arith.cmpi slt, %iota3A, %lt3A_163 : vector<16xi32>
              %and3A_165 = arith.andi %eq3A_159, %lt3A_164 : vector<16xi1>
              %convert_element_type3A_166 = arith.extui %and3A_165 : vector<16xi1> to vector<16xi32>
              %broadcast_in_dim3A_167 = arith.constant true
              %broadcast_in_dim3A_168 = vector.broadcast %broadcast_in_dim3A_167 : i1 to vector<16xi1>
              %masked_cumsum3A = tpu.scan <sum>, %convert_element_type3A_166 masked %broadcast_in_dim3A_168 : vector<16xi32>, vector<16xi1> -> vector<16xi32>
              %add3A_169 = vector.broadcast %scan3A_147 : i32 to vector<16xi32>
              %add3A_170 = arith.addi %add3A_169, %masked_cumsum3A : vector<16xi32>
              %sub3A_171 = arith.constant 1 : i32
              %sub3A_172 = vector.broadcast %sub3A_171 : i32 to vector<16xi32>
              %sub3A_173 = arith.subi %add3A_170, %sub3A_172 : vector<16xi32>
              %not3A = arith.constant 8191 : i32
              %not3A_174 = arith.constant -1 : i32
              %not3A_175 = arith.xori %not3A, %not3A_174 : i32
              %and3A_176 = vector.broadcast %not3A_175 : i32 to vector<16xi32>
              %and3A_177 = arith.andi %get3A_151, %and3A_176 : vector<16xi32>
              %and3A_178 = arith.constant 255 : i32
              %and3A_179 = vector.broadcast %and3A_178 : i32 to vector<16xi32>
              %and3A_180 = arith.andi %and3A_154, %and3A_179 : vector<16xi32>
              %or3A = arith.ori %and3A_177, %and3A_180 : vector<16xi32>
              tpu.vector_store_idx %arg11[%sub3A_173], %or3A masked %and3A_165 : memref<2128xi32, #tpu.memory_space<vmem>>[vector<16xi32>], vector<16xi32>, vector<16xi1>
              %convert_element_type3A_181 = arith.extui %and3A_165 : vector<16xi1> to vector<16xi32>
              %reduce_sum3A_182 = arith.constant true
              %reduce_sum3A_183 = vector.broadcast %reduce_sum3A_182 : i1 to vector<16xi1>
              %reduce_sum3A_184 = tpu.scan <sum>, %convert_element_type3A_181 masked %reduce_sum3A_183 : vector<16xi32>, vector<16xi1> -> vector<16xi32>
              %reduce_sum3A_185 = vector.extract %reduce_sum3A_184[15] : i32 from vector<16xi32>
              %add3A_186 = arith.addi %scan3A_147, %reduce_sum3A_185 : i32
              scf.yield %add3A_186 : i32
            }
            %scan3A_99 = arith.constant 128 : i32
            %shift_right_arithmetic3A_100 = arith.constant 6 : i32
            %shift_right_arithmetic3A_101 = arith.shrsi %scan3A_98, %shift_right_arithmetic3A_100 : i32
            %while3A_102 = arith.constant 0 : i32
            %while3A_103 = arith.constant 0 : i32
            %while3A_104 = arith.subi %shift_right_arithmetic3A_101, %while3A_102 : i32
            %while3A_105 = arith.addi %while3A_102, %while3A_104 : i32
            %while3A_106 = arith.constant 1 : i32
            %while3A_107 = arith.divsi %while3A_104, %while3A_106 : i32
            %while3A_108 = arith.muli %while3A_107, %while3A_106 : i32
            %while3A_109 = arith.addi %while3A_102, %while3A_108 : i32
            %while3A_110 = arith.constant 1 : i32
            %while3A_111 = scf.for %while3A_146 = %while3A_102 to %while3A_109 step %while3A_110 iter_args(%while3A_147 = %while3A_103) -> (i32)  : i32 {
              %mul3A_148 = arith.constant 64 : i32
              %mul3A_149 = arith.muli %while3A_146, %mul3A_148 : i32
              %add3A_150 = arith.constant 0 : i32
              %add3A_151 = arith.addi %mul3A_149, %add3A_150 : i32
              %get3A_152 = arith.index_cast %add3A_151 : i32 to index
              %get3A_153 = tpu.vector_load %arg11[%get3A_152] {strides = array<i32>} : memref<2128xi32, #tpu.memory_space<vmem>>, vector<16xi32>,
              %shift_right_arithmetic3A_154 = arith.constant 13 : i32
              %shift_right_arithmetic3A_155 = vector.broadcast %shift_right_arithmetic3A_154 : i32 to vector<16xi32>
              %shift_right_arithmetic3A_156 = arith.shrsi %get3A_153, %shift_right_arithmetic3A_155 : vector<16xi32>
              %swap3A_157 = arith.constant 0 : index
              %swap3A_158 = tpu.vector_load %arg13[%swap3A_157] {strides = array<i32>} : memref<64xi32, #tpu.memory_space<vmem>>, vector<16xi32>,
              tpu.vector_store %arg13[%swap3A_157], %shift_right_arithmetic3A_156 {strides = array<i32>} : memref<64xi32, #tpu.memory_space<vmem>>, vector<16xi32>,
              %and3A_159 = arith.constant 511 : i32
              %and3A_160 = vector.broadcast %and3A_159 : i32 to vector<16xi32>
              %and3A_161 = arith.andi %get3A_153, %and3A_160 : vector<16xi32>
              %swap3A_162 = arith.constant 0 : index
              %swap3A_163 = tpu.vector_load %arg14[%swap3A_162] {strides = array<i32>} : memref<64xi32, #tpu.memory_space<vmem>>, vector<16xi32>,
              tpu.vector_store %arg14[%swap3A_162], %and3A_161 {strides = array<i32>} : memref<64xi32, #tpu.memory_space<vmem>>, vector<16xi32>,
              %mul3A_164 = arith.constant 64 : i32
              %mul3A_165 = arith.muli %while3A_146, %mul3A_164 : i32
              %add3A_166 = arith.constant 16 : i32
              %add3A_167 = arith.addi %mul3A_165, %add3A_166 : i32
              %get3A_168 = arith.index_cast %add3A_167 : i32 to index
              %get3A_169 = tpu.vector_load %arg11[%get3A_168] {strides = array<i32>} : memref<2128xi32, #tpu.memory_space<vmem>>, vector<16xi32>,
              %shift_right_arithmetic3A_170 = arith.constant 13 : i32
              %shift_right_arithmetic3A_171 = vector.broadcast %shift_right_arithmetic3A_170 : i32 to vector<16xi32>
              %shift_right_arithmetic3A_172 = arith.shrsi %get3A_169, %shift_right_arithmetic3A_171 : vector<16xi32>
              %swap3A_173 = arith.constant 16 : index
              %swap3A_174 = tpu.vector_load %arg13[%swap3A_173] {strides = array<i32>} : memref<64xi32, #tpu.memory_space<vmem>>, vector<16xi32>,
              tpu.vector_store %arg13[%swap3A_173], %shift_right_arithmetic3A_172 {strides = array<i32>} : memref<64xi32, #tpu.memory_space<vmem>>, vector<16xi32>,
              %and3A_175 = arith.constant 511 : i32
              %and3A_176 = vector.broadcast %and3A_175 : i32 to vector<16xi32>
              %and3A_177 = arith.andi %get3A_169, %and3A_176 : vector<16xi32>
              %swap3A_178 = arith.constant 16 : index
              %swap3A_179 = tpu.vector_load %arg14[%swap3A_178] {strides = array<i32>} : memref<64xi32, #tpu.memory_space<vmem>>, vector<16xi32>,
              tpu.vector_store %arg14[%swap3A_178], %and3A_177 {strides = array<i32>} : memref<64xi32, #tpu.memory_space<vmem>>, vector<16xi32>,
              %mul3A_180 = arith.constant 64 : i32
              %mul3A_181 = arith.muli %while3A_146, %mul3A_180 : i32
              %add3A_182 = arith.constant 32 : i32
              %add3A_183 = arith.addi %mul3A_181, %add3A_182 : i32
              %get3A_184 = arith.index_cast %add3A_183 : i32 to index
              %get3A_185 = tpu.vector_load %arg11[%get3A_184] {strides = array<i32>} : memref<2128xi32, #tpu.memory_space<vmem>>, vector<16xi32>,
              %shift_right_arithmetic3A_186 = arith.constant 13 : i32
              %shift_right_arithmetic3A_187 = vector.broadcast %shift_right_arithmetic3A_186 : i32 to vector<16xi32>
              %shift_right_arithmetic3A_188 = arith.shrsi %get3A_185, %shift_right_arithmetic3A_187 : vector<16xi32>
              %swap3A_189 = arith.constant 32 : index
              %swap3A_190 = tpu.vector_load %arg13[%swap3A_189] {strides = array<i32>} : memref<64xi32, #tpu.memory_space<vmem>>, vector<16xi32>,
              tpu.vector_store %arg13[%swap3A_189], %shift_right_arithmetic3A_188 {strides = array<i32>} : memref<64xi32, #tpu.memory_space<vmem>>, vector<16xi32>,
              %and3A_191 = arith.constant 511 : i32
              %and3A_192 = vector.broadcast %and3A_191 : i32 to vector<16xi32>
              %and3A_193 = arith.andi %get3A_185, %and3A_192 : vector<16xi32>
              %swap3A_194 = arith.constant 32 : index
              %swap3A_195 = tpu.vector_load %arg14[%swap3A_194] {strides = array<i32>} : memref<64xi32, #tpu.memory_space<vmem>>, vector<16xi32>,
              tpu.vector_store %arg14[%swap3A_194], %and3A_193 {strides = array<i32>} : memref<64xi32, #tpu.memory_space<vmem>>, vector<16xi32>,
              %mul3A_196 = arith.constant 64 : i32
              %mul3A_197 = arith.muli %while3A_146, %mul3A_196 : i32
              %add3A_198 = arith.constant 48 : i32
              %add3A_199 = arith.addi %mul3A_197, %add3A_198 : i32
              %get3A_200 = arith.index_cast %add3A_199 : i32 to index
              %get3A_201 = tpu.vector_load %arg11[%get3A_200] {strides = array<i32>} : memref<2128xi32, #tpu.memory_space<vmem>>, vector<16xi32>,
              %shift_right_arithmetic3A_202 = arith.constant 13 : i32
              %shift_right_arithmetic3A_203 = vector.broadcast %shift_right_arithmetic3A_202 : i32 to vector<16xi32>
              %shift_right_arithmetic3A_204 = arith.shrsi %get3A_201, %shift_right_arithmetic3A_203 : vector<16xi32>
              %swap3A_205 = arith.constant 48 : index
              %swap3A_206 = tpu.vector_load %arg13[%swap3A_205] {strides = array<i32>} : memref<64xi32, #tpu.memory_space<vmem>>, vector<16xi32>,
              tpu.vector_store %arg13[%swap3A_205], %shift_right_arithmetic3A_204 {strides = array<i32>} : memref<64xi32, #tpu.memory_space<vmem>>, vector<16xi32>,
              %and3A_207 = arith.constant 511 : i32
              %and3A_208 = vector.broadcast %and3A_207 : i32 to vector<16xi32>
              %and3A_209 = arith.andi %get3A_201, %and3A_208 : vector<16xi32>
              %swap3A_210 = arith.constant 48 : index
              %swap3A_211 = tpu.vector_load %arg14[%swap3A_210] {strides = array<i32>} : memref<64xi32, #tpu.memory_space<vmem>>, vector<16xi32>,
              tpu.vector_store %arg14[%swap3A_210], %and3A_209 {strides = array<i32>} : memref<64xi32, #tpu.memory_space<vmem>>, vector<16xi32>,
              %dma_start3A = arith.constant 0 : i32
              %dma_start3A_212 = arith.constant 0 : i32
              %dma_start3A_213 = tpu.memref_slice %arg2[%dma_start3A, %dma_start3A_212] : memref<53248x256xf32, #tpu.memory_space<hbm>> -> memref<53248x256xf32, #tpu.memory_space<hbm>>
              tpu.enqueue_indirect_dma source(%dma_start3A_213 : memref<53248x256xf32, #tpu.memory_space<hbm>>) target(%arg15 : memref<64x256xf32, #tpu.memory_space<vmem>>) offsets(%arg13 : memref<64xi32, #tpu.memory_space<vmem>>) semaphore(%arg19 : memref<!tpu.dma_semaphore, #tpu.memory_space<semaphore_mem>>)
              %dma_wait3A = arith.constant 0 : i32
              %dma_wait3A_214 = arith.constant 0 : i32
              %dma_wait3A_215 = tpu.memref_slice %arg2[%dma_wait3A, %dma_wait3A_214] : memref<53248x256xf32, #tpu.memory_space<hbm>> -> memref<53248x256xf32, #tpu.memory_space<hbm>>
              tpu.wait_indirect_dma semaphore(%arg19 : memref<!tpu.dma_semaphore, #tpu.memory_space<semaphore_mem>>) src(%dma_wait3A_215 : memref<53248x256xf32, #tpu.memory_space<hbm>>) dst(%arg15 : memref<64x256xf32, #tpu.memory_space<vmem>>)
              %scan3A_216 = arith.constant 0 : i32
              %scan3A_217 = arith.constant 0 : i32
              %scan3A_218 = arith.constant 64 : i32
              %scan3A_219 = arith.addi %scan3A_217, %scan3A_218 : i32
              %scan3A_220 = arith.constant 1 : i32
              %scan3A_221 = scf.for %scan3A_224 = %scan3A_217 to %scan3A_219 step %scan3A_220 iter_args(%scan3A_225 = %scan3A_216) -> (i32)  : i32 {
                %shift_right_arithmetic3A_226 = arith.constant 4 : i32
                %shift_right_arithmetic3A_227 = arith.shrsi %scan3A_224, %shift_right_arithmetic3A_226 : i32
                %mul3A_228 = arith.constant 16 : i32
                %mul3A_229 = arith.muli %shift_right_arithmetic3A_227, %mul3A_228 : i32
                %get3A_230 = arith.index_cast %mul3A_229 : i32 to index
                %get3A_231 = tpu.vector_load %arg14[%get3A_230] {strides = array<i32>} : memref<64xi32, #tpu.memory_space<vmem>>, vector<16xi32>,
                %and3A_232 = arith.constant 15 : i32
                %and3A_233 = arith.andi %scan3A_224, %and3A_232 : i32
                %eq3A_234 = vector.broadcast %and3A_233 : i32 to vector<16xi32>
                %eq3A_235 = arith.cmpi eq, %iota3A, %eq3A_234 : vector<16xi32>
                %jit3A_236 = arith.constant 0 : i32
                %broadcast_in_dim3A_237 = vector.broadcast %jit3A_236 : i32 to vector<16xi32>
                %select_n3A_238 = arith.select %eq3A_235, %get3A_231, %broadcast_in_dim3A_237 : vector<16xi1>, vector<16xi32>
                %reduce_sum3A_239 = arith.constant true
                %reduce_sum3A_240 = vector.broadcast %reduce_sum3A_239 : i1 to vector<16xi1>
                %reduce_sum3A_241 = tpu.scan <sum>, %select_n3A_238 masked %reduce_sum3A_240 : vector<16xi32>, vector<16xi1> -> vector<16xi32>
                %reduce_sum3A_242 = vector.extract %reduce_sum3A_241[15] : i32 from vector<16xi32>
                %get3A_243 = arith.index_cast %scan3A_224 : i32 to index
                %get3A_244 = arith.constant 0 : index
                %get3A_245 = tpu.vector_load %arg15[%get3A_243, %get3A_244] {strides = array<i32>} : memref<64x256xf32, #tpu.memory_space<vmem>>, vector<16xf32>,
                %swap3A_246 = arith.index_cast %reduce_sum3A_242 : i32 to index
                %swap3A_247 = arith.constant 0 : index
                %swap3A_248 = tpu.vector_load %arg18[%swap3A_246, %swap3A_247] {strides = array<i32>} : memref<264x256xf32, #tpu.memory_space<vmem>>, vector<16xf32>,
                tpu.vector_store %arg18[%swap3A_246, %swap3A_247], %get3A_245 {add = true, strides = array<i32>} : memref<264x256xf32, #tpu.memory_space<vmem>>, vector<16xf32>,
                %get3A_249 = arith.index_cast %scan3A_224 : i32 to index
                %get3A_250 = arith.constant 16 : index
                %get3A_251 = tpu.vector_load %arg15[%get3A_249, %get3A_250] {strides = array<i32>} : memref<64x256xf32, #tpu.memory_space<vmem>>, vector<16xf32>,
                %swap3A_252 = arith.index_cast %reduce_sum3A_242 : i32 to index
                %swap3A_253 = arith.constant 16 : index
                %swap3A_254 = tpu.vector_load %arg18[%swap3A_252, %swap3A_253] {strides = array<i32>} : memref<264x256xf32, #tpu.memory_space<vmem>>, vector<16xf32>,
                tpu.vector_store %arg18[%swap3A_252, %swap3A_253], %get3A_251 {add = true, strides = array<i32>} : memref<264x256xf32, #tpu.memory_space<vmem>>, vector<16xf32>,
                %get3A_255 = arith.index_cast %scan3A_224 : i32 to index
                %get3A_256 = arith.constant 32 : index
                %get3A_257 = tpu.vector_load %arg15[%get3A_255, %get3A_256] {strides = array<i32>} : memref<64x256xf32, #tpu.memory_space<vmem>>, vector<16xf32>,
                %swap3A_258 = arith.index_cast %reduce_sum3A_242 : i32 to index
                %swap3A_259 = arith.constant 32 : index
                %swap3A_260 = tpu.vector_load %arg18[%swap3A_258, %swap3A_259] {strides = array<i32>} : memref<264x256xf32, #tpu.memory_space<vmem>>, vector<16xf32>,
                tpu.vector_store %arg18[%swap3A_258, %swap3A_259], %get3A_257 {add = true, strides = array<i32>} : memref<264x256xf32, #tpu.memory_space<vmem>>, vector<16xf32>,
                %get3A_261 = arith.index_cast %scan3A_224 : i32 to index
                %get3A_262 = arith.constant 48 : index
                %get3A_263 = tpu.vector_load %arg15[%get3A_261, %get3A_262] {strides = array<i32>} : memref<64x256xf32, #tpu.memory_space<vmem>>, vector<16xf32>,
                %swap3A_264 = arith.index_cast %reduce_sum3A_242 : i32 to index
                %swap3A_265 = arith.constant 48 : index
                %swap3A_266 = tpu.vector_load %arg18[%swap3A_264, %swap3A_265] {strides = array<i32>} : memref<264x256xf32, #tpu.memory_space<vmem>>, vector<16xf32>,
                tpu.vector_store %arg18[%swap3A_264, %swap3A_265], %get3A_263 {add = true, strides = array<i32>} : memref<264x256xf32, #tpu.memory_space<vmem>>, vector<16xf32>,
                %get3A_267 = arith.index_cast %scan3A_224 : i32 to index
                %get3A_268 = arith.constant 64 : index
                %get3A_269 = tpu.vector_load %arg15[%get3A_267, %get3A_268] {strides = array<i32>} : memref<64x256xf32, #tpu.memory_space<vmem>>, vector<16xf32>,
                %swap3A_270 = arith.index_cast %reduce_sum3A_242 : i32 to index
                %swap3A_271 = arith.constant 64 : index
                %swap3A_272 = tpu.vector_load %arg18[%swap3A_270, %swap3A_271] {strides = array<i32>} : memref<264x256xf32, #tpu.memory_space<vmem>>, vector<16xf32>,
                tpu.vector_store %arg18[%swap3A_270, %swap3A_271], %get3A_269 {add = true, strides = array<i32>} : memref<264x256xf32, #tpu.memory_space<vmem>>, vector<16xf32>,
                %get3A_273 = arith.index_cast %scan3A_224 : i32 to index
                %get3A_274 = arith.constant 80 : index
                %get3A_275 = tpu.vector_load %arg15[%get3A_273, %get3A_274] {strides = array<i32>} : memref<64x256xf32, #tpu.memory_space<vmem>>, vector<16xf32>,
                %swap3A_276 = arith.index_cast %reduce_sum3A_242 : i32 to index
                %swap3A_277 = arith.constant 80 : index
                %swap3A_278 = tpu.vector_load %arg18[%swap3A_276, %swap3A_277] {strides = array<i32>} : memref<264x256xf32, #tpu.memory_space<vmem>>, vector<16xf32>,
                tpu.vector_store %arg18[%swap3A_276, %swap3A_277], %get3A_275 {add = true, strides = array<i32>} : memref<264x256xf32, #tpu.memory_space<vmem>>, vector<16xf32>,
                %get3A_279 = arith.index_cast %scan3A_224 : i32 to index
                %get3A_280 = arith.constant 96 : index
                %get3A_281 = tpu.vector_load %arg15[%get3A_279, %get3A_280] {strides = array<i32>} : memref<64x256xf32, #tpu.memory_space<vmem>>, vector<16xf32>,
                %swap3A_282 = arith.index_cast %reduce_sum3A_242 : i32 to index
                %swap3A_283 = arith.constant 96 : index
                %swap3A_284 = tpu.vector_load %arg18[%swap3A_282, %swap3A_283] {strides = array<i32>} : memref<264x256xf32, #tpu.memory_space<vmem>>, vector<16xf32>,
                tpu.vector_store %arg18[%swap3A_282, %swap3A_283], %get3A_281 {add = true, strides = array<i32>} : memref<264x256xf32, #tpu.memory_space<vmem>>, vector<16xf32>,
                %get3A_285 = arith.index_cast %scan3A_224 : i32 to index
                %get3A_286 = arith.constant 112 : index
                %get3A_287 = tpu.vector_load %arg15[%get3A_285, %get3A_286] {strides = array<i32>} : memref<64x256xf32, #tpu.memory_space<vmem>>, vector<16xf32>,
                %swap3A_288 = arith.index_cast %reduce_sum3A_242 : i32 to index
                %swap3A_289 = arith.constant 112 : index
                %swap3A_290 = tpu.vector_load %arg18[%swap3A_288, %swap3A_289] {strides = array<i32>} : memref<264x256xf32, #tpu.memory_space<vmem>>, vector<16xf32>,
                tpu.vector_store %arg18[%swap3A_288, %swap3A_289], %get3A_287 {add = true, strides = array<i32>} : memref<264x256xf32, #tpu.memory_space<vmem>>, vector<16xf32>,
                %get3A_291 = arith.index_cast %scan3A_224 : i32 to index
                %get3A_292 = arith.constant 128 : index
                %get3A_293 = tpu.vector_load %arg15[%get3A_291, %get3A_292] {strides = array<i32>} : memref<64x256xf32, #tpu.memory_space<vmem>>, vector<16xf32>,
                %swap3A_294 = arith.index_cast %reduce_sum3A_242 : i32 to index
                %swap3A_295 = arith.constant 128 : index
                %swap3A_296 = tpu.vector_load %arg18[%swap3A_294, %swap3A_295] {strides = array<i32>} : memref<264x256xf32, #tpu.memory_space<vmem>>, vector<16xf32>,
                tpu.vector_store %arg18[%swap3A_294, %swap3A_295], %get3A_293 {add = true, strides = array<i32>} : memref<264x256xf32, #tpu.memory_space<vmem>>, vector<16xf32>,
                %get3A_297 = arith.index_cast %scan3A_224 : i32 to index
                %get3A_298 = arith.constant 144 : index
                %get3A_299 = tpu.vector_load %arg15[%get3A_297, %get3A_298] {strides = array<i32>} : memref<64x256xf32, #tpu.memory_space<vmem>>, vector<16xf32>,
                %swap3A_300 = arith.index_cast %reduce_sum3A_242 : i32 to index
                %swap3A_301 = arith.constant 144 : index
                %swap3A_302 = tpu.vector_load %arg18[%swap3A_300, %swap3A_301] {strides = array<i32>} : memref<264x256xf32, #tpu.memory_space<vmem>>, vector<16xf32>,
                tpu.vector_store %arg18[%swap3A_300, %swap3A_301], %get3A_299 {add = true, strides = array<i32>} : memref<264x256xf32, #tpu.memory_space<vmem>>, vector<16xf32>,
                %get3A_303 = arith.index_cast %scan3A_224 : i32 to index
                %get3A_304 = arith.constant 160 : index
                %get3A_305 = tpu.vector_load %arg15[%get3A_303, %get3A_304] {strides = array<i32>} : memref<64x256xf32, #tpu.memory_space<vmem>>, vector<16xf32>,
                %swap3A_306 = arith.index_cast %reduce_sum3A_242 : i32 to index
                %swap3A_307 = arith.constant 160 : index
                %swap3A_308 = tpu.vector_load %arg18[%swap3A_306, %swap3A_307] {strides = array<i32>} : memref<264x256xf32, #tpu.memory_space<vmem>>, vector<16xf32>,
                tpu.vector_store %arg18[%swap3A_306, %swap3A_307], %get3A_305 {add = true, strides = array<i32>} : memref<264x256xf32, #tpu.memory_space<vmem>>, vector<16xf32>,
                %get3A_309 = arith.index_cast %scan3A_224 : i32 to index
                %get3A_310 = arith.constant 176 : index
                %get3A_311 = tpu.vector_load %arg15[%get3A_309, %get3A_310] {strides = array<i32>} : memref<64x256xf32, #tpu.memory_space<vmem>>, vector<16xf32>,
                %swap3A_312 = arith.index_cast %reduce_sum3A_242 : i32 to index
                %swap3A_313 = arith.constant 176 : index
                %swap3A_314 = tpu.vector_load %arg18[%swap3A_312, %swap3A_313] {strides = array<i32>} : memref<264x256xf32, #tpu.memory_space<vmem>>, vector<16xf32>,
                tpu.vector_store %arg18[%swap3A_312, %swap3A_313], %get3A_311 {add = true, strides = array<i32>} : memref<264x256xf32, #tpu.memory_space<vmem>>, vector<16xf32>,
                %get3A_315 = arith.index_cast %scan3A_224 : i32 to index
                %get3A_316 = arith.constant 192 : index
                %get3A_317 = tpu.vector_load %arg15[%get3A_315, %get3A_316] {strides = array<i32>} : memref<64x256xf32, #tpu.memory_space<vmem>>, vector<16xf32>,
                %swap3A_318 = arith.index_cast %reduce_sum3A_242 : i32 to index
                %swap3A_319 = arith.constant 192 : index
                %swap3A_320 = tpu.vector_load %arg18[%swap3A_318, %swap3A_319] {strides = array<i32>} : memref<264x256xf32, #tpu.memory_space<vmem>>, vector<16xf32>,
                tpu.vector_store %arg18[%swap3A_318, %swap3A_319], %get3A_317 {add = true, strides = array<i32>} : memref<264x256xf32, #tpu.memory_space<vmem>>, vector<16xf32>,
                %get3A_321 = arith.index_cast %scan3A_224 : i32 to index
                %get3A_322 = arith.constant 208 : index
                %get3A_323 = tpu.vector_load %arg15[%get3A_321, %get3A_322] {strides = array<i32>} : memref<64x256xf32, #tpu.memory_space<vmem>>, vector<16xf32>,
                %swap3A_324 = arith.index_cast %reduce_sum3A_242 : i32 to index
                %swap3A_325 = arith.constant 208 : index
                %swap3A_326 = tpu.vector_load %arg18[%swap3A_324, %swap3A_325] {strides = array<i32>} : memref<264x256xf32, #tpu.memory_space<vmem>>, vector<16xf32>,
                tpu.vector_store %arg18[%swap3A_324, %swap3A_325], %get3A_323 {add = true, strides = array<i32>} : memref<264x256xf32, #tpu.memory_space<vmem>>, vector<16xf32>,
                %get3A_327 = arith.index_cast %scan3A_224 : i32 to index
                %get3A_328 = arith.constant 224 : index
                %get3A_329 = tpu.vector_load %arg15[%get3A_327, %get3A_328] {strides = array<i32>} : memref<64x256xf32, #tpu.memory_space<vmem>>, vector<16xf32>,
                %swap3A_330 = arith.index_cast %reduce_sum3A_242 : i32 to index
                %swap3A_331 = arith.constant 224 : index
                %swap3A_332 = tpu.vector_load %arg18[%swap3A_330, %swap3A_331] {strides = array<i32>} : memref<264x256xf32, #tpu.memory_space<vmem>>, vector<16xf32>,
                tpu.vector_store %arg18[%swap3A_330, %swap3A_331], %get3A_329 {add = true, strides = array<i32>} : memref<264x256xf32, #tpu.memory_space<vmem>>, vector<16xf32>,
                %get3A_333 = arith.index_cast %scan3A_224 : i32 to index
                %get3A_334 = arith.constant 240 : index
                %get3A_335 = tpu.vector_load %arg15[%get3A_333, %get3A_334] {strides = array<i32>} : memref<64x256xf32, #tpu.memory_space<vmem>>, vector<16xf32>,
                %swap3A_336 = arith.index_cast %reduce_sum3A_242 : i32 to index
                %swap3A_337 = arith.constant 240 : index
                %swap3A_338 = tpu.vector_load %arg18[%swap3A_336, %swap3A_337] {strides = array<i32>} : memref<264x256xf32, #tpu.memory_space<vmem>>, vector<16xf32>,
                tpu.vector_store %arg18[%swap3A_336, %swap3A_337], %get3A_335 {add = true, strides = array<i32>} : memref<264x256xf32, #tpu.memory_space<vmem>>, vector<16xf32>,
                %scan3A_339 = arith.constant 0 : i32
                scf.yield %scan3A_339 : i32
              }
              %scan3A_222 = arith.constant 64 : i32
              %while3A_223 = arith.constant 0 : i32
              scf.yield %while3A_223 : i32
            }
            %while3A_112 = arith.constant 1 : i32
            %while3A_113 = scf.for %while3A_146 = %while3A_109 to %while3A_105 step %while3A_112 iter_args(%while3A_147 = %while3A_111) -> (i32)  : i32 {
              %mul3A_148 = arith.constant 64 : i32
              %mul3A_149 = arith.muli %while3A_146, %mul3A_148 : i32
              %add3A_150 = arith.constant 0 : i32
              %add3A_151 = arith.addi %mul3A_149, %add3A_150 : i32
              %get3A_152 = arith.index_cast %add3A_151 : i32 to index
              %get3A_153 = tpu.vector_load %arg11[%get3A_152] {strides = array<i32>} : memref<2128xi32, #tpu.memory_space<vmem>>, vector<16xi32>,
              %shift_right_arithmetic3A_154 = arith.constant 13 : i32
              %shift_right_arithmetic3A_155 = vector.broadcast %shift_right_arithmetic3A_154 : i32 to vector<16xi32>
              %shift_right_arithmetic3A_156 = arith.shrsi %get3A_153, %shift_right_arithmetic3A_155 : vector<16xi32>
              %swap3A_157 = arith.constant 0 : index
              %swap3A_158 = tpu.vector_load %arg13[%swap3A_157] {strides = array<i32>} : memref<64xi32, #tpu.memory_space<vmem>>, vector<16xi32>,
              tpu.vector_store %arg13[%swap3A_157], %shift_right_arithmetic3A_156 {strides = array<i32>} : memref<64xi32, #tpu.memory_space<vmem>>, vector<16xi32>,
              %and3A_159 = arith.constant 511 : i32
              %and3A_160 = vector.broadcast %and3A_159 : i32 to vector<16xi32>
              %and3A_161 = arith.andi %get3A_153, %and3A_160 : vector<16xi32>
              %swap3A_162 = arith.constant 0 : index
              %swap3A_163 = tpu.vector_load %arg14[%swap3A_162] {strides = array<i32>} : memref<64xi32, #tpu.memory_space<vmem>>, vector<16xi32>,
              tpu.vector_store %arg14[%swap3A_162], %and3A_161 {strides = array<i32>} : memref<64xi32, #tpu.memory_space<vmem>>, vector<16xi32>,
              %mul3A_164 = arith.constant 64 : i32
              %mul3A_165 = arith.muli %while3A_146, %mul3A_164 : i32
              %add3A_166 = arith.constant 16 : i32
              %add3A_167 = arith.addi %mul3A_165, %add3A_166 : i32
              %get3A_168 = arith.index_cast %add3A_167 : i32 to index
              %get3A_169 = tpu.vector_load %arg11[%get3A_168] {strides = array<i32>} : memref<2128xi32, #tpu.memory_space<vmem>>, vector<16xi32>,
              %shift_right_arithmetic3A_170 = arith.constant 13 : i32
              %shift_right_arithmetic3A_171 = vector.broadcast %shift_right_arithmetic3A_170 : i32 to vector<16xi32>
              %shift_right_arithmetic3A_172 = arith.shrsi %get3A_169, %shift_right_arithmetic3A_171 : vector<16xi32>
              %swap3A_173 = arith.constant 16 : index
              %swap3A_174 = tpu.vector_load %arg13[%swap3A_173] {strides = array<i32>} : memref<64xi32, #tpu.memory_space<vmem>>, vector<16xi32>,
              tpu.vector_store %arg13[%swap3A_173], %shift_right_arithmetic3A_172 {strides = array<i32>} : memref<64xi32, #tpu.memory_space<vmem>>, vector<16xi32>,
              %and3A_175 = arith.constant 511 : i32
              %and3A_176 = vector.broadcast %and3A_175 : i32 to vector<16xi32>
              %and3A_177 = arith.andi %get3A_169, %and3A_176 : vector<16xi32>
              %swap3A_178 = arith.constant 16 : index
              %swap3A_179 = tpu.vector_load %arg14[%swap3A_178] {strides = array<i32>} : memref<64xi32, #tpu.memory_space<vmem>>, vector<16xi32>,
              tpu.vector_store %arg14[%swap3A_178], %and3A_177 {strides = array<i32>} : memref<64xi32, #tpu.memory_space<vmem>>, vector<16xi32>,
              %mul3A_180 = arith.constant 64 : i32
              %mul3A_181 = arith.muli %while3A_146, %mul3A_180 : i32
              %add3A_182 = arith.constant 32 : i32
              %add3A_183 = arith.addi %mul3A_181, %add3A_182 : i32
              %get3A_184 = arith.index_cast %add3A_183 : i32 to index
              %get3A_185 = tpu.vector_load %arg11[%get3A_184] {strides = array<i32>} : memref<2128xi32, #tpu.memory_space<vmem>>, vector<16xi32>,
              %shift_right_arithmetic3A_186 = arith.constant 13 : i32
              %shift_right_arithmetic3A_187 = vector.broadcast %shift_right_arithmetic3A_186 : i32 to vector<16xi32>
              %shift_right_arithmetic3A_188 = arith.shrsi %get3A_185, %shift_right_arithmetic3A_187 : vector<16xi32>
              %swap3A_189 = arith.constant 32 : index
              %swap3A_190 = tpu.vector_load %arg13[%swap3A_189] {strides = array<i32>} : memref<64xi32, #tpu.memory_space<vmem>>, vector<16xi32>,
              tpu.vector_store %arg13[%swap3A_189], %shift_right_arithmetic3A_188 {strides = array<i32>} : memref<64xi32, #tpu.memory_space<vmem>>, vector<16xi32>,
              %and3A_191 = arith.constant 511 : i32
              %and3A_192 = vector.broadcast %and3A_191 : i32 to vector<16xi32>
              %and3A_193 = arith.andi %get3A_185, %and3A_192 : vector<16xi32>
              %swap3A_194 = arith.constant 32 : index
              %swap3A_195 = tpu.vector_load %arg14[%swap3A_194] {strides = array<i32>} : memref<64xi32, #tpu.memory_space<vmem>>, vector<16xi32>,
              tpu.vector_store %arg14[%swap3A_194], %and3A_193 {strides = array<i32>} : memref<64xi32, #tpu.memory_space<vmem>>, vector<16xi32>,
              %mul3A_196 = arith.constant 64 : i32
              %mul3A_197 = arith.muli %while3A_146, %mul3A_196 : i32
              %add3A_198 = arith.constant 48 : i32
              %add3A_199 = arith.addi %mul3A_197, %add3A_198 : i32
              %get3A_200 = arith.index_cast %add3A_199 : i32 to index
              %get3A_201 = tpu.vector_load %arg11[%get3A_200] {strides = array<i32>} : memref<2128xi32, #tpu.memory_space<vmem>>, vector<16xi32>,
              %shift_right_arithmetic3A_202 = arith.constant 13 : i32
              %shift_right_arithmetic3A_203 = vector.broadcast %shift_right_arithmetic3A_202 : i32 to vector<16xi32>
              %shift_right_arithmetic3A_204 = arith.shrsi %get3A_201, %shift_right_arithmetic3A_203 : vector<16xi32>
              %swap3A_205 = arith.constant 48 : index
              %swap3A_206 = tpu.vector_load %arg13[%swap3A_205] {strides = array<i32>} : memref<64xi32, #tpu.memory_space<vmem>>, vector<16xi32>,
              tpu.vector_store %arg13[%swap3A_205], %shift_right_arithmetic3A_204 {strides = array<i32>} : memref<64xi32, #tpu.memory_space<vmem>>, vector<16xi32>,
              %and3A_207 = arith.constant 511 : i32
              %and3A_208 = vector.broadcast %and3A_207 : i32 to vector<16xi32>
              %and3A_209 = arith.andi %get3A_201, %and3A_208 : vector<16xi32>
              %swap3A_210 = arith.constant 48 : index
              %swap3A_211 = tpu.vector_load %arg14[%swap3A_210] {strides = array<i32>} : memref<64xi32, #tpu.memory_space<vmem>>, vector<16xi32>,
              tpu.vector_store %arg14[%swap3A_210], %and3A_209 {strides = array<i32>} : memref<64xi32, #tpu.memory_space<vmem>>, vector<16xi32>,
              %dma_start3A = arith.constant 0 : i32
              %dma_start3A_212 = arith.constant 0 : i32
              %dma_start3A_213 = tpu.memref_slice %arg2[%dma_start3A, %dma_start3A_212] : memref<53248x256xf32, #tpu.memory_space<hbm>> -> memref<53248x256xf32, #tpu.memory_space<hbm>>
              tpu.enqueue_indirect_dma source(%dma_start3A_213 : memref<53248x256xf32, #tpu.memory_space<hbm>>) target(%arg15 : memref<64x256xf32, #tpu.memory_space<vmem>>) offsets(%arg13 : memref<64xi32, #tpu.memory_space<vmem>>) semaphore(%arg19 : memref<!tpu.dma_semaphore, #tpu.memory_space<semaphore_mem>>)
              %dma_wait3A = arith.constant 0 : i32
              %dma_wait3A_214 = arith.constant 0 : i32
              %dma_wait3A_215 = tpu.memref_slice %arg2[%dma_wait3A, %dma_wait3A_214] : memref<53248x256xf32, #tpu.memory_space<hbm>> -> memref<53248x256xf32, #tpu.memory_space<hbm>>
              tpu.wait_indirect_dma semaphore(%arg19 : memref<!tpu.dma_semaphore, #tpu.memory_space<semaphore_mem>>) src(%dma_wait3A_215 : memref<53248x256xf32, #tpu.memory_space<hbm>>) dst(%arg15 : memref<64x256xf32, #tpu.memory_space<vmem>>)
              %scan3A_216 = arith.constant 0 : i32
              %scan3A_217 = arith.constant 0 : i32
              %scan3A_218 = arith.constant 64 : i32
              %scan3A_219 = arith.addi %scan3A_217, %scan3A_218 : i32
              %scan3A_220 = arith.constant 1 : i32
              %scan3A_221 = scf.for %scan3A_224 = %scan3A_217 to %scan3A_219 step %scan3A_220 iter_args(%scan3A_225 = %scan3A_216) -> (i32)  : i32 {
                %shift_right_arithmetic3A_226 = arith.constant 4 : i32
                %shift_right_arithmetic3A_227 = arith.shrsi %scan3A_224, %shift_right_arithmetic3A_226 : i32
                %mul3A_228 = arith.constant 16 : i32
                %mul3A_229 = arith.muli %shift_right_arithmetic3A_227, %mul3A_228 : i32
                %get3A_230 = arith.index_cast %mul3A_229 : i32 to index
                %get3A_231 = tpu.vector_load %arg14[%get3A_230] {strides = array<i32>} : memref<64xi32, #tpu.memory_space<vmem>>, vector<16xi32>,
                %and3A_232 = arith.constant 15 : i32
                %and3A_233 = arith.andi %scan3A_224, %and3A_232 : i32
                %eq3A_234 = vector.broadcast %and3A_233 : i32 to vector<16xi32>
                %eq3A_235 = arith.cmpi eq, %iota3A, %eq3A_234 : vector<16xi32>
                %jit3A_236 = arith.constant 0 : i32
                %broadcast_in_dim3A_237 = vector.broadcast %jit3A_236 : i32 to vector<16xi32>
                %select_n3A_238 = arith.select %eq3A_235, %get3A_231, %broadcast_in_dim3A_237 : vector<16xi1>, vector<16xi32>
                %reduce_sum3A_239 = arith.constant true
                %reduce_sum3A_240 = vector.broadcast %reduce_sum3A_239 : i1 to vector<16xi1>
                %reduce_sum3A_241 = tpu.scan <sum>, %select_n3A_238 masked %reduce_sum3A_240 : vector<16xi32>, vector<16xi1> -> vector<16xi32>
                %reduce_sum3A_242 = vector.extract %reduce_sum3A_241[15] : i32 from vector<16xi32>
                %get3A_243 = arith.index_cast %scan3A_224 : i32 to index
                %get3A_244 = arith.constant 0 : index
                %get3A_245 = tpu.vector_load %arg15[%get3A_243, %get3A_244] {strides = array<i32>} : memref<64x256xf32, #tpu.memory_space<vmem>>, vector<16xf32>,
                %swap3A_246 = arith.index_cast %reduce_sum3A_242 : i32 to index
                %swap3A_247 = arith.constant 0 : index
                %swap3A_248 = tpu.vector_load %arg18[%swap3A_246, %swap3A_247] {strides = array<i32>} : memref<264x256xf32, #tpu.memory_space<vmem>>, vector<16xf32>,
                tpu.vector_store %arg18[%swap3A_246, %swap3A_247], %get3A_245 {add = true, strides = array<i32>} : memref<264x256xf32, #tpu.memory_space<vmem>>, vector<16xf32>,
                %get3A_249 = arith.index_cast %scan3A_224 : i32 to index
                %get3A_250 = arith.constant 16 : index
                %get3A_251 = tpu.vector_load %arg15[%get3A_249, %get3A_250] {strides = array<i32>} : memref<64x256xf32, #tpu.memory_space<vmem>>, vector<16xf32>,
                %swap3A_252 = arith.index_cast %reduce_sum3A_242 : i32 to index
                %swap3A_253 = arith.constant 16 : index
                %swap3A_254 = tpu.vector_load %arg18[%swap3A_252, %swap3A_253] {strides = array<i32>} : memref<264x256xf32, #tpu.memory_space<vmem>>, vector<16xf32>,
                tpu.vector_store %arg18[%swap3A_252, %swap3A_253], %get3A_251 {add = true, strides = array<i32>} : memref<264x256xf32, #tpu.memory_space<vmem>>, vector<16xf32>,
                %get3A_255 = arith.index_cast %scan3A_224 : i32 to index
                %get3A_256 = arith.constant 32 : index
                %get3A_257 = tpu.vector_load %arg15[%get3A_255, %get3A_256] {strides = array<i32>} : memref<64x256xf32, #tpu.memory_space<vmem>>, vector<16xf32>,
                %swap3A_258 = arith.index_cast %reduce_sum3A_242 : i32 to index
                %swap3A_259 = arith.constant 32 : index
                %swap3A_260 = tpu.vector_load %arg18[%swap3A_258, %swap3A_259] {strides = array<i32>} : memref<264x256xf32, #tpu.memory_space<vmem>>, vector<16xf32>,
                tpu.vector_store %arg18[%swap3A_258, %swap3A_259], %get3A_257 {add = true, strides = array<i32>} : memref<264x256xf32, #tpu.memory_space<vmem>>, vector<16xf32>,
                %get3A_261 = arith.index_cast %scan3A_224 : i32 to index
                %get3A_262 = arith.constant 48 : index
                %get3A_263 = tpu.vector_load %arg15[%get3A_261, %get3A_262] {strides = array<i32>} : memref<64x256xf32, #tpu.memory_space<vmem>>, vector<16xf32>,
                %swap3A_264 = arith.index_cast %reduce_sum3A_242 : i32 to index
                %swap3A_265 = arith.constant 48 : index
                %swap3A_266 = tpu.vector_load %arg18[%swap3A_264, %swap3A_265] {strides = array<i32>} : memref<264x256xf32, #tpu.memory_space<vmem>>, vector<16xf32>,
                tpu.vector_store %arg18[%swap3A_264, %swap3A_265], %get3A_263 {add = true, strides = array<i32>} : memref<264x256xf32, #tpu.memory_space<vmem>>, vector<16xf32>,
                %get3A_267 = arith.index_cast %scan3A_224 : i32 to index
                %get3A_268 = arith.constant 64 : index
                %get3A_269 = tpu.vector_load %arg15[%get3A_267, %get3A_268] {strides = array<i32>} : memref<64x256xf32, #tpu.memory_space<vmem>>, vector<16xf32>,
                %swap3A_270 = arith.index_cast %reduce_sum3A_242 : i32 to index
                %swap3A_271 = arith.constant 64 : index
                %swap3A_272 = tpu.vector_load %arg18[%swap3A_270, %swap3A_271] {strides = array<i32>} : memref<264x256xf32, #tpu.memory_space<vmem>>, vector<16xf32>,
                tpu.vector_store %arg18[%swap3A_270, %swap3A_271], %get3A_269 {add = true, strides = array<i32>} : memref<264x256xf32, #tpu.memory_space<vmem>>, vector<16xf32>,
                %get3A_273 = arith.index_cast %scan3A_224 : i32 to index
                %get3A_274 = arith.constant 80 : index
                %get3A_275 = tpu.vector_load %arg15[%get3A_273, %get3A_274] {strides = array<i32>} : memref<64x256xf32, #tpu.memory_space<vmem>>, vector<16xf32>,
                %swap3A_276 = arith.index_cast %reduce_sum3A_242 : i32 to index
                %swap3A_277 = arith.constant 80 : index
                %swap3A_278 = tpu.vector_load %arg18[%swap3A_276, %swap3A_277] {strides = array<i32>} : memref<264x256xf32, #tpu.memory_space<vmem>>, vector<16xf32>,
                tpu.vector_store %arg18[%swap3A_276, %swap3A_277], %get3A_275 {add = true, strides = array<i32>} : memref<264x256xf32, #tpu.memory_space<vmem>>, vector<16xf32>,
                %get3A_279 = arith.index_cast %scan3A_224 : i32 to index
                %get3A_280 = arith.constant 96 : index
                %get3A_281 = tpu.vector_load %arg15[%get3A_279, %get3A_280] {strides = array<i32>} : memref<64x256xf32, #tpu.memory_space<vmem>>, vector<16xf32>,
                %swap3A_282 = arith.index_cast %reduce_sum3A_242 : i32 to index
                %swap3A_283 = arith.constant 96 : index
                %swap3A_284 = tpu.vector_load %arg18[%swap3A_282, %swap3A_283] {strides = array<i32>} : memref<264x256xf32, #tpu.memory_space<vmem>>, vector<16xf32>,
                tpu.vector_store %arg18[%swap3A_282, %swap3A_283], %get3A_281 {add = true, strides = array<i32>} : memref<264x256xf32, #tpu.memory_space<vmem>>, vector<16xf32>,
                %get3A_285 = arith.index_cast %scan3A_224 : i32 to index
                %get3A_286 = arith.constant 112 : index
                %get3A_287 = tpu.vector_load %arg15[%get3A_285, %get3A_286] {strides = array<i32>} : memref<64x256xf32, #tpu.memory_space<vmem>>, vector<16xf32>,
                %swap3A_288 = arith.index_cast %reduce_sum3A_242 : i32 to index
                %swap3A_289 = arith.constant 112 : index
                %swap3A_290 = tpu.vector_load %arg18[%swap3A_288, %swap3A_289] {strides = array<i32>} : memref<264x256xf32, #tpu.memory_space<vmem>>, vector<16xf32>,
                tpu.vector_store %arg18[%swap3A_288, %swap3A_289], %get3A_287 {add = true, strides = array<i32>} : memref<264x256xf32, #tpu.memory_space<vmem>>, vector<16xf32>,
                %get3A_291 = arith.index_cast %scan3A_224 : i32 to index
                %get3A_292 = arith.constant 128 : index
                %get3A_293 = tpu.vector_load %arg15[%get3A_291, %get3A_292] {strides = array<i32>} : memref<64x256xf32, #tpu.memory_space<vmem>>, vector<16xf32>,
                %swap3A_294 = arith.index_cast %reduce_sum3A_242 : i32 to index
                %swap3A_295 = arith.constant 128 : index
                %swap3A_296 = tpu.vector_load %arg18[%swap3A_294, %swap3A_295] {strides = array<i32>} : memref<264x256xf32, #tpu.memory_space<vmem>>, vector<16xf32>,
                tpu.vector_store %arg18[%swap3A_294, %swap3A_295], %get3A_293 {add = true, strides = array<i32>} : memref<264x256xf32, #tpu.memory_space<vmem>>, vector<16xf32>,
                %get3A_297 = arith.index_cast %scan3A_224 : i32 to index
                %get3A_298 = arith.constant 144 : index
                %get3A_299 = tpu.vector_load %arg15[%get3A_297, %get3A_298] {strides = array<i32>} : memref<64x256xf32, #tpu.memory_space<vmem>>, vector<16xf32>,
                %swap3A_300 = arith.index_cast %reduce_sum3A_242 : i32 to index
                %swap3A_301 = arith.constant 144 : index
                %swap3A_302 = tpu.vector_load %arg18[%swap3A_300, %swap3A_301] {strides = array<i32>} : memref<264x256xf32, #tpu.memory_space<vmem>>, vector<16xf32>,
                tpu.vector_store %arg18[%swap3A_300, %swap3A_301], %get3A_299 {add = true, strides = array<i32>} : memref<264x256xf32, #tpu.memory_space<vmem>>, vector<16xf32>,
                %get3A_303 = arith.index_cast %scan3A_224 : i32 to index
                %get3A_304 = arith.constant 160 : index
                %get3A_305 = tpu.vector_load %arg15[%get3A_303, %get3A_304] {strides = array<i32>} : memref<64x256xf32, #tpu.memory_space<vmem>>, vector<16xf32>,
                %swap3A_306 = arith.index_cast %reduce_sum3A_242 : i32 to index
                %swap3A_307 = arith.constant 160 : index
                %swap3A_308 = tpu.vector_load %arg18[%swap3A_306, %swap3A_307] {strides = array<i32>} : memref<264x256xf32, #tpu.memory_space<vmem>>, vector<16xf32>,
                tpu.vector_store %arg18[%swap3A_306, %swap3A_307], %get3A_305 {add = true, strides = array<i32>} : memref<264x256xf32, #tpu.memory_space<vmem>>, vector<16xf32>,
                %get3A_309 = arith.index_cast %scan3A_224 : i32 to index
                %get3A_310 = arith.constant 176 : index
                %get3A_311 = tpu.vector_load %arg15[%get3A_309, %get3A_310] {strides = array<i32>} : memref<64x256xf32, #tpu.memory_space<vmem>>, vector<16xf32>,
                %swap3A_312 = arith.index_cast %reduce_sum3A_242 : i32 to index
                %swap3A_313 = arith.constant 176 : index
                %swap3A_314 = tpu.vector_load %arg18[%swap3A_312, %swap3A_313] {strides = array<i32>} : memref<264x256xf32, #tpu.memory_space<vmem>>, vector<16xf32>,
                tpu.vector_store %arg18[%swap3A_312, %swap3A_313], %get3A_311 {add = true, strides = array<i32>} : memref<264x256xf32, #tpu.memory_space<vmem>>, vector<16xf32>,
                %get3A_315 = arith.index_cast %scan3A_224 : i32 to index
                %get3A_316 = arith.constant 192 : index
                %get3A_317 = tpu.vector_load %arg15[%get3A_315, %get3A_316] {strides = array<i32>} : memref<64x256xf32, #tpu.memory_space<vmem>>, vector<16xf32>,
                %swap3A_318 = arith.index_cast %reduce_sum3A_242 : i32 to index
                %swap3A_319 = arith.constant 192 : index
                %swap3A_320 = tpu.vector_load %arg18[%swap3A_318, %swap3A_319] {strides = array<i32>} : memref<264x256xf32, #tpu.memory_space<vmem>>, vector<16xf32>,
                tpu.vector_store %arg18[%swap3A_318, %swap3A_319], %get3A_317 {add = true, strides = array<i32>} : memref<264x256xf32, #tpu.memory_space<vmem>>, vector<16xf32>,
                %get3A_321 = arith.index_cast %scan3A_224 : i32 to index
                %get3A_322 = arith.constant 208 : index
                %get3A_323 = tpu.vector_load %arg15[%get3A_321, %get3A_322] {strides = array<i32>} : memref<64x256xf32, #tpu.memory_space<vmem>>, vector<16xf32>,
                %swap3A_324 = arith.index_cast %reduce_sum3A_242 : i32 to index
                %swap3A_325 = arith.constant 208 : index
                %swap3A_326 = tpu.vector_load %arg18[%swap3A_324, %swap3A_325] {strides = array<i32>} : memref<264x256xf32, #tpu.memory_space<vmem>>, vector<16xf32>,
                tpu.vector_store %arg18[%swap3A_324, %swap3A_325], %get3A_323 {add = true, strides = array<i32>} : memref<264x256xf32, #tpu.memory_space<vmem>>, vector<16xf32>,
                %get3A_327 = arith.index_cast %scan3A_224 : i32 to index
                %get3A_328 = arith.constant 224 : index
                %get3A_329 = tpu.vector_load %arg15[%get3A_327, %get3A_328] {strides = array<i32>} : memref<64x256xf32, #tpu.memory_space<vmem>>, vector<16xf32>,
                %swap3A_330 = arith.index_cast %reduce_sum3A_242 : i32 to index
                %swap3A_331 = arith.constant 224 : index
                %swap3A_332 = tpu.vector_load %arg18[%swap3A_330, %swap3A_331] {strides = array<i32>} : memref<264x256xf32, #tpu.memory_space<vmem>>, vector<16xf32>,
                tpu.vector_store %arg18[%swap3A_330, %swap3A_331], %get3A_329 {add = true, strides = array<i32>} : memref<264x256xf32, #tpu.memory_space<vmem>>, vector<16xf32>,
                %get3A_333 = arith.index_cast %scan3A_224 : i32 to index
                %get3A_334 = arith.constant 240 : index
                %get3A_335 = tpu.vector_load %arg15[%get3A_333, %get3A_334] {strides = array<i32>} : memref<64x256xf32, #tpu.memory_space<vmem>>, vector<16xf32>,
                %swap3A_336 = arith.index_cast %reduce_sum3A_242 : i32 to index
                %swap3A_337 = arith.constant 240 : index
                %swap3A_338 = tpu.vector_load %arg18[%swap3A_336, %swap3A_337] {strides = array<i32>} : memref<264x256xf32, #tpu.memory_space<vmem>>, vector<16xf32>,
                tpu.vector_store %arg18[%swap3A_336, %swap3A_337], %get3A_335 {add = true, strides = array<i32>} : memref<264x256xf32, #tpu.memory_space<vmem>>, vector<16xf32>,
                %scan3A_339 = arith.constant 0 : i32
                scf.yield %scan3A_339 : i32
              }
              %scan3A_222 = arith.constant 64 : i32
              %while3A_223 = arith.constant 0 : i32
              scf.yield %while3A_223 : i32
            }
            %and3A = arith.constant 63 : i32
            %and3A_114 = arith.andi %scan3A_98, %and3A : i32
            %mul3A_115 = arith.constant 64 : i32
            %mul3A_116 = arith.muli %shift_right_arithmetic3A_101, %mul3A_115 : i32
            %add3A_117 = arith.constant 0 : i32
            %add3A_118 = arith.addi %mul3A_116, %add3A_117 : i32
            %get3A_119 = arith.index_cast %add3A_118 : i32 to index
            %get3A_120 = tpu.vector_load %arg11[%get3A_119] {strides = array<i32>} : memref<2128xi32, #tpu.memory_space<vmem>>, vector<16xi32>,
            %swap3A = arith.constant 0 : index
            %swap3A_121 = tpu.vector_load %arg11[%swap3A] {strides = array<i32>} : memref<2128xi32, #tpu.memory_space<vmem>>, vector<16xi32>,
            tpu.vector_store %arg11[%swap3A], %get3A_120 {strides = array<i32>} : memref<2128xi32, #tpu.memory_space<vmem>>, vector<16xi32>,
            %mul3A_122 = arith.constant 64 : i32
            %mul3A_123 = arith.muli %shift_right_arithmetic3A_101, %mul3A_122 : i32
            %add3A_124 = arith.constant 16 : i32
            %add3A_125 = arith.addi %mul3A_123, %add3A_124 : i32
            %get3A_126 = arith.index_cast %add3A_125 : i32 to index
            %get3A_127 = tpu.vector_load %arg11[%get3A_126] {strides = array<i32>} : memref<2128xi32, #tpu.memory_space<vmem>>, vector<16xi32>,
            %swap3A_128 = arith.constant 16 : index
            %swap3A_129 = tpu.vector_load %arg11[%swap3A_128] {strides = array<i32>} : memref<2128xi32, #tpu.memory_space<vmem>>, vector<16xi32>,
            tpu.vector_store %arg11[%swap3A_128], %get3A_127 {strides = array<i32>} : memref<2128xi32, #tpu.memory_space<vmem>>, vector<16xi32>,
            %mul3A_130 = arith.constant 64 : i32
            %mul3A_131 = arith.muli %shift_right_arithmetic3A_101, %mul3A_130 : i32
            %add3A_132 = arith.constant 32 : i32
            %add3A_133 = arith.addi %mul3A_131, %add3A_132 : i32
            %get3A_134 = arith.index_cast %add3A_133 : i32 to index
            %get3A_135 = tpu.vector_load %arg11[%get3A_134] {strides = array<i32>} : memref<2128xi32, #tpu.memory_space<vmem>>, vector<16xi32>,
            %swap3A_136 = arith.constant 32 : index
            %swap3A_137 = tpu.vector_load %arg11[%swap3A_136] {strides = array<i32>} : memref<2128xi32, #tpu.memory_space<vmem>>, vector<16xi32>,
            tpu.vector_store %arg11[%swap3A_136], %get3A_135 {strides = array<i32>} : memref<2128xi32, #tpu.memory_space<vmem>>, vector<16xi32>,
            %mul3A_138 = arith.constant 64 : i32
            %mul3A_139 = arith.muli %shift_right_arithmetic3A_101, %mul3A_138 : i32
            %add3A_140 = arith.constant 48 : i32
            %add3A_141 = arith.addi %mul3A_139, %add3A_140 : i32
            %get3A_142 = arith.index_cast %add3A_141 : i32 to index
            %get3A_143 = tpu.vector_load %arg11[%get3A_142] {strides = array<i32>} : memref<2128xi32, #tpu.memory_space<vmem>>, vector<16xi32>,
            %swap3A_144 = arith.constant 48 : index
            %swap3A_145 = tpu.vector_load %arg11[%swap3A_144] {strides = array<i32>} : memref<2128xi32, #tpu.memory_space<vmem>>, vector<16xi32>,
            tpu.vector_store %arg11[%swap3A_144], %get3A_143 {strides = array<i32>} : memref<2128xi32, #tpu.memory_space<vmem>>, vector<16xi32>,
            scf.yield %and3A_114 : i32
          }
          %while3A_79 = arith.constant 1 : i32
          %while3A_80 = scf.for %while3A_81 = %while3A_76 to %while3A_72 step %while3A_79 iter_args(%while3A_82 = %while3A_78) -> (i32)  : i32 {
            %mul3A_83 = arith.constant 16 : i32
            %mul3A_84 = arith.muli %arg0, %mul3A_83 : i32
            %add3A_85 = arith.addi %mul3A_84, %scan3A_54 : i32
            %mul3A_86 = arith.constant 104192 : i32
            %mul3A_87 = arith.muli %add3A_85, %mul3A_86 : i32
            %mul3A_88 = arith.constant 2048 : i32
            %mul3A_89 = arith.muli %while3A_81, %mul3A_88 : i32
            %add3A_90 = arith.addi %mul3A_87, %mul3A_89 : i32
            "tpu.region"() ({
              %run_scoped3A = tpu.sem_alloc : memref<!tpu.dma_semaphore, #tpu.memory_space<semaphore_mem>>
              %dma_start3A = tpu.memref_slice %arg6[%add3A_90] : memref<3334144xi32, #tpu.memory_space<hbm>> -> memref<2048xi32, #tpu.memory_space<hbm>>
              %dma_start3A_146 = tpu.memref_slice %arg6[%add3A_90] : memref<3334144xi32, #tpu.memory_space<hbm>> -> memref<2048xi32, #tpu.memory_space<hbm>>
              tpu.enqueue_dma source(%dma_start3A_146 : memref<2048xi32, #tpu.memory_space<hbm>>) target(%arg12 : memref<2048xi32, #tpu.memory_space<vmem>>) target_semaphore(%run_scoped3A : memref<!tpu.dma_semaphore, #tpu.memory_space<semaphore_mem>>)
              %dma_wait3A = tpu.memref_slice %arg6[%add3A_90] : memref<3334144xi32, #tpu.memory_space<hbm>> -> memref<2048xi32, #tpu.memory_space<hbm>>
              %dma_wait3A_147 = tpu.memref_slice %arg6[%add3A_90] : memref<3334144xi32, #tpu.memory_space<hbm>> -> memref<2048xi32, #tpu.memory_space<hbm>>
              tpu.wait_dma2 semaphore(%run_scoped3A : memref<!tpu.dma_semaphore, #tpu.memory_space<semaphore_mem>>) src(%dma_wait3A_147 : memref<2048xi32, #tpu.memory_space<hbm>>) dst(%arg12 : memref<2048xi32, #tpu.memory_space<vmem>>)
              tpu.yield
            }) : () -> ()
            %mul3A_91 = arith.constant 2048 : i32
            %mul3A_92 = arith.muli %while3A_81, %mul3A_91 : i32
            %sub3A_93 = arith.subi %reduce_sum3A_66, %mul3A_92 : i32
            %scan3A_94 = arith.constant 0 : i32
            %scan3A_95 = arith.constant 128 : i32
            %scan3A_96 = arith.addi %scan3A_94, %scan3A_95 : i32
            %scan3A_97 = arith.constant 1 : i32
            %scan3A_98 = scf.for %scan3A_146 = %scan3A_94 to %scan3A_96 step %scan3A_97 iter_args(%scan3A_147 = %while3A_82) -> (i32)  : i32 {
              %mul3A_148 = arith.constant 16 : i32
              %mul3A_149 = arith.muli %scan3A_146, %mul3A_148 : i32
              %get3A_150 = arith.index_cast %mul3A_149 : i32 to index
              %get3A_151 = tpu.vector_load %arg12[%get3A_150] {strides = array<i32>} : memref<2048xi32, #tpu.memory_space<vmem>>, vector<16xi32>,
              %and3A_152 = arith.constant 8191 : i32
              %and3A_153 = vector.broadcast %and3A_152 : i32 to vector<16xi32>
              %and3A_154 = arith.andi %get3A_151, %and3A_153 : vector<16xi32>
              %shift_right_arithmetic3A_155 = arith.constant 8 : i32
              %shift_right_arithmetic3A_156 = vector.broadcast %shift_right_arithmetic3A_155 : i32 to vector<16xi32>
              %shift_right_arithmetic3A_157 = arith.shrsi %and3A_154, %shift_right_arithmetic3A_156 : vector<16xi32>
              %eq3A_158 = vector.broadcast %arg1 : i32 to vector<16xi32>
              %eq3A_159 = arith.cmpi eq, %shift_right_arithmetic3A_157, %eq3A_158 : vector<16xi32>
              %mul3A_160 = arith.constant 16 : i32
              %mul3A_161 = arith.muli %scan3A_146, %mul3A_160 : i32
              %sub3A_162 = arith.subi %sub3A_93, %mul3A_161 : i32
              %lt3A_163 = vector.broadcast %sub3A_162 : i32 to vector<16xi32>
              %lt3A_164 = arith.cmpi slt, %iota3A, %lt3A_163 : vector<16xi32>
              %and3A_165 = arith.andi %eq3A_159, %lt3A_164 : vector<16xi1>
              %convert_element_type3A_166 = arith.extui %and3A_165 : vector<16xi1> to vector<16xi32>
              %broadcast_in_dim3A_167 = arith.constant true
              %broadcast_in_dim3A_168 = vector.broadcast %broadcast_in_dim3A_167 : i1 to vector<16xi1>
              %masked_cumsum3A = tpu.scan <sum>, %convert_element_type3A_166 masked %broadcast_in_dim3A_168 : vector<16xi32>, vector<16xi1> -> vector<16xi32>
              %add3A_169 = vector.broadcast %scan3A_147 : i32 to vector<16xi32>
              %add3A_170 = arith.addi %add3A_169, %masked_cumsum3A : vector<16xi32>
              %sub3A_171 = arith.constant 1 : i32
              %sub3A_172 = vector.broadcast %sub3A_171 : i32 to vector<16xi32>
              %sub3A_173 = arith.subi %add3A_170, %sub3A_172 : vector<16xi32>
              %not3A = arith.constant 8191 : i32
              %not3A_174 = arith.constant -1 : i32
              %not3A_175 = arith.xori %not3A, %not3A_174 : i32
              %and3A_176 = vector.broadcast %not3A_175 : i32 to vector<16xi32>
              %and3A_177 = arith.andi %get3A_151, %and3A_176 : vector<16xi32>
              %and3A_178 = arith.constant 255 : i32
              %and3A_179 = vector.broadcast %and3A_178 : i32 to vector<16xi32>
              %and3A_180 = arith.andi %and3A_154, %and3A_179 : vector<16xi32>
              %or3A = arith.ori %and3A_177, %and3A_180 : vector<16xi32>
              tpu.vector_store_idx %arg11[%sub3A_173], %or3A masked %and3A_165 : memref<2128xi32, #tpu.memory_space<vmem>>[vector<16xi32>], vector<16xi32>, vector<16xi1>
              %convert_element_type3A_181 = arith.extui %and3A_165 : vector<16xi1> to vector<16xi32>
              %reduce_sum3A_182 = arith.constant true
              %reduce_sum3A_183 = vector.broadcast %reduce_sum3A_182 : i1 to vector<16xi1>
              %reduce_sum3A_184 = tpu.scan <sum>, %convert_element_type3A_181 masked %reduce_sum3A_183 : vector<16xi32>, vector<16xi1> -> vector<16xi32>
              %reduce_sum3A_185 = vector.extract %reduce_sum3A_184[15] : i32 from vector<16xi32>
              %add3A_186 = arith.addi %scan3A_147, %reduce_sum3A_185 : i32
              scf.yield %add3A_186 : i32
            }
            %scan3A_99 = arith.constant 128 : i32
            %shift_right_arithmetic3A_100 = arith.constant 6 : i32
            %shift_right_arithmetic3A_101 = arith.shrsi %scan3A_98, %shift_right_arithmetic3A_100 : i32
            %while3A_102 = arith.constant 0 : i32
            %while3A_103 = arith.constant 0 : i32
            %while3A_104 = arith.subi %shift_right_arithmetic3A_101, %while3A_102 : i32
            %while3A_105 = arith.addi %while3A_102, %while3A_104 : i32
            %while3A_106 = arith.constant 1 : i32
            %while3A_107 = arith.divsi %while3A_104, %while3A_106 : i32
            %while3A_108 = arith.muli %while3A_107, %while3A_106 : i32
            %while3A_109 = arith.addi %while3A_102, %while3A_108 : i32
            %while3A_110 = arith.constant 1 : i32
            %while3A_111 = scf.for %while3A_146 = %while3A_102 to %while3A_109 step %while3A_110 iter_args(%while3A_147 = %while3A_103) -> (i32)  : i32 {
              %mul3A_148 = arith.constant 64 : i32
              %mul3A_149 = arith.muli %while3A_146, %mul3A_148 : i32
              %add3A_150 = arith.constant 0 : i32
              %add3A_151 = arith.addi %mul3A_149, %add3A_150 : i32
              %get3A_152 = arith.index_cast %add3A_151 : i32 to index
              %get3A_153 = tpu.vector_load %arg11[%get3A_152] {strides = array<i32>} : memref<2128xi32, #tpu.memory_space<vmem>>, vector<16xi32>,
              %shift_right_arithmetic3A_154 = arith.constant 13 : i32
              %shift_right_arithmetic3A_155 = vector.broadcast %shift_right_arithmetic3A_154 : i32 to vector<16xi32>
              %shift_right_arithmetic3A_156 = arith.shrsi %get3A_153, %shift_right_arithmetic3A_155 : vector<16xi32>
              %swap3A_157 = arith.constant 0 : index
              %swap3A_158 = tpu.vector_load %arg13[%swap3A_157] {strides = array<i32>} : memref<64xi32, #tpu.memory_space<vmem>>, vector<16xi32>,
              tpu.vector_store %arg13[%swap3A_157], %shift_right_arithmetic3A_156 {strides = array<i32>} : memref<64xi32, #tpu.memory_space<vmem>>, vector<16xi32>,
              %and3A_159 = arith.constant 511 : i32
              %and3A_160 = vector.broadcast %and3A_159 : i32 to vector<16xi32>
              %and3A_161 = arith.andi %get3A_153, %and3A_160 : vector<16xi32>
              %swap3A_162 = arith.constant 0 : index
              %swap3A_163 = tpu.vector_load %arg14[%swap3A_162] {strides = array<i32>} : memref<64xi32, #tpu.memory_space<vmem>>, vector<16xi32>,
              tpu.vector_store %arg14[%swap3A_162], %and3A_161 {strides = array<i32>} : memref<64xi32, #tpu.memory_space<vmem>>, vector<16xi32>,
              %mul3A_164 = arith.constant 64 : i32
              %mul3A_165 = arith.muli %while3A_146, %mul3A_164 : i32
              %add3A_166 = arith.constant 16 : i32
              %add3A_167 = arith.addi %mul3A_165, %add3A_166 : i32
              %get3A_168 = arith.index_cast %add3A_167 : i32 to index
              %get3A_169 = tpu.vector_load %arg11[%get3A_168] {strides = array<i32>} : memref<2128xi32, #tpu.memory_space<vmem>>, vector<16xi32>,
              %shift_right_arithmetic3A_170 = arith.constant 13 : i32
              %shift_right_arithmetic3A_171 = vector.broadcast %shift_right_arithmetic3A_170 : i32 to vector<16xi32>
              %shift_right_arithmetic3A_172 = arith.shrsi %get3A_169, %shift_right_arithmetic3A_171 : vector<16xi32>
              %swap3A_173 = arith.constant 16 : index
              %swap3A_174 = tpu.vector_load %arg13[%swap3A_173] {strides = array<i32>} : memref<64xi32, #tpu.memory_space<vmem>>, vector<16xi32>,
              tpu.vector_store %arg13[%swap3A_173], %shift_right_arithmetic3A_172 {strides = array<i32>} : memref<64xi32, #tpu.memory_space<vmem>>, vector<16xi32>,
              %and3A_175 = arith.constant 511 : i32
              %and3A_176 = vector.broadcast %and3A_175 : i32 to vector<16xi32>
              %and3A_177 = arith.andi %get3A_169, %and3A_176 : vector<16xi32>
              %swap3A_178 = arith.constant 16 : index
              %swap3A_179 = tpu.vector_load %arg14[%swap3A_178] {strides = array<i32>} : memref<64xi32, #tpu.memory_space<vmem>>, vector<16xi32>,
              tpu.vector_store %arg14[%swap3A_178], %and3A_177 {strides = array<i32>} : memref<64xi32, #tpu.memory_space<vmem>>, vector<16xi32>,
              %mul3A_180 = arith.constant 64 : i32
              %mul3A_181 = arith.muli %while3A_146, %mul3A_180 : i32
              %add3A_182 = arith.constant 32 : i32
              %add3A_183 = arith.addi %mul3A_181, %add3A_182 : i32
              %get3A_184 = arith.index_cast %add3A_183 : i32 to index
              %get3A_185 = tpu.vector_load %arg11[%get3A_184] {strides = array<i32>} : memref<2128xi32, #tpu.memory_space<vmem>>, vector<16xi32>,
              %shift_right_arithmetic3A_186 = arith.constant 13 : i32
              %shift_right_arithmetic3A_187 = vector.broadcast %shift_right_arithmetic3A_186 : i32 to vector<16xi32>
              %shift_right_arithmetic3A_188 = arith.shrsi %get3A_185, %shift_right_arithmetic3A_187 : vector<16xi32>
              %swap3A_189 = arith.constant 32 : index
              %swap3A_190 = tpu.vector_load %arg13[%swap3A_189] {strides = array<i32>} : memref<64xi32, #tpu.memory_space<vmem>>, vector<16xi32>,
              tpu.vector_store %arg13[%swap3A_189], %shift_right_arithmetic3A_188 {strides = array<i32>} : memref<64xi32, #tpu.memory_space<vmem>>, vector<16xi32>,
              %and3A_191 = arith.constant 511 : i32
              %and3A_192 = vector.broadcast %and3A_191 : i32 to vector<16xi32>
              %and3A_193 = arith.andi %get3A_185, %and3A_192 : vector<16xi32>
              %swap3A_194 = arith.constant 32 : index
              %swap3A_195 = tpu.vector_load %arg14[%swap3A_194] {strides = array<i32>} : memref<64xi32, #tpu.memory_space<vmem>>, vector<16xi32>,
              tpu.vector_store %arg14[%swap3A_194], %and3A_193 {strides = array<i32>} : memref<64xi32, #tpu.memory_space<vmem>>, vector<16xi32>,
              %mul3A_196 = arith.constant 64 : i32
              %mul3A_197 = arith.muli %while3A_146, %mul3A_196 : i32
              %add3A_198 = arith.constant 48 : i32
              %add3A_199 = arith.addi %mul3A_197, %add3A_198 : i32
              %get3A_200 = arith.index_cast %add3A_199 : i32 to index
              %get3A_201 = tpu.vector_load %arg11[%get3A_200] {strides = array<i32>} : memref<2128xi32, #tpu.memory_space<vmem>>, vector<16xi32>,
              %shift_right_arithmetic3A_202 = arith.constant 13 : i32
              %shift_right_arithmetic3A_203 = vector.broadcast %shift_right_arithmetic3A_202 : i32 to vector<16xi32>
              %shift_right_arithmetic3A_204 = arith.shrsi %get3A_201, %shift_right_arithmetic3A_203 : vector<16xi32>
              %swap3A_205 = arith.constant 48 : index
              %swap3A_206 = tpu.vector_load %arg13[%swap3A_205] {strides = array<i32>} : memref<64xi32, #tpu.memory_space<vmem>>, vector<16xi32>,
              tpu.vector_store %arg13[%swap3A_205], %shift_right_arithmetic3A_204 {strides = array<i32>} : memref<64xi32, #tpu.memory_space<vmem>>, vector<16xi32>,
              %and3A_207 = arith.constant 511 : i32
              %and3A_208 = vector.broadcast %and3A_207 : i32 to vector<16xi32>
              %and3A_209 = arith.andi %get3A_201, %and3A_208 : vector<16xi32>
              %swap3A_210 = arith.constant 48 : index
              %swap3A_211 = tpu.vector_load %arg14[%swap3A_210] {strides = array<i32>} : memref<64xi32, #tpu.memory_space<vmem>>, vector<16xi32>,
              tpu.vector_store %arg14[%swap3A_210], %and3A_209 {strides = array<i32>} : memref<64xi32, #tpu.memory_space<vmem>>, vector<16xi32>,
              %dma_start3A = arith.constant 0 : i32
              %dma_start3A_212 = arith.constant 0 : i32
              %dma_start3A_213 = tpu.memref_slice %arg2[%dma_start3A, %dma_start3A_212] : memref<53248x256xf32, #tpu.memory_space<hbm>> -> memref<53248x256xf32, #tpu.memory_space<hbm>>
              tpu.enqueue_indirect_dma source(%dma_start3A_213 : memref<53248x256xf32, #tpu.memory_space<hbm>>) target(%arg15 : memref<64x256xf32, #tpu.memory_space<vmem>>) offsets(%arg13 : memref<64xi32, #tpu.memory_space<vmem>>) semaphore(%arg19 : memref<!tpu.dma_semaphore, #tpu.memory_space<semaphore_mem>>)
              %dma_wait3A = arith.constant 0 : i32
              %dma_wait3A_214 = arith.constant 0 : i32
              %dma_wait3A_215 = tpu.memref_slice %arg2[%dma_wait3A, %dma_wait3A_214] : memref<53248x256xf32, #tpu.memory_space<hbm>> -> memref<53248x256xf32, #tpu.memory_space<hbm>>
              tpu.wait_indirect_dma semaphore(%arg19 : memref<!tpu.dma_semaphore, #tpu.memory_space<semaphore_mem>>) src(%dma_wait3A_215 : memref<53248x256xf32, #tpu.memory_space<hbm>>) dst(%arg15 : memref<64x256xf32, #tpu.memory_space<vmem>>)
              %scan3A_216 = arith.constant 0 : i32
              %scan3A_217 = arith.constant 0 : i32
              %scan3A_218 = arith.constant 64 : i32
              %scan3A_219 = arith.addi %scan3A_217, %scan3A_218 : i32
              %scan3A_220 = arith.constant 1 : i32
              %scan3A_221 = scf.for %scan3A_224 = %scan3A_217 to %scan3A_219 step %scan3A_220 iter_args(%scan3A_225 = %scan3A_216) -> (i32)  : i32 {
                %shift_right_arithmetic3A_226 = arith.constant 4 : i32
                %shift_right_arithmetic3A_227 = arith.shrsi %scan3A_224, %shift_right_arithmetic3A_226 : i32
                %mul3A_228 = arith.constant 16 : i32
                %mul3A_229 = arith.muli %shift_right_arithmetic3A_227, %mul3A_228 : i32
                %get3A_230 = arith.index_cast %mul3A_229 : i32 to index
                %get3A_231 = tpu.vector_load %arg14[%get3A_230] {strides = array<i32>} : memref<64xi32, #tpu.memory_space<vmem>>, vector<16xi32>,
                %and3A_232 = arith.constant 15 : i32
                %and3A_233 = arith.andi %scan3A_224, %and3A_232 : i32
                %eq3A_234 = vector.broadcast %and3A_233 : i32 to vector<16xi32>
                %eq3A_235 = arith.cmpi eq, %iota3A, %eq3A_234 : vector<16xi32>
                %jit3A_236 = arith.constant 0 : i32
                %broadcast_in_dim3A_237 = vector.broadcast %jit3A_236 : i32 to vector<16xi32>
                %select_n3A_238 = arith.select %eq3A_235, %get3A_231, %broadcast_in_dim3A_237 : vector<16xi1>, vector<16xi32>
                %reduce_sum3A_239 = arith.constant true
                %reduce_sum3A_240 = vector.broadcast %reduce_sum3A_239 : i1 to vector<16xi1>
                %reduce_sum3A_241 = tpu.scan <sum>, %select_n3A_238 masked %reduce_sum3A_240 : vector<16xi32>, vector<16xi1> -> vector<16xi32>
                %reduce_sum3A_242 = vector.extract %reduce_sum3A_241[15] : i32 from vector<16xi32>
                %get3A_243 = arith.index_cast %scan3A_224 : i32 to index
                %get3A_244 = arith.constant 0 : index
                %get3A_245 = tpu.vector_load %arg15[%get3A_243, %get3A_244] {strides = array<i32>} : memref<64x256xf32, #tpu.memory_space<vmem>>, vector<16xf32>,
                %swap3A_246 = arith.index_cast %reduce_sum3A_242 : i32 to index
                %swap3A_247 = arith.constant 0 : index
                %swap3A_248 = tpu.vector_load %arg18[%swap3A_246, %swap3A_247] {strides = array<i32>} : memref<264x256xf32, #tpu.memory_space<vmem>>, vector<16xf32>,
                tpu.vector_store %arg18[%swap3A_246, %swap3A_247], %get3A_245 {add = true, strides = array<i32>} : memref<264x256xf32, #tpu.memory_space<vmem>>, vector<16xf32>,
                %get3A_249 = arith.index_cast %scan3A_224 : i32 to index
                %get3A_250 = arith.constant 16 : index
                %get3A_251 = tpu.vector_load %arg15[%get3A_249, %get3A_250] {strides = array<i32>} : memref<64x256xf32, #tpu.memory_space<vmem>>, vector<16xf32>,
                %swap3A_252 = arith.index_cast %reduce_sum3A_242 : i32 to index
                %swap3A_253 = arith.constant 16 : index
                %swap3A_254 = tpu.vector_load %arg18[%swap3A_252, %swap3A_253] {strides = array<i32>} : memref<264x256xf32, #tpu.memory_space<vmem>>, vector<16xf32>,
                tpu.vector_store %arg18[%swap3A_252, %swap3A_253], %get3A_251 {add = true, strides = array<i32>} : memref<264x256xf32, #tpu.memory_space<vmem>>, vector<16xf32>,
                %get3A_255 = arith.index_cast %scan3A_224 : i32 to index
                %get3A_256 = arith.constant 32 : index
                %get3A_257 = tpu.vector_load %arg15[%get3A_255, %get3A_256] {strides = array<i32>} : memref<64x256xf32, #tpu.memory_space<vmem>>, vector<16xf32>,
                %swap3A_258 = arith.index_cast %reduce_sum3A_242 : i32 to index
                %swap3A_259 = arith.constant 32 : index
                %swap3A_260 = tpu.vector_load %arg18[%swap3A_258, %swap3A_259] {strides = array<i32>} : memref<264x256xf32, #tpu.memory_space<vmem>>, vector<16xf32>,
                tpu.vector_store %arg18[%swap3A_258, %swap3A_259], %get3A_257 {add = true, strides = array<i32>} : memref<264x256xf32, #tpu.memory_space<vmem>>, vector<16xf32>,
                %get3A_261 = arith.index_cast %scan3A_224 : i32 to index
                %get3A_262 = arith.constant 48 : index
                %get3A_263 = tpu.vector_load %arg15[%get3A_261, %get3A_262] {strides = array<i32>} : memref<64x256xf32, #tpu.memory_space<vmem>>, vector<16xf32>,
                %swap3A_264 = arith.index_cast %reduce_sum3A_242 : i32 to index
                %swap3A_265 = arith.constant 48 : index
                %swap3A_266 = tpu.vector_load %arg18[%swap3A_264, %swap3A_265] {strides = array<i32>} : memref<264x256xf32, #tpu.memory_space<vmem>>, vector<16xf32>,
                tpu.vector_store %arg18[%swap3A_264, %swap3A_265], %get3A_263 {add = true, strides = array<i32>} : memref<264x256xf32, #tpu.memory_space<vmem>>, vector<16xf32>,
                %get3A_267 = arith.index_cast %scan3A_224 : i32 to index
                %get3A_268 = arith.constant 64 : index
                %get3A_269 = tpu.vector_load %arg15[%get3A_267, %get3A_268] {strides = array<i32>} : memref<64x256xf32, #tpu.memory_space<vmem>>, vector<16xf32>,
                %swap3A_270 = arith.index_cast %reduce_sum3A_242 : i32 to index
                %swap3A_271 = arith.constant 64 : index
                %swap3A_272 = tpu.vector_load %arg18[%swap3A_270, %swap3A_271] {strides = array<i32>} : memref<264x256xf32, #tpu.memory_space<vmem>>, vector<16xf32>,
                tpu.vector_store %arg18[%swap3A_270, %swap3A_271], %get3A_269 {add = true, strides = array<i32>} : memref<264x256xf32, #tpu.memory_space<vmem>>, vector<16xf32>,
                %get3A_273 = arith.index_cast %scan3A_224 : i32 to index
                %get3A_274 = arith.constant 80 : index
                %get3A_275 = tpu.vector_load %arg15[%get3A_273, %get3A_274] {strides = array<i32>} : memref<64x256xf32, #tpu.memory_space<vmem>>, vector<16xf32>,
                %swap3A_276 = arith.index_cast %reduce_sum3A_242 : i32 to index
                %swap3A_277 = arith.constant 80 : index
                %swap3A_278 = tpu.vector_load %arg18[%swap3A_276, %swap3A_277] {strides = array<i32>} : memref<264x256xf32, #tpu.memory_space<vmem>>, vector<16xf32>,
                tpu.vector_store %arg18[%swap3A_276, %swap3A_277], %get3A_275 {add = true, strides = array<i32>} : memref<264x256xf32, #tpu.memory_space<vmem>>, vector<16xf32>,
                %get3A_279 = arith.index_cast %scan3A_224 : i32 to index
                %get3A_280 = arith.constant 96 : index
                %get3A_281 = tpu.vector_load %arg15[%get3A_279, %get3A_280] {strides = array<i32>} : memref<64x256xf32, #tpu.memory_space<vmem>>, vector<16xf32>,
                %swap3A_282 = arith.index_cast %reduce_sum3A_242 : i32 to index
                %swap3A_283 = arith.constant 96 : index
                %swap3A_284 = tpu.vector_load %arg18[%swap3A_282, %swap3A_283] {strides = array<i32>} : memref<264x256xf32, #tpu.memory_space<vmem>>, vector<16xf32>,
                tpu.vector_store %arg18[%swap3A_282, %swap3A_283], %get3A_281 {add = true, strides = array<i32>} : memref<264x256xf32, #tpu.memory_space<vmem>>, vector<16xf32>,
                %get3A_285 = arith.index_cast %scan3A_224 : i32 to index
                %get3A_286 = arith.constant 112 : index
                %get3A_287 = tpu.vector_load %arg15[%get3A_285, %get3A_286] {strides = array<i32>} : memref<64x256xf32, #tpu.memory_space<vmem>>, vector<16xf32>,
                %swap3A_288 = arith.index_cast %reduce_sum3A_242 : i32 to index
                %swap3A_289 = arith.constant 112 : index
                %swap3A_290 = tpu.vector_load %arg18[%swap3A_288, %swap3A_289] {strides = array<i32>} : memref<264x256xf32, #tpu.memory_space<vmem>>, vector<16xf32>,
                tpu.vector_store %arg18[%swap3A_288, %swap3A_289], %get3A_287 {add = true, strides = array<i32>} : memref<264x256xf32, #tpu.memory_space<vmem>>, vector<16xf32>,
                %get3A_291 = arith.index_cast %scan3A_224 : i32 to index
                %get3A_292 = arith.constant 128 : index
                %get3A_293 = tpu.vector_load %arg15[%get3A_291, %get3A_292] {strides = array<i32>} : memref<64x256xf32, #tpu.memory_space<vmem>>, vector<16xf32>,
                %swap3A_294 = arith.index_cast %reduce_sum3A_242 : i32 to index
                %swap3A_295 = arith.constant 128 : index
                %swap3A_296 = tpu.vector_load %arg18[%swap3A_294, %swap3A_295] {strides = array<i32>} : memref<264x256xf32, #tpu.memory_space<vmem>>, vector<16xf32>,
                tpu.vector_store %arg18[%swap3A_294, %swap3A_295], %get3A_293 {add = true, strides = array<i32>} : memref<264x256xf32, #tpu.memory_space<vmem>>, vector<16xf32>,
                %get3A_297 = arith.index_cast %scan3A_224 : i32 to index
                %get3A_298 = arith.constant 144 : index
                %get3A_299 = tpu.vector_load %arg15[%get3A_297, %get3A_298] {strides = array<i32>} : memref<64x256xf32, #tpu.memory_space<vmem>>, vector<16xf32>,
                %swap3A_300 = arith.index_cast %reduce_sum3A_242 : i32 to index
                %swap3A_301 = arith.constant 144 : index
                %swap3A_302 = tpu.vector_load %arg18[%swap3A_300, %swap3A_301] {strides = array<i32>} : memref<264x256xf32, #tpu.memory_space<vmem>>, vector<16xf32>,
                tpu.vector_store %arg18[%swap3A_300, %swap3A_301], %get3A_299 {add = true, strides = array<i32>} : memref<264x256xf32, #tpu.memory_space<vmem>>, vector<16xf32>,
                %get3A_303 = arith.index_cast %scan3A_224 : i32 to index
                %get3A_304 = arith.constant 160 : index
                %get3A_305 = tpu.vector_load %arg15[%get3A_303, %get3A_304] {strides = array<i32>} : memref<64x256xf32, #tpu.memory_space<vmem>>, vector<16xf32>,
                %swap3A_306 = arith.index_cast %reduce_sum3A_242 : i32 to index
                %swap3A_307 = arith.constant 160 : index
                %swap3A_308 = tpu.vector_load %arg18[%swap3A_306, %swap3A_307] {strides = array<i32>} : memref<264x256xf32, #tpu.memory_space<vmem>>, vector<16xf32>,
                tpu.vector_store %arg18[%swap3A_306, %swap3A_307], %get3A_305 {add = true, strides = array<i32>} : memref<264x256xf32, #tpu.memory_space<vmem>>, vector<16xf32>,
                %get3A_309 = arith.index_cast %scan3A_224 : i32 to index
                %get3A_310 = arith.constant 176 : index
                %get3A_311 = tpu.vector_load %arg15[%get3A_309, %get3A_310] {strides = array<i32>} : memref<64x256xf32, #tpu.memory_space<vmem>>, vector<16xf32>,
                %swap3A_312 = arith.index_cast %reduce_sum3A_242 : i32 to index
                %swap3A_313 = arith.constant 176 : index
                %swap3A_314 = tpu.vector_load %arg18[%swap3A_312, %swap3A_313] {strides = array<i32>} : memref<264x256xf32, #tpu.memory_space<vmem>>, vector<16xf32>,
                tpu.vector_store %arg18[%swap3A_312, %swap3A_313], %get3A_311 {add = true, strides = array<i32>} : memref<264x256xf32, #tpu.memory_space<vmem>>, vector<16xf32>,
                %get3A_315 = arith.index_cast %scan3A_224 : i32 to index
                %get3A_316 = arith.constant 192 : index
                %get3A_317 = tpu.vector_load %arg15[%get3A_315, %get3A_316] {strides = array<i32>} : memref<64x256xf32, #tpu.memory_space<vmem>>, vector<16xf32>,
                %swap3A_318 = arith.index_cast %reduce_sum3A_242 : i32 to index
                %swap3A_319 = arith.constant 192 : index
                %swap3A_320 = tpu.vector_load %arg18[%swap3A_318, %swap3A_319] {strides = array<i32>} : memref<264x256xf32, #tpu.memory_space<vmem>>, vector<16xf32>,
                tpu.vector_store %arg18[%swap3A_318, %swap3A_319], %get3A_317 {add = true, strides = array<i32>} : memref<264x256xf32, #tpu.memory_space<vmem>>, vector<16xf32>,
                %get3A_321 = arith.index_cast %scan3A_224 : i32 to index
                %get3A_322 = arith.constant 208 : index
                %get3A_323 = tpu.vector_load %arg15[%get3A_321, %get3A_322] {strides = array<i32>} : memref<64x256xf32, #tpu.memory_space<vmem>>, vector<16xf32>,
                %swap3A_324 = arith.index_cast %reduce_sum3A_242 : i32 to index
                %swap3A_325 = arith.constant 208 : index
                %swap3A_326 = tpu.vector_load %arg18[%swap3A_324, %swap3A_325] {strides = array<i32>} : memref<264x256xf32, #tpu.memory_space<vmem>>, vector<16xf32>,
                tpu.vector_store %arg18[%swap3A_324, %swap3A_325], %get3A_323 {add = true, strides = array<i32>} : memref<264x256xf32, #tpu.memory_space<vmem>>, vector<16xf32>,
                %get3A_327 = arith.index_cast %scan3A_224 : i32 to index
                %get3A_328 = arith.constant 224 : index
                %get3A_329 = tpu.vector_load %arg15[%get3A_327, %get3A_328] {strides = array<i32>} : memref<64x256xf32, #tpu.memory_space<vmem>>, vector<16xf32>,
                %swap3A_330 = arith.index_cast %reduce_sum3A_242 : i32 to index
                %swap3A_331 = arith.constant 224 : index
                %swap3A_332 = tpu.vector_load %arg18[%swap3A_330, %swap3A_331] {strides = array<i32>} : memref<264x256xf32, #tpu.memory_space<vmem>>, vector<16xf32>,
                tpu.vector_store %arg18[%swap3A_330, %swap3A_331], %get3A_329 {add = true, strides = array<i32>} : memref<264x256xf32, #tpu.memory_space<vmem>>, vector<16xf32>,
                %get3A_333 = arith.index_cast %scan3A_224 : i32 to index
                %get3A_334 = arith.constant 240 : index
                %get3A_335 = tpu.vector_load %arg15[%get3A_333, %get3A_334] {strides = array<i32>} : memref<64x256xf32, #tpu.memory_space<vmem>>, vector<16xf32>,
                %swap3A_336 = arith.index_cast %reduce_sum3A_242 : i32 to index
                %swap3A_337 = arith.constant 240 : index
                %swap3A_338 = tpu.vector_load %arg18[%swap3A_336, %swap3A_337] {strides = array<i32>} : memref<264x256xf32, #tpu.memory_space<vmem>>, vector<16xf32>,
                tpu.vector_store %arg18[%swap3A_336, %swap3A_337], %get3A_335 {add = true, strides = array<i32>} : memref<264x256xf32, #tpu.memory_space<vmem>>, vector<16xf32>,
                %scan3A_339 = arith.constant 0 : i32
                scf.yield %scan3A_339 : i32
              }
              %scan3A_222 = arith.constant 64 : i32
              %while3A_223 = arith.constant 0 : i32
              scf.yield %while3A_223 : i32
            }
            %while3A_112 = arith.constant 1 : i32
            %while3A_113 = scf.for %while3A_146 = %while3A_109 to %while3A_105 step %while3A_112 iter_args(%while3A_147 = %while3A_111) -> (i32)  : i32 {
              %mul3A_148 = arith.constant 64 : i32
              %mul3A_149 = arith.muli %while3A_146, %mul3A_148 : i32
              %add3A_150 = arith.constant 0 : i32
              %add3A_151 = arith.addi %mul3A_149, %add3A_150 : i32
              %get3A_152 = arith.index_cast %add3A_151 : i32 to index
              %get3A_153 = tpu.vector_load %arg11[%get3A_152] {strides = array<i32>} : memref<2128xi32, #tpu.memory_space<vmem>>, vector<16xi32>,
              %shift_right_arithmetic3A_154 = arith.constant 13 : i32
              %shift_right_arithmetic3A_155 = vector.broadcast %shift_right_arithmetic3A_154 : i32 to vector<16xi32>
              %shift_right_arithmetic3A_156 = arith.shrsi %get3A_153, %shift_right_arithmetic3A_155 : vector<16xi32>
              %swap3A_157 = arith.constant 0 : index
              %swap3A_158 = tpu.vector_load %arg13[%swap3A_157] {strides = array<i32>} : memref<64xi32, #tpu.memory_space<vmem>>, vector<16xi32>,
              tpu.vector_store %arg13[%swap3A_157], %shift_right_arithmetic3A_156 {strides = array<i32>} : memref<64xi32, #tpu.memory_space<vmem>>, vector<16xi32>,
              %and3A_159 = arith.constant 511 : i32
              %and3A_160 = vector.broadcast %and3A_159 : i32 to vector<16xi32>
              %and3A_161 = arith.andi %get3A_153, %and3A_160 : vector<16xi32>
              %swap3A_162 = arith.constant 0 : index
              %swap3A_163 = tpu.vector_load %arg14[%swap3A_162] {strides = array<i32>} : memref<64xi32, #tpu.memory_space<vmem>>, vector<16xi32>,
              tpu.vector_store %arg14[%swap3A_162], %and3A_161 {strides = array<i32>} : memref<64xi32, #tpu.memory_space<vmem>>, vector<16xi32>,
              %mul3A_164 = arith.constant 64 : i32
              %mul3A_165 = arith.muli %while3A_146, %mul3A_164 : i32
              %add3A_166 = arith.constant 16 : i32
              %add3A_167 = arith.addi %mul3A_165, %add3A_166 : i32
              %get3A_168 = arith.index_cast %add3A_167 : i32 to index
              %get3A_169 = tpu.vector_load %arg11[%get3A_168] {strides = array<i32>} : memref<2128xi32, #tpu.memory_space<vmem>>, vector<16xi32>,
              %shift_right_arithmetic3A_170 = arith.constant 13 : i32
              %shift_right_arithmetic3A_171 = vector.broadcast %shift_right_arithmetic3A_170 : i32 to vector<16xi32>
              %shift_right_arithmetic3A_172 = arith.shrsi %get3A_169, %shift_right_arithmetic3A_171 : vector<16xi32>
              %swap3A_173 = arith.constant 16 : index
              %swap3A_174 = tpu.vector_load %arg13[%swap3A_173] {strides = array<i32>} : memref<64xi32, #tpu.memory_space<vmem>>, vector<16xi32>,
              tpu.vector_store %arg13[%swap3A_173], %shift_right_arithmetic3A_172 {strides = array<i32>} : memref<64xi32, #tpu.memory_space<vmem>>, vector<16xi32>,
              %and3A_175 = arith.constant 511 : i32
              %and3A_176 = vector.broadcast %and3A_175 : i32 to vector<16xi32>
              %and3A_177 = arith.andi %get3A_169, %and3A_176 : vector<16xi32>
              %swap3A_178 = arith.constant 16 : index
              %swap3A_179 = tpu.vector_load %arg14[%swap3A_178] {strides = array<i32>} : memref<64xi32, #tpu.memory_space<vmem>>, vector<16xi32>,
              tpu.vector_store %arg14[%swap3A_178], %and3A_177 {strides = array<i32>} : memref<64xi32, #tpu.memory_space<vmem>>, vector<16xi32>,
              %mul3A_180 = arith.constant 64 : i32
              %mul3A_181 = arith.muli %while3A_146, %mul3A_180 : i32
              %add3A_182 = arith.constant 32 : i32
              %add3A_183 = arith.addi %mul3A_181, %add3A_182 : i32
              %get3A_184 = arith.index_cast %add3A_183 : i32 to index
              %get3A_185 = tpu.vector_load %arg11[%get3A_184] {strides = array<i32>} : memref<2128xi32, #tpu.memory_space<vmem>>, vector<16xi32>,
              %shift_right_arithmetic3A_186 = arith.constant 13 : i32
              %shift_right_arithmetic3A_187 = vector.broadcast %shift_right_arithmetic3A_186 : i32 to vector<16xi32>
              %shift_right_arithmetic3A_188 = arith.shrsi %get3A_185, %shift_right_arithmetic3A_187 : vector<16xi32>
              %swap3A_189 = arith.constant 32 : index
              %swap3A_190 = tpu.vector_load %arg13[%swap3A_189] {strides = array<i32>} : memref<64xi32, #tpu.memory_space<vmem>>, vector<16xi32>,
              tpu.vector_store %arg13[%swap3A_189], %shift_right_arithmetic3A_188 {strides = array<i32>} : memref<64xi32, #tpu.memory_space<vmem>>, vector<16xi32>,
              %and3A_191 = arith.constant 511 : i32
              %and3A_192 = vector.broadcast %and3A_191 : i32 to vector<16xi32>
              %and3A_193 = arith.andi %get3A_185, %and3A_192 : vector<16xi32>
              %swap3A_194 = arith.constant 32 : index
              %swap3A_195 = tpu.vector_load %arg14[%swap3A_194] {strides = array<i32>} : memref<64xi32, #tpu.memory_space<vmem>>, vector<16xi32>,
              tpu.vector_store %arg14[%swap3A_194], %and3A_193 {strides = array<i32>} : memref<64xi32, #tpu.memory_space<vmem>>, vector<16xi32>,
              %mul3A_196 = arith.constant 64 : i32
              %mul3A_197 = arith.muli %while3A_146, %mul3A_196 : i32
              %add3A_198 = arith.constant 48 : i32
              %add3A_199 = arith.addi %mul3A_197, %add3A_198 : i32
              %get3A_200 = arith.index_cast %add3A_199 : i32 to index
              %get3A_201 = tpu.vector_load %arg11[%get3A_200] {strides = array<i32>} : memref<2128xi32, #tpu.memory_space<vmem>>, vector<16xi32>,
              %shift_right_arithmetic3A_202 = arith.constant 13 : i32
              %shift_right_arithmetic3A_203 = vector.broadcast %shift_right_arithmetic3A_202 : i32 to vector<16xi32>
              %shift_right_arithmetic3A_204 = arith.shrsi %get3A_201, %shift_right_arithmetic3A_203 : vector<16xi32>
              %swap3A_205 = arith.constant 48 : index
              %swap3A_206 = tpu.vector_load %arg13[%swap3A_205] {strides = array<i32>} : memref<64xi32, #tpu.memory_space<vmem>>, vector<16xi32>,
              tpu.vector_store %arg13[%swap3A_205], %shift_right_arithmetic3A_204 {strides = array<i32>} : memref<64xi32, #tpu.memory_space<vmem>>, vector<16xi32>,
              %and3A_207 = arith.constant 511 : i32
              %and3A_208 = vector.broadcast %and3A_207 : i32 to vector<16xi32>
              %and3A_209 = arith.andi %get3A_201, %and3A_208 : vector<16xi32>
              %swap3A_210 = arith.constant 48 : index
              %swap3A_211 = tpu.vector_load %arg14[%swap3A_210] {strides = array<i32>} : memref<64xi32, #tpu.memory_space<vmem>>, vector<16xi32>,
              tpu.vector_store %arg14[%swap3A_210], %and3A_209 {strides = array<i32>} : memref<64xi32, #tpu.memory_space<vmem>>, vector<16xi32>,
              %dma_start3A = arith.constant 0 : i32
              %dma_start3A_212 = arith.constant 0 : i32
              %dma_start3A_213 = tpu.memref_slice %arg2[%dma_start3A, %dma_start3A_212] : memref<53248x256xf32, #tpu.memory_space<hbm>> -> memref<53248x256xf32, #tpu.memory_space<hbm>>
              tpu.enqueue_indirect_dma source(%dma_start3A_213 : memref<53248x256xf32, #tpu.memory_space<hbm>>) target(%arg15 : memref<64x256xf32, #tpu.memory_space<vmem>>) offsets(%arg13 : memref<64xi32, #tpu.memory_space<vmem>>) semaphore(%arg19 : memref<!tpu.dma_semaphore, #tpu.memory_space<semaphore_mem>>)
              %dma_wait3A = arith.constant 0 : i32
              %dma_wait3A_214 = arith.constant 0 : i32
              %dma_wait3A_215 = tpu.memref_slice %arg2[%dma_wait3A, %dma_wait3A_214] : memref<53248x256xf32, #tpu.memory_space<hbm>> -> memref<53248x256xf32, #tpu.memory_space<hbm>>
              tpu.wait_indirect_dma semaphore(%arg19 : memref<!tpu.dma_semaphore, #tpu.memory_space<semaphore_mem>>) src(%dma_wait3A_215 : memref<53248x256xf32, #tpu.memory_space<hbm>>) dst(%arg15 : memref<64x256xf32, #tpu.memory_space<vmem>>)
              %scan3A_216 = arith.constant 0 : i32
              %scan3A_217 = arith.constant 0 : i32
              %scan3A_218 = arith.constant 64 : i32
              %scan3A_219 = arith.addi %scan3A_217, %scan3A_218 : i32
              %scan3A_220 = arith.constant 1 : i32
              %scan3A_221 = scf.for %scan3A_224 = %scan3A_217 to %scan3A_219 step %scan3A_220 iter_args(%scan3A_225 = %scan3A_216) -> (i32)  : i32 {
                %shift_right_arithmetic3A_226 = arith.constant 4 : i32
                %shift_right_arithmetic3A_227 = arith.shrsi %scan3A_224, %shift_right_arithmetic3A_226 : i32
                %mul3A_228 = arith.constant 16 : i32
                %mul3A_229 = arith.muli %shift_right_arithmetic3A_227, %mul3A_228 : i32
                %get3A_230 = arith.index_cast %mul3A_229 : i32 to index
                %get3A_231 = tpu.vector_load %arg14[%get3A_230] {strides = array<i32>} : memref<64xi32, #tpu.memory_space<vmem>>, vector<16xi32>,
                %and3A_232 = arith.constant 15 : i32
                %and3A_233 = arith.andi %scan3A_224, %and3A_232 : i32
                %eq3A_234 = vector.broadcast %and3A_233 : i32 to vector<16xi32>
                %eq3A_235 = arith.cmpi eq, %iota3A, %eq3A_234 : vector<16xi32>
                %jit3A_236 = arith.constant 0 : i32
                %broadcast_in_dim3A_237 = vector.broadcast %jit3A_236 : i32 to vector<16xi32>
                %select_n3A_238 = arith.select %eq3A_235, %get3A_231, %broadcast_in_dim3A_237 : vector<16xi1>, vector<16xi32>
                %reduce_sum3A_239 = arith.constant true
                %reduce_sum3A_240 = vector.broadcast %reduce_sum3A_239 : i1 to vector<16xi1>
                %reduce_sum3A_241 = tpu.scan <sum>, %select_n3A_238 masked %reduce_sum3A_240 : vector<16xi32>, vector<16xi1> -> vector<16xi32>
                %reduce_sum3A_242 = vector.extract %reduce_sum3A_241[15] : i32 from vector<16xi32>
                %get3A_243 = arith.index_cast %scan3A_224 : i32 to index
                %get3A_244 = arith.constant 0 : index
                %get3A_245 = tpu.vector_load %arg15[%get3A_243, %get3A_244] {strides = array<i32>} : memref<64x256xf32, #tpu.memory_space<vmem>>, vector<16xf32>,
                %swap3A_246 = arith.index_cast %reduce_sum3A_242 : i32 to index
                %swap3A_247 = arith.constant 0 : index
                %swap3A_248 = tpu.vector_load %arg18[%swap3A_246, %swap3A_247] {strides = array<i32>} : memref<264x256xf32, #tpu.memory_space<vmem>>, vector<16xf32>,
                tpu.vector_store %arg18[%swap3A_246, %swap3A_247], %get3A_245 {add = true, strides = array<i32>} : memref<264x256xf32, #tpu.memory_space<vmem>>, vector<16xf32>,
                %get3A_249 = arith.index_cast %scan3A_224 : i32 to index
                %get3A_250 = arith.constant 16 : index
                %get3A_251 = tpu.vector_load %arg15[%get3A_249, %get3A_250] {strides = array<i32>} : memref<64x256xf32, #tpu.memory_space<vmem>>, vector<16xf32>,
                %swap3A_252 = arith.index_cast %reduce_sum3A_242 : i32 to index
                %swap3A_253 = arith.constant 16 : index
                %swap3A_254 = tpu.vector_load %arg18[%swap3A_252, %swap3A_253] {strides = array<i32>} : memref<264x256xf32, #tpu.memory_space<vmem>>, vector<16xf32>,
                tpu.vector_store %arg18[%swap3A_252, %swap3A_253], %get3A_251 {add = true, strides = array<i32>} : memref<264x256xf32, #tpu.memory_space<vmem>>, vector<16xf32>,
                %get3A_255 = arith.index_cast %scan3A_224 : i32 to index
                %get3A_256 = arith.constant 32 : index
                %get3A_257 = tpu.vector_load %arg15[%get3A_255, %get3A_256] {strides = array<i32>} : memref<64x256xf32, #tpu.memory_space<vmem>>, vector<16xf32>,
                %swap3A_258 = arith.index_cast %reduce_sum3A_242 : i32 to index
                %swap3A_259 = arith.constant 32 : index
                %swap3A_260 = tpu.vector_load %arg18[%swap3A_258, %swap3A_259] {strides = array<i32>} : memref<264x256xf32, #tpu.memory_space<vmem>>, vector<16xf32>,
                tpu.vector_store %arg18[%swap3A_258, %swap3A_259], %get3A_257 {add = true, strides = array<i32>} : memref<264x256xf32, #tpu.memory_space<vmem>>, vector<16xf32>,
                %get3A_261 = arith.index_cast %scan3A_224 : i32 to index
                %get3A_262 = arith.constant 48 : index
                %get3A_263 = tpu.vector_load %arg15[%get3A_261, %get3A_262] {strides = array<i32>} : memref<64x256xf32, #tpu.memory_space<vmem>>, vector<16xf32>,
                %swap3A_264 = arith.index_cast %reduce_sum3A_242 : i32 to index
                %swap3A_265 = arith.constant 48 : index
                %swap3A_266 = tpu.vector_load %arg18[%swap3A_264, %swap3A_265] {strides = array<i32>} : memref<264x256xf32, #tpu.memory_space<vmem>>, vector<16xf32>,
                tpu.vector_store %arg18[%swap3A_264, %swap3A_265], %get3A_263 {add = true, strides = array<i32>} : memref<264x256xf32, #tpu.memory_space<vmem>>, vector<16xf32>,
                %get3A_267 = arith.index_cast %scan3A_224 : i32 to index
                %get3A_268 = arith.constant 64 : index
                %get3A_269 = tpu.vector_load %arg15[%get3A_267, %get3A_268] {strides = array<i32>} : memref<64x256xf32, #tpu.memory_space<vmem>>, vector<16xf32>,
                %swap3A_270 = arith.index_cast %reduce_sum3A_242 : i32 to index
                %swap3A_271 = arith.constant 64 : index
                %swap3A_272 = tpu.vector_load %arg18[%swap3A_270, %swap3A_271] {strides = array<i32>} : memref<264x256xf32, #tpu.memory_space<vmem>>, vector<16xf32>,
                tpu.vector_store %arg18[%swap3A_270, %swap3A_271], %get3A_269 {add = true, strides = array<i32>} : memref<264x256xf32, #tpu.memory_space<vmem>>, vector<16xf32>,
                %get3A_273 = arith.index_cast %scan3A_224 : i32 to index
                %get3A_274 = arith.constant 80 : index
                %get3A_275 = tpu.vector_load %arg15[%get3A_273, %get3A_274] {strides = array<i32>} : memref<64x256xf32, #tpu.memory_space<vmem>>, vector<16xf32>,
                %swap3A_276 = arith.index_cast %reduce_sum3A_242 : i32 to index
                %swap3A_277 = arith.constant 80 : index
                %swap3A_278 = tpu.vector_load %arg18[%swap3A_276, %swap3A_277] {strides = array<i32>} : memref<264x256xf32, #tpu.memory_space<vmem>>, vector<16xf32>,
                tpu.vector_store %arg18[%swap3A_276, %swap3A_277], %get3A_275 {add = true, strides = array<i32>} : memref<264x256xf32, #tpu.memory_space<vmem>>, vector<16xf32>,
                %get3A_279 = arith.index_cast %scan3A_224 : i32 to index
                %get3A_280 = arith.constant 96 : index
                %get3A_281 = tpu.vector_load %arg15[%get3A_279, %get3A_280] {strides = array<i32>} : memref<64x256xf32, #tpu.memory_space<vmem>>, vector<16xf32>,
                %swap3A_282 = arith.index_cast %reduce_sum3A_242 : i32 to index
                %swap3A_283 = arith.constant 96 : index
                %swap3A_284 = tpu.vector_load %arg18[%swap3A_282, %swap3A_283] {strides = array<i32>} : memref<264x256xf32, #tpu.memory_space<vmem>>, vector<16xf32>,
                tpu.vector_store %arg18[%swap3A_282, %swap3A_283], %get3A_281 {add = true, strides = array<i32>} : memref<264x256xf32, #tpu.memory_space<vmem>>, vector<16xf32>,
                %get3A_285 = arith.index_cast %scan3A_224 : i32 to index
                %get3A_286 = arith.constant 112 : index
                %get3A_287 = tpu.vector_load %arg15[%get3A_285, %get3A_286] {strides = array<i32>} : memref<64x256xf32, #tpu.memory_space<vmem>>, vector<16xf32>,
                %swap3A_288 = arith.index_cast %reduce_sum3A_242 : i32 to index
                %swap3A_289 = arith.constant 112 : index
                %swap3A_290 = tpu.vector_load %arg18[%swap3A_288, %swap3A_289] {strides = array<i32>} : memref<264x256xf32, #tpu.memory_space<vmem>>, vector<16xf32>,
                tpu.vector_store %arg18[%swap3A_288, %swap3A_289], %get3A_287 {add = true, strides = array<i32>} : memref<264x256xf32, #tpu.memory_space<vmem>>, vector<16xf32>,
                %get3A_291 = arith.index_cast %scan3A_224 : i32 to index
                %get3A_292 = arith.constant 128 : index
                %get3A_293 = tpu.vector_load %arg15[%get3A_291, %get3A_292] {strides = array<i32>} : memref<64x256xf32, #tpu.memory_space<vmem>>, vector<16xf32>,
                %swap3A_294 = arith.index_cast %reduce_sum3A_242 : i32 to index
                %swap3A_295 = arith.constant 128 : index
                %swap3A_296 = tpu.vector_load %arg18[%swap3A_294, %swap3A_295] {strides = array<i32>} : memref<264x256xf32, #tpu.memory_space<vmem>>, vector<16xf32>,
                tpu.vector_store %arg18[%swap3A_294, %swap3A_295], %get3A_293 {add = true, strides = array<i32>} : memref<264x256xf32, #tpu.memory_space<vmem>>, vector<16xf32>,
                %get3A_297 = arith.index_cast %scan3A_224 : i32 to index
                %get3A_298 = arith.constant 144 : index
                %get3A_299 = tpu.vector_load %arg15[%get3A_297, %get3A_298] {strides = array<i32>} : memref<64x256xf32, #tpu.memory_space<vmem>>, vector<16xf32>,
                %swap3A_300 = arith.index_cast %reduce_sum3A_242 : i32 to index
                %swap3A_301 = arith.constant 144 : index
                %swap3A_302 = tpu.vector_load %arg18[%swap3A_300, %swap3A_301] {strides = array<i32>} : memref<264x256xf32, #tpu.memory_space<vmem>>, vector<16xf32>,
                tpu.vector_store %arg18[%swap3A_300, %swap3A_301], %get3A_299 {add = true, strides = array<i32>} : memref<264x256xf32, #tpu.memory_space<vmem>>, vector<16xf32>,
                %get3A_303 = arith.index_cast %scan3A_224 : i32 to index
                %get3A_304 = arith.constant 160 : index
                %get3A_305 = tpu.vector_load %arg15[%get3A_303, %get3A_304] {strides = array<i32>} : memref<64x256xf32, #tpu.memory_space<vmem>>, vector<16xf32>,
                %swap3A_306 = arith.index_cast %reduce_sum3A_242 : i32 to index
                %swap3A_307 = arith.constant 160 : index
                %swap3A_308 = tpu.vector_load %arg18[%swap3A_306, %swap3A_307] {strides = array<i32>} : memref<264x256xf32, #tpu.memory_space<vmem>>, vector<16xf32>,
                tpu.vector_store %arg18[%swap3A_306, %swap3A_307], %get3A_305 {add = true, strides = array<i32>} : memref<264x256xf32, #tpu.memory_space<vmem>>, vector<16xf32>,
                %get3A_309 = arith.index_cast %scan3A_224 : i32 to index
                %get3A_310 = arith.constant 176 : index
                %get3A_311 = tpu.vector_load %arg15[%get3A_309, %get3A_310] {strides = array<i32>} : memref<64x256xf32, #tpu.memory_space<vmem>>, vector<16xf32>,
                %swap3A_312 = arith.index_cast %reduce_sum3A_242 : i32 to index
                %swap3A_313 = arith.constant 176 : index
                %swap3A_314 = tpu.vector_load %arg18[%swap3A_312, %swap3A_313] {strides = array<i32>} : memref<264x256xf32, #tpu.memory_space<vmem>>, vector<16xf32>,
                tpu.vector_store %arg18[%swap3A_312, %swap3A_313], %get3A_311 {add = true, strides = array<i32>} : memref<264x256xf32, #tpu.memory_space<vmem>>, vector<16xf32>,
                %get3A_315 = arith.index_cast %scan3A_224 : i32 to index
                %get3A_316 = arith.constant 192 : index
                %get3A_317 = tpu.vector_load %arg15[%get3A_315, %get3A_316] {strides = array<i32>} : memref<64x256xf32, #tpu.memory_space<vmem>>, vector<16xf32>,
                %swap3A_318 = arith.index_cast %reduce_sum3A_242 : i32 to index
                %swap3A_319 = arith.constant 192 : index
                %swap3A_320 = tpu.vector_load %arg18[%swap3A_318, %swap3A_319] {strides = array<i32>} : memref<264x256xf32, #tpu.memory_space<vmem>>, vector<16xf32>,
                tpu.vector_store %arg18[%swap3A_318, %swap3A_319], %get3A_317 {add = true, strides = array<i32>} : memref<264x256xf32, #tpu.memory_space<vmem>>, vector<16xf32>,
                %get3A_321 = arith.index_cast %scan3A_224 : i32 to index
                %get3A_322 = arith.constant 208 : index
                %get3A_323 = tpu.vector_load %arg15[%get3A_321, %get3A_322] {strides = array<i32>} : memref<64x256xf32, #tpu.memory_space<vmem>>, vector<16xf32>,
                %swap3A_324 = arith.index_cast %reduce_sum3A_242 : i32 to index
                %swap3A_325 = arith.constant 208 : index
                %swap3A_326 = tpu.vector_load %arg18[%swap3A_324, %swap3A_325] {strides = array<i32>} : memref<264x256xf32, #tpu.memory_space<vmem>>, vector<16xf32>,
                tpu.vector_store %arg18[%swap3A_324, %swap3A_325], %get3A_323 {add = true, strides = array<i32>} : memref<264x256xf32, #tpu.memory_space<vmem>>, vector<16xf32>,
                %get3A_327 = arith.index_cast %scan3A_224 : i32 to index
                %get3A_328 = arith.constant 224 : index
                %get3A_329 = tpu.vector_load %arg15[%get3A_327, %get3A_328] {strides = array<i32>} : memref<64x256xf32, #tpu.memory_space<vmem>>, vector<16xf32>,
                %swap3A_330 = arith.index_cast %reduce_sum3A_242 : i32 to index
                %swap3A_331 = arith.constant 224 : index
                %swap3A_332 = tpu.vector_load %arg18[%swap3A_330, %swap3A_331] {strides = array<i32>} : memref<264x256xf32, #tpu.memory_space<vmem>>, vector<16xf32>,
                tpu.vector_store %arg18[%swap3A_330, %swap3A_331], %get3A_329 {add = true, strides = array<i32>} : memref<264x256xf32, #tpu.memory_space<vmem>>, vector<16xf32>,
                %get3A_333 = arith.index_cast %scan3A_224 : i32 to index
                %get3A_334 = arith.constant 240 : index
                %get3A_335 = tpu.vector_load %arg15[%get3A_333, %get3A_334] {strides = array<i32>} : memref<64x256xf32, #tpu.memory_space<vmem>>, vector<16xf32>,
                %swap3A_336 = arith.index_cast %reduce_sum3A_242 : i32 to index
                %swap3A_337 = arith.constant 240 : index
                %swap3A_338 = tpu.vector_load %arg18[%swap3A_336, %swap3A_337] {strides = array<i32>} : memref<264x256xf32, #tpu.memory_space<vmem>>, vector<16xf32>,
                tpu.vector_store %arg18[%swap3A_336, %swap3A_337], %get3A_335 {add = true, strides = array<i32>} : memref<264x256xf32, #tpu.memory_space<vmem>>, vector<16xf32>,
                %scan3A_339 = arith.constant 0 : i32
                scf.yield %scan3A_339 : i32
              }
              %scan3A_222 = arith.constant 64 : i32
              %while3A_223 = arith.constant 0 : i32
              scf.yield %while3A_223 : i32
            }
            %and3A = arith.constant 63 : i32
            %and3A_114 = arith.andi %scan3A_98, %and3A : i32
            %mul3A_115 = arith.constant 64 : i32
            %mul3A_116 = arith.muli %shift_right_arithmetic3A_101, %mul3A_115 : i32
            %add3A_117 = arith.constant 0 : i32
            %add3A_118 = arith.addi %mul3A_116, %add3A_117 : i32
            %get3A_119 = arith.index_cast %add3A_118 : i32 to index
            %get3A_120 = tpu.vector_load %arg11[%get3A_119] {strides = array<i32>} : memref<2128xi32, #tpu.memory_space<vmem>>, vector<16xi32>,
            %swap3A = arith.constant 0 : index
            %swap3A_121 = tpu.vector_load %arg11[%swap3A] {strides = array<i32>} : memref<2128xi32, #tpu.memory_space<vmem>>, vector<16xi32>,
            tpu.vector_store %arg11[%swap3A], %get3A_120 {strides = array<i32>} : memref<2128xi32, #tpu.memory_space<vmem>>, vector<16xi32>,
            %mul3A_122 = arith.constant 64 : i32
            %mul3A_123 = arith.muli %shift_right_arithmetic3A_101, %mul3A_122 : i32
            %add3A_124 = arith.constant 16 : i32
            %add3A_125 = arith.addi %mul3A_123, %add3A_124 : i32
            %get3A_126 = arith.index_cast %add3A_125 : i32 to index
            %get3A_127 = tpu.vector_load %arg11[%get3A_126] {strides = array<i32>} : memref<2128xi32, #tpu.memory_space<vmem>>, vector<16xi32>,
            %swap3A_128 = arith.constant 16 : index
            %swap3A_129 = tpu.vector_load %arg11[%swap3A_128] {strides = array<i32>} : memref<2128xi32, #tpu.memory_space<vmem>>, vector<16xi32>,
            tpu.vector_store %arg11[%swap3A_128], %get3A_127 {strides = array<i32>} : memref<2128xi32, #tpu.memory_space<vmem>>, vector<16xi32>,
            %mul3A_130 = arith.constant 64 : i32
            %mul3A_131 = arith.muli %shift_right_arithmetic3A_101, %mul3A_130 : i32
            %add3A_132 = arith.constant 32 : i32
            %add3A_133 = arith.addi %mul3A_131, %add3A_132 : i32
            %get3A_134 = arith.index_cast %add3A_133 : i32 to index
            %get3A_135 = tpu.vector_load %arg11[%get3A_134] {strides = array<i32>} : memref<2128xi32, #tpu.memory_space<vmem>>, vector<16xi32>,
            %swap3A_136 = arith.constant 32 : index
            %swap3A_137 = tpu.vector_load %arg11[%swap3A_136] {strides = array<i32>} : memref<2128xi32, #tpu.memory_space<vmem>>, vector<16xi32>,
            tpu.vector_store %arg11[%swap3A_136], %get3A_135 {strides = array<i32>} : memref<2128xi32, #tpu.memory_space<vmem>>, vector<16xi32>,
            %mul3A_138 = arith.constant 64 : i32
            %mul3A_139 = arith.muli %shift_right_arithmetic3A_101, %mul3A_138 : i32
            %add3A_140 = arith.constant 48 : i32
            %add3A_141 = arith.addi %mul3A_139, %add3A_140 : i32
            %get3A_142 = arith.index_cast %add3A_141 : i32 to index
            %get3A_143 = tpu.vector_load %arg11[%get3A_142] {strides = array<i32>} : memref<2128xi32, #tpu.memory_space<vmem>>, vector<16xi32>,
            %swap3A_144 = arith.constant 48 : index
            %swap3A_145 = tpu.vector_load %arg11[%swap3A_144] {strides = array<i32>} : memref<2128xi32, #tpu.memory_space<vmem>>, vector<16xi32>,
            tpu.vector_store %arg11[%swap3A_144], %get3A_143 {strides = array<i32>} : memref<2128xi32, #tpu.memory_space<vmem>>, vector<16xi32>,
            scf.yield %and3A_114 : i32
          }
          scf.yield %while3A_80 : i32
        }
        %scan3A_39 = arith.constant 16 : i32
        %gt3A = arith.constant 0 : i32
        %gt3A_40 = arith.cmpi sgt, %scan3A_38, %gt3A : i32
        %convert_element_type3A_41 = arith.extui %gt3A_40 : i1 to i32
        %cond3A_42 = arith.constant 0 : i32
        %cond3A_43 = arith.cmpi ne, %convert_element_type3A_41, %cond3A_42 : i32
        scf.if %cond3A_43 {
          %mul3A_54 = arith.constant 131 : i32
          %mul3A_55 = arith.muli %arg1, %mul3A_54 : i32
          %mul3A_56 = arith.constant 29 : i32
          %mul3A_57 = arith.muli %scan3A_15, %mul3A_56 : i32
          %add3A_58 = arith.addi %mul3A_55, %mul3A_57 : i32
          %add3A_59 = arith.constant 0 : i32
          %add3A_60 = vector.broadcast %add3A_59 : i32 to vector<16xi32>
          %add3A_61 = arith.addi %iota3A, %add3A_60 : vector<16xi32>
          %add3A_62 = vector.broadcast %add3A_58 : i32 to vector<16xi32>
          %add3A_63 = arith.addi %add3A_61, %add3A_62 : vector<16xi32>
          %and3A = arith.constant 16383 : i32
          %and3A_64 = vector.broadcast %and3A : i32 to vector<16xi32>
          %and3A_65 = arith.andi %add3A_63, %and3A_64 : vector<16xi32>
          %shift_left3A = arith.constant 13 : i32
          %shift_left3A_66 = vector.broadcast %shift_left3A : i32 to vector<16xi32>
          %shift_left3A_67 = arith.shli %and3A_65, %shift_left3A_66 : vector<16xi32>
          %add3A_68 = arith.constant 0 : i32
          %add3A_69 = vector.broadcast %add3A_68 : i32 to vector<16xi32>
          %add3A_70 = arith.addi %iota3A, %add3A_69 : vector<16xi32>
          %and3A_71 = arith.constant 7 : i32
          %and3A_72 = vector.broadcast %and3A_71 : i32 to vector<16xi32>
          %and3A_73 = arith.andi %add3A_70, %and3A_72 : vector<16xi32>
          %add3A_74 = arith.constant 256 : i32
          %add3A_75 = vector.broadcast %add3A_74 : i32 to vector<16xi32>
          %add3A_76 = arith.addi %add3A_75, %and3A_73 : vector<16xi32>
          %or3A = arith.ori %shift_left3A_67, %add3A_76 : vector<16xi32>
          %get3A = arith.constant 0 : index
          %get3A_77 = tpu.vector_load %arg11[%get3A] {strides = array<i32>} : memref<2128xi32, #tpu.memory_space<vmem>>, vector<16xi32>,
          %add3A_78 = arith.constant 0 : i32
          %add3A_79 = vector.broadcast %add3A_78 : i32 to vector<16xi32>
          %add3A_80 = arith.addi %add3A_79, %iota3A : vector<16xi32>
          %lt3A_81 = vector.broadcast %scan3A_38 : i32 to vector<16xi32>
          %lt3A_82 = arith.cmpi slt, %add3A_80, %lt3A_81 : vector<16xi32>
          %select_n3A_83 = arith.select %lt3A_82, %get3A_77, %or3A : vector<16xi1>, vector<16xi32>
          %swap3A = arith.constant 0 : index
          %swap3A_84 = tpu.vector_load %arg11[%swap3A] {strides = array<i32>} : memref<2128xi32, #tpu.memory_space<vmem>>, vector<16xi32>,
          tpu.vector_store %arg11[%swap3A], %select_n3A_83 {strides = array<i32>} : memref<2128xi32, #tpu.memory_space<vmem>>, vector<16xi32>,
          %add3A_85 = arith.constant 16 : i32
          %add3A_86 = vector.broadcast %add3A_85 : i32 to vector<16xi32>
          %add3A_87 = arith.addi %iota3A, %add3A_86 : vector<16xi32>
          %add3A_88 = vector.broadcast %add3A_58 : i32 to vector<16xi32>
          %add3A_89 = arith.addi %add3A_87, %add3A_88 : vector<16xi32>
          %and3A_90 = arith.constant 16383 : i32
          %and3A_91 = vector.broadcast %and3A_90 : i32 to vector<16xi32>
          %and3A_92 = arith.andi %add3A_89, %and3A_91 : vector<16xi32>
          %shift_left3A_93 = arith.constant 13 : i32
          %shift_left3A_94 = vector.broadcast %shift_left3A_93 : i32 to vector<16xi32>
          %shift_left3A_95 = arith.shli %and3A_92, %shift_left3A_94 : vector<16xi32>
          %add3A_96 = arith.constant 1 : i32
          %add3A_97 = vector.broadcast %add3A_96 : i32 to vector<16xi32>
          %add3A_98 = arith.addi %iota3A, %add3A_97 : vector<16xi32>
          %and3A_99 = arith.constant 7 : i32
          %and3A_100 = vector.broadcast %and3A_99 : i32 to vector<16xi32>
          %and3A_101 = arith.andi %add3A_98, %and3A_100 : vector<16xi32>
          %add3A_102 = arith.constant 256 : i32
          %add3A_103 = vector.broadcast %add3A_102 : i32 to vector<16xi32>
          %add3A_104 = arith.addi %add3A_103, %and3A_101 : vector<16xi32>
          %or3A_105 = arith.ori %shift_left3A_95, %add3A_104 : vector<16xi32>
          %get3A_106 = arith.constant 16 : index
          %get3A_107 = tpu.vector_load %arg11[%get3A_106] {strides = array<i32>} : memref<2128xi32, #tpu.memory_space<vmem>>, vector<16xi32>,
          %add3A_108 = arith.constant 16 : i32
          %add3A_109 = vector.broadcast %add3A_108 : i32 to vector<16xi32>
          %add3A_110 = arith.addi %add3A_109, %iota3A : vector<16xi32>
          %lt3A_111 = vector.broadcast %scan3A_38 : i32 to vector<16xi32>
          %lt3A_112 = arith.cmpi slt, %add3A_110, %lt3A_111 : vector<16xi32>
          %select_n3A_113 = arith.select %lt3A_112, %get3A_107, %or3A_105 : vector<16xi1>, vector<16xi32>
          %swap3A_114 = arith.constant 16 : index
          %swap3A_115 = tpu.vector_load %arg11[%swap3A_114] {strides = array<i32>} : memref<2128xi32, #tpu.memory_space<vmem>>, vector<16xi32>,
          tpu.vector_store %arg11[%swap3A_114], %select_n3A_113 {strides = array<i32>} : memref<2128xi32, #tpu.memory_space<vmem>>, vector<16xi32>,
          %add3A_116 = arith.constant 32 : i32
          %add3A_117 = vector.broadcast %add3A_116 : i32 to vector<16xi32>
          %add3A_118 = arith.addi %iota3A, %add3A_117 : vector<16xi32>
          %add3A_119 = vector.broadcast %add3A_58 : i32 to vector<16xi32>
          %add3A_120 = arith.addi %add3A_118, %add3A_119 : vector<16xi32>
          %and3A_121 = arith.constant 16383 : i32
          %and3A_122 = vector.broadcast %and3A_121 : i32 to vector<16xi32>
          %and3A_123 = arith.andi %add3A_120, %and3A_122 : vector<16xi32>
          %shift_left3A_124 = arith.constant 13 : i32
          %shift_left3A_125 = vector.broadcast %shift_left3A_124 : i32 to vector<16xi32>
          %shift_left3A_126 = arith.shli %and3A_123, %shift_left3A_125 : vector<16xi32>
          %add3A_127 = arith.constant 2 : i32
          %add3A_128 = vector.broadcast %add3A_127 : i32 to vector<16xi32>
          %add3A_129 = arith.addi %iota3A, %add3A_128 : vector<16xi32>
          %and3A_130 = arith.constant 7 : i32
          %and3A_131 = vector.broadcast %and3A_130 : i32 to vector<16xi32>
          %and3A_132 = arith.andi %add3A_129, %and3A_131 : vector<16xi32>
          %add3A_133 = arith.constant 256 : i32
          %add3A_134 = vector.broadcast %add3A_133 : i32 to vector<16xi32>
          %add3A_135 = arith.addi %add3A_134, %and3A_132 : vector<16xi32>
          %or3A_136 = arith.ori %shift_left3A_126, %add3A_135 : vector<16xi32>
          %get3A_137 = arith.constant 32 : index
          %get3A_138 = tpu.vector_load %arg11[%get3A_137] {strides = array<i32>} : memref<2128xi32, #tpu.memory_space<vmem>>, vector<16xi32>,
          %add3A_139 = arith.constant 32 : i32
          %add3A_140 = vector.broadcast %add3A_139 : i32 to vector<16xi32>
          %add3A_141 = arith.addi %add3A_140, %iota3A : vector<16xi32>
          %lt3A_142 = vector.broadcast %scan3A_38 : i32 to vector<16xi32>
          %lt3A_143 = arith.cmpi slt, %add3A_141, %lt3A_142 : vector<16xi32>
          %select_n3A_144 = arith.select %lt3A_143, %get3A_138, %or3A_136 : vector<16xi1>, vector<16xi32>
          %swap3A_145 = arith.constant 32 : index
          %swap3A_146 = tpu.vector_load %arg11[%swap3A_145] {strides = array<i32>} : memref<2128xi32, #tpu.memory_space<vmem>>, vector<16xi32>,
          tpu.vector_store %arg11[%swap3A_145], %select_n3A_144 {strides = array<i32>} : memref<2128xi32, #tpu.memory_space<vmem>>, vector<16xi32>,
          %add3A_147 = arith.constant 48 : i32
          %add3A_148 = vector.broadcast %add3A_147 : i32 to vector<16xi32>
          %add3A_149 = arith.addi %iota3A, %add3A_148 : vector<16xi32>
          %add3A_150 = vector.broadcast %add3A_58 : i32 to vector<16xi32>
          %add3A_151 = arith.addi %add3A_149, %add3A_150 : vector<16xi32>
          %and3A_152 = arith.constant 16383 : i32
          %and3A_153 = vector.broadcast %and3A_152 : i32 to vector<16xi32>
          %and3A_154 = arith.andi %add3A_151, %and3A_153 : vector<16xi32>
          %shift_left3A_155 = arith.constant 13 : i32
          %shift_left3A_156 = vector.broadcast %shift_left3A_155 : i32 to vector<16xi32>
          %shift_left3A_157 = arith.shli %and3A_154, %shift_left3A_156 : vector<16xi32>
          %add3A_158 = arith.constant 3 : i32
          %add3A_159 = vector.broadcast %add3A_158 : i32 to vector<16xi32>
          %add3A_160 = arith.addi %iota3A, %add3A_159 : vector<16xi32>
          %and3A_161 = arith.constant 7 : i32
          %and3A_162 = vector.broadcast %and3A_161 : i32 to vector<16xi32>
          %and3A_163 = arith.andi %add3A_160, %and3A_162 : vector<16xi32>
          %add3A_164 = arith.constant 256 : i32
          %add3A_165 = vector.broadcast %add3A_164 : i32 to vector<16xi32>
          %add3A_166 = arith.addi %add3A_165, %and3A_163 : vector<16xi32>
          %or3A_167 = arith.ori %shift_left3A_157, %add3A_166 : vector<16xi32>
          %get3A_168 = arith.constant 48 : index
          %get3A_169 = tpu.vector_load %arg11[%get3A_168] {strides = array<i32>} : memref<2128xi32, #tpu.memory_space<vmem>>, vector<16xi32>,
          %add3A_170 = arith.constant 48 : i32
          %add3A_171 = vector.broadcast %add3A_170 : i32 to vector<16xi32>
          %add3A_172 = arith.addi %add3A_171, %iota3A : vector<16xi32>
          %lt3A_173 = vector.broadcast %scan3A_38 : i32 to vector<16xi32>
          %lt3A_174 = arith.cmpi slt, %add3A_172, %lt3A_173 : vector<16xi32>
          %select_n3A_175 = arith.select %lt3A_174, %get3A_169, %or3A_167 : vector<16xi1>, vector<16xi32>
          %swap3A_176 = arith.constant 48 : index
          %swap3A_177 = tpu.vector_load %arg11[%swap3A_176] {strides = array<i32>} : memref<2128xi32, #tpu.memory_space<vmem>>, vector<16xi32>,
          tpu.vector_store %arg11[%swap3A_176], %select_n3A_175 {strides = array<i32>} : memref<2128xi32, #tpu.memory_space<vmem>>, vector<16xi32>,
          %scan3A_178 = arith.constant 0 : i32
          %scan3A_179 = arith.constant 0 : i32
          %mul3A_180 = arith.constant 64 : i32
          %mul3A_181 = arith.muli %scan3A_179, %mul3A_180 : i32
          %add3A_182 = arith.constant 0 : i32
          %add3A_183 = arith.addi %mul3A_181, %add3A_182 : i32
          %get3A_184 = arith.index_cast %add3A_183 : i32 to index
          %get3A_185 = tpu.vector_load %arg11[%get3A_184] {strides = array<i32>} : memref<2128xi32, #tpu.memory_space<vmem>>, vector<16xi32>,
          %shift_right_arithmetic3A = arith.constant 13 : i32
          %shift_right_arithmetic3A_186 = vector.broadcast %shift_right_arithmetic3A : i32 to vector<16xi32>
          %shift_right_arithmetic3A_187 = arith.shrsi %get3A_185, %shift_right_arithmetic3A_186 : vector<16xi32>
          %swap3A_188 = arith.constant 0 : index
          %swap3A_189 = tpu.vector_load %arg13[%swap3A_188] {strides = array<i32>} : memref<64xi32, #tpu.memory_space<vmem>>, vector<16xi32>,
          tpu.vector_store %arg13[%swap3A_188], %shift_right_arithmetic3A_187 {strides = array<i32>} : memref<64xi32, #tpu.memory_space<vmem>>, vector<16xi32>,
          %and3A_190 = arith.constant 511 : i32
          %and3A_191 = vector.broadcast %and3A_190 : i32 to vector<16xi32>
          %and3A_192 = arith.andi %get3A_185, %and3A_191 : vector<16xi32>
          %swap3A_193 = arith.constant 0 : index
          %swap3A_194 = tpu.vector_load %arg14[%swap3A_193] {strides = array<i32>} : memref<64xi32, #tpu.memory_space<vmem>>, vector<16xi32>,
          tpu.vector_store %arg14[%swap3A_193], %and3A_192 {strides = array<i32>} : memref<64xi32, #tpu.memory_space<vmem>>, vector<16xi32>,
          %mul3A_195 = arith.constant 64 : i32
          %mul3A_196 = arith.muli %scan3A_179, %mul3A_195 : i32
          %add3A_197 = arith.constant 16 : i32
          %add3A_198 = arith.addi %mul3A_196, %add3A_197 : i32
          %get3A_199 = arith.index_cast %add3A_198 : i32 to index
          %get3A_200 = tpu.vector_load %arg11[%get3A_199] {strides = array<i32>} : memref<2128xi32, #tpu.memory_space<vmem>>, vector<16xi32>,
          %shift_right_arithmetic3A_201 = arith.constant 13 : i32
          %shift_right_arithmetic3A_202 = vector.broadcast %shift_right_arithmetic3A_201 : i32 to vector<16xi32>
          %shift_right_arithmetic3A_203 = arith.shrsi %get3A_200, %shift_right_arithmetic3A_202 : vector<16xi32>
          %swap3A_204 = arith.constant 16 : index
          %swap3A_205 = tpu.vector_load %arg13[%swap3A_204] {strides = array<i32>} : memref<64xi32, #tpu.memory_space<vmem>>, vector<16xi32>,
          tpu.vector_store %arg13[%swap3A_204], %shift_right_arithmetic3A_203 {strides = array<i32>} : memref<64xi32, #tpu.memory_space<vmem>>, vector<16xi32>,
          %and3A_206 = arith.constant 511 : i32
          %and3A_207 = vector.broadcast %and3A_206 : i32 to vector<16xi32>
          %and3A_208 = arith.andi %get3A_200, %and3A_207 : vector<16xi32>
          %swap3A_209 = arith.constant 16 : index
          %swap3A_210 = tpu.vector_load %arg14[%swap3A_209] {strides = array<i32>} : memref<64xi32, #tpu.memory_space<vmem>>, vector<16xi32>,
          tpu.vector_store %arg14[%swap3A_209], %and3A_208 {strides = array<i32>} : memref<64xi32, #tpu.memory_space<vmem>>, vector<16xi32>,
          %mul3A_211 = arith.constant 64 : i32
          %mul3A_212 = arith.muli %scan3A_179, %mul3A_211 : i32
          %add3A_213 = arith.constant 32 : i32
          %add3A_214 = arith.addi %mul3A_212, %add3A_213 : i32
          %get3A_215 = arith.index_cast %add3A_214 : i32 to index
          %get3A_216 = tpu.vector_load %arg11[%get3A_215] {strides = array<i32>} : memref<2128xi32, #tpu.memory_space<vmem>>, vector<16xi32>,
          %shift_right_arithmetic3A_217 = arith.constant 13 : i32
          %shift_right_arithmetic3A_218 = vector.broadcast %shift_right_arithmetic3A_217 : i32 to vector<16xi32>
          %shift_right_arithmetic3A_219 = arith.shrsi %get3A_216, %shift_right_arithmetic3A_218 : vector<16xi32>
          %swap3A_220 = arith.constant 32 : index
          %swap3A_221 = tpu.vector_load %arg13[%swap3A_220] {strides = array<i32>} : memref<64xi32, #tpu.memory_space<vmem>>, vector<16xi32>,
          tpu.vector_store %arg13[%swap3A_220], %shift_right_arithmetic3A_219 {strides = array<i32>} : memref<64xi32, #tpu.memory_space<vmem>>, vector<16xi32>,
          %and3A_222 = arith.constant 511 : i32
          %and3A_223 = vector.broadcast %and3A_222 : i32 to vector<16xi32>
          %and3A_224 = arith.andi %get3A_216, %and3A_223 : vector<16xi32>
          %swap3A_225 = arith.constant 32 : index
          %swap3A_226 = tpu.vector_load %arg14[%swap3A_225] {strides = array<i32>} : memref<64xi32, #tpu.memory_space<vmem>>, vector<16xi32>,
          tpu.vector_store %arg14[%swap3A_225], %and3A_224 {strides = array<i32>} : memref<64xi32, #tpu.memory_space<vmem>>, vector<16xi32>,
          %mul3A_227 = arith.constant 64 : i32
          %mul3A_228 = arith.muli %scan3A_179, %mul3A_227 : i32
          %add3A_229 = arith.constant 48 : i32
          %add3A_230 = arith.addi %mul3A_228, %add3A_229 : i32
          %get3A_231 = arith.index_cast %add3A_230 : i32 to index
          %get3A_232 = tpu.vector_load %arg11[%get3A_231] {strides = array<i32>} : memref<2128xi32, #tpu.memory_space<vmem>>, vector<16xi32>,
          %shift_right_arithmetic3A_233 = arith.constant 13 : i32
          %shift_right_arithmetic3A_234 = vector.broadcast %shift_right_arithmetic3A_233 : i32 to vector<16xi32>
          %shift_right_arithmetic3A_235 = arith.shrsi %get3A_232, %shift_right_arithmetic3A_234 : vector<16xi32>
          %swap3A_236 = arith.constant 48 : index
          %swap3A_237 = tpu.vector_load %arg13[%swap3A_236] {strides = array<i32>} : memref<64xi32, #tpu.memory_space<vmem>>, vector<16xi32>,
          tpu.vector_store %arg13[%swap3A_236], %shift_right_arithmetic3A_235 {strides = array<i32>} : memref<64xi32, #tpu.memory_space<vmem>>, vector<16xi32>,
          %and3A_238 = arith.constant 511 : i32
          %and3A_239 = vector.broadcast %and3A_238 : i32 to vector<16xi32>
          %and3A_240 = arith.andi %get3A_232, %and3A_239 : vector<16xi32>
          %swap3A_241 = arith.constant 48 : index
          %swap3A_242 = tpu.vector_load %arg14[%swap3A_241] {strides = array<i32>} : memref<64xi32, #tpu.memory_space<vmem>>, vector<16xi32>,
          tpu.vector_store %arg14[%swap3A_241], %and3A_240 {strides = array<i32>} : memref<64xi32, #tpu.memory_space<vmem>>, vector<16xi32>,
          %dma_start3A = arith.constant 0 : i32
          %dma_start3A_243 = arith.constant 0 : i32
          %dma_start3A_244 = tpu.memref_slice %arg2[%dma_start3A, %dma_start3A_243] : memref<53248x256xf32, #tpu.memory_space<hbm>> -> memref<53248x256xf32, #tpu.memory_space<hbm>>
          tpu.enqueue_indirect_dma source(%dma_start3A_244 : memref<53248x256xf32, #tpu.memory_space<hbm>>) target(%arg15 : memref<64x256xf32, #tpu.memory_space<vmem>>) offsets(%arg13 : memref<64xi32, #tpu.memory_space<vmem>>) semaphore(%arg19 : memref<!tpu.dma_semaphore, #tpu.memory_space<semaphore_mem>>)
          %dma_wait3A = arith.constant 0 : i32
          %dma_wait3A_245 = arith.constant 0 : i32
          %dma_wait3A_246 = tpu.memref_slice %arg2[%dma_wait3A, %dma_wait3A_245] : memref<53248x256xf32, #tpu.memory_space<hbm>> -> memref<53248x256xf32, #tpu.memory_space<hbm>>
          tpu.wait_indirect_dma semaphore(%arg19 : memref<!tpu.dma_semaphore, #tpu.memory_space<semaphore_mem>>) src(%dma_wait3A_246 : memref<53248x256xf32, #tpu.memory_space<hbm>>) dst(%arg15 : memref<64x256xf32, #tpu.memory_space<vmem>>)
          %scan3A_247 = arith.constant 0 : i32
          %scan3A_248 = arith.constant 0 : i32
          %scan3A_249 = arith.constant 64 : i32
          %scan3A_250 = arith.addi %scan3A_248, %scan3A_249 : i32
          %scan3A_251 = arith.constant 1 : i32
          %scan3A_252 = scf.for %scan3A_256 = %scan3A_248 to %scan3A_250 step %scan3A_251 iter_args(%scan3A_257 = %scan3A_247) -> (i32)  : i32 {
            %shift_right_arithmetic3A_258 = arith.constant 4 : i32
            %shift_right_arithmetic3A_259 = arith.shrsi %scan3A_256, %shift_right_arithmetic3A_258 : i32
            %mul3A_260 = arith.constant 16 : i32
            %mul3A_261 = arith.muli %shift_right_arithmetic3A_259, %mul3A_260 : i32
            %get3A_262 = arith.index_cast %mul3A_261 : i32 to index
            %get3A_263 = tpu.vector_load %arg14[%get3A_262] {strides = array<i32>} : memref<64xi32, #tpu.memory_space<vmem>>, vector<16xi32>,
            %and3A_264 = arith.constant 15 : i32
            %and3A_265 = arith.andi %scan3A_256, %and3A_264 : i32
            %eq3A_266 = vector.broadcast %and3A_265 : i32 to vector<16xi32>
            %eq3A_267 = arith.cmpi eq, %iota3A, %eq3A_266 : vector<16xi32>
            %jit3A = arith.constant 0 : i32
            %broadcast_in_dim3A_268 = vector.broadcast %jit3A : i32 to vector<16xi32>
            %select_n3A_269 = arith.select %eq3A_267, %get3A_263, %broadcast_in_dim3A_268 : vector<16xi1>, vector<16xi32>
            %reduce_sum3A = arith.constant true
            %reduce_sum3A_270 = vector.broadcast %reduce_sum3A : i1 to vector<16xi1>
            %reduce_sum3A_271 = tpu.scan <sum>, %select_n3A_269 masked %reduce_sum3A_270 : vector<16xi32>, vector<16xi1> -> vector<16xi32>
            %reduce_sum3A_272 = vector.extract %reduce_sum3A_271[15] : i32 from vector<16xi32>
            %get3A_273 = arith.index_cast %scan3A_256 : i32 to index
            %get3A_274 = arith.constant 0 : index
            %get3A_275 = tpu.vector_load %arg15[%get3A_273, %get3A_274] {strides = array<i32>} : memref<64x256xf32, #tpu.memory_space<vmem>>, vector<16xf32>,
            %swap3A_276 = arith.index_cast %reduce_sum3A_272 : i32 to index
            %swap3A_277 = arith.constant 0 : index
            %swap3A_278 = tpu.vector_load %arg18[%swap3A_276, %swap3A_277] {strides = array<i32>} : memref<264x256xf32, #tpu.memory_space<vmem>>, vector<16xf32>,
            tpu.vector_store %arg18[%swap3A_276, %swap3A_277], %get3A_275 {add = true, strides = array<i32>} : memref<264x256xf32, #tpu.memory_space<vmem>>, vector<16xf32>,
            %get3A_279 = arith.index_cast %scan3A_256 : i32 to index
            %get3A_280 = arith.constant 16 : index
            %get3A_281 = tpu.vector_load %arg15[%get3A_279, %get3A_280] {strides = array<i32>} : memref<64x256xf32, #tpu.memory_space<vmem>>, vector<16xf32>,
            %swap3A_282 = arith.index_cast %reduce_sum3A_272 : i32 to index
            %swap3A_283 = arith.constant 16 : index
            %swap3A_284 = tpu.vector_load %arg18[%swap3A_282, %swap3A_283] {strides = array<i32>} : memref<264x256xf32, #tpu.memory_space<vmem>>, vector<16xf32>,
            tpu.vector_store %arg18[%swap3A_282, %swap3A_283], %get3A_281 {add = true, strides = array<i32>} : memref<264x256xf32, #tpu.memory_space<vmem>>, vector<16xf32>,
            %get3A_285 = arith.index_cast %scan3A_256 : i32 to index
            %get3A_286 = arith.constant 32 : index
            %get3A_287 = tpu.vector_load %arg15[%get3A_285, %get3A_286] {strides = array<i32>} : memref<64x256xf32, #tpu.memory_space<vmem>>, vector<16xf32>,
            %swap3A_288 = arith.index_cast %reduce_sum3A_272 : i32 to index
            %swap3A_289 = arith.constant 32 : index
            %swap3A_290 = tpu.vector_load %arg18[%swap3A_288, %swap3A_289] {strides = array<i32>} : memref<264x256xf32, #tpu.memory_space<vmem>>, vector<16xf32>,
            tpu.vector_store %arg18[%swap3A_288, %swap3A_289], %get3A_287 {add = true, strides = array<i32>} : memref<264x256xf32, #tpu.memory_space<vmem>>, vector<16xf32>,
            %get3A_291 = arith.index_cast %scan3A_256 : i32 to index
            %get3A_292 = arith.constant 48 : index
            %get3A_293 = tpu.vector_load %arg15[%get3A_291, %get3A_292] {strides = array<i32>} : memref<64x256xf32, #tpu.memory_space<vmem>>, vector<16xf32>,
            %swap3A_294 = arith.index_cast %reduce_sum3A_272 : i32 to index
            %swap3A_295 = arith.constant 48 : index
            %swap3A_296 = tpu.vector_load %arg18[%swap3A_294, %swap3A_295] {strides = array<i32>} : memref<264x256xf32, #tpu.memory_space<vmem>>, vector<16xf32>,
            tpu.vector_store %arg18[%swap3A_294, %swap3A_295], %get3A_293 {add = true, strides = array<i32>} : memref<264x256xf32, #tpu.memory_space<vmem>>, vector<16xf32>,
            %get3A_297 = arith.index_cast %scan3A_256 : i32 to index
            %get3A_298 = arith.constant 64 : index
            %get3A_299 = tpu.vector_load %arg15[%get3A_297, %get3A_298] {strides = array<i32>} : memref<64x256xf32, #tpu.memory_space<vmem>>, vector<16xf32>,
            %swap3A_300 = arith.index_cast %reduce_sum3A_272 : i32 to index
            %swap3A_301 = arith.constant 64 : index
            %swap3A_302 = tpu.vector_load %arg18[%swap3A_300, %swap3A_301] {strides = array<i32>} : memref<264x256xf32, #tpu.memory_space<vmem>>, vector<16xf32>,
            tpu.vector_store %arg18[%swap3A_300, %swap3A_301], %get3A_299 {add = true, strides = array<i32>} : memref<264x256xf32, #tpu.memory_space<vmem>>, vector<16xf32>,
            %get3A_303 = arith.index_cast %scan3A_256 : i32 to index
            %get3A_304 = arith.constant 80 : index
            %get3A_305 = tpu.vector_load %arg15[%get3A_303, %get3A_304] {strides = array<i32>} : memref<64x256xf32, #tpu.memory_space<vmem>>, vector<16xf32>,
            %swap3A_306 = arith.index_cast %reduce_sum3A_272 : i32 to index
            %swap3A_307 = arith.constant 80 : index
            %swap3A_308 = tpu.vector_load %arg18[%swap3A_306, %swap3A_307] {strides = array<i32>} : memref<264x256xf32, #tpu.memory_space<vmem>>, vector<16xf32>,
            tpu.vector_store %arg18[%swap3A_306, %swap3A_307], %get3A_305 {add = true, strides = array<i32>} : memref<264x256xf32, #tpu.memory_space<vmem>>, vector<16xf32>,
            %get3A_309 = arith.index_cast %scan3A_256 : i32 to index
            %get3A_310 = arith.constant 96 : index
            %get3A_311 = tpu.vector_load %arg15[%get3A_309, %get3A_310] {strides = array<i32>} : memref<64x256xf32, #tpu.memory_space<vmem>>, vector<16xf32>,
            %swap3A_312 = arith.index_cast %reduce_sum3A_272 : i32 to index
            %swap3A_313 = arith.constant 96 : index
            %swap3A_314 = tpu.vector_load %arg18[%swap3A_312, %swap3A_313] {strides = array<i32>} : memref<264x256xf32, #tpu.memory_space<vmem>>, vector<16xf32>,
            tpu.vector_store %arg18[%swap3A_312, %swap3A_313], %get3A_311 {add = true, strides = array<i32>} : memref<264x256xf32, #tpu.memory_space<vmem>>, vector<16xf32>,
            %get3A_315 = arith.index_cast %scan3A_256 : i32 to index
            %get3A_316 = arith.constant 112 : index
            %get3A_317 = tpu.vector_load %arg15[%get3A_315, %get3A_316] {strides = array<i32>} : memref<64x256xf32, #tpu.memory_space<vmem>>, vector<16xf32>,
            %swap3A_318 = arith.index_cast %reduce_sum3A_272 : i32 to index
            %swap3A_319 = arith.constant 112 : index
            %swap3A_320 = tpu.vector_load %arg18[%swap3A_318, %swap3A_319] {strides = array<i32>} : memref<264x256xf32, #tpu.memory_space<vmem>>, vector<16xf32>,
            tpu.vector_store %arg18[%swap3A_318, %swap3A_319], %get3A_317 {add = true, strides = array<i32>} : memref<264x256xf32, #tpu.memory_space<vmem>>, vector<16xf32>,
            %get3A_321 = arith.index_cast %scan3A_256 : i32 to index
            %get3A_322 = arith.constant 128 : index
            %get3A_323 = tpu.vector_load %arg15[%get3A_321, %get3A_322] {strides = array<i32>} : memref<64x256xf32, #tpu.memory_space<vmem>>, vector<16xf32>,
            %swap3A_324 = arith.index_cast %reduce_sum3A_272 : i32 to index
            %swap3A_325 = arith.constant 128 : index
            %swap3A_326 = tpu.vector_load %arg18[%swap3A_324, %swap3A_325] {strides = array<i32>} : memref<264x256xf32, #tpu.memory_space<vmem>>, vector<16xf32>,
            tpu.vector_store %arg18[%swap3A_324, %swap3A_325], %get3A_323 {add = true, strides = array<i32>} : memref<264x256xf32, #tpu.memory_space<vmem>>, vector<16xf32>,
            %get3A_327 = arith.index_cast %scan3A_256 : i32 to index
            %get3A_328 = arith.constant 144 : index
            %get3A_329 = tpu.vector_load %arg15[%get3A_327, %get3A_328] {strides = array<i32>} : memref<64x256xf32, #tpu.memory_space<vmem>>, vector<16xf32>,
            %swap3A_330 = arith.index_cast %reduce_sum3A_272 : i32 to index
            %swap3A_331 = arith.constant 144 : index
            %swap3A_332 = tpu.vector_load %arg18[%swap3A_330, %swap3A_331] {strides = array<i32>} : memref<264x256xf32, #tpu.memory_space<vmem>>, vector<16xf32>,
            tpu.vector_store %arg18[%swap3A_330, %swap3A_331], %get3A_329 {add = true, strides = array<i32>} : memref<264x256xf32, #tpu.memory_space<vmem>>, vector<16xf32>,
            %get3A_333 = arith.index_cast %scan3A_256 : i32 to index
            %get3A_334 = arith.constant 160 : index
            %get3A_335 = tpu.vector_load %arg15[%get3A_333, %get3A_334] {strides = array<i32>} : memref<64x256xf32, #tpu.memory_space<vmem>>, vector<16xf32>,
            %swap3A_336 = arith.index_cast %reduce_sum3A_272 : i32 to index
            %swap3A_337 = arith.constant 160 : index
            %swap3A_338 = tpu.vector_load %arg18[%swap3A_336, %swap3A_337] {strides = array<i32>} : memref<264x256xf32, #tpu.memory_space<vmem>>, vector<16xf32>,
            tpu.vector_store %arg18[%swap3A_336, %swap3A_337], %get3A_335 {add = true, strides = array<i32>} : memref<264x256xf32, #tpu.memory_space<vmem>>, vector<16xf32>,
            %get3A_339 = arith.index_cast %scan3A_256 : i32 to index
            %get3A_340 = arith.constant 176 : index
            %get3A_341 = tpu.vector_load %arg15[%get3A_339, %get3A_340] {strides = array<i32>} : memref<64x256xf32, #tpu.memory_space<vmem>>, vector<16xf32>,
            %swap3A_342 = arith.index_cast %reduce_sum3A_272 : i32 to index
            %swap3A_343 = arith.constant 176 : index
            %swap3A_344 = tpu.vector_load %arg18[%swap3A_342, %swap3A_343] {strides = array<i32>} : memref<264x256xf32, #tpu.memory_space<vmem>>, vector<16xf32>,
            tpu.vector_store %arg18[%swap3A_342, %swap3A_343], %get3A_341 {add = true, strides = array<i32>} : memref<264x256xf32, #tpu.memory_space<vmem>>, vector<16xf32>,
            %get3A_345 = arith.index_cast %scan3A_256 : i32 to index
            %get3A_346 = arith.constant 192 : index
            %get3A_347 = tpu.vector_load %arg15[%get3A_345, %get3A_346] {strides = array<i32>} : memref<64x256xf32, #tpu.memory_space<vmem>>, vector<16xf32>,
            %swap3A_348 = arith.index_cast %reduce_sum3A_272 : i32 to index
            %swap3A_349 = arith.constant 192 : index
            %swap3A_350 = tpu.vector_load %arg18[%swap3A_348, %swap3A_349] {strides = array<i32>} : memref<264x256xf32, #tpu.memory_space<vmem>>, vector<16xf32>,
            tpu.vector_store %arg18[%swap3A_348, %swap3A_349], %get3A_347 {add = true, strides = array<i32>} : memref<264x256xf32, #tpu.memory_space<vmem>>, vector<16xf32>,
            %get3A_351 = arith.index_cast %scan3A_256 : i32 to index
            %get3A_352 = arith.constant 208 : index
            %get3A_353 = tpu.vector_load %arg15[%get3A_351, %get3A_352] {strides = array<i32>} : memref<64x256xf32, #tpu.memory_space<vmem>>, vector<16xf32>,
            %swap3A_354 = arith.index_cast %reduce_sum3A_272 : i32 to index
            %swap3A_355 = arith.constant 208 : index
            %swap3A_356 = tpu.vector_load %arg18[%swap3A_354, %swap3A_355] {strides = array<i32>} : memref<264x256xf32, #tpu.memory_space<vmem>>, vector<16xf32>,
            tpu.vector_store %arg18[%swap3A_354, %swap3A_355], %get3A_353 {add = true, strides = array<i32>} : memref<264x256xf32, #tpu.memory_space<vmem>>, vector<16xf32>,
            %get3A_357 = arith.index_cast %scan3A_256 : i32 to index
            %get3A_358 = arith.constant 224 : index
            %get3A_359 = tpu.vector_load %arg15[%get3A_357, %get3A_358] {strides = array<i32>} : memref<64x256xf32, #tpu.memory_space<vmem>>, vector<16xf32>,
            %swap3A_360 = arith.index_cast %reduce_sum3A_272 : i32 to index
            %swap3A_361 = arith.constant 224 : index
            %swap3A_362 = tpu.vector_load %arg18[%swap3A_360, %swap3A_361] {strides = array<i32>} : memref<264x256xf32, #tpu.memory_space<vmem>>, vector<16xf32>,
            tpu.vector_store %arg18[%swap3A_360, %swap3A_361], %get3A_359 {add = true, strides = array<i32>} : memref<264x256xf32, #tpu.memory_space<vmem>>, vector<16xf32>,
            %get3A_363 = arith.index_cast %scan3A_256 : i32 to index
            %get3A_364 = arith.constant 240 : index
            %get3A_365 = tpu.vector_load %arg15[%get3A_363, %get3A_364] {strides = array<i32>} : memref<64x256xf32, #tpu.memory_space<vmem>>, vector<16xf32>,
            %swap3A_366 = arith.index_cast %reduce_sum3A_272 : i32 to index
            %swap3A_367 = arith.constant 240 : index
            %swap3A_368 = tpu.vector_load %arg18[%swap3A_366, %swap3A_367] {strides = array<i32>} : memref<264x256xf32, #tpu.memory_space<vmem>>, vector<16xf32>,
            tpu.vector_store %arg18[%swap3A_366, %swap3A_367], %get3A_365 {add = true, strides = array<i32>} : memref<264x256xf32, #tpu.memory_space<vmem>>, vector<16xf32>,
            %scan3A_369 = arith.constant 0 : i32
            scf.yield %scan3A_369 : i32
          }
          %scan3A_253 = arith.constant 64 : i32
          %scan3A_254 = arith.constant 0 : i32
          %scan3A_255 = arith.constant 1 : i32
        } else {
        }
        %mul3A_44 = arith.constant 256 : i32
        %mul3A_45 = arith.muli %arg1, %mul3A_44 : i32
        %add3A_46 = arith.addi %mul3A_22, %mul3A_45 : i32
        "tpu.region"() ({
          %run_scoped3A = tpu.sem_alloc : memref<!tpu.dma_semaphore, #tpu.memory_space<semaphore_mem>>
          %dma_start3A = arith.constant 0 : i32
          %dma_start3A_54 = arith.constant 0 : i32
          %dma_start3A_55 = tpu.memref_slice %arg18[%dma_start3A, %dma_start3A_54] : memref<264x256xf32, #tpu.memory_space<vmem>> -> memref<256x256xf32, #tpu.memory_space<vmem>>
          %dma_start3A_56 = arith.constant 0 : i32
          %dma_start3A_57 = tpu.memref_slice %arg5[%add3A_46, %dma_start3A_56] : memref<53248x256xf32, #tpu.memory_space<hbm>> -> memref<256x256xf32, #tpu.memory_space<hbm>>
          %dma_start3A_58 = arith.constant 0 : i32
          %dma_start3A_59 = tpu.memref_slice %arg5[%add3A_46, %dma_start3A_58] : memref<53248x256xf32, #tpu.memory_space<hbm>> -> memref<256x256xf32, #tpu.memory_space<hbm>>
          %dma_start3A_60 = arith.constant 0 : i32
          %dma_start3A_61 = arith.constant 0 : i32
          %dma_start3A_62 = tpu.memref_slice %arg18[%dma_start3A_60, %dma_start3A_61] : memref<264x256xf32, #tpu.memory_space<vmem>> -> memref<256x256xf32, #tpu.memory_space<vmem>>
          tpu.enqueue_dma source(%dma_start3A_62 : memref<256x256xf32, #tpu.memory_space<vmem>>) target(%dma_start3A_59 : memref<256x256xf32, #tpu.memory_space<hbm>>) target_semaphore(%run_scoped3A : memref<!tpu.dma_semaphore, #tpu.memory_space<semaphore_mem>>)
          %dma_wait3A = arith.constant 0 : i32
          %dma_wait3A_63 = arith.constant 0 : i32
          %dma_wait3A_64 = tpu.memref_slice %arg18[%dma_wait3A, %dma_wait3A_63] : memref<264x256xf32, #tpu.memory_space<vmem>> -> memref<256x256xf32, #tpu.memory_space<vmem>>
          %dma_wait3A_65 = arith.constant 0 : i32
          %dma_wait3A_66 = tpu.memref_slice %arg5[%add3A_46, %dma_wait3A_65] : memref<53248x256xf32, #tpu.memory_space<hbm>> -> memref<256x256xf32, #tpu.memory_space<hbm>>
          %dma_wait3A_67 = arith.constant 0 : i32
          %dma_wait3A_68 = tpu.memref_slice %arg5[%add3A_46, %dma_wait3A_67] : memref<53248x256xf32, #tpu.memory_space<hbm>> -> memref<256x256xf32, #tpu.memory_space<hbm>>
          %dma_wait3A_69 = arith.constant 0 : i32
          %dma_wait3A_70 = arith.constant 0 : i32
          %dma_wait3A_71 = tpu.memref_slice %arg18[%dma_wait3A_69, %dma_wait3A_70] : memref<264x256xf32, #tpu.memory_space<vmem>> -> memref<256x256xf32, #tpu.memory_space<vmem>>
          tpu.wait_dma2 semaphore(%run_scoped3A : memref<!tpu.dma_semaphore, #tpu.memory_space<semaphore_mem>>) src(%dma_wait3A_71 : memref<256x256xf32, #tpu.memory_space<vmem>>) dst(%dma_wait3A_68 : memref<256x256xf32, #tpu.memory_space<hbm>>)
          tpu.yield
        }) : () -> ()
        %scan3A_47 = arith.constant 0 : i32
        %scan3A_48 = arith.constant 0 : i32
        %scan3A_49 = arith.constant 264 : i32
        %scan3A_50 = arith.addi %scan3A_48, %scan3A_49 : i32
        %scan3A_51 = arith.constant 1 : i32
        %scan3A_52 = scf.for %scan3A_54 = %scan3A_48 to %scan3A_50 step %scan3A_51 iter_args(%scan3A_55 = %scan3A_47) -> (i32)  : i32 {
          %scan3A_56 = arith.constant 0 : i32
          %scan3A_57 = arith.constant 0 : i32
          %scan3A_58 = arith.constant 16 : i32
          %scan3A_59 = arith.addi %scan3A_57, %scan3A_58 : i32
          %scan3A_60 = arith.constant 1 : i32
          %scan3A_61 = scf.for %scan3A_63 = %scan3A_57 to %scan3A_59 step %scan3A_60 iter_args(%scan3A_64 = %scan3A_56) -> (i32)  : i32 {
            %mul3A_65 = arith.constant 16 : i32
            %mul3A_66 = arith.muli %scan3A_63, %mul3A_65 : i32
            %swap3A = arith.index_cast %scan3A_54 : i32 to index
            %swap3A_67 = arith.index_cast %mul3A_66 : i32 to index
            %swap3A_68 = tpu.vector_load %arg18[%swap3A, %swap3A_67] {strides = array<i32>} : memref<264x256xf32, #tpu.memory_space<vmem>>, vector<16xf32>,
            tpu.vector_store %arg18[%swap3A, %swap3A_67], %broadcast_in_dim3A_1 {strides = array<i32>} : memref<264x256xf32, #tpu.memory_space<vmem>>, vector<16xf32>,
            %scan3A_69 = arith.constant 0 : i32
            scf.yield %scan3A_69 : i32
          }
          %scan3A_62 = arith.constant 16 : i32
          scf.yield %scan3A_61 : i32
        }
        %scan3A_53 = arith.constant 264 : i32
      } else {
      }
      %barrier3A_27 = arith.constant 0 : index
      tpu.barrier barrier_id(%barrier3A_27)
      %scan3A_28 = arith.constant 0 : i32
      scf.yield %scan3A_28 : i32
    }
    %scan3A_14 = arith.constant 7 : i32
    return
  }
}

module attributes {stable_mosaic.version = 14 : i64} {
  func.func @_embed_body(%arg0: i32, %arg1: memref<512x128xf32, #tpu.memory_space<vmem>>, %arg2: memref<512x128xf32, #tpu.memory_space<vmem>>, %arg3: memref<128x256xf32, #tpu.memory_space<vmem>>, %arg4: memref<1x256xf32, #tpu.memory_space<vmem>>, %arg5: memref<512x256xf32, #tpu.memory_space<vmem>>, %arg6: memref<512x256xf32, #tpu.memory_space<vmem>>) attributes {dimension_semantics = [#tpu.dimension_semantics<arbitrary>], iteration_bounds = array<i64: 104>, scalar_prefetch = 0 : i64, scratch_operands = 0 : i64, tpu.core_type = #tpu.core_type<tc>, window_params = [{transform_indices = @transform_0, window_bounds = array<i64: 512, 128>}, {transform_indices = @transform_1, window_bounds = array<i64: 512, 128>}, {pipeline_mode = #tpu.pipeline_mode<synchronous>, transform_indices = @transform_2, window_bounds = array<i64: 128, 256>}, {pipeline_mode = #tpu.pipeline_mode<synchronous>, transform_indices = @transform_3, window_bounds = array<i64: 1, 256>}, {transform_indices = @transform_4, window_bounds = array<i64: 512, 256>}, {transform_indices = @transform_5, window_bounds = array<i64: 512, 256>}]} {
    %get3A = arith.constant 0 : index
    %get3A_0 = arith.constant 0 : index
    %get3A_1 = vector.load %arg3[%get3A, %get3A_0] : memref<128x256xf32, #tpu.memory_space<vmem>>, vector<128x256xf32>
    %get3A_2 = arith.constant 0 : index
    %get3A_3 = arith.constant 0 : index
    %get3A_4 = vector.load %arg4[%get3A_2, %get3A_3] : memref<1x256xf32, #tpu.memory_space<vmem>>, vector<1x256xf32>
    %get3A_5 = arith.constant 0 : index
    %get3A_6 = arith.constant 0 : index
    %get3A_7 = vector.load %arg1[%get3A_5, %get3A_6] : memref<512x128xf32, #tpu.memory_space<vmem>>, vector<512x128xf32>
    %dot_general3A = arith.constant dense<0.000000e+00> : vector<512x256xf32>
    %dot_general3A_8 = tpu.matmul %get3A_7, %get3A_1, %dot_general3A {dimension_numbers = #tpu.dot_dimension_numbers<[1], [0], [0], [1], [0, 0, 1, 1], [], []>, transpose_lhs_hint = false} : vector<512x128xf32>, vector<128x256xf32>, vector<512x256xf32> -> vector<512x256xf32>
    %add3A = vector.broadcast %get3A_4 : vector<1x256xf32> to vector<512x256xf32>
    %add3A_9 = arith.addf %dot_general3A_8, %add3A : vector<512x256xf32>
    %logistic3A = arith.negf %add3A_9 : vector<512x256xf32>
    %logistic3A_10 = math.exp %logistic3A : vector<512x256xf32>
    %logistic3A_11 = arith.constant 1.000000e+00 : f32
    %logistic3A_12 = vector.broadcast %logistic3A_11 : f32 to vector<512x256xf32>
    %logistic3A_13 = arith.addf %logistic3A_12, %logistic3A_10 : vector<512x256xf32>
    %logistic3A_14 = arith.divf %logistic3A_12, %logistic3A_13 : vector<512x256xf32>
    %swap3A = arith.constant 0 : index
    %swap3A_15 = arith.constant 0 : index
    %swap3A_16 = vector.load %arg5[%swap3A, %swap3A_15] : memref<512x256xf32, #tpu.memory_space<vmem>>, vector<512x256xf32>
    tpu.vector_store %arg5[%swap3A, %swap3A_15], %logistic3A_14 {strides = array<i32>} : memref<512x256xf32, #tpu.memory_space<vmem>>, vector<512x256xf32>,
    %get3A_17 = arith.constant 0 : index
    %get3A_18 = arith.constant 0 : index
    %get3A_19 = vector.load %arg2[%get3A_17, %get3A_18] : memref<512x128xf32, #tpu.memory_space<vmem>>, vector<512x128xf32>
    %dot_general3A_20 = arith.constant dense<0.000000e+00> : vector<512x256xf32>
    %dot_general3A_21 = tpu.matmul %get3A_19, %get3A_1, %dot_general3A_20 {dimension_numbers = #tpu.dot_dimension_numbers<[1], [0], [0], [1], [0, 0, 1, 1], [], []>, transpose_lhs_hint = false} : vector<512x128xf32>, vector<128x256xf32>, vector<512x256xf32> -> vector<512x256xf32>
    %add3A_22 = vector.broadcast %get3A_4 : vector<1x256xf32> to vector<512x256xf32>
    %add3A_23 = arith.addf %dot_general3A_21, %add3A_22 : vector<512x256xf32>
    %logistic3A_24 = arith.negf %add3A_23 : vector<512x256xf32>
    %logistic3A_25 = math.exp %logistic3A_24 : vector<512x256xf32>
    %logistic3A_26 = arith.constant 1.000000e+00 : f32
    %logistic3A_27 = vector.broadcast %logistic3A_26 : f32 to vector<512x256xf32>
    %logistic3A_28 = arith.addf %logistic3A_27, %logistic3A_25 : vector<512x256xf32>
    %logistic3A_29 = arith.divf %logistic3A_27, %logistic3A_28 : vector<512x256xf32>
    %swap3A_30 = arith.constant 0 : index
    %swap3A_31 = arith.constant 0 : index
    %swap3A_32 = vector.load %arg6[%swap3A_30, %swap3A_31] : memref<512x256xf32, #tpu.memory_space<vmem>>, vector<512x256xf32>
    tpu.vector_store %arg6[%swap3A_30, %swap3A_31], %logistic3A_29 {strides = array<i32>} : memref<512x256xf32, #tpu.memory_space<vmem>>, vector<512x256xf32>,
    return
  }
  func.func @transform_0(%arg0: i32) -> (i32, i32) {
    %c0_i32 = arith.constant 0 : i32
    %c0_i32_0 = arith.constant 0 : i32
    return %arg0, %c0_i32 : i32, i32
  }
  func.func @transform_1(%arg0: i32) -> (i32, i32) {
    %c0_i32 = arith.constant 0 : i32
    %c0_i32_0 = arith.constant 0 : i32
    return %arg0, %c0_i32 : i32, i32
  }
  func.func @transform_2(%arg0: i32) -> (i32, i32) {
    %c0_i32 = arith.constant 0 : i32
    %c0_i32_0 = arith.constant 0 : i32
    %c0_i32_1 = arith.constant 0 : i32
    return %c0_i32, %c0_i32_0 : i32, i32
  }
  func.func @transform_3(%arg0: i32) -> (i32, i32) {
    %c0_i32 = arith.constant 0 : i32
    %c0_i32_0 = arith.constant 0 : i32
    %c0_i32_1 = arith.constant 0 : i32
    return %c0_i32, %c0_i32_0 : i32, i32
  }
  func.func @transform_4(%arg0: i32) -> (i32, i32) {
    %c0_i32 = arith.constant 0 : i32
    %c0_i32_0 = arith.constant 0 : i32
    return %arg0, %c0_i32 : i32, i32
  }
  func.func @transform_5(%arg0: i32) -> (i32, i32) {
    %c0_i32 = arith.constant 0 : i32
    %c0_i32_0 = arith.constant 0 : i32
    return %arg0, %c0_i32 : i32, i32
  }
}

module attributes {stable_mosaic.version = 14 : i64} {
  func.func @_update_body(%arg0: i32, %arg1: memref<512x256xf32, #tpu.memory_space<vmem>>, %arg2: memref<512x256xf32, #tpu.memory_space<vmem>>, %arg3: memref<512x256xf32, #tpu.memory_space<vmem>>, %arg4: memref<256x256xf32, #tpu.memory_space<vmem>>, %arg5: memref<256x256xf32, #tpu.memory_space<vmem>>, %arg6: memref<512x256xf32, #tpu.memory_space<vmem>>) attributes {dimension_semantics = [#tpu.dimension_semantics<arbitrary>], iteration_bounds = array<i64: 104>, scalar_prefetch = 0 : i64, scratch_operands = 0 : i64, tpu.core_type = #tpu.core_type<tc>, window_params = [{transform_indices = @transform_0, window_bounds = array<i64: 512, 256>}, {transform_indices = @transform_1, window_bounds = array<i64: 512, 256>}, {transform_indices = @transform_2, window_bounds = array<i64: 512, 256>}, {pipeline_mode = #tpu.pipeline_mode<synchronous>, transform_indices = @transform_3, window_bounds = array<i64: 256, 256>}, {pipeline_mode = #tpu.pipeline_mode<synchronous>, transform_indices = @transform_4, window_bounds = array<i64: 256, 256>}, {transform_indices = @transform_5, window_bounds = array<i64: 512, 256>}]} {
    %get3A = arith.constant 0 : index
    %get3A_0 = arith.constant 0 : index
    %get3A_1 = vector.load %arg2[%get3A, %get3A_0] : memref<512x256xf32, #tpu.memory_space<vmem>>, vector<512x256xf32>
    %mul3A = arith.constant 3.125000e-02 : f32
    %mul3A_2 = vector.broadcast %mul3A : f32 to vector<512x256xf32>
    %mul3A_3 = arith.mulf %get3A_1, %mul3A_2 : vector<512x256xf32>
    %get3A_4 = arith.constant 0 : index
    %get3A_5 = arith.constant 0 : index
    %get3A_6 = vector.load %arg1[%get3A_4, %get3A_5] : memref<512x256xf32, #tpu.memory_space<vmem>>, vector<512x256xf32>
    %get3A_7 = arith.constant 0 : index
    %get3A_8 = arith.constant 0 : index
    %get3A_9 = vector.load %arg4[%get3A_7, %get3A_8] : memref<256x256xf32, #tpu.memory_space<vmem>>, vector<256x256xf32>
    %dot_general3A = arith.constant dense<0.000000e+00> : vector<512x256xf32>
    %dot_general3A_10 = tpu.matmul %get3A_6, %get3A_9, %dot_general3A {dimension_numbers = #tpu.dot_dimension_numbers<[1], [0], [0], [1], [0, 0, 1, 1], [], []>, transpose_lhs_hint = false} : vector<512x256xf32>, vector<256x256xf32>, vector<512x256xf32> -> vector<512x256xf32>
    %get3A_11 = arith.constant 0 : index
    %get3A_12 = arith.constant 0 : index
    %get3A_13 = vector.load %arg5[%get3A_11, %get3A_12] : memref<256x256xf32, #tpu.memory_space<vmem>>, vector<256x256xf32>
    %dot_general3A_14 = arith.constant dense<0.000000e+00> : vector<512x256xf32>
    %dot_general3A_15 = tpu.matmul %mul3A_3, %get3A_13, %dot_general3A_14 {dimension_numbers = #tpu.dot_dimension_numbers<[1], [0], [0], [1], [0, 0, 1, 1], [], []>, transpose_lhs_hint = false} : vector<512x256xf32>, vector<256x256xf32>, vector<512x256xf32> -> vector<512x256xf32>
    %add3A = arith.addf %dot_general3A_10, %dot_general3A_15 : vector<512x256xf32>
    %logistic3A = arith.negf %add3A : vector<512x256xf32>
    %logistic3A_16 = math.exp %logistic3A : vector<512x256xf32>
    %logistic3A_17 = arith.constant 1.000000e+00 : f32
    %logistic3A_18 = vector.broadcast %logistic3A_17 : f32 to vector<512x256xf32>
    %logistic3A_19 = arith.addf %logistic3A_18, %logistic3A_16 : vector<512x256xf32>
    %logistic3A_20 = arith.divf %logistic3A_18, %logistic3A_19 : vector<512x256xf32>
    %mul3A_21 = arith.mulf %add3A, %logistic3A_20 : vector<512x256xf32>
    %get3A_22 = arith.constant 0 : index
    %get3A_23 = arith.constant 0 : index
    %get3A_24 = vector.load %arg3[%get3A_22, %get3A_23] : memref<512x256xf32, #tpu.memory_space<vmem>>, vector<512x256xf32>
    %mul3A_25 = arith.mulf %mul3A_21, %get3A_24 : vector<512x256xf32>
    %swap3A = arith.constant 0 : index
    %swap3A_26 = arith.constant 0 : index
    %swap3A_27 = vector.load %arg6[%swap3A, %swap3A_26] : memref<512x256xf32, #tpu.memory_space<vmem>>, vector<512x256xf32>
    tpu.vector_store %arg6[%swap3A, %swap3A_26], %mul3A_25 {strides = array<i32>} : memref<512x256xf32, #tpu.memory_space<vmem>>, vector<512x256xf32>,
    return
  }
  func.func @transform_0(%arg0: i32) -> (i32, i32) {
    %c0_i32 = arith.constant 0 : i32
    %c0_i32_0 = arith.constant 0 : i32
    return %arg0, %c0_i32 : i32, i32
  }
  func.func @transform_1(%arg0: i32) -> (i32, i32) {
    %c0_i32 = arith.constant 0 : i32
    %c0_i32_0 = arith.constant 0 : i32
    return %arg0, %c0_i32 : i32, i32
  }
  func.func @transform_2(%arg0: i32) -> (i32, i32) {
    %c0_i32 = arith.constant 0 : i32
    %c0_i32_0 = arith.constant 0 : i32
    return %arg0, %c0_i32 : i32, i32
  }
  func.func @transform_3(%arg0: i32) -> (i32, i32) {
    %c0_i32 = arith.constant 0 : i32
    %c0_i32_0 = arith.constant 0 : i32
    %c0_i32_1 = arith.constant 0 : i32
    return %c0_i32, %c0_i32_0 : i32, i32
  }
  func.func @transform_4(%arg0: i32) -> (i32, i32) {
    %c0_i32 = arith.constant 0 : i32
    %c0_i32_0 = arith.constant 0 : i32
    %c0_i32_1 = arith.constant 0 : i32
    return %c0_i32, %c0_i32_0 : i32, i32
  }
  func.func @transform_5(%arg0: i32) -> (i32, i32) {
    %c0_i32 = arith.constant 0 : i32
    %c0_i32_0 = arith.constant 0 : i32
    return %arg0, %c0_i32 : i32, i32
  }
}

module attributes {stable_mosaic.version = 14 : i64} {
  func.func @_head_body(%arg0: i32, %arg1: memref<512x256xf32, #tpu.memory_space<vmem>>, %arg2: memref<256x128xf32, #tpu.memory_space<vmem>>, %arg3: memref<128x128xf32, #tpu.memory_space<vmem>>, %arg4: memref<1x128xf32, #tpu.memory_space<vmem>>, %arg5: memref<512x128xf32, #tpu.memory_space<vmem>>) attributes {dimension_semantics = [#tpu.dimension_semantics<arbitrary>], iteration_bounds = array<i64: 104>, scalar_prefetch = 0 : i64, scratch_operands = 0 : i64, tpu.core_type = #tpu.core_type<tc>, window_params = [{transform_indices = @transform_0, window_bounds = array<i64: 512, 256>}, {pipeline_mode = #tpu.pipeline_mode<synchronous>, transform_indices = @transform_1, window_bounds = array<i64: 256, 128>}, {pipeline_mode = #tpu.pipeline_mode<synchronous>, transform_indices = @transform_2, window_bounds = array<i64: 128, 128>}, {pipeline_mode = #tpu.pipeline_mode<synchronous>, transform_indices = @transform_3, window_bounds = array<i64: 1, 128>}, {transform_indices = @transform_4, window_bounds = array<i64: 512, 128>}]} {
    %get3A = arith.constant 0 : index
    %get3A_0 = arith.constant 0 : index
    %get3A_1 = vector.load %arg1[%get3A, %get3A_0] : memref<512x256xf32, #tpu.memory_space<vmem>>, vector<512x256xf32>
    %get3A_2 = arith.constant 0 : index
    %get3A_3 = arith.constant 0 : index
    %get3A_4 = vector.load %arg2[%get3A_2, %get3A_3] : memref<256x128xf32, #tpu.memory_space<vmem>>, vector<256x128xf32>
    %dot_general3A = arith.constant dense<0.000000e+00> : vector<512x128xf32>
    %dot_general3A_5 = tpu.matmul %get3A_1, %get3A_4, %dot_general3A {dimension_numbers = #tpu.dot_dimension_numbers<[1], [0], [0], [1], [0, 0, 1, 1], [], []>, transpose_lhs_hint = false} : vector<512x256xf32>, vector<256x128xf32>, vector<512x128xf32> -> vector<512x128xf32>
    %logistic3A = arith.negf %dot_general3A_5 : vector<512x128xf32>
    %logistic3A_6 = math.exp %logistic3A : vector<512x128xf32>
    %logistic3A_7 = arith.constant 1.000000e+00 : f32
    %logistic3A_8 = vector.broadcast %logistic3A_7 : f32 to vector<512x128xf32>
    %logistic3A_9 = arith.addf %logistic3A_8, %logistic3A_6 : vector<512x128xf32>
    %logistic3A_10 = arith.divf %logistic3A_8, %logistic3A_9 : vector<512x128xf32>
    %mul3A = arith.mulf %dot_general3A_5, %logistic3A_10 : vector<512x128xf32>
    %abs3A = math.absf %mul3A : vector<512x128xf32>
    %mul3A_11 = arith.mulf %abs3A, %abs3A : vector<512x128xf32>
    %get3A_12 = arith.constant 0 : index
    %get3A_13 = arith.constant 0 : index
    %get3A_14 = vector.load %arg3[%get3A_12, %get3A_13] : memref<128x128xf32, #tpu.memory_space<vmem>>, vector<128x128xf32>
    %dot_general3A_15 = arith.constant dense<0.000000e+00> : vector<512x128xf32>
    %dot_general3A_16 = tpu.matmul %mul3A_11, %get3A_14, %dot_general3A_15 {dimension_numbers = #tpu.dot_dimension_numbers<[1], [0], [0], [1], [0, 0, 1, 1], [], []>, transpose_lhs_hint = false} : vector<512x128xf32>, vector<128x128xf32>, vector<512x128xf32> -> vector<512x128xf32>
    %get3A_17 = arith.constant 0 : index
    %get3A_18 = arith.constant 0 : index
    %get3A_19 = vector.load %arg4[%get3A_17, %get3A_18] : memref<1x128xf32, #tpu.memory_space<vmem>>, vector<1x128xf32>
    %mul3A_20 = vector.broadcast %get3A_19 : vector<1x128xf32> to vector<512x128xf32>
    %mul3A_21 = arith.mulf %mul3A_20, %abs3A : vector<512x128xf32>
    %neg3A = arith.constant 0.000000e+00 : f32
    %neg3A_22 = vector.broadcast %neg3A : f32 to vector<512x128xf32>
    %neg3A_23 = arith.subf %neg3A_22, %mul3A_21 : vector<512x128xf32>
    %sqrt3A = math.sqrt %dot_general3A_16 : vector<512x128xf32>
    %add3A = arith.constant 9.99999993E-9 : f32
    %add3A_24 = vector.broadcast %add3A : f32 to vector<512x128xf32>
    %add3A_25 = arith.addf %sqrt3A, %add3A_24 : vector<512x128xf32>
    %div3A = arith.divf %neg3A_23, %add3A_25 : vector<512x128xf32>
    %swap3A = arith.constant 0 : index
    %swap3A_26 = arith.constant 0 : index
    %swap3A_27 = vector.load %arg5[%swap3A, %swap3A_26] : memref<512x128xf32, #tpu.memory_space<vmem>>, vector<512x128xf32>
    tpu.vector_store %arg5[%swap3A, %swap3A_26], %div3A {strides = array<i32>} : memref<512x128xf32, #tpu.memory_space<vmem>>, vector<512x128xf32>,
    return
  }
  func.func @transform_0(%arg0: i32) -> (i32, i32) {
    %c0_i32 = arith.constant 0 : i32
    %c0_i32_0 = arith.constant 0 : i32
    return %arg0, %c0_i32 : i32, i32
  }
  func.func @transform_1(%arg0: i32) -> (i32, i32) {
    %c0_i32 = arith.constant 0 : i32
    %c0_i32_0 = arith.constant 0 : i32
    %c0_i32_1 = arith.constant 0 : i32
    return %c0_i32, %c0_i32_0 : i32, i32
  }
  func.func @transform_2(%arg0: i32) -> (i32, i32) {
    %c0_i32 = arith.constant 0 : i32
    %c0_i32_0 = arith.constant 0 : i32
    %c0_i32_1 = arith.constant 0 : i32
    return %c0_i32, %c0_i32_0 : i32, i32
  }
  func.func @transform_3(%arg0: i32) -> (i32, i32) {
    %c0_i32 = arith.constant 0 : i32
    %c0_i32_0 = arith.constant 0 : i32
    %c0_i32_1 = arith.constant 0 : i32
    return %c0_i32, %c0_i32_0 : i32, i32
  }
  func.func @transform_4(%arg0: i32) -> (i32, i32) {
    %c0_i32 = arith.constant 0 : i32
    %c0_i32_0 = arith.constant 0 : i32
    return %arg0, %c0_i32 : i32, i32
  }
}

</mosaic_0001>

<sc_bundles>
// kernel: kernel.11.cloned.1.call-start
scs
__scs_entry_jumppad:
0x0: {  	(pc) =	sbr.rel $0x88, $3  }
0x1: {  	(tag) =	ssettag $0x0;
	lr =	simm.s32 $0x1  }
0x2: {  	[smem:$0x3F98] =	sst lr;
	_ =	strace $0xD0000000  }
0x3: {  	_ = 	snop  }
0x4: {  	_ = 	snop  }
0x5: {  	_ = 	snop  }
0x6: {  	_ = 	snop  }
0x7: {  	_ = 	snop  }
__scs_overlays_trampoline_lowered:
0x8: {  	[smem:$0x3FA7] =	sst s0  }
0x9: {  	[smem:$0x3FA8] =	sst s1  }
0xa: {  	[smem:$0x3FA9] =	sst s2  }
0xb: {  	[smem:$0x3FAA] =	sst s3  }
0xc: {  	[smem:$0x3FAB] =	sst s4  }
0xd: {  	[smem:$0x3FAC] =	sst s5  }
0xe: {  	[smem:$0x3FAD] =	sst s6  }
0xf: {  	[smem:$0x3FAE] =	sst s7  }
0x10: {  	[smem:$0x3FAF] =	sst s8  }
0x11: {  	[smem:$0x3FB0] =	sst s9;
	s0 =	simm.s32 @!p0 $0x0  }
0x12: {  	s1 =	sld [smem:$0x3F96];
	s0 =	simm.s32 @p0 $0x1  }
0x13: {  	[smem:$0x3FB1] =	sst s0;
	s0 =	simm.s32 @!p1 $0x0  }
0x14: {  	s2 =	sld [smem:$0x3F95];
	s0 =	simm.s32 @p1 $0x1  }
0x15: {  	[smem:$0x3FB2] =	sst s0;
	s0 =	simm.s32 @!p2 $0x0  }
0x16: {  	s3 =	sld [smem:$0x3FDB];
	s0 =	simm.s32 @p2 $0x1  }
0x17: {  	s4 =	simm.s32 $0x1BF5;
	[smem:$0x3FB4] =	sst s0  }
0x18: {  	s0 =	sld [smem:$0x3F97];
	_ =	swait.ge [sflag:s4], $0x0  }
0x19: {  	s7 =	sld [smem:$0x3F98]  }
0x1a: {  	s8 =	sadd.s32 $0xFFFFE003, lr  }
0x1b: {  	s9 =	sadd.s32 $0xFFFFFEF7, lr;
	s5 =	simm.s32 $0xFFFFFFFF;
	p2 =	slt.u32 s8, $0xFFFFF086  }
0x1c: {  	p1 =	slt.u32 s9, $0xF7A;
	s5 =	simm.s32 @!p2 $0x0  }
0x1d: {  	s5 =	simm.s32 @p1 $0x1;
	p0 =	seq.s32 s7, s2  }
0x1e: {  	s7 =	smul.u32 @!p0 $0xF7A, s2;
	p2 =	seq.s32 @!p0 s5, $0x0  }
0x1f: {  	s9 =	smul.u32 $0xF7A, s1;
	s8 =	simm.s32 @!p0 $0x1BF5;
	p2 =	por !p2, p0  }
0x20: {  	[sflag:s8] =	ssyncset.s32 @!p0 $0xFFFFF086;
	s6 =	sadd.s32 @!p0 s3, s7;
	s7 =	simm.s32 @!p0 $0x108  }
0x21: {  	s3 =	sadd.s32 s3, s9;
	s6 =	sadd.s32 @!p0 $0x88, s6;
	s7 =	simm.s32 @p2 $0x1082  }
0x22: {  	[simem:s7], [sflag:s8] =	dma.local @!p0 [hbm:s6], $0xF7A  }
0x23: {  	s9 =	sor.u32 $0xD0000000, s2;
	s6 =	simm.s32 $0x108;
	_ =	swait.ge @!p0 [sflag:s8], $0x0  }
0x24: {  	s3 =	sadd.s32 $0x88, s3;
	s6 =	simm.s32 @!p1 $0x1082;
	[sflag:s4] =	ssyncset.s32 $0xFFFFF086  }
0x25: {  	[simem:s6], [sflag:s4] =	dma.local [hbm:s3], $0xF7A  }
0x26: {  	[smem:$0x3F98] =	sst s1;
	(tag) =	ssettag s2;
	_ =	strace s9  }
0x27: {  	s1 =	sld [smem:$0x3FA8]  }
0x28: {  	s2 =	sld [smem:$0x3FA9]  }
0x29: {  	s4 =	sld [smem:$0x3FAB]  }
0x2a: {  	p0 =	seq.s32 s5, $0x0;
	s5 =	sld [smem:$0x3FAC]  }
0x2b: {  	s6 =	sld [smem:$0x3FAD]  }
0x2c: {  	s7 =	sld [smem:$0x3FAE]  }
0x2d: {  	s3 =	simm.s32 $0x108;
	s8 =	sld [smem:$0x3FAF]  }
0x2e: {  	s3 =	simm.s32 @!p0 $0x1082;
	s9 =	sld [smem:$0x3FB0]  }
0x2f: {  	lr =	sadd.s32 s0, s3;
	s0 =	sld [smem:$0x3FA7]  }
0x30: {  	s3 =	sld [smem:$0x3FAA]  }
0x31: {  	[smem:$0x3FB3] =	sst s10  }
0x32: {  	s10 =	sld [smem:$0x3FB1];
	_ =	sdelay $0x3  }
0x33: {  	p0 =	seq.s32 s10, $0x1;
	s10 =	sld [smem:$0x3FB3];
	_ =	sdelay $0x3  }
0x34: {  	[smem:$0x3FB3] =	sst s10  }
0x35: {  	s10 =	sld [smem:$0x3FB2];
	_ =	sdelay $0x3  }
0x36: {  	p1 =	seq.s32 s10, $0x1;
	s10 =	sld [smem:$0x3FB3];
	_ =	sdelay $0x3  }
0x37: {  	[smem:$0x3FB3] =	sst s10  }
0x38: {  	s10 =	sld [smem:$0x3FB4]  }
0x39: {  	_ = 	snop;
	(pc) =	sbr.ind lr, $3  }
0x3a: {  	_ = 	snop  }
0x3b: {  	_ = 	snop  }
0x3c: {  	p2 =	seq.s32 s10, $0x1;
	s10 =	sld [smem:$0x3FB3]  }
0x3d: {  	_ =	shalt  }
0x3e: {  	_ =	shalt  }
0x3f: {  	_ =	shalt  }
0x40: {  	_ =	shalt  }
0x41: {  	_ =	shalt  }
0x42: {  	_ =	shalt  }
0x43: {  	_ =	shalt  }
0x44: {  	_ =	shalt  }
0x45: {  	_ =	shalt  }
0x46: {  	_ =	shalt  }
0x47: {  	_ =	shalt  }
0x48: {  	_ =	shalt  }
0x49: {  	_ =	shalt  }
0x4a: {  	_ =	shalt  }
0x4b: {  	_ =	shalt  }
0x4c: {  	_ =	shalt  }
0x4d: {  	_ =	shalt  }
0x4e: {  	_ =	shalt  }
0x4f: {  	_ =	shalt  }
0x50: {  	_ =	shalt  }
0x51: {  	_ =	shalt  }
0x52: {  	_ =	shalt  }
0x53: {  	_ =	shalt  }
0x54: {  	_ =	shalt  }
0x55: {  	_ =	shalt  }
0x56: {  	_ =	shalt  }
0x57: {  	_ =	shalt  }
0x58: {  	_ =	shalt  }
0x59: {  	_ =	shalt  }
0x5a: {  	_ =	shalt  }
0x5b: {  	_ =	shalt  }
0x5c: {  	_ =	shalt  }
0x5d: {  	_ =	shalt  }
0x5e: {  	_ =	shalt  }
0x5f: {  	_ =	shalt  }
0x60: {  	_ =	shalt  }
0x61: {  	_ =	shalt  }
0x62: {  	_ =	shalt  }
0x63: {  	_ =	shalt  }
0x64: {  	_ =	shalt  }
0x65: {  	_ =	shalt  }
0x66: {  	_ =	shalt  }
0x67: {  	_ =	shalt  }
0x68: {  	_ =	shalt  }
0x69: {  	_ =	shalt  }
0x6a: {  	_ =	shalt  }
0x6b: {  	_ =	shalt  }
0x6c: {  	_ =	shalt  }
0x6d: {  	_ =	shalt  }
0x6e: {  	_ =	shalt  }
0x6f: {  	_ =	shalt  }
0x70: {  	_ =	shalt  }
0x71: {  	_ =	shalt  }
0x72: {  	_ =	shalt  }
0x73: {  	_ =	shalt  }
0x74: {  	_ =	shalt  }
0x75: {  	_ =	shalt  }
0x76: {  	_ =	shalt  }
0x77: {  	_ =	shalt  }
0x78: {  	_ =	shalt  }
0x79: {  	_ =	shalt  }
0x7a: {  	_ =	shalt  }
0x7b: {  	_ =	shalt  }
0x7c: {  	_ =	shalt  }
0x7d: {  	_ =	shalt  }
0x7e: {  	_ =	shalt  }
0x7f: {  	_ =	shalt  }
0x80: {  	_ =	shalt  }
0x81: {  	_ =	shalt  }
0x82: {  	_ =	shalt  }
0x83: {  	_ =	shalt  }
0x84: {  	_ =	shalt  }
0x85: {  	_ =	shalt  }
0x86: {  	_ =	shalt  }
0x87: {  	_ =	shalt  }
.Lfunc_end0:
.L_simem_size_0:
called_computation.1_lowered:
.L_overlay_start_0:
0x88: {  	s2 =	sld [smem:$0x3FD9]  }
0x89: {  	s3 =	sld [smem:$0x3FFE];
	_ =	sdelay $0x1  }
0x8a: {  	s1 =	srdreg.scid  }
0x8b: {  	s0 =	sand.u32 $0x1, s1  }
0x8c: {  	s17 =	sshll.u32 s0, $0xA;
	s2 =	sadd.s32 s3, s2  }
0x8d: {  	s2 =	sadd.s32 s2, s17  }
0x8e: {  	[smem:$0x3FBF] =	sst s2  }
0x8f: {  	_ = 	snop  }
0x90: {  	s2 =	sld [smem:$0x3FD0];
	(tm) =	ssettm $0x1  }
0x91: {  	s18 =	sld [smem:$0x3FFB];
	_ =	sdelay $0x3  }
0x92: {  	_ =	strace s18  }
0x93: {  	s3 =	sld [smem:$0x3FFC];
	_ =	sdelay $0x3  }
0x94: {  	_ =	strace s3  }
0x95: {  	s3 =	sld [smem:$0x3FFD];
	_ =	sdelay $0x3  }
0x96: {  	_ =	strace s3  }
0x97: {  	_ =	strace $0x8FFFFFFF  }
0x98: {  	s19 =	sld [smem:$0x3FDB];
	_ =	sdelay $0x1  }
0x99: {  	s4 =	simm.s32 $_scs_section_size  }
0x9a: {  	s5 =	simm.s32 $_size__tile_overlayer_lowered;
	s6 =	simm.s32 $_tile_overlayer_lowered  }
0x9b: {  	s22 =	simm.s32 $0x1BFF;
	s21 =	sshll.u32 s6, $0x1;
	s3 =	sadd.s32 s4, s19  }
0x9c: {  	s7 =	simm.s32 $0x0;
	s20 =	sshll.u32 s5, $0x1;
	s5 =	sadd.s32 s21, s3  }
0x9d: {  	[timem:s7], [sflag:s22] =	dma.local [hbm:s5], s20  }
0x9e: {  	_ =	swait.ge [sflag:s22], s20  }
0x9f: {  	s4 =	ssub.s32 $0x0, s20;
	[sflag:s22] =	ssyncset.done $0x0  }
0xa0: {  	[sflag:s22] =	ssyncadd.s32 s4;
	_ =	sdelay $0x1  }
0xa1: {  	s23 =	simm.s32 $0x1B8B  }
0xa2: {  	_ =	swait.ge [sflag:s23], $0x1  }
0xa3: {  	[sflag:s23] =	ssyncset.done $0x0  }
0xa4: {  	s25 =	simm.s32 $0x1B8E;
	s24 =	sld [smem:$0x3FFE];
	[sflag:s23] =	ssyncadd.s32 $0xFFFFFFFF  }
0xa5: {  	s26 =	simm.s32 $execute0_lowered;
	[smem:$0x3FD2] =	sst s25  }
0xa6: {  	s5 =	sshll.u32 s26, $0x1;
	_ =	strace $0x80000049;
	[dreg:$0x1] =	wrdreg $0xFFFFFFFF  }
0xa7: {  	s28 =	simm.s32 $_size_execute0_lowered;
	s3 =	sadd.s32 s3, s5;
	[dreg:$0x0] =	wrdreg $0x0  }
0xa8: {  	s5 =	sshll.u32 s28, $0x1;
	[dreg:$0x2] =	wrdreg s3  }
0xa9: {  	[dreg:$0x3] =	wrdreg s5  }
0xaa: {  	[dreg:$0x4] =	wrdreg $0xC0  }
0xab: {  	_ =	task [dreg:s7], $0x5FFFF  }
0xac: {  	[dreg:$0x1] =	wrdreg $0xFFFFFFFF  }
0xad: {  	[dreg:$0x0] =	wrdreg $0x60  }
0xae: {  	[dreg:$0x2] =	wrdreg s24  }
0xaf: {  	[dreg:$0x3] =	wrdreg s2  }
0xb0: {  	[dreg:$0x4] =	wrdreg $0x9  }
0xb1: {  	_ =	task.clear_ibuf [dreg:s7], $0x5FFFF;
	_ =	strace $0x90000049  }
0xb2: {  	s29 =	simm.s32 $0x9;
	_ =	strace $0x8000004B  }
0xb3: {  	_ =	swait.ge [sflag:s29], $0x1  }
0xb4: {  	[sflag:s29] =	ssyncadd.s32 $0xFFFFFFFF  }
0xb5: {  	_ =	strace $0x9000004B  }
0xb6: {  	_ =	sfence  }
0xb7: {  	s30 =	sld [smem:$0x0];
	_ =	sdelay $0x2  }
0xb8: {  	s31 =	sshll.u32 s1, $0xD;
	s1 =	sshrl.u32 s1, $0x2  }
0xb9: {  	s3 =	sand.u32 $0x4000, s31;
	s1 =	sadd.s32 s1, s30  }
0xba: {  	s0 =	sor.u32 s3, s0;
	s1 =	sshll.u32 s1, $0x11  }
0xbb: {  	s0 =	sor.u32 s1, s0  }
0xbc: {  	s0 =	sadd.s32 $0x8F2B, s0  }
0xbd: {  	[sflag:s0] =	ssyncadd.remote.s32 $0x1  }
0xbe: {  	_ =	sfence.sel $0xFFFF  }
0xbf: {  	[dreg:$0x0] =	wrdreg $0xFFFFFFFF;
	(pc) =	sbr.abs _section_cstart, $3  }
0xc0: {  	[dreg:$0x1] =	wrdreg $0xFFFFFFFF  }
0xc1: {  	_ =	task.clear_ibuf [dreg:s7], $0x2FFFF;
	_ =	strace $0x9FFFFFFF  }
0xc2: {  	(tm) =	ssettm $0x7FFFFFFF  }
0xc3: {  	_ =	shalt  }
tec
execute0_lowered:
.L_overlay_start_1:
0x0: {  	(tag) =	ssettag $0x1  }
0x1: {  	v1 =	vimm.f32 $0.0e+00;
	v2 =	vimm.s32 $0x0  }
0x2: {  	vm0 =	vcmask $0x300;
	v3 =	vlaneseq.u32;
	vm1 =	vmmov $0x1  }
0x3: {  	vm2 =	vmmov $0xffff;
	v7 =	vimm.s32 $0x100;
	vm9 =	vcmask $0x704  }
0x4: {  	vm10 =	vcmask $0xB08;
	vm8 =	vcmask $0xF0C;
	vm7 =	vcmask $0x1310  }
0x5: {  	vm6 =	vcmask $0x1714;
	vm4 =	vcmask $0x1B18;
	vm3 =	vcmask $0x2320  }
0x6: {  	v14 =	vimm.s32 $0x101;
	v15 =	vimm.s32 $0x102;
	vm5 =	vcmask $0x2724  }
0x7: {  	s8 =	stileid.u32;
	vm12 =	vcmask $0x2B28;
	vm13 =	vcmask $0x2F2C;
	vm14 =	vcmask $0x3330  }
0x8: {  	s0 =	rddreg [dreg:$0x0];
	vm15 =	vcmask $0x3B38;
	v0 =	vmov s8;
	v4 =	vand.u32 $0x7, v3  }
0x9: {  	s2 =	rddreg [dreg:$0x1];
	v5 =	vshrl.u32 v3, $0x3;
	v6 =	vmul.u32 $0x2000, v3;
	v8 =	vsel vm0, $0x101, v7  }
0xa: {  	s1 =	simm.s32 $0x0;
	s11 =	srdreg.scid;
	s21 =	simm.s32 $0x2880;
	v7 =	vor.u32 $0x8, v3;
	v14 =	vsel vm0, $0x102, v14;
	v15 =	vsel vm0, $0x103, v15  }
0xb: {  	s22 =	simm.s32 $0x3A00;
	s23 =	simm.s32 $0x4200;
	s24 =	simm.s32 $0x4A00;
	v5 =	vmul.u32 $0x8, v5;
	v9 =	vsel vm9, $0x102, v8;
	v14 =	vsel vm9, $0x103, v14  }
0xc: {  	s25 =	simm.s32 $0x5200;
	s26 =	simm.s32 $0x5A00;
	s28 =	simm.s32 $0x6200;
	v15 =	vsel vm9, $0x104, v15;
	v8 =	vor.u32 $0x60000, v6;
	v10 =	vsel vm10, $0x103, v9  }
0xd: {  	s29 =	simm.s32 $0x6A00;
	s30 =	simm.s32 $0x7200;
	s31 =	simm.s32 $0x1;
	v9 =	vor.u32 $0x40000, v6;
	v14 =	vsel vm10, $0x104, v14;
	v15 =	vsel vm10, $0x105, v15  }
0xe: {  	s20 =	simm.s32 $0x0;
	[smem:$0x7FF] =	sst s1;
	s4 =	sadd.s32 $0x63800, s0;
	v11 =	vsel vm8, $0x104, v10;
	v10 =	vor.u32 $0x20000, v6;
	v14 =	vsel vm8, $0x105, v14  }
0xf: {  	s13 =	sadd.s32 $0x32A00, s0;
	s3 =	sshll.u32 s8, $0xD;
	s1 =	sand.u32 $0x1, s11;
	v15 =	vsel vm8, $0x106, v15;
	v12 =	vsel vm7, $0x105, v11;
	v11 =	vor.u32 $0x100, v4  }
0x10: {  	s16 =	smul.u32 $0x186A0, s8;
	_ =	strace $0x8000004A;
	[dreg:$0xc] =	wrdreg s20;
	v14 =	vsel vm7, $0x106, v14;
	v15 =	vsel vm7, $0x107, v15;
	v13 =	vsel vm6, $0x106, v12  }
0x11: {  	s14 =	sadd.s32 $0x1C00, s0;
	s17 =	smul.u32 $0x83, s8;
	[dreg:$0x3] =	wrdreg s13;
	v12 =	vor.u32 $0x10, v3;
	v14 =	vsel vm6, $0x107, v14;
	v15 =	vsel vm6, $0x100, v15  }
0x12: {  	s3 =	sadd.s32 s3, s0;
	s7 =	sshll.u32 s1, $0x4;
	[dreg:$0x4] =	wrdreg s14;
	v13 =	vsel vm4, $0x107, v13;
	v14 =	vsel vm4, $0x100, v14;
	v15 =	vsel vm4, $0x101, v15  }
0x13: {  	s5 =	ssub.s32 $0x2, s1;
	s0 =	sadd.s32 $0x203800, s0;
	[dreg:$0x5] =	wrdreg s7;
	v13 =	vsel vm3, $0x101, v13;
	v14 =	vsel vm3, $0x102, v14;
	v15 =	vsel vm3, $0x103, v15  }
0x14: {  	s15 =	sshll.u32 s1, $0x5;
	s6 =	sshrl.u32 s5, $0x1;
	[dreg:$0x9] =	wrdreg s17;
	vm3 =	vcmask $0x3734;
	v13 =	vsel vm5, $0x102, v13;
	v14 =	vsel vm5, $0x103, v14  }
0x15: {  	s12 =	sor.u32 s8, s7;
	s18 =	sadd.s32 $0x543800, s3;
	[dreg:$0x6] =	wrdreg s16;
	v15 =	vsel vm5, $0x104, v15;
	v13 =	vsel vm12, $0x103, v13;
	v14 =	vsel vm12, $0x104, v14  }
.Ltmp0:
0x16: {  	s5 =	ssub.s32 s5, s6;
	s6 =	sshll.u32 s12, $0x1;
	v15 =	vsel vm12, $0x105, v15;
	v13 =	vsel vm13, $0x104, v13;
	v14 =	vsel vm13, $0x105, v14;
	(pc) =	sbr.rel .LBB2_1-.Ltmp0, $4  }
0x17: {  	p0 =	seq.s32 s1, $0x0;
	[dreg:$0xa] =	wrdreg s18;
	s6 =	sadd.s32 s0, s6;
	v15 =	vsel vm13, $0x106, v15;
	v13 =	vsel vm14, $0x105, v13;
	v16 =	vsel vm14, $0x106, v14  }
0x18: {  	s17 =	simm.s32 $0x2000;
	s0 =	sadd.s32 s0, s15;
	[dreg:$0x7] =	wrdreg s6;
	v15 =	vsel vm14, $0x107, v15;
	v14 =	vor.u32 $0x20, v3;
	v13 =	vsel vm3, $0x106, v13  }
0x19: {  	s9 =	smul.u32 $0x19700, s12;
	s19 =	smax.u32 s5, $0x1;
	[dreg:$0x8] =	wrdreg s0;
	v16 =	vsel vm3, $0x107, v16;
	v17 =	vsel vm3, $0x100, v15;
	v13 =	vsel vm15, $0x107, v13  }
0x1a: {  	s18 =	simm.s32 $0x1000;
	s15 =	simm.s32 $0x2;
	[dreg:$0xb] =	wrdreg s19;
	v15 =	vsel vm15, $0x100, v16;
	v16 =	vor.u32 $0x30, v3;
	v17 =	vsel vm15, $0x101, v17  }
.LBB2_29:
0x1b: {  	s1 =	rddreg [dreg:$0xc]  }
0x1c: {  	s0 =	rddreg [dreg:$0xb];
	s1 =	sadd.s32 $0x1, s1  }
0x1d: {  	p1 =	sne.s32 s1, s0  }
.Ltmp1:
0x1e: {  	_ = 	snop;
	(pc) =	sbr.rel @!p1 .LBB2_30-.Ltmp1, $2  }
0x1f: {  	_ =	sdelay $0x2  }
0x20: {  	[dreg:$0xc] =	wrdreg s1  }
.LBB2_1:
0x21: {  	s1 =	simm.s32 $0x0  }
0x22: {  	s0 =	sand.u32 $0x1F800, s1;
	s1 =	sand.u32 $0x380, s1  }
0x23: {  	s0 =	sor.u32 s1, s0  }
0x24: {  	[tilespmem:s0+$0x7FF0] =	vst v1  }
0x25: {  	[tilespmem:s0+$0x7B80] =	vst v1  }
0x26: {  	[tilespmem:s0+$0x7B90] =	vst v1  }
0x27: {  	[tilespmem:s0+$0x7BA0] =	vst v1  }
0x28: {  	[tilespmem:s0+$0x7BB0] =	vst v1  }
0x29: {  	[tilespmem:s0+$0x7BC0] =	vst v1  }
0x2a: {  	[tilespmem:s0+$0x7BD0] =	vst v1  }
0x2b: {  	[tilespmem:s0+$0x7BE0] =	vst v1  }
0x2c: {  	[tilespmem:s0+$0x7BF0] =	vst v1  }
0x2d: {  	[tilespmem:s0+$0x7F80] =	vst v1  }
0x2e: {  	[tilespmem:s0+$0x7F90] =	vst v1  }
0x2f: {  	[tilespmem:s0+$0x7FA0] =	vst v1  }
0x30: {  	[tilespmem:s0+$0x7FB0] =	vst v1  }
0x31: {  	s3 =	simm.s32 $0x100;
	s1 =	simm.s32 $0x80;
	[tilespmem:s0+$0x7FC0] =	vst v1  }
0x32: {  	s5 =	sand.u32 $0x1F800, s3;
	s3 =	simm.s32 $0x200;
	s6 =	sand.u32 $0x380, s1;
	[tilespmem:s0+$0x7FD0] =	vst v1  }
.LBB2_2:
0x33: {  	p1 =	sne.s32 s3, $0x10700;
	[tilespmem:s0+$0x7FE0] =	vst v1;
	s0 =	sor.u32 s6, s5  }
0x34: {  	[tilespmem:s0+$0x7FF0] =	vst v1  }
0x35: {  	[tilespmem:s0+$0x7B80] =	vst v1  }
0x36: {  	[tilespmem:s0+$0x7B90] =	vst v1  }
0x37: {  	[tilespmem:s0+$0x7BA0] =	vst v1  }
0x38: {  	[tilespmem:s0+$0x7BB0] =	vst v1  }
0x39: {  	[tilespmem:s0+$0x7BC0] =	vst v1  }
0x3a: {  	[tilespmem:s0+$0x7BD0] =	vst v1  }
0x3b: {  	[tilespmem:s0+$0x7BE0] =	vst v1  }
0x3c: {  	[tilespmem:s0+$0x7BF0] =	vst v1  }
0x3d: {  	[tilespmem:s0+$0x7F80] =	vst v1  }
.Ltmp2:
0x3e: {  	[tilespmem:s0+$0x7F90] =	vst v1;
	(pc) =	sbr.rel @p1 .LBB2_2-.Ltmp2, $4  }
0x3f: {  	[tilespmem:s0+$0x7FA0] =	vst v1  }
0x40: {  	[tilespmem:s0+$0x7FB0] =	vst v1  }
0x41: {  	s1 =	sadd.s32 $0x80, s1;
	[tilespmem:s0+$0x7FC0] =	vst v1  }
0x42: {  	s5 =	sand.u32 $0x1F800, s3;
	s3 =	sadd.s32 $0x100, s3;
	s6 =	sand.u32 $0x380, s1;
	[tilespmem:s0+$0x7FD0] =	vst v1  }
0x43: {  	s1 =	sor.u32 s6, s5;
	[tilespmem:s0+$0x7FE0] =	vst v1  }
0x44: {  	[tilespmem:s1+$0x7FF0] =	vst v1  }
0x45: {  	[tilespmem:s1+$0x7B80] =	vst v1  }
0x46: {  	[tilespmem:s1+$0x7B90] =	vst v1  }
0x47: {  	[tilespmem:s1+$0x7BA0] =	vst v1  }
0x48: {  	[tilespmem:s1+$0x7BB0] =	vst v1  }
0x49: {  	[tilespmem:s1+$0x7BC0] =	vst v1  }
0x4a: {  	[tilespmem:s1+$0x7BD0] =	vst v1  }
0x4b: {  	[tilespmem:s1+$0x7BE0] =	vst v1  }
0x4c: {  	[tilespmem:s1+$0x7BF0] =	vst v1  }
0x4d: {  	[tilespmem:s1+$0x7F80] =	vst v1  }
0x4e: {  	[tilespmem:s1+$0x7F90] =	vst v1  }
.Ltmp3:
0x4f: {  	[tilespmem:s1+$0x7FA0] =	vst v1;
	(pc) =	sbr.rel .LBB2_4-.Ltmp3, $4  }
0x50: {  	[tilespmem:s1+$0x7FB0] =	vst v1  }
0x51: {  	[tilespmem:s1+$0x7FC0] =	vst v1  }
0x52: {  	[tilespmem:s1+$0x7FD0] =	vst v1  }
0x53: {  	s10 =	simm.s32 $0x0;
	[tilespmem:s1+$0x7FE0] =	vst v1  }
.LBB2_27:
0x54: {  	[bflag:$0x0] =	sbarrier.arrive $0xFFFF  }
.LBB2_28:
0x55: {  	s10 =	sadd.s32 $0x1, s10  }
0x56: {  	p1 =	sne.s32 s10, $0x7  }
.Ltmp4:
0x57: {  	_ = 	snop;
	(pc) =	sbr.rel @!p1 .LBB2_29-.Ltmp4, $2  }
0x58: {  	_ =	sdelay $0x1  }
0x59: {  	[bflag:$0x0] =	sbarrier.arrive $0xFFFF;
	_ =	sdelay $0x1  }
.LBB2_4:
0x5a: {  	s0 =	sadd.s32 $0x7, s10  }
0x5b: {  	s0 =	smov.u32 @p0 s10  }
0x5c: {  	p1 =	sgt.u32 s0, $0xC  }
.Ltmp5:
0x5d: {  	_ = 	snop;
	(pc) =	sbr.rel @p1 .LBB2_27-.Ltmp5, $1  }
0x5e: {  	_ =	sdelay $0x3  }
0x5f: {  	[dreg:$0xd] =	wrdreg s10  }
0x60: {  	[dreg:$0xe] =	wrdreg s0;
	s20 =	sshll.u32 s0, $0xC  }
0x61: {  	s0 =	simm.s32 $0x0;
	s6 =	simm.s32 $0x0;
	s1 =	simm.s32 $0x0;
	v18 =	vmov s20  }
.LBB2_6:
0x62: {  	s3 =	smul.u32 $0xFA0, s1;
	_ =	sdelay $0x1  }
0x63: {  	s3 =	sadd.s32 s16, s3  }
0x64: {  	s3 =	sshrl.u32 s3, $0x3  }
0x65: {  	s5 =	sadd.s32 s13, s3  }
0x66: {  	[tilespmem:s0], [sflag:$0x2] =	stream.linear.gather [hbm4b:s5+s0], $0xFA0, $0x38;
	[tilespmem:$0x18380] =	vst v63  }
0x67: {  	_ =	swait.ge [sflag:s15], $0xFA0  }
0x68: {  	[sflag:s15] =	ssyncset.done $0x0  }
0x69: {  	s3 =	sadd.s32 s14, s3;
	[sflag:s15] =	ssyncadd.s32 $0xFFFFF060  }
0x6a: {  	[tilespmem:s18], [sflag:$0x2] =	stream.linear.gather [hbm4b:s3+s0], $0xFA0, $0x38;
	[tilespmem:$0x18380] =	vst v63  }
0x6b: {  	_ =	swait.ge [sflag:s15], $0xFA0  }
0x6c: {  	[sflag:s15] =	ssyncset.done $0x0  }
0x6d: {  	s10 =	simm.s32 $0x0;
	[sflag:s15] =	ssyncadd.s32 $0xFFFFF060  }
0x6e: {  	v19 =	vld [tilespmem:s10+$0x1000];
	_ =	sdelay $0x4  }
0x6f: {  	v19 =	vsub.s32 v19, v18  }
0x70: {  	vm3 =	vlt.u32 v19, $0x1000  }
0x71: {  	v20 =	vsel vm3, $0x1, v2  }
0x72: {  	(xrf0) =	vadd.scan.msk.s32 $0xffff, v20;
	_ =	sdelay $0x5  }
0x73: {  	v20, _, _ =	vpop (xrf0)  }
0x74: {  	(v2sf) =	vpush v20, $0xF;
	_ =	sdelay $0xb  }
0x75: {  	s11 =	sand.u32 $0x7FF, s6  }
0x76: {  	v21 =	vmov s11  }
0x77: {  	v21 =	vadd.s32 $0xFFFFFFFF, v21  }
0x78: {  	v21 =	vbroadcast v21, $0x0;
	v22 =	vld [tilespmem:s10+$0x0];
	s12 =	spop (v2sf)  }
0x79: {  	s3 =	sadd.s32 s6, s12  }
0x7a: {  	s7 =	sshra.s32 s6, $0xB;
	v20 =	vadd.s32 v20, v21;
	s19 =	sshra.s32 s3, $0xB  }
0x7b: {  	p2 =	sle.s32 s19, s7  }
0x7c: {  	s5 =	sand.u32 @!p2 $0xFFFFF800, s6  }
0x7d: {  	v21 =	vshll.u32 v22, $0xD;
	s5 =	sadd.s32 @!p2 s9, s5  }
0x7e: {  	v19 =	vor.u32 v19, v21;
	s6 =	simm.s32 @!p2 $0x2;
	s5 =	sshrl.u32 @!p2 s5, $0x3  }
0x7f: {  	[tilespmem:v20+s17+$0x0] =	vst.idx.msk vm3, v19;
	s7 =	simm.s32 @!p2 $0x0;
	s8 =	simm.s32 @!p2 $0x2000;
	s5 =	sadd.s32 @!p2 s2, s5  }
0x80: {  	[hbm4b:s5+s7] =	stream.linear.scatter @!p2 [tilespmem:s8], [sflag:$0x2], $0x800, $0x38;
	[tilespmem:$0x18380] =	vst v63  }
0x81: {  	_ =	swait.ge @!p2 [sflag:s6], $0x800  }
0x82: {  	s20 =	sand.u32 $0x7FF, s3;
	[sflag:s6] =	ssyncset.done @!p2 $0x0  }
0x83: {  	v19 =	vmov s20;
	[sflag:s6] =	ssyncadd.s32 @!p2 $0xFFFFF800  }
0x84: {  	v19 =	vadd.s32 $0xFFFFFFFF, v19;
	s7 =	simm.s32 $0x80;
	s5 =	smov.u32 s3;
	s6 =	simm.s32 $0x40;
	v20 =	vld @!p2 [tilespmem:$0x2800]  }
.LBB2_7:
0x85: {  	_ =	sdelay $0x3  }
0x86: {  	s8 =	sshra.s32 s6, $0x2;
	s6 =	smov.u32 s7;
	s7 =	sadd.s32 $0x40, s7;
	[tilespmem:$0x2000] =	vst @!p2 v20  }
0x87: {  	p1 =	sne.s32 s7, $0x3E80;
	v20 =	vld [tilespmem:s8+$0x1000];
	_ =	sdelay $0x4  }
0x88: {  	v20 =	vsub.s32 v20, v18  }
0x89: {  	vm3 =	vlt.u32 v20, $0x1000  }
0x8a: {  	v21 =	vsel vm3, $0x1, v2  }
0x8b: {  	(xrf0) =	vadd.scan.msk.s32 $0xffff, v21;
	_ =	sdelay $0x4  }
0x8c: {  	v19 =	vbroadcast v19, $0x0;
	v21 =	vld [tilespmem:s8+$0x0]  }
0x8d: {  	v22, _, _ =	vpop (xrf0)  }
0x8e: {  	v19 =	vadd.s32 v22, v19;
	(v2sf) =	vpush v22, $0xF;
	_ =	sdelay $0x2  }
0x8f: {  	v21 =	vshll.u32 v21, $0xD  }
0x90: {  	v20 =	vor.u32 v20, v21  }
0x91: {  	[tilespmem:v19+s17+$0x0] =	vst.idx.msk vm3, v20;
	_ =	sdelay $0x9  }
0x92: {  	s8 =	spop (v2sf)  }
0x93: {  	s3 =	sadd.s32 s3, s8  }
0x94: {  	s11 =	sshra.s32 s5, $0xB;
	s8 =	sand.u32 $0x7FF, s3;
	s10 =	sshra.s32 s3, $0xB  }
0x95: {  	v19 =	vmov s8;
	p2 =	sle.s32 s10, s11  }
0x96: {  	v19 =	vadd.s32 $0xFFFFFFFF, v19;
	s8 =	sand.u32 @!p2 $0xFFFFF800, s5;
	s5 =	smov.u32 s3  }
0x97: {  	s8 =	sadd.s32 @!p2 s9, s8  }
0x98: {  	s10 =	simm.s32 @!p2 $0x2;
	s8 =	sshrl.u32 @!p2 s8, $0x3  }
0x99: {  	s11 =	simm.s32 @!p2 $0x0;
	s12 =	simm.s32 @!p2 $0x2000;
	s8 =	sadd.s32 @!p2 s2, s8  }
0x9a: {  	[hbm4b:s8+s11] =	stream.linear.scatter @!p2 [tilespmem:s12], [sflag:$0x2], $0x800, $0x38;
	[tilespmem:$0x18380] =	vst v63  }
.Ltmp6:
0x9b: {  	_ = 	snop;
	(pc) =	sbr.rel @p1 .LBB2_7-.Ltmp6, $4  }
0x9c: {  	_ =	swait.ge @!p2 [sflag:s10], $0x800  }
0x9d: {  	[sflag:s10] =	ssyncset.done @!p2 $0x0  }
0x9e: {  	[sflag:s10] =	ssyncadd.s32 @!p2 $0xFFFFF800  }
0x9f: {  	v20 =	vld @!p2 [tilespmem:$0x2800]  }
0xa0: {  	_ =	sdelay $0x3  }
0xa1: {  	s6 =	sshra.s32 s6, $0x2;
	[tilespmem:$0x2000] =	vst @!p2 v20  }
0xa2: {  	v20 =	vld [tilespmem:s6+$0x1000];
	_ =	sdelay $0x4  }
0xa3: {  	v20 =	vsub.s32 v20, v18  }
0xa4: {  	vm3 =	vlt.u32 v20, $0x1000  }
0xa5: {  	v21 =	vsel vm3, $0x1, v2  }
0xa6: {  	(xrf0) =	vadd.scan.msk.s32 $0xffff, v21;
	_ =	sdelay $0x5  }
0xa7: {  	v21, _, _ =	vpop (xrf0)  }
0xa8: {  	(v2sf) =	vpush v21, $0xF;
	_ =	sdelay $0xe  }
0xa9: {  	v19 =	vbroadcast v19, $0x0;
	v22 =	vld [tilespmem:s6+$0x0];
	s20 =	spop (v2sf)  }
0xaa: {  	s6 =	sadd.s32 s3, s20  }
0xab: {  	s7 =	sshra.s32 s5, $0xB;
	v19 =	vadd.s32 v21, v19;
	s3 =	sshra.s32 s6, $0xB  }
0xac: {  	p1 =	sle.s32 s3, s7  }
0xad: {  	s3 =	sand.u32 @!p1 $0xFFFFF800, s5  }
0xae: {  	v63 =	vshll.u32 v22, $0xD;
	s3 =	sadd.s32 @!p1 s9, s3  }
0xaf: {  	v20 =	vor.u32 v20, v63;
	s5 =	simm.s32 @!p1 $0x2;
	s3 =	sshrl.u32 @!p1 s3, $0x3  }
0xb0: {  	[tilespmem:v19+s17+$0x0] =	vst.idx.msk vm3, v20;
	s7 =	simm.s32 @!p1 $0x0;
	s8 =	simm.s32 @!p1 $0x2000;
	s3 =	sadd.s32 @!p1 s2, s3  }
0xb1: {  	[hbm4b:s3+s7] =	stream.linear.scatter @!p1 [tilespmem:s8], [sflag:$0x2], $0x800, $0x38;
	[tilespmem:$0x18380] =	vst v63  }
0xb2: {  	_ =	swait.ge @!p1 [sflag:s5], $0x800  }
0xb3: {  	[sflag:s5] =	ssyncset.done @!p1 $0x0  }
0xb4: {  	s1 =	sadd.s32 $0x1, s1;
	[sflag:s5] =	ssyncadd.s32 @!p1 $0xFFFFF800  }
0xb5: {  	p2 =	sne.s32 s1, $0x19;
	v19 =	vld @!p1 [tilespmem:$0x2800]  }
.Ltmp7:
0xb6: {  	_ = 	snop;
	(pc) =	sbr.rel @p2 .LBB2_6-.Ltmp7, $2  }
0xb7: {  	_ =	sdelay $0x2  }
0xb8: {  	[tilespmem:$0x2000] =	vst @!p1 v19  }
0xb9: {  	s0 =	sand.u32 $0xFFFFF800, s6  }
0xba: {  	s0 =	sadd.s32 s9, s0  }
0xbb: {  	s0 =	sshrl.u32 s0, $0x3  }
0xbc: {  	s3 =	simm.s32 $0x0;
	s0 =	sadd.s32 s2, s0  }
0xbd: {  	[hbm4b:s0+s3] =	stream.linear.scatter [tilespmem:s17], [sflag:$0x2], $0x800, $0x38;
	[tilespmem:$0x18380] =	vst v63  }
0xbe: {  	_ =	swait.ge [sflag:s15], $0x800  }
0xbf: {  	v18 =	vmov s6;
	[sflag:s15] =	ssyncset.done $0x0  }
0xc0: {  	v18 =	vnsel vm0, $0x0, v18;
	[sflag:s15] =	ssyncadd.s32 $0xFFFFF800  }
0xc1: {  	s1 =	simm.s32 $0x7A00;
	s18 =	rddreg [dreg:$0x7];
	[tilespmem:$0x7A00] =	vst v18  }
0xc2: {  	[hbm4b:s18+s3] =	stream.linear.scatter [tilespmem:s1], [sflag:$0x2], $0x10, $0x38;
	[tilespmem:$0x18380] =	vst v63  }
0xc3: {  	_ =	swait.ge [sflag:s15], $0x10  }
0xc4: {  	[sflag:s15] =	ssyncset.done $0x0  }
0xc5: {  	[sflag:s15] =	ssyncadd.s32 $0xFFFFFFF0  }
0xc6: {  	[bflag:$0x0] =	sbarrier.arrive $0xFFFF  }
.Ltmp8:
0xc7: {  	s20 =	simm.s32 $0x7A80;
	s19 =	rddreg [dreg:$0x8];
	(pc) =	sbr.rel .LBB2_10-.Ltmp8, $4  }
0xc8: {  	[tilespmem:s20], [sflag:$0x2] =	stream.linear.gather [hbm4b:s19+s3], $0x100, $0x38;
	[tilespmem:$0x18380] =	vst v63  }
0xc9: {  	_ =	swait.ge [sflag:s15], $0x100  }
0xca: {  	[sflag:s15] =	ssyncset.done $0x0  }
0xcb: {  	s5 =	simm.s32 $0x0;
	[sflag:s15] =	ssyncadd.s32 $0xFFFFFF00  }
.LBB2_19:
0xcc: {  	s5 =	rddreg [dreg:$0xf]  }
0xcd: {  	s5 =	sadd.s32 $0x1, s5  }
0xce: {  	p1 =	sne.s32 s5, $0x10  }
.Ltmp9:
0xcf: {  	_ = 	snop;
	(pc) =	sbr.rel @!p1 .LBB2_20-.Ltmp9, $1  }
0xd0: {  	_ =	sdelay $0x3  }
.LBB2_10:
0xd1: {  	s1 =	sshll.u32 s5, $0x4  }
0xd2: {  	s1 =	sand.u32 $0x3FFFFFF0, s1  }
0xd3: {  	v18 =	vld [tilespmem:s1+$0x7A80];
	_ =	sdelay $0x4  }
0xd4: {  	v18 =	vnsel vm1, $0x0, v18  }
0xd5: {  	(xrf0) =	vadd.scan.msk.s32 $0xffff, v18;
	_ =	sdelay $0x5  }
0xd6: {  	v18, _, _ =	vpop (xrf0)  }
0xd7: {  	(v2sf) =	vpush v18, $0xF;
	_ =	sdelay $0xe  }
0xd8: {  	s18 =	spop (v2sf)  }
0xd9: {  	s20 =	sadd.s32 $0x7FF, s18  }
0xda: {  	s19 =	sshra.s32 s20, $0xB  }
0xdb: {  	p1 =	slt.s32 s19, $0x1  }
.Ltmp10:
0xdc: {  	_ = 	snop;
	(pc) =	sbr.rel @p1 .LBB2_19-.Ltmp10, $2  }
0xdd: {  	_ =	sdelay $0x2  }
0xde: {  	[dreg:$0xf] =	wrdreg s5  }
.Ltmp11:
0xdf: {  	(pc) =	sbr.rel .LBB2_12-.Ltmp11, $4  }
0xe0: {  	_ = 	snop  }
0xe1: {  	s0 =	rddreg [dreg:$0x5]  }
0xe2: {  	s1 =	sadd.s32 s0, s5  }
0xe3: {  	s12 =	simm.s32 $0x0;
	s10 =	simm.s32 $0x0;
	s1 =	smul.u32 $0x19700, s1  }
.LBB2_18:
0xe4: {  	s0 =	sand.u32 $0xFFFFFFC0, s11  }
0xe5: {  	v18 =	vld [tilespmem:s0+$0x2880];
	_ =	sdelay $0x4  }
0xe6: {  	[tilespmem:$0x2880] =	vst v18  }
0xe7: {  	v18 =	vld [tilespmem:s0+$0x2890];
	_ =	sdelay $0x4  }
0xe8: {  	[tilespmem:$0x2890] =	vst v18  }
0xe9: {  	v18 =	vld [tilespmem:s0+$0x28A0];
	_ =	sdelay $0x4  }
0xea: {  	s10 =	sadd.s32 $0x1, s10;
	[tilespmem:$0x28A0] =	vst v18  }
0xeb: {  	p1 =	sne.s32 s10, s19;
	v18 =	vld [tilespmem:s0+$0x28B0]  }
.Ltmp12:
0xec: {  	_ = 	snop;
	(pc) =	sbr.rel @!p1 .LBB2_19-.Ltmp12, $2  }
0xed: {  	_ =	sdelay $0x2  }
0xee: {  	s3 =	sand.u32 $0x3F, s11;
	s18 =	sadd.s32 $0xFFFFF800, s18;
	[tilespmem:$0x28B0] =	vst v18  }
.LBB2_12:
0xef: {  	s5 =	sshll.u32 s10, $0xB  }
0xf0: {  	s5 =	sadd.s32 s1, s5  }
0xf1: {  	s5 =	sshrl.u32 s5, $0x3  }
0xf2: {  	s0 =	simm.s32 $0x3100;
	s5 =	sadd.s32 s2, s5  }
0xf3: {  	[tilespmem:s0], [sflag:$0x2] =	stream.linear.gather [hbm4b:s5+s12], $0x800, $0x38;
	[tilespmem:$0x18380] =	vst v63  }
0xf4: {  	_ =	swait.ge [sflag:s15], $0x800  }
0xf5: {  	[sflag:s15] =	ssyncset.done $0x0  }
0xf6: {  	s20 =	simm.s32 $0x0;
	[sflag:s15] =	ssyncadd.s32 $0xFFFFF800  }
0xf7: {  	v18 =	vld [tilespmem:s20+$0x3100];
	_ =	sdelay $0x4  }
0xf8: {  	v19 =	vshrl.u32 v18, $0x8  }
0xf9: {  	v20 =	vmov s18;
	v19 =	vand.u32 $0x1F, v19  }
0xfa: {  	vm4 =	vgt.s32 v20, v3;
	vm3 =	veq.s32 v19, v0  }
0xfb: {  	vm3 =	vmand vm4, vm3  }
0xfc: {  	v19 =	vsel vm3, $0x1, v2  }
0xfd: {  	(xrf0) =	vadd.scan.msk.s32 $0xffff, v19;
	_ =	sdelay $0x2  }
0xfe: {  	v19 =	vmov s3  }
0xff: {  	v19 =	vadd.s32 $0xFFFFFFFF, v19  }
0x100: {  	v19 =	vbroadcast v19, $0x0  }
0x101: {  	v63, _, _ =	vpop (xrf0)  }
0x102: {  	v19 =	vadd.s32 v63, v19;
	(v2sf) =	vpush v63, $0xF;
	_ =	sdelay $0x3  }
0x103: {  	v18 =	vand.u32 $0xFFFFE0FF, v18  }
0x104: {  	s7 =	simm.s32 $0x10;
	s6 =	simm.s32 $0x80;
	s5 =	smov.u32 s18;
	[tilespmem:v19+s21+$0x0] =	vst.idx.msk vm3, v18  }
.LBB2_13:
0x105: {  	p1 =	sne.s32 s6, $0x1FC0;
	v18 =	vld [tilespmem:s7+$0x3100];
	_ =	sdelay $0x4  }
0x106: {  	s5 =	sadd.s32 $0xFFFFFFF0, s5;
	v19 =	vshrl.u32 v18, $0x8;
	v18 =	vand.u32 $0xFFFFE0FF, v18  }
0x107: {  	v20 =	vmov s5;
	v19 =	vand.u32 $0x1F, v19  }
0x108: {  	vm4 =	vgt.s32 v20, v3;
	vm3 =	veq.s32 v19, v0  }
0x109: {  	vm3 =	vmand vm4, vm3  }
0x10a: {  	v19 =	vsel vm3, $0x1, v2;
	s7 =	spop (v2sf)  }
0x10b: {  	(xrf0) =	vadd.scan.msk.s32 $0xffff, v19;
	s3 =	sadd.s32 s3, s7  }
0x10c: {  	v19 =	vmov s3  }
0x10d: {  	v19 =	vadd.s32 $0xFFFFFFFF, v19  }
0x10e: {  	v19 =	vbroadcast v19, $0x0;
	_ =	sdelay $0x2  }
0x10f: {  	v20, _, _ =	vpop (xrf0)  }
0x110: {  	v19 =	vadd.s32 v20, v19;
	(v2sf) =	vpush v20, $0xF  }
.Ltmp13:
0x111: {  	(pc) =	sbr.rel @p1 .LBB2_13-.Ltmp13, $2  }
0x112: {  	_ =	sdelay $0x2  }
0x113: {  	s7 =	sshra.s32 s6, $0x2;
	s6 =	sadd.s32 $0x40, s6;
	[tilespmem:v19+s21+$0x0] =	vst.idx.msk vm3, v18  }
0x114: {  	v18 =	vld [tilespmem:s7+$0x3100];
	_ =	sdelay $0x4  }
0x115: {  	s5 =	sadd.s32 $0xFFFFFFF0, s5;
	v19 =	vshrl.u32 v18, $0x8  }
0x116: {  	v20 =	vmov s5;
	v19 =	vand.u32 $0x1F, v19  }
0x117: {  	vm4 =	vgt.s32 v20, v3;
	vm3 =	veq.s32 v19, v0  }
0x118: {  	vm3 =	vmand vm4, vm3  }
0x119: {  	v19 =	vsel vm3, $0x1, v2  }
0x11a: {  	(xrf0) =	vadd.scan.msk.s32 $0xffff, v19;
	_ =	sdelay $0x5  }
0x11b: {  	v19, _, _ =	vpop (xrf0)  }
0x11c: {  	(v2sf) =	vpush v19, $0xF;
	_ =	sdelay $0xb  }
0x11d: {  	s16 =	spop (v2sf)  }
0x11e: {  	s3 =	sadd.s32 s3, s16  }
0x11f: {  	v63 =	vmov s3  }
0x120: {  	v20 =	vadd.s32 $0xFFFFFFFF, v63;
	s20 =	spop (v2sf)  }
0x121: {  	v20 =	vbroadcast v20, $0x0;
	s11 =	sadd.s32 s3, s20  }
0x122: {  	s13 =	sshra.s32 s11, $0x6  }
0x123: {  	v19 =	vadd.s32 v19, v20;
	p1 =	slt.s32 s13, $0x1  }
.Ltmp14:
0x124: {  	_ = 	snop;
	(pc) =	sbr.rel @p1 .LBB2_18-.Ltmp14, $3  }
0x125: {  	_ =	sdelay $0x1  }
0x126: {  	v18 =	vand.u32 $0xFFFFE0FF, v18  }
0x127: {  	s14 =	simm.s32 $0x0;
	s16 =	simm.s32 $0x0;
	[tilespmem:v19+s21+$0x0] =	vst.idx.msk vm3, v18  }
.LBB2_15:
0x128: {  	s3 =	sshll.u32 s16, $0x8  }
0x129: {  	s3 =	sshra.s32 s3, $0x2  }
0x12a: {  	v18 =	vld [tilespmem:s3+$0x2880];
	_ =	sdelay $0x4  }
0x12b: {  	v19 =	vshra.s32 v18, $0xD  }
0x12c: {  	v18 =	vand.u32 $0x1FF, v18;
	[tilespmem:$0x3900] =	vst v19  }
0x12d: {  	[tilespmem:$0x3980] =	vst v18  }
0x12e: {  	v18 =	vld [tilespmem:s3+$0x2890];
	_ =	sdelay $0x4  }
0x12f: {  	v19 =	vshra.s32 v18, $0xD  }
0x130: {  	v18 =	vand.u32 $0x1FF, v18;
	[tilespmem:$0x3910] =	vst v19  }
0x131: {  	[tilespmem:$0x3990] =	vst v18  }
0x132: {  	v18 =	vld [tilespmem:s3+$0x28A0]  }
0x133: {  	v19 =	vld [tilespmem:$0x3900];
	_ =	sdelay $0x3  }
0x134: {  	v20 =	vshra.s32 v18, $0xD  }
0x135: {  	v62 =	vshll.u32 v19, $0x1;
	v18 =	vand.u32 $0x1FF, v18;
	[tilespmem:$0x3920] =	vst v20  }
0x136: {  	[tilespmem:$0x39A0] =	vst v18;
	v18 =	vand.u32 $0x7, v19;
	v19 =	vand.u32 $0xFFFFFFF0, v62  }
0x137: {  	v63 =	vld [tilespmem:s3+$0x28B0];
	v18 =	vor.u32 v18, v19  }
0x138: {  	v19 =	vperm.xlane v18, v4;
	_ =	sdelay $0x1  }
0x139: {  	v18 =	vperm.xlane v18, v7;
	v19 =	vadd.s32 v5, v19;
	_ =	sdelay $0x1  }
0x13a: {  	v18 =	vadd.s32 v5, v18;
	v21 =	vshra.s32 v63, $0xD  }
0x13b: {  	v20 =	vand.u32 $0x1FF, v63;
	[tilespmem:$0x3930] =	vst v21  }
0x13c: {  	[tilespmem:$0x39B0] =	vst v20  }
0x13d: {  	[tilespmem:s22], [sflag:$0x1] =	stream.indirect_vreg.gather [hbm4b:s4+s14], $0x80, v19, vm2, $0xb8;
	[tilespmem:$0x18380] =	vst v63  }
0x13e: {  	_ = 	snop  }
0x13f: {  	[tilespmem:s23], [sflag:$0x1] =	stream.indirect_vreg.gather [hbm4b:s4+s14], $0x80, v18, vm2, $0xb8;
	[tilespmem:$0x18380] =	vst v63  }
0x140: {  	v18 =	vld [tilespmem:$0x3910];
	_ =	sdelay $0x4  }
0x141: {  	v19 =	vshll.u32 v18, $0x1  }
0x142: {  	v18 =	vand.u32 $0x7, v18;
	v19 =	vand.u32 $0xFFFFFFF0, v19  }
0x143: {  	v18 =	vor.u32 v18, v19  }
0x144: {  	v19 =	vperm.xlane v18, v4;
	_ =	sdelay $0x1  }
0x145: {  	v18 =	vperm.xlane v18, v7;
	v19 =	vadd.s32 v5, v19;
	_ =	sdelay $0x1  }
0x146: {  	v18 =	vadd.s32 v5, v18;
	_ =	sdelay $0x2  }
0x147: {  	[tilespmem:s24], [sflag:$0x1] =	stream.indirect_vreg.gather [hbm4b:s4+s14], $0x80, v19, vm2, $0xb8;
	[tilespmem:$0x18380] =	vst v63  }
0x148: {  	_ = 	snop  }
0x149: {  	[tilespmem:s25], [sflag:$0x1] =	stream.indirect_vreg.gather [hbm4b:s4+s14], $0x80, v18, vm2, $0xb8;
	[tilespmem:$0x18380] =	vst v63  }
0x14a: {  	v18 =	vld [tilespmem:$0x3920];
	_ =	sdelay $0x4  }
0x14b: {  	v19 =	vshll.u32 v18, $0x1  }
0x14c: {  	v18 =	vand.u32 $0x7, v18;
	v19 =	vand.u32 $0xFFFFFFF0, v19  }
0x14d: {  	v18 =	vor.u32 v18, v19  }
0x14e: {  	v19 =	vperm.xlane v18, v4;
	_ =	sdelay $0x1  }
0x14f: {  	v18 =	vperm.xlane v18, v7;
	v19 =	vadd.s32 v5, v19;
	_ =	sdelay $0x1  }
0x150: {  	v18 =	vadd.s32 v5, v18;
	_ =	sdelay $0x2  }
0x151: {  	[tilespmem:s26], [sflag:$0x1] =	stream.indirect_vreg.gather [hbm4b:s4+s14], $0x80, v19, vm2, $0xb8;
	[tilespmem:$0x18380] =	vst v63  }
0x152: {  	_ = 	snop  }
0x153: {  	[tilespmem:s28], [sflag:$0x1] =	stream.indirect_vreg.gather [hbm4b:s4+s14], $0x80, v18, vm2, $0xb8;
	[tilespmem:$0x18380] =	vst v63  }
0x154: {  	v18 =	vld [tilespmem:$0x3930];
	_ =	sdelay $0x4  }
0x155: {  	v19 =	vshll.u32 v18, $0x1  }
0x156: {  	v18 =	vand.u32 $0x7, v18;
	v19 =	vand.u32 $0xFFFFFFF0, v19  }
0x157: {  	v18 =	vor.u32 v18, v19  }
0x158: {  	v19 =	vperm.xlane v18, v4;
	_ =	sdelay $0x1  }
0x159: {  	v18 =	vperm.xlane v18, v7;
	v19 =	vadd.s32 v5, v19;
	_ =	sdelay $0x1  }
0x15a: {  	v18 =	vadd.s32 v5, v18;
	_ =	sdelay $0x2  }
0x15b: {  	[tilespmem:s29], [sflag:$0x1] =	stream.indirect_vreg.gather [hbm4b:s4+s14], $0x80, v19, vm2, $0xb8;
	[tilespmem:$0x18380] =	vst v63  }
0x15c: {  	_ = 	snop  }
0x15d: {  	[tilespmem:s30], [sflag:$0x1] =	stream.indirect_vreg.gather [hbm4b:s4+s14], $0x80, v18, vm2, $0xb8;
	[tilespmem:$0x18380] =	vst v63  }
0x15e: {  	_ =	swait.ge [sflag:s31], $0x4000  }
0x15f: {  	[sflag:s31] =	ssyncset.done $0x0  }
0x160: {  	s6 =	sand.u32 $0x30, s14;
	[sflag:s31] =	ssyncadd.s32 $0xFFFFC000  }
0x161: {  	v18 =	vld [tilespmem:s6+$0x3980];
	_ =	sdelay $0x1  }
0x162: {  	s7 =	sand.u32 $0xF, s14  }
0x163: {  	v19 =	vmov s7  }
0x164: {  	vm3 =	veq.s32 v19, v3  }
0x165: {  	v18 =	vnsel vm3, $0x0, v18  }
0x166: {  	(xrf0) =	vadd.scan.msk.s32 $0xffff, v18;
	_ =	sdelay $0x5  }
0x167: {  	v18, _, _ =	vpop (xrf0)  }
0x168: {  	(v2sf) =	vpush v18, $0xF;
	_ =	sdelay $0xb  }
0x169: {  	s8 =	sand.u32 $0x3800, s14;
	s5 =	sand.u32 $0x380, s14  }
0x16a: {  	s3 =	sor.u32 s5, s8  }
0x16b: {  	v18 =	vld [tilespmem:s3+$0x3A00]  }
0x16c: {  	s20 =	spop (v2sf)  }
0x16d: {  	s6 =	sshll.u32 s20, $0x8;
	s5 =	sshll.u32 s20, $0x7  }
0x16e: {  	s6 =	sand.u32 $0xFFFFF800, s6;
	s5 =	sand.u32 $0x380, s5  }
0x16f: {  	s7 =	sor.u32 s5, s6  }
0x170: {  	[tilespmem:s7+$0x7B80] =	vst.add.f32.msk $0xffff, v18  }
0x171: {  	v18 =	vld [tilespmem:s3+$0x3A10];
	_ =	sdelay $0x4  }
0x172: {  	[tilespmem:s7+$0x7B90] =	vst.add.f32.msk $0xffff, v18  }
0x173: {  	v18 =	vld [tilespmem:s3+$0x3A20];
	_ =	sdelay $0x4  }
0x174: {  	[tilespmem:s7+$0x7BA0] =	vst.add.f32.msk $0xffff, v18  }
0x175: {  	v18 =	vld [tilespmem:s3+$0x3A30];
	_ =	sdelay $0x4  }
0x176: {  	[tilespmem:s7+$0x7BB0] =	vst.add.f32.msk $0xffff, v18  }
0x177: {  	v18 =	vld [tilespmem:s3+$0x3A40];
	_ =	sdelay $0x4  }
0x178: {  	[tilespmem:s7+$0x7BC0] =	vst.add.f32.msk $0xffff, v18  }
0x179: {  	v18 =	vld [tilespmem:s3+$0x3A50];
	_ =	sdelay $0x4  }
0x17a: {  	[tilespmem:s7+$0x7BD0] =	vst.add.f32.msk $0xffff, v18  }
0x17b: {  	v18 =	vld [tilespmem:s3+$0x3A60];
	_ =	sdelay $0x4  }
0x17c: {  	[tilespmem:s7+$0x7BE0] =	vst.add.f32.msk $0xffff, v18  }
0x17d: {  	v18 =	vld [tilespmem:s3+$0x3A70];
	_ =	sdelay $0x4  }
0x17e: {  	[tilespmem:s7+$0x7BF0] =	vst.add.f32.msk $0xffff, v18  }
0x17f: {  	v18 =	vld [tilespmem:s3+$0x3E00];
	_ =	sdelay $0x4  }
0x180: {  	[tilespmem:s7+$0x7F80] =	vst.add.f32.msk $0xffff, v18  }
0x181: {  	v18 =	vld [tilespmem:s3+$0x3E10];
	_ =	sdelay $0x4  }
0x182: {  	[tilespmem:s7+$0x7F90] =	vst.add.f32.msk $0xffff, v18  }
0x183: {  	v18 =	vld [tilespmem:s3+$0x3E20];
	_ =	sdelay $0x4  }
0x184: {  	[tilespmem:s7+$0x7FA0] =	vst.add.f32.msk $0xffff, v18  }
0x185: {  	v18 =	vld [tilespmem:s3+$0x3E30];
	_ =	sdelay $0x4  }
0x186: {  	[tilespmem:s7+$0x7FB0] =	vst.add.f32.msk $0xffff, v18  }
0x187: {  	v18 =	vld [tilespmem:s3+$0x3E40];
	_ =	sdelay $0x4  }
0x188: {  	[tilespmem:s7+$0x7FC0] =	vst.add.f32.msk $0xffff, v18  }
0x189: {  	v18 =	vld [tilespmem:s3+$0x3E50];
	_ =	sdelay $0x4  }
0x18a: {  	[tilespmem:s7+$0x7FD0] =	vst.add.f32.msk $0xffff, v18  }
0x18b: {  	v18 =	vld [tilespmem:s3+$0x3E60];
	_ =	sdelay $0x4  }
0x18c: {  	[tilespmem:s7+$0x7FE0] =	vst.add.f32.msk $0xffff, v18  }
0x18d: {  	v18 =	vld [tilespmem:s3+$0x3E70];
	_ =	sdelay $0x3  }
0x18e: {  	s5 =	simm.s32 $0x1;
	s6 =	simm.s32 $0x2  }
0x18f: {  	s8 =	sand.u32 $0x30, s5;
	s3 =	simm.s32 $0x0;
	[tilespmem:s7+$0x7FF0] =	vst.add.f32.msk $0xffff, v18;
	s7 =	simm.s32 $0x0  }
.LBB2_16:
0x190: {  	p1 =	sne.s32 s6, $0x3F;
	v18 =	vld [tilespmem:s8+$0x3980];
	_ =	sdelay $0x1  }
0x191: {  	s8 =	sand.u32 $0xF, s5;
	s5 =	smov.u32 s6  }
0x192: {  	v19 =	vmov s8  }
0x193: {  	vm3 =	veq.s32 v19, v3  }
0x194: {  	v18 =	vnsel vm3, $0x0, v18  }
0x195: {  	(xrf0) =	vadd.scan.msk.s32 $0xffff, v18;
	_ =	sdelay $0x5  }
0x196: {  	v18, _, _ =	vpop (xrf0)  }
0x197: {  	(v2sf) =	vpush v18, $0xF;
	_ =	sdelay $0xa  }
0x198: {  	s7 =	sadd.s32 $0x80, s7;
	s3 =	sadd.s32 $0x100, s3  }
0x199: {  	s8 =	sand.u32 $0x3800, s3;
	s20 =	sand.u32 $0x380, s7  }
0x19a: {  	s8 =	sor.u32 s20, s8  }
0x19b: {  	v18 =	vld [tilespmem:s8+$0x3A00]  }
0x19c: {  	s20 =	spop (v2sf)  }
0x19d: {  	s0 =	sshll.u32 s20, $0x8;
	s20 =	sshll.u32 s20, $0x7  }
0x19e: {  	s0 =	sand.u32 $0xFFFFF800, s0;
	s20 =	sand.u32 $0x380, s20  }
0x19f: {  	s20 =	sor.u32 s20, s0  }
0x1a0: {  	[tilespmem:s20+$0x7B80] =	vst.add.f32.msk $0xffff, v18  }
0x1a1: {  	v18 =	vld [tilespmem:s8+$0x3A10];
	_ =	sdelay $0x4  }
0x1a2: {  	[tilespmem:s20+$0x7B90] =	vst.add.f32.msk $0xffff, v18  }
0x1a3: {  	v18 =	vld [tilespmem:s8+$0x3A20];
	_ =	sdelay $0x4  }
0x1a4: {  	[tilespmem:s20+$0x7BA0] =	vst.add.f32.msk $0xffff, v18  }
0x1a5: {  	v18 =	vld [tilespmem:s8+$0x3A30];
	_ =	sdelay $0x4  }
0x1a6: {  	[tilespmem:s20+$0x7BB0] =	vst.add.f32.msk $0xffff, v18  }
0x1a7: {  	v18 =	vld [tilespmem:s8+$0x3A40];
	_ =	sdelay $0x4  }
0x1a8: {  	[tilespmem:s20+$0x7BC0] =	vst.add.f32.msk $0xffff, v18  }
0x1a9: {  	v18 =	vld [tilespmem:s8+$0x3A50];
	_ =	sdelay $0x4  }
0x1aa: {  	[tilespmem:s20+$0x7BD0] =	vst.add.f32.msk $0xffff, v18  }
0x1ab: {  	v18 =	vld [tilespmem:s8+$0x3A60];
	_ =	sdelay $0x4  }
0x1ac: {  	[tilespmem:s20+$0x7BE0] =	vst.add.f32.msk $0xffff, v18  }
0x1ad: {  	v18 =	vld [tilespmem:s8+$0x3A70];
	_ =	sdelay $0x4  }
0x1ae: {  	[tilespmem:s20+$0x7BF0] =	vst.add.f32.msk $0xffff, v18  }
0x1af: {  	v18 =	vld [tilespmem:s8+$0x3E00];
	_ =	sdelay $0x4  }
0x1b0: {  	[tilespmem:s20+$0x7F80] =	vst.add.f32.msk $0xffff, v18  }
0x1b1: {  	v18 =	vld [tilespmem:s8+$0x3E10];
	_ =	sdelay $0x4  }
0x1b2: {  	[tilespmem:s20+$0x7F90] =	vst.add.f32.msk $0xffff, v18  }
0x1b3: {  	v18 =	vld [tilespmem:s8+$0x3E20];
	_ =	sdelay $0x4  }
0x1b4: {  	[tilespmem:s20+$0x7FA0] =	vst.add.f32.msk $0xffff, v18  }
0x1b5: {  	v18 =	vld [tilespmem:s8+$0x3E30];
	_ =	sdelay $0x4  }
0x1b6: {  	[tilespmem:s20+$0x7FB0] =	vst.add.f32.msk $0xffff, v18  }
0x1b7: {  	v18 =	vld [tilespmem:s8+$0x3E40];
	_ =	sdelay $0x4  }
0x1b8: {  	[tilespmem:s20+$0x7FC0] =	vst.add.f32.msk $0xffff, v18  }
0x1b9: {  	v18 =	vld [tilespmem:s8+$0x3E50];
	_ =	sdelay $0x4  }
0x1ba: {  	[tilespmem:s20+$0x7FD0] =	vst.add.f32.msk $0xffff, v18  }
0x1bb: {  	v18 =	vld [tilespmem:s8+$0x3E60];
	_ =	sdelay $0x4  }
0x1bc: {  	[tilespmem:s20+$0x7FE0] =	vst.add.f32.msk $0xffff, v18  }
0x1bd: {  	v18 =	vld [tilespmem:s8+$0x3E70]  }
.Ltmp15:
0x1be: {  	(pc) =	sbr.rel @p1 .LBB2_16-.Ltmp15, $2  }
0x1bf: {  	_ =	sdelay $0x2  }
0x1c0: {  	s6 =	sadd.s32 $0x1, s6;
	s8 =	sand.u32 $0x30, s5;
	[tilespmem:s20+$0x7FF0] =	vst.add.f32.msk $0xffff, v18  }
0x1c1: {  	v18 =	vld [tilespmem:s8+$0x3980];
	_ =	sdelay $0x1  }
0x1c2: {  	s0 =	sand.u32 $0xF, s5  }
0x1c3: {  	v19 =	vmov s0  }
0x1c4: {  	vm3 =	veq.s32 v19, v3  }
0x1c5: {  	v18 =	vnsel vm3, $0x0, v18  }
0x1c6: {  	(xrf0) =	vadd.scan.msk.s32 $0xffff, v18;
	_ =	sdelay $0x5  }
0x1c7: {  	v18, _, _ =	vpop (xrf0)  }
0x1c8: {  	(v2sf) =	vpush v18, $0xF;
	_ =	sdelay $0xa  }
0x1c9: {  	s7 =	sadd.s32 $0x80, s7;
	s3 =	sadd.s32 $0x100, s3  }
0x1ca: {  	s3 =	sand.u32 $0x3800, s3;
	s0 =	sand.u32 $0x380, s7  }
0x1cb: {  	s0 =	sor.u32 s0, s3  }
0x1cc: {  	v18 =	vld [tilespmem:s0+$0x3A00]  }
0x1cd: {  	s8 =	spop (v2sf)  }
0x1ce: {  	s20 =	sshll.u32 s8, $0x8;
	s3 =	sshll.u32 s8, $0x7  }
0x1cf: {  	s5 =	sand.u32 $0xFFFFF800, s20;
	s3 =	sand.u32 $0x380, s3  }
0x1d0: {  	s3 =	sor.u32 s3, s5  }
0x1d1: {  	[tilespmem:s3+$0x7B80] =	vst.add.f32.msk $0xffff, v18  }
0x1d2: {  	v18 =	vld [tilespmem:s0+$0x3A10];
	_ =	sdelay $0x4  }
0x1d3: {  	[tilespmem:s3+$0x7B90] =	vst.add.f32.msk $0xffff, v18  }
0x1d4: {  	v18 =	vld [tilespmem:s0+$0x3A20];
	_ =	sdelay $0x4  }
0x1d5: {  	[tilespmem:s3+$0x7BA0] =	vst.add.f32.msk $0xffff, v18  }
0x1d6: {  	v18 =	vld [tilespmem:s0+$0x3A30];
	_ =	sdelay $0x4  }
0x1d7: {  	[tilespmem:s3+$0x7BB0] =	vst.add.f32.msk $0xffff, v18  }
0x1d8: {  	v18 =	vld [tilespmem:s0+$0x3A40];
	_ =	sdelay $0x4  }
0x1d9: {  	[tilespmem:s3+$0x7BC0] =	vst.add.f32.msk $0xffff, v18  }
0x1da: {  	v18 =	vld [tilespmem:s0+$0x3A50];
	_ =	sdelay $0x4  }
0x1db: {  	[tilespmem:s3+$0x7BD0] =	vst.add.f32.msk $0xffff, v18  }
0x1dc: {  	v18 =	vld [tilespmem:s0+$0x3A60];
	_ =	sdelay $0x4  }
0x1dd: {  	[tilespmem:s3+$0x7BE0] =	vst.add.f32.msk $0xffff, v18  }
0x1de: {  	v18 =	vld [tilespmem:s0+$0x3A70];
	_ =	sdelay $0x4  }
0x1df: {  	[tilespmem:s3+$0x7BF0] =	vst.add.f32.msk $0xffff, v18  }
0x1e0: {  	v18 =	vld [tilespmem:s0+$0x3E00];
	_ =	sdelay $0x4  }
0x1e1: {  	[tilespmem:s3+$0x7F80] =	vst.add.f32.msk $0xffff, v18  }
0x1e2: {  	v18 =	vld [tilespmem:s0+$0x3E10];
	_ =	sdelay $0x4  }
0x1e3: {  	[tilespmem:s3+$0x7F90] =	vst.add.f32.msk $0xffff, v18  }
0x1e4: {  	v18 =	vld [tilespmem:s0+$0x3E20];
	_ =	sdelay $0x4  }
0x1e5: {  	[tilespmem:s3+$0x7FA0] =	vst.add.f32.msk $0xffff, v18  }
0x1e6: {  	v18 =	vld [tilespmem:s0+$0x3E30];
	_ =	sdelay $0x4  }
0x1e7: {  	[tilespmem:s3+$0x7FB0] =	vst.add.f32.msk $0xffff, v18  }
0x1e8: {  	v18 =	vld [tilespmem:s0+$0x3E40];
	_ =	sdelay $0x4  }
0x1e9: {  	[tilespmem:s3+$0x7FC0] =	vst.add.f32.msk $0xffff, v18  }
0x1ea: {  	v18 =	vld [tilespmem:s0+$0x3E50];
	_ =	sdelay $0x4  }
0x1eb: {  	[tilespmem:s3+$0x7FD0] =	vst.add.f32.msk $0xffff, v18  }
0x1ec: {  	v18 =	vld [tilespmem:s0+$0x3E60];
	_ =	sdelay $0x4  }
0x1ed: {  	s16 =	sadd.s32 $0x1, s16;
	[tilespmem:s3+$0x7FE0] =	vst.add.f32.msk $0xffff, v18  }
0x1ee: {  	p1 =	sne.s32 s16, s13;
	v18 =	vld [tilespmem:s0+$0x3E70]  }
.Ltmp16:
0x1ef: {  	_ = 	snop;
	(pc) =	sbr.rel @p1 .LBB2_15-.Ltmp16, $4  }
.Ltmp17:
0x1f0: {  	_ = 	snop;
	(pc) =	sbr.rel @!p1 .LBB2_18-.Ltmp17, $4  }
0x1f1: {  	_ = 	snop  }
0x1f2: {  	_ = 	snop  }
0x1f3: {  	[tilespmem:s3+$0x7FF0] =	vst.add.f32.msk $0xffff, v18  }
0x1f4: {  	_ = 	snop  }
.LBB2_20:
0x1f5: {  	p1 =	seq.s32 s3, $0x0  }
.Ltmp18:
0x1f6: {  	_ = 	snop;
	(pc) =	sbr.rel @p1 .LBB2_24-.Ltmp18, $4  }
0x1f7: {  	s13 =	rddreg [dreg:$0x3]  }
0x1f8: {  	s14 =	rddreg [dreg:$0x4]  }
0x1f9: {  	s16 =	rddreg [dreg:$0x6]  }
0x1fa: {  	s18 =	simm.s32 $0x1000;
	s10 =	rddreg [dreg:$0xd]  }
0x1fb: {  	s0 =	smul.u32 $0x1D, s10  }
0x1fc: {  	s1 =	rddreg [dreg:$0x9]  }
0x1fd: {  	s0 =	sadd.s32 s1, s0  }
0x1fe: {  	v19 =	vld [tilespmem:$0x2880];
	v18 =	vmov s0  }
0x1ff: {  	v18 =	vshll.u32 v18, $0xD  }
0x200: {  	v20 =	vadd.s32 v6, v18  }
0x201: {  	v21 =	vmov s3;
	v20 =	vand.u32 $0x7FFE000, v20  }
0x202: {  	v22 =	vld [tilespmem:$0x2890];
	vm3 =	vgt.u32 v21, v3;
	v20 =	vor.u32 v11, v20  }
0x203: {  	v19 =	vsel vm3, v19, v20  }
0x204: {  	v23 =	vld [tilespmem:$0x28A0];
	v57 =	vadd.s32 v10, v18;
	v24 =	vshra.s32 v19, $0xD  }
0x205: {  	v25 =	vld [tilespmem:$0x28B0];
	v20 =	vand.u32 $0x7FFE000, v57;
	[tilespmem:$0x3900] =	vst v24  }
0x206: {  	v58 =	vadd.s32 v9, v18;
	vm3 =	vgt.u32 v21, v12;
	v20 =	vor.u32 v13, v20;
	v26 =	vld [tilespmem:$0x3900]  }
0x207: {  	v59 =	vand.u32 $0x7FFE000, v58;
	v20 =	vsel vm3, v22, v20  }
0x208: {  	v18 =	vadd.s32 v8, v18;
	v60 =	vor.u32 v15, v59;
	vm3 =	vgt.u32 v21, v14;
	[tilespmem:$0x2890] =	vst v20  }
0x209: {  	v18 =	vand.u32 $0x7FFE000, v18;
	v20 =	vsel vm3, v23, v60;
	v61 =	vld [tilespmem:$0x2890]  }
0x20a: {  	v18 =	vor.u32 v17, v18;
	vm3 =	vgt.u32 v21, v16;
	[tilespmem:$0x28A0] =	vst v20  }
0x20b: {  	v18 =	vsel vm3, v25, v18;
	v20 =	vld [tilespmem:$0x28A0];
	v62 =	vshll.u32 v26, $0x1  }
0x20c: {  	[tilespmem:$0x28B0] =	vst v18;
	v18 =	vand.u32 $0x7, v26;
	v21 =	vand.u32 $0xFFFFFFF0, v62  }
0x20d: {  	[tilespmem:$0x2880] =	vst v19;
	v19 =	vand.u32 $0x1FF, v19;
	v63 =	vld [tilespmem:$0x28B0];
	v18 =	vor.u32 v18, v21  }
0x20e: {  	[tilespmem:$0x3980] =	vst v19;
	v19 =	vshra.s32 v61, $0xD;
	v21 =	vperm.xlane v18, v4  }
0x20f: {  	[tilespmem:$0x3910] =	vst v19;
	v19 =	vand.u32 $0x1FF, v61  }
0x210: {  	[tilespmem:$0x3990] =	vst v19;
	v19 =	vshra.s32 v20, $0xD;
	v18 =	vperm.xlane v18, v7;
	v21 =	vadd.s32 v5, v21  }
0x211: {  	[tilespmem:$0x3920] =	vst v19;
	v19 =	vand.u32 $0x1FF, v20  }
0x212: {  	[tilespmem:$0x39A0] =	vst v19;
	v19 =	vshra.s32 v63, $0xD;
	v18 =	vadd.s32 v5, v18  }
0x213: {  	[tilespmem:$0x3930] =	vst v19;
	v19 =	vand.u32 $0x1FF, v63  }
0x214: {  	s0 =	simm.s32 $0x0;
	[tilespmem:$0x39B0] =	vst v19  }
0x215: {  	[tilespmem:s22], [sflag:$0x1] =	stream.indirect_vreg.gather [hbm4b:s4+s0], $0x80, v21, vm2, $0xb8;
	[tilespmem:$0x18380] =	vst v63  }
0x216: {  	_ = 	snop  }
0x217: {  	[tilespmem:s23], [sflag:$0x1] =	stream.indirect_vreg.gather [hbm4b:s4+s0], $0x80, v18, vm2, $0xb8;
	[tilespmem:$0x18380] =	vst v63  }
0x218: {  	v18 =	vld [tilespmem:$0x3910];
	_ =	sdelay $0x4  }
0x219: {  	v19 =	vshll.u32 v18, $0x1  }
0x21a: {  	v18 =	vand.u32 $0x7, v18;
	v19 =	vand.u32 $0xFFFFFFF0, v19  }
0x21b: {  	v18 =	vor.u32 v18, v19  }
0x21c: {  	v19 =	vperm.xlane v18, v4;
	_ =	sdelay $0x1  }
0x21d: {  	v18 =	vperm.xlane v18, v7;
	v19 =	vadd.s32 v5, v19;
	_ =	sdelay $0x1  }
0x21e: {  	v18 =	vadd.s32 v5, v18;
	_ =	sdelay $0x2  }
0x21f: {  	[tilespmem:s24], [sflag:$0x1] =	stream.indirect_vreg.gather [hbm4b:s4+s0], $0x80, v19, vm2, $0xb8;
	[tilespmem:$0x18380] =	vst v63  }
0x220: {  	_ = 	snop  }
0x221: {  	[tilespmem:s25], [sflag:$0x1] =	stream.indirect_vreg.gather [hbm4b:s4+s0], $0x80, v18, vm2, $0xb8;
	[tilespmem:$0x18380] =	vst v63  }
0x222: {  	v18 =	vld [tilespmem:$0x3920];
	_ =	sdelay $0x4  }
0x223: {  	v19 =	vshll.u32 v18, $0x1  }
0x224: {  	v18 =	vand.u32 $0x7, v18;
	v19 =	vand.u32 $0xFFFFFFF0, v19  }
0x225: {  	v18 =	vor.u32 v18, v19  }
0x226: {  	v19 =	vperm.xlane v18, v4;
	_ =	sdelay $0x1  }
0x227: {  	v18 =	vperm.xlane v18, v7;
	v19 =	vadd.s32 v5, v19;
	_ =	sdelay $0x1  }
0x228: {  	v18 =	vadd.s32 v5, v18;
	_ =	sdelay $0x2  }
0x229: {  	[tilespmem:s26], [sflag:$0x1] =	stream.indirect_vreg.gather [hbm4b:s4+s0], $0x80, v19, vm2, $0xb8;
	[tilespmem:$0x18380] =	vst v63  }
0x22a: {  	_ = 	snop  }
0x22b: {  	[tilespmem:s28], [sflag:$0x1] =	stream.indirect_vreg.gather [hbm4b:s4+s0], $0x80, v18, vm2, $0xb8;
	[tilespmem:$0x18380] =	vst v63  }
0x22c: {  	v18 =	vld [tilespmem:$0x3930];
	_ =	sdelay $0x4  }
0x22d: {  	v19 =	vshll.u32 v18, $0x1  }
0x22e: {  	v18 =	vand.u32 $0x7, v18;
	v19 =	vand.u32 $0xFFFFFFF0, v19  }
0x22f: {  	v18 =	vor.u32 v18, v19  }
0x230: {  	v19 =	vperm.xlane v18, v4;
	_ =	sdelay $0x1  }
0x231: {  	v18 =	vperm.xlane v18, v7;
	v19 =	vadd.s32 v5, v19;
	_ =	sdelay $0x1  }
0x232: {  	v18 =	vadd.s32 v5, v18;
	_ =	sdelay $0x2  }
0x233: {  	[tilespmem:s29], [sflag:$0x1] =	stream.indirect_vreg.gather [hbm4b:s4+s0], $0x80, v19, vm2, $0xb8;
	[tilespmem:$0x18380] =	vst v63  }
0x234: {  	_ = 	snop  }
0x235: {  	[tilespmem:s30], [sflag:$0x1] =	stream.indirect_vreg.gather [hbm4b:s4+s0], $0x80, v18, vm2, $0xb8;
	[tilespmem:$0x18380] =	vst v63  }
0x236: {  	_ =	swait.ge [sflag:s31], $0x4000  }
0x237: {  	[sflag:s31] =	ssyncset.done $0x0  }
0x238: {  	s8 =	sand.u32 $0x30, s0;
	[sflag:s31] =	ssyncadd.s32 $0xFFFFC000  }
0x239: {  	v18 =	vld [tilespmem:s8+$0x3980];
	_ =	sdelay $0x1  }
0x23a: {  	s11 =	sand.u32 $0xF, s0  }
0x23b: {  	v19 =	vmov s11  }
0x23c: {  	vm3 =	veq.s32 v19, v3  }
0x23d: {  	v18 =	vnsel vm3, $0x0, v18  }
0x23e: {  	(xrf0) =	vadd.scan.msk.s32 $0xffff, v18;
	_ =	sdelay $0x5  }
0x23f: {  	v18, _, _ =	vpop (xrf0)  }
0x240: {  	(v2sf) =	vpush v18, $0xF;
	_ =	sdelay $0xb  }
0x241: {  	s12 =	sand.u32 $0x3800, s0;
	s19 =	sand.u32 $0x380, s0  }
0x242: {  	s1 =	sor.u32 s19, s12  }
0x243: {  	v18 =	vld [tilespmem:s1+$0x3A00]  }
0x244: {  	s20 =	spop (v2sf)  }
0x245: {  	s5 =	sshll.u32 s20, $0x8;
	s3 =	sshll.u32 s20, $0x7  }
0x246: {  	s5 =	sand.u32 $0xFFFFF800, s5;
	s3 =	sand.u32 $0x380, s3  }
0x247: {  	s7 =	sor.u32 s3, s5  }
0x248: {  	[tilespmem:s7+$0x7B80] =	vst.add.f32.msk $0xffff, v18  }
0x249: {  	v18 =	vld [tilespmem:s1+$0x3A10];
	_ =	sdelay $0x4  }
0x24a: {  	[tilespmem:s7+$0x7B90] =	vst.add.f32.msk $0xffff, v18  }
0x24b: {  	v18 =	vld [tilespmem:s1+$0x3A20];
	_ =	sdelay $0x4  }
0x24c: {  	[tilespmem:s7+$0x7BA0] =	vst.add.f32.msk $0xffff, v18  }
0x24d: {  	v18 =	vld [tilespmem:s1+$0x3A30];
	_ =	sdelay $0x4  }
0x24e: {  	[tilespmem:s7+$0x7BB0] =	vst.add.f32.msk $0xffff, v18  }
0x24f: {  	v18 =	vld [tilespmem:s1+$0x3A40];
	_ =	sdelay $0x4  }
0x250: {  	[tilespmem:s7+$0x7BC0] =	vst.add.f32.msk $0xffff, v18  }
0x251: {  	v18 =	vld [tilespmem:s1+$0x3A50];
	_ =	sdelay $0x4  }
0x252: {  	[tilespmem:s7+$0x7BD0] =	vst.add.f32.msk $0xffff, v18  }
0x253: {  	v18 =	vld [tilespmem:s1+$0x3A60];
	_ =	sdelay $0x4  }
0x254: {  	[tilespmem:s7+$0x7BE0] =	vst.add.f32.msk $0xffff, v18  }
0x255: {  	v18 =	vld [tilespmem:s1+$0x3A70];
	_ =	sdelay $0x4  }
0x256: {  	[tilespmem:s7+$0x7BF0] =	vst.add.f32.msk $0xffff, v18  }
0x257: {  	v18 =	vld [tilespmem:s1+$0x3E00];
	_ =	sdelay $0x4  }
0x258: {  	[tilespmem:s7+$0x7F80] =	vst.add.f32.msk $0xffff, v18  }
0x259: {  	v18 =	vld [tilespmem:s1+$0x3E10];
	_ =	sdelay $0x4  }
0x25a: {  	[tilespmem:s7+$0x7F90] =	vst.add.f32.msk $0xffff, v18  }
0x25b: {  	v18 =	vld [tilespmem:s1+$0x3E20];
	_ =	sdelay $0x4  }
0x25c: {  	[tilespmem:s7+$0x7FA0] =	vst.add.f32.msk $0xffff, v18  }
0x25d: {  	v18 =	vld [tilespmem:s1+$0x3E30];
	_ =	sdelay $0x4  }
0x25e: {  	[tilespmem:s7+$0x7FB0] =	vst.add.f32.msk $0xffff, v18  }
0x25f: {  	v18 =	vld [tilespmem:s1+$0x3E40];
	_ =	sdelay $0x4  }
0x260: {  	[tilespmem:s7+$0x7FC0] =	vst.add.f32.msk $0xffff, v18  }
0x261: {  	v18 =	vld [tilespmem:s1+$0x3E50];
	_ =	sdelay $0x4  }
0x262: {  	[tilespmem:s7+$0x7FD0] =	vst.add.f32.msk $0xffff, v18  }
0x263: {  	v18 =	vld [tilespmem:s1+$0x3E60];
	_ =	sdelay $0x4  }
0x264: {  	[tilespmem:s7+$0x7FE0] =	vst.add.f32.msk $0xffff, v18  }
0x265: {  	v18 =	vld [tilespmem:s1+$0x3E70];
	_ =	sdelay $0x3  }
0x266: {  	s3 =	simm.s32 $0x1  }
0x267: {  	s5 =	simm.s32 $0x2;
	s6 =	sand.u32 $0x30, s3;
	s1 =	simm.s32 $0x0;
	[tilespmem:s7+$0x7FF0] =	vst.add.f32.msk $0xffff, v18  }
.LBB2_22:
0x268: {  	p1 =	sne.s32 s5, $0x3F;
	v18 =	vld [tilespmem:s6+$0x3980];
	_ =	sdelay $0x1  }
0x269: {  	s6 =	sand.u32 $0xF, s3;
	s3 =	smov.u32 s5  }
0x26a: {  	v19 =	vmov s6  }
0x26b: {  	vm3 =	veq.s32 v19, v3  }
0x26c: {  	v18 =	vnsel vm3, $0x0, v18  }
0x26d: {  	(xrf0) =	vadd.scan.msk.s32 $0xffff, v18;
	_ =	sdelay $0x5  }
0x26e: {  	v18, _, _ =	vpop (xrf0)  }
0x26f: {  	(v2sf) =	vpush v18, $0xF;
	_ =	sdelay $0xa  }
0x270: {  	s0 =	sadd.s32 $0x80, s0;
	s1 =	sadd.s32 $0x100, s1  }
0x271: {  	s6 =	sand.u32 $0x3800, s1;
	s7 =	sand.u32 $0x380, s0  }
0x272: {  	s6 =	sor.u32 s7, s6  }
0x273: {  	v18 =	vld [tilespmem:s6+$0x3A00]  }
0x274: {  	s7 =	spop (v2sf)  }
0x275: {  	s8 =	sshll.u32 s7, $0x8;
	s7 =	sshll.u32 s7, $0x7  }
0x276: {  	s8 =	sand.u32 $0xFFFFF800, s8;
	s7 =	sand.u32 $0x380, s7  }
0x277: {  	s7 =	sor.u32 s7, s8  }
0x278: {  	[tilespmem:s7+$0x7B80] =	vst.add.f32.msk $0xffff, v18  }
0x279: {  	v18 =	vld [tilespmem:s6+$0x3A10];
	_ =	sdelay $0x4  }
0x27a: {  	[tilespmem:s7+$0x7B90] =	vst.add.f32.msk $0xffff, v18  }
0x27b: {  	v18 =	vld [tilespmem:s6+$0x3A20];
	_ =	sdelay $0x4  }
0x27c: {  	[tilespmem:s7+$0x7BA0] =	vst.add.f32.msk $0xffff, v18  }
0x27d: {  	v18 =	vld [tilespmem:s6+$0x3A30];
	_ =	sdelay $0x4  }
0x27e: {  	[tilespmem:s7+$0x7BB0] =	vst.add.f32.msk $0xffff, v18  }
0x27f: {  	v18 =	vld [tilespmem:s6+$0x3A40];
	_ =	sdelay $0x4  }
0x280: {  	[tilespmem:s7+$0x7BC0] =	vst.add.f32.msk $0xffff, v18  }
0x281: {  	v18 =	vld [tilespmem:s6+$0x3A50];
	_ =	sdelay $0x4  }
0x282: {  	[tilespmem:s7+$0x7BD0] =	vst.add.f32.msk $0xffff, v18  }
0x283: {  	v18 =	vld [tilespmem:s6+$0x3A60];
	_ =	sdelay $0x4  }
0x284: {  	[tilespmem:s7+$0x7BE0] =	vst.add.f32.msk $0xffff, v18  }
0x285: {  	v18 =	vld [tilespmem:s6+$0x3A70];
	_ =	sdelay $0x4  }
0x286: {  	[tilespmem:s7+$0x7BF0] =	vst.add.f32.msk $0xffff, v18  }
0x287: {  	v18 =	vld [tilespmem:s6+$0x3E00];
	_ =	sdelay $0x4  }
0x288: {  	[tilespmem:s7+$0x7F80] =	vst.add.f32.msk $0xffff, v18  }
0x289: {  	v18 =	vld [tilespmem:s6+$0x3E10];
	_ =	sdelay $0x4  }
0x28a: {  	[tilespmem:s7+$0x7F90] =	vst.add.f32.msk $0xffff, v18  }
0x28b: {  	v18 =	vld [tilespmem:s6+$0x3E20];
	_ =	sdelay $0x4  }
0x28c: {  	[tilespmem:s7+$0x7FA0] =	vst.add.f32.msk $0xffff, v18  }
0x28d: {  	v18 =	vld [tilespmem:s6+$0x3E30];
	_ =	sdelay $0x4  }
0x28e: {  	[tilespmem:s7+$0x7FB0] =	vst.add.f32.msk $0xffff, v18  }
0x28f: {  	v18 =	vld [tilespmem:s6+$0x3E40];
	_ =	sdelay $0x4  }
0x290: {  	[tilespmem:s7+$0x7FC0] =	vst.add.f32.msk $0xffff, v18  }
0x291: {  	v18 =	vld [tilespmem:s6+$0x3E50];
	_ =	sdelay $0x4  }
0x292: {  	[tilespmem:s7+$0x7FD0] =	vst.add.f32.msk $0xffff, v18  }
0x293: {  	v18 =	vld [tilespmem:s6+$0x3E60];
	_ =	sdelay $0x4  }
0x294: {  	[tilespmem:s7+$0x7FE0] =	vst.add.f32.msk $0xffff, v18  }
0x295: {  	v18 =	vld [tilespmem:s6+$0x3E70]  }
.Ltmp19:
0x296: {  	(pc) =	sbr.rel @p1 .LBB2_22-.Ltmp19, $2  }
0x297: {  	_ =	sdelay $0x2  }
0x298: {  	s5 =	sadd.s32 $0x1, s5;
	s6 =	sand.u32 $0x30, s3;
	[tilespmem:s7+$0x7FF0] =	vst.add.f32.msk $0xffff, v18  }
0x299: {  	v18 =	vld [tilespmem:s6+$0x3980];
	_ =	sdelay $0x1  }
0x29a: {  	s3 =	sand.u32 $0xF, s3  }
0x29b: {  	v19 =	vmov s3  }
0x29c: {  	vm3 =	veq.s32 v19, v3  }
0x29d: {  	v18 =	vnsel vm3, $0x0, v18  }
0x29e: {  	(xrf0) =	vadd.scan.msk.s32 $0xffff, v18;
	_ =	sdelay $0x5  }
0x29f: {  	v18, _, _ =	vpop (xrf0)  }
0x2a0: {  	(v2sf) =	vpush v18, $0xF;
	_ =	sdelay $0xa  }
0x2a1: {  	s0 =	sadd.s32 $0x80, s0;
	s1 =	sadd.s32 $0x100, s1  }
0x2a2: {  	s1 =	sand.u32 $0x3800, s1;
	s0 =	sand.u32 $0x380, s0  }
0x2a3: {  	s0 =	sor.u32 s0, s1  }
0x2a4: {  	v18 =	vld [tilespmem:s0+$0x3A00]  }
0x2a5: {  	s19 =	spop (v2sf)  }
0x2a6: {  	s20 =	sshll.u32 s19, $0x8;
	s1 =	sshll.u32 s19, $0x7  }
0x2a7: {  	s3 =	sand.u32 $0xFFFFF800, s20;
	s1 =	sand.u32 $0x380, s1  }
0x2a8: {  	s1 =	sor.u32 s1, s3  }
0x2a9: {  	[tilespmem:s1+$0x7B80] =	vst.add.f32.msk $0xffff, v18  }
0x2aa: {  	v18 =	vld [tilespmem:s0+$0x3A10];
	_ =	sdelay $0x4  }
0x2ab: {  	[tilespmem:s1+$0x7B90] =	vst.add.f32.msk $0xffff, v18  }
0x2ac: {  	v18 =	vld [tilespmem:s0+$0x3A20];
	_ =	sdelay $0x4  }
0x2ad: {  	[tilespmem:s1+$0x7BA0] =	vst.add.f32.msk $0xffff, v18  }
0x2ae: {  	v18 =	vld [tilespmem:s0+$0x3A30];
	_ =	sdelay $0x4  }
0x2af: {  	[tilespmem:s1+$0x7BB0] =	vst.add.f32.msk $0xffff, v18  }
0x2b0: {  	v18 =	vld [tilespmem:s0+$0x3A40];
	_ =	sdelay $0x4  }
0x2b1: {  	[tilespmem:s1+$0x7BC0] =	vst.add.f32.msk $0xffff, v18  }
0x2b2: {  	v18 =	vld [tilespmem:s0+$0x3A50];
	_ =	sdelay $0x4  }
0x2b3: {  	[tilespmem:s1+$0x7BD0] =	vst.add.f32.msk $0xffff, v18  }
0x2b4: {  	v18 =	vld [tilespmem:s0+$0x3A60];
	_ =	sdelay $0x4  }
0x2b5: {  	[tilespmem:s1+$0x7BE0] =	vst.add.f32.msk $0xffff, v18  }
0x2b6: {  	v18 =	vld [tilespmem:s0+$0x3A70];
	_ =	sdelay $0x4  }
0x2b7: {  	[tilespmem:s1+$0x7BF0] =	vst.add.f32.msk $0xffff, v18  }
0x2b8: {  	v18 =	vld [tilespmem:s0+$0x3E00];
	_ =	sdelay $0x4  }
0x2b9: {  	[tilespmem:s1+$0x7F80] =	vst.add.f32.msk $0xffff, v18  }
0x2ba: {  	v18 =	vld [tilespmem:s0+$0x3E10];
	_ =	sdelay $0x4  }
0x2bb: {  	[tilespmem:s1+$0x7F90] =	vst.add.f32.msk $0xffff, v18  }
0x2bc: {  	v18 =	vld [tilespmem:s0+$0x3E20];
	_ =	sdelay $0x4  }
0x2bd: {  	[tilespmem:s1+$0x7FA0] =	vst.add.f32.msk $0xffff, v18  }
0x2be: {  	v18 =	vld [tilespmem:s0+$0x3E30];
	_ =	sdelay $0x4  }
0x2bf: {  	[tilespmem:s1+$0x7FB0] =	vst.add.f32.msk $0xffff, v18  }
0x2c0: {  	v18 =	vld [tilespmem:s0+$0x3E40];
	_ =	sdelay $0x4  }
0x2c1: {  	[tilespmem:s1+$0x7FC0] =	vst.add.f32.msk $0xffff, v18  }
0x2c2: {  	v18 =	vld [tilespmem:s0+$0x3E50];
	_ =	sdelay $0x4  }
0x2c3: {  	[tilespmem:s1+$0x7FD0] =	vst.add.f32.msk $0xffff, v18  }
0x2c4: {  	v18 =	vld [tilespmem:s0+$0x3E60];
	_ =	sdelay $0x4  }
0x2c5: {  	[tilespmem:s1+$0x7FE0] =	vst.add.f32.msk $0xffff, v18  }
0x2c6: {  	v18 =	vld [tilespmem:s0+$0x3E70];
	_ =	sdelay $0x4  }
0x2c7: {  	[tilespmem:s1+$0x7FF0] =	vst.add.f32.msk $0xffff, v18  }
.LBB2_24:
0x2c8: {  	s0 =	rddreg [dreg:$0xe]  }
0x2c9: {  	s1 =	rddreg [dreg:$0xa];
	s0 =	sshll.u32 s0, $0x11  }
0x2ca: {  	s12 =	simm.s32 $0x0;
	s3 =	simm.s32 $0x7B80;
	s0 =	sadd.s32 s0, s1  }
0x2cb: {  	[hbm4b:s0+s12] =	stream.linear.scatter [tilespmem:s3], [sflag:$0x2], $0x10000, $0x38;
	[tilespmem:$0x18380] =	vst v63  }
0x2cc: {  	_ =	swait.ge [sflag:s15], $0x10000  }
0x2cd: {  	s19 =	sand.u32 $0x1F800, s12;
	s1 =	sand.u32 $0x380, s12;
	[sflag:s15] =	ssyncset.done $0x0  }
0x2ce: {  	s0 =	sor.u32 s1, s19;
	[sflag:s15] =	ssyncadd.s32 $0xFFFF0000  }
0x2cf: {  	[tilespmem:s0+$0x7FF0] =	vst v1  }
0x2d0: {  	[tilespmem:s0+$0x7B80] =	vst v1  }
0x2d1: {  	[tilespmem:s0+$0x7B90] =	vst v1  }
0x2d2: {  	[tilespmem:s0+$0x7BA0] =	vst v1  }
0x2d3: {  	[tilespmem:s0+$0x7BB0] =	vst v1  }
0x2d4: {  	[tilespmem:s0+$0x7BC0] =	vst v1  }
0x2d5: {  	[tilespmem:s0+$0x7BD0] =	vst v1  }
0x2d6: {  	[tilespmem:s0+$0x7BE0] =	vst v1  }
0x2d7: {  	[tilespmem:s0+$0x7BF0] =	vst v1  }
0x2d8: {  	[tilespmem:s0+$0x7F80] =	vst v1  }
0x2d9: {  	[tilespmem:s0+$0x7F90] =	vst v1  }
0x2da: {  	[tilespmem:s0+$0x7FA0] =	vst v1  }
0x2db: {  	[tilespmem:s0+$0x7FB0] =	vst v1  }
0x2dc: {  	s20 =	simm.s32 $0x100;
	s1 =	simm.s32 $0x80;
	[tilespmem:s0+$0x7FC0] =	vst v1  }
0x2dd: {  	s5 =	sand.u32 $0x1F800, s20;
	s3 =	simm.s32 $0x200;
	s6 =	sand.u32 $0x380, s1;
	[tilespmem:s0+$0x7FD0] =	vst v1  }
.LBB2_25:
0x2de: {  	p1 =	seq.s32 s3, $0x10700;
	[tilespmem:s0+$0x7FE0] =	vst v1;
	s0 =	sor.u32 s6, s5  }
0x2df: {  	[tilespmem:s0+$0x7FF0] =	vst v1  }
0x2e0: {  	[tilespmem:s0+$0x7B80] =	vst v1  }
0x2e1: {  	[tilespmem:s0+$0x7B90] =	vst v1  }
0x2e2: {  	[tilespmem:s0+$0x7BA0] =	vst v1  }
0x2e3: {  	[tilespmem:s0+$0x7BB0] =	vst v1  }
0x2e4: {  	[tilespmem:s0+$0x7BC0] =	vst v1  }
0x2e5: {  	[tilespmem:s0+$0x7BD0] =	vst v1  }
0x2e6: {  	[tilespmem:s0+$0x7BE0] =	vst v1  }
0x2e7: {  	[tilespmem:s0+$0x7BF0] =	vst v1  }
0x2e8: {  	[tilespmem:s0+$0x7F80] =	vst v1  }
.Ltmp20:
0x2e9: {  	[tilespmem:s0+$0x7F90] =	vst v1;
	(pc) =	sbr.rel @!p1 .LBB2_25-.Ltmp20, $4  }
0x2ea: {  	[tilespmem:s0+$0x7FA0] =	vst v1  }
0x2eb: {  	[tilespmem:s0+$0x7FB0] =	vst v1  }
0x2ec: {  	s1 =	sadd.s32 $0x80, s1;
	[tilespmem:s0+$0x7FC0] =	vst v1  }
0x2ed: {  	s5 =	sand.u32 $0x1F800, s3;
	s3 =	sadd.s32 $0x100, s3;
	s6 =	sand.u32 $0x380, s1;
	[tilespmem:s0+$0x7FD0] =	vst v1  }
0x2ee: {  	s1 =	sor.u32 s6, s5;
	[tilespmem:s0+$0x7FE0] =	vst v1  }
0x2ef: {  	[tilespmem:s1+$0x7FF0] =	vst v1  }
0x2f0: {  	[tilespmem:s1+$0x7B80] =	vst v1  }
0x2f1: {  	[tilespmem:s1+$0x7B90] =	vst v1  }
0x2f2: {  	[tilespmem:s1+$0x7BA0] =	vst v1  }
0x2f3: {  	[tilespmem:s1+$0x7BB0] =	vst v1  }
0x2f4: {  	[tilespmem:s1+$0x7BC0] =	vst v1  }
0x2f5: {  	[tilespmem:s1+$0x7BD0] =	vst v1  }
0x2f6: {  	[tilespmem:s1+$0x7BE0] =	vst v1  }
0x2f7: {  	[tilespmem:s1+$0x7BF0] =	vst v1  }
0x2f8: {  	[tilespmem:s1+$0x7F80] =	vst v1  }
0x2f9: {  	[tilespmem:s1+$0x7F90] =	vst v1  }
.Ltmp21:
0x2fa: {  	[tilespmem:s1+$0x7FA0] =	vst v1;
	(pc) =	sbr.rel .LBB2_28-.Ltmp21, $4  }
0x2fb: {  	[tilespmem:s1+$0x7FB0] =	vst v1  }
0x2fc: {  	[tilespmem:s1+$0x7FC0] =	vst v1  }
0x2fd: {  	[tilespmem:s1+$0x7FD0] =	vst v1  }
0x2fe: {  	[tilespmem:s1+$0x7FE0] =	vst v1  }
.LBB2_30:
0x2ff: {  	_ =	sfence.sel $0x180000  }
0x300: {  	[bflag:$0x0] =	sbarrier.arrive $0xFFFF  }
0x301: {  	_ =	strace $0x9000004A  }
0x302: {  	s0 =	stileid.u32;
	[bflag:$0x2] =	sbarrier.arrive $0xFFFF  }
0x303: {  	p0 =	sne.s32 s0, $0x0;
	s0 =	rddreg [dreg:$0x2]  }
0x304: {  	s0 =	sadd.s32 @!p0 $0x100000, s0  }
0x305: {  	[sflag:s0] =	ssyncadd.tile.s32 @!p0 $0x1;
	_ =	shalt  }
.Lfunc_end2:
_tile_overlayer_lowered:
.L_overlay_start_2:
0x306: {  	(tag) =	ssettag $0x2  }
0x307: {  	s0 =	rddreg [dreg:$0x0];
	s2 =	stileid.u32  }
0x308: {  	s1 =	rddreg [dreg:$0x1];
	p0 =	sne.s32 s2, $0x0  }
0x309: {  	s3 =	rddreg [dreg:$0x2];
	[bflag:$0x3] =	sbarrier.arrive $0xFFFF;
	s2 =	simm.s32 @!p0 $0x1C02  }
0x30a: {  	[timem:s3], [sflag:s2] =	dma.local @!p0 [hbm:s0], s1  }
0x30b: {  	s0 =	simm.s32 @!p0 $0x2  }
0x30c: {  	_ =	swait.ge @!p0 [sflag:s0], s1  }
0x30d: {  	s1 =	ssub.s32 @!p0 $0x0, s1;
	[sflag:s0] =	ssyncset.done @!p0 $0x0  }
0x30e: {  	[sflag:s0] =	ssyncadd.s32 @!p0 s1  }
0x30f: {  	[bflag:$0x3] =	sbarrier.arrive $0xFFFF  }
0x310: {  	_ =	shalt  }

// kernel: kernel.8.cloned.1.call-start
scs
__scs_entry_jumppad:
0x0: {  	(pc) =	sbr.rel $0x88, $3  }
0x1: {  	(tag) =	ssettag $0x0;
	lr =	simm.s32 $0x1  }
0x2: {  	[smem:$0x3F98] =	sst lr;
	_ =	strace $0xD0000000  }
0x3: {  	_ = 	snop  }
0x4: {  	_ = 	snop  }
0x5: {  	_ = 	snop  }
0x6: {  	_ = 	snop  }
0x7: {  	_ = 	snop  }
__scs_overlays_trampoline_lowered:
0x8: {  	[smem:$0x3FA7] =	sst s0  }
0x9: {  	[smem:$0x3FA8] =	sst s1  }
0xa: {  	[smem:$0x3FA9] =	sst s2  }
0xb: {  	[smem:$0x3FAA] =	sst s3  }
0xc: {  	[smem:$0x3FAB] =	sst s4  }
0xd: {  	[smem:$0x3FAC] =	sst s5  }
0xe: {  	[smem:$0x3FAD] =	sst s6  }
0xf: {  	[smem:$0x3FAE] =	sst s7  }
0x10: {  	[smem:$0x3FAF] =	sst s8  }
0x11: {  	[smem:$0x3FB0] =	sst s9;
	s0 =	simm.s32 @!p0 $0x0  }
0x12: {  	s1 =	sld [smem:$0x3F96];
	s0 =	simm.s32 @p0 $0x1  }
0x13: {  	[smem:$0x3FB1] =	sst s0;
	s0 =	simm.s32 @!p1 $0x0  }
0x14: {  	s2 =	sld [smem:$0x3F95];
	s0 =	simm.s32 @p1 $0x1  }
0x15: {  	[smem:$0x3FB2] =	sst s0;
	s0 =	simm.s32 @!p2 $0x0  }
0x16: {  	s3 =	sld [smem:$0x3FDB];
	s0 =	simm.s32 @p2 $0x1  }
0x17: {  	s4 =	simm.s32 $0x1BF5;
	[smem:$0x3FB4] =	sst s0  }
0x18: {  	s0 =	sld [smem:$0x3F97];
	_ =	swait.ge [sflag:s4], $0x0  }
0x19: {  	s7 =	sld [smem:$0x3F98]  }
0x1a: {  	s8 =	sadd.s32 $0xFFFFE003, lr  }
0x1b: {  	s9 =	sadd.s32 $0xFFFFFEF7, lr;
	s5 =	simm.s32 $0xFFFFFFFF;
	p2 =	slt.u32 s8, $0xFFFFF086  }
0x1c: {  	p1 =	slt.u32 s9, $0xF7A;
	s5 =	simm.s32 @!p2 $0x0  }
0x1d: {  	s5 =	simm.s32 @p1 $0x1;
	p0 =	seq.s32 s7, s2  }
0x1e: {  	s7 =	smul.u32 @!p0 $0xF7A, s2;
	p2 =	seq.s32 @!p0 s5, $0x0  }
0x1f: {  	s9 =	smul.u32 $0xF7A, s1;
	s8 =	simm.s32 @!p0 $0x1BF5;
	p2 =	por !p2, p0  }
0x20: {  	[sflag:s8] =	ssyncset.s32 @!p0 $0xFFFFF086;
	s6 =	sadd.s32 @!p0 s3, s7;
	s7 =	simm.s32 @!p0 $0x108  }
0x21: {  	s3 =	sadd.s32 s3, s9;
	s6 =	sadd.s32 @!p0 $0x88, s6;
	s7 =	simm.s32 @p2 $0x1082  }
0x22: {  	[simem:s7], [sflag:s8] =	dma.local @!p0 [hbm:s6], $0xF7A  }
0x23: {  	s9 =	sor.u32 $0xD0000000, s2;
	s6 =	simm.s32 $0x108;
	_ =	swait.ge @!p0 [sflag:s8], $0x0  }
0x24: {  	s3 =	sadd.s32 $0x88, s3;
	s6 =	simm.s32 @!p1 $0x1082;
	[sflag:s4] =	ssyncset.s32 $0xFFFFF086  }
0x25: {  	[simem:s6], [sflag:s4] =	dma.local [hbm:s3], $0xF7A  }
0x26: {  	[smem:$0x3F98] =	sst s1;
	(tag) =	ssettag s2;
	_ =	strace s9  }
0x27: {  	s1 =	sld [smem:$0x3FA8]  }
0x28: {  	s2 =	sld [smem:$0x3FA9]  }
0x29: {  	s4 =	sld [smem:$0x3FAB]  }
0x2a: {  	p0 =	seq.s32 s5, $0x0;
	s5 =	sld [smem:$0x3FAC]  }
0x2b: {  	s6 =	sld [smem:$0x3FAD]  }
0x2c: {  	s7 =	sld [smem:$0x3FAE]  }
0x2d: {  	s3 =	simm.s32 $0x108;
	s8 =	sld [smem:$0x3FAF]  }
0x2e: {  	s3 =	simm.s32 @!p0 $0x1082;
	s9 =	sld [smem:$0x3FB0]  }
0x2f: {  	lr =	sadd.s32 s0, s3;
	s0 =	sld [smem:$0x3FA7]  }
0x30: {  	s3 =	sld [smem:$0x3FAA]  }
0x31: {  	[smem:$0x3FB3] =	sst s10  }
0x32: {  	s10 =	sld [smem:$0x3FB1];
	_ =	sdelay $0x3  }
0x33: {  	p0 =	seq.s32 s10, $0x1;
	s10 =	sld [smem:$0x3FB3];
	_ =	sdelay $0x3  }
0x34: {  	[smem:$0x3FB3] =	sst s10  }
0x35: {  	s10 =	sld [smem:$0x3FB2];
	_ =	sdelay $0x3  }
0x36: {  	p1 =	seq.s32 s10, $0x1;
	s10 =	sld [smem:$0x3FB3];
	_ =	sdelay $0x3  }
0x37: {  	[smem:$0x3FB3] =	sst s10  }
0x38: {  	s10 =	sld [smem:$0x3FB4]  }
0x39: {  	_ = 	snop;
	(pc) =	sbr.ind lr, $3  }
0x3a: {  	_ = 	snop  }
0x3b: {  	_ = 	snop  }
0x3c: {  	p2 =	seq.s32 s10, $0x1;
	s10 =	sld [smem:$0x3FB3]  }
0x3d: {  	_ =	shalt  }
0x3e: {  	_ =	shalt  }
0x3f: {  	_ =	shalt  }
0x40: {  	_ =	shalt  }
0x41: {  	_ =	shalt  }
0x42: {  	_ =	shalt  }
0x43: {  	_ =	shalt  }
0x44: {  	_ =	shalt  }
0x45: {  	_ =	shalt  }
0x46: {  	_ =	shalt  }
0x47: {  	_ =	shalt  }
0x48: {  	_ =	shalt  }
0x49: {  	_ =	shalt  }
0x4a: {  	_ =	shalt  }
0x4b: {  	_ =	shalt  }
0x4c: {  	_ =	shalt  }
0x4d: {  	_ =	shalt  }
0x4e: {  	_ =	shalt  }
0x4f: {  	_ =	shalt  }
0x50: {  	_ =	shalt  }
0x51: {  	_ =	shalt  }
0x52: {  	_ =	shalt  }
0x53: {  	_ =	shalt  }
0x54: {  	_ =	shalt  }
0x55: {  	_ =	shalt  }
0x56: {  	_ =	shalt  }
0x57: {  	_ =	shalt  }
0x58: {  	_ =	shalt  }
0x59: {  	_ =	shalt  }
0x5a: {  	_ =	shalt  }
0x5b: {  	_ =	shalt  }
0x5c: {  	_ =	shalt  }
0x5d: {  	_ =	shalt  }
0x5e: {  	_ =	shalt  }
0x5f: {  	_ =	shalt  }
0x60: {  	_ =	shalt  }
0x61: {  	_ =	shalt  }
0x62: {  	_ =	shalt  }
0x63: {  	_ =	shalt  }
0x64: {  	_ =	shalt  }
0x65: {  	_ =	shalt  }
0x66: {  	_ =	shalt  }
0x67: {  	_ =	shalt  }
0x68: {  	_ =	shalt  }
0x69: {  	_ =	shalt  }
0x6a: {  	_ =	shalt  }
0x6b: {  	_ =	shalt  }
0x6c: {  	_ =	shalt  }
0x6d: {  	_ =	shalt  }
0x6e: {  	_ =	shalt  }
0x6f: {  	_ =	shalt  }
0x70: {  	_ =	shalt  }
0x71: {  	_ =	shalt  }
0x72: {  	_ =	shalt  }
0x73: {  	_ =	shalt  }
0x74: {  	_ =	shalt  }
0x75: {  	_ =	shalt  }
0x76: {  	_ =	shalt  }
0x77: {  	_ =	shalt  }
0x78: {  	_ =	shalt  }
0x79: {  	_ =	shalt  }
0x7a: {  	_ =	shalt  }
0x7b: {  	_ =	shalt  }
0x7c: {  	_ =	shalt  }
0x7d: {  	_ =	shalt  }
0x7e: {  	_ =	shalt  }
0x7f: {  	_ =	shalt  }
0x80: {  	_ =	shalt  }
0x81: {  	_ =	shalt  }
0x82: {  	_ =	shalt  }
0x83: {  	_ =	shalt  }
0x84: {  	_ =	shalt  }
0x85: {  	_ =	shalt  }
0x86: {  	_ =	shalt  }
0x87: {  	_ =	shalt  }
.Lfunc_end0:
.L_simem_size_0:
called_computation_lowered:
.L_overlay_start_0:
0x88: {  	s2 =	sld [smem:$0x3FD9]  }
0x89: {  	s3 =	sld [smem:$0x3FFE];
	_ =	sdelay $0x1  }
0x8a: {  	s1 =	srdreg.scid  }
0x8b: {  	s0 =	sand.u32 $0x1, s1  }
0x8c: {  	s17 =	sshll.u32 s0, $0xA;
	s2 =	sadd.s32 s3, s2  }
0x8d: {  	s2 =	sadd.s32 s2, s17  }
0x8e: {  	[smem:$0x3FBF] =	sst s2  }
0x8f: {  	_ = 	snop  }
0x90: {  	s2 =	sld [smem:$0x3FD0];
	(tm) =	ssettm $0x1  }
0x91: {  	s18 =	sld [smem:$0x3FFB];
	_ =	sdelay $0x3  }
0x92: {  	_ =	strace s18  }
0x93: {  	s3 =	sld [smem:$0x3FFC];
	_ =	sdelay $0x3  }
0x94: {  	_ =	strace s3  }
0x95: {  	s3 =	sld [smem:$0x3FFD];
	_ =	sdelay $0x3  }
0x96: {  	_ =	strace s3  }
0x97: {  	_ =	strace $0x8FFFFFFF  }
0x98: {  	s19 =	sld [smem:$0x3FDB];
	_ =	sdelay $0x1  }
0x99: {  	s4 =	simm.s32 $_scs_section_size  }
0x9a: {  	s5 =	simm.s32 $_size__tile_overlayer_lowered;
	s6 =	simm.s32 $_tile_overlayer_lowered  }
0x9b: {  	s22 =	simm.s32 $0x1BFF;
	s21 =	sshll.u32 s6, $0x1;
	s3 =	sadd.s32 s4, s19  }
0x9c: {  	s7 =	simm.s32 $0x0;
	s20 =	sshll.u32 s5, $0x1;
	s5 =	sadd.s32 s21, s3  }
0x9d: {  	[timem:s7], [sflag:s22] =	dma.local [hbm:s5], s20  }
0x9e: {  	_ =	swait.ge [sflag:s22], s20  }
0x9f: {  	s4 =	ssub.s32 $0x0, s20;
	[sflag:s22] =	ssyncset.done $0x0  }
0xa0: {  	[sflag:s22] =	ssyncadd.s32 s4;
	_ =	sdelay $0x1  }
0xa1: {  	s23 =	simm.s32 $0x1B8B  }
0xa2: {  	_ =	swait.ge [sflag:s23], $0x1  }
0xa3: {  	[sflag:s23] =	ssyncset.done $0x0  }
0xa4: {  	s25 =	simm.s32 $0x1B8E;
	s24 =	sld [smem:$0x3FFE];
	[sflag:s23] =	ssyncadd.s32 $0xFFFFFFFF  }
0xa5: {  	s26 =	simm.s32 $execute0_lowered;
	[smem:$0x3FD2] =	sst s25  }
0xa6: {  	s5 =	sshll.u32 s26, $0x1;
	_ =	strace $0x80000046;
	[dreg:$0x1] =	wrdreg $0xFFFFFFFF  }
0xa7: {  	s28 =	simm.s32 $_size_execute0_lowered;
	s3 =	sadd.s32 s3, s5;
	[dreg:$0x0] =	wrdreg $0x0  }
0xa8: {  	s5 =	sshll.u32 s28, $0x1;
	[dreg:$0x2] =	wrdreg s3  }
0xa9: {  	[dreg:$0x3] =	wrdreg s5  }
0xaa: {  	[dreg:$0x4] =	wrdreg $0xC0  }
0xab: {  	_ =	task [dreg:s7], $0x5FFFF  }
0xac: {  	[dreg:$0x1] =	wrdreg $0xFFFFFFFF  }
0xad: {  	[dreg:$0x0] =	wrdreg $0x60  }
0xae: {  	[dreg:$0x2] =	wrdreg s24  }
0xaf: {  	[dreg:$0x3] =	wrdreg s2  }
0xb0: {  	[dreg:$0x4] =	wrdreg $0x9  }
0xb1: {  	_ =	task.clear_ibuf [dreg:s7], $0x5FFFF;
	_ =	strace $0x90000046  }
0xb2: {  	s29 =	simm.s32 $0x9;
	_ =	strace $0x80000048  }
0xb3: {  	_ =	swait.ge [sflag:s29], $0x1  }
0xb4: {  	[sflag:s29] =	ssyncadd.s32 $0xFFFFFFFF  }
0xb5: {  	_ =	strace $0x90000048  }
0xb6: {  	_ =	sfence  }
0xb7: {  	s30 =	sld [smem:$0x0];
	_ =	sdelay $0x2  }
0xb8: {  	s31 =	sshll.u32 s1, $0xD;
	s1 =	sshrl.u32 s1, $0x2  }
0xb9: {  	s3 =	sand.u32 $0x4000, s31;
	s1 =	sadd.s32 s1, s30  }
0xba: {  	s0 =	sor.u32 s3, s0;
	s1 =	sshll.u32 s1, $0x11  }
0xbb: {  	s0 =	sor.u32 s1, s0  }
0xbc: {  	s0 =	sadd.s32 $0x8F2B, s0  }
0xbd: {  	[sflag:s0] =	ssyncadd.remote.s32 $0x1  }
0xbe: {  	_ =	sfence.sel $0xFFFF  }
0xbf: {  	[dreg:$0x0] =	wrdreg $0xFFFFFFFF;
	(pc) =	sbr.abs _section_cstart, $3  }
0xc0: {  	[dreg:$0x1] =	wrdreg $0xFFFFFFFF  }
0xc1: {  	_ =	task.clear_ibuf [dreg:s7], $0x2FFFF;
	_ =	strace $0x9FFFFFFF  }
0xc2: {  	(tm) =	ssettm $0x7FFFFFFF  }
0xc3: {  	_ =	shalt  }
tec
execute0_lowered:
.L_overlay_start_1:
0x0: {  	(tag) =	ssettag $0x1  }
0x1: {  	v1 =	vimm.f32 $0.0e+00;
	v2 =	vimm.s32 $0x0  }
0x2: {  	vm0 =	vcmask $0x300;
	v3 =	vlaneseq.u32;
	vm1 =	vmmov $0x1  }
0x3: {  	vm2 =	vmmov $0xffff;
	v7 =	vimm.s32 $0x100;
	vm9 =	vcmask $0x704  }
0x4: {  	vm10 =	vcmask $0xB08;
	vm8 =	vcmask $0xF0C;
	vm7 =	vcmask $0x1310  }
0x5: {  	vm6 =	vcmask $0x1714;
	vm5 =	vcmask $0x1B18;
	vm3 =	vcmask $0x2320  }
0x6: {  	v14 =	vimm.s32 $0x101;
	v15 =	vimm.s32 $0x102;
	vm4 =	vcmask $0x2724  }
0x7: {  	s8 =	stileid.u32;
	vm12 =	vcmask $0x2B28;
	vm13 =	vcmask $0x2F2C;
	vm14 =	vcmask $0x3330  }
0x8: {  	s0 =	rddreg [dreg:$0x0];
	vm15 =	vcmask $0x3B38;
	v0 =	vmov s8;
	v4 =	vand.u32 $0x7, v3  }
0x9: {  	s2 =	rddreg [dreg:$0x1];
	v5 =	vshrl.u32 v3, $0x3;
	v6 =	vmul.u32 $0x2000, v3;
	v8 =	vsel vm0, $0x101, v7  }
0xa: {  	s1 =	simm.s32 $0x0;
	s11 =	srdreg.scid;
	s21 =	simm.s32 $0x2880;
	v7 =	vor.u32 $0x8, v3;
	v14 =	vsel vm0, $0x102, v14;
	v15 =	vsel vm0, $0x103, v15  }
0xb: {  	s22 =	simm.s32 $0x3A00;
	s23 =	simm.s32 $0x4200;
	s24 =	simm.s32 $0x4A00;
	v5 =	vmul.u32 $0x8, v5;
	v9 =	vsel vm9, $0x102, v8;
	v14 =	vsel vm9, $0x103, v14  }
0xc: {  	s25 =	simm.s32 $0x5200;
	s26 =	simm.s32 $0x5A00;
	s28 =	simm.s32 $0x6200;
	v15 =	vsel vm9, $0x104, v15;
	v8 =	vor.u32 $0x60000, v6;
	v10 =	vsel vm10, $0x103, v9  }
0xd: {  	s29 =	simm.s32 $0x6A00;
	s30 =	simm.s32 $0x7200;
	s31 =	simm.s32 $0x1;
	v9 =	vor.u32 $0x40000, v6;
	v14 =	vsel vm10, $0x104, v14;
	v15 =	vsel vm10, $0x105, v15  }
0xe: {  	s20 =	simm.s32 $0x0;
	[smem:$0x7FF] =	sst s1;
	s4 =	sadd.s32 $0x203800, s0;
	v11 =	vsel vm8, $0x104, v10;
	v10 =	vor.u32 $0x20000, v6;
	v14 =	vsel vm8, $0x105, v14  }
0xf: {  	s13 =	sadd.s32 $0x32A00, s0;
	s3 =	sshll.u32 s8, $0xD;
	s1 =	sand.u32 $0x1, s11;
	v15 =	vsel vm8, $0x106, v15;
	v12 =	vsel vm7, $0x105, v11;
	v11 =	vor.u32 $0x100, v4  }
0x10: {  	s16 =	smul.u32 $0x186A0, s8;
	_ =	strace $0x80000047;
	[dreg:$0xc] =	wrdreg s20;
	v14 =	vsel vm7, $0x106, v14;
	v15 =	vsel vm7, $0x107, v15;
	v13 =	vsel vm6, $0x106, v12  }
0x11: {  	s14 =	sadd.s32 $0x1C00, s0;
	s17 =	smul.u32 $0x83, s8;
	[dreg:$0x3] =	wrdreg s13;
	v12 =	vor.u32 $0x10, v3;
	v14 =	vsel vm6, $0x107, v14;
	v15 =	vsel vm6, $0x100, v15  }
0x12: {  	s3 =	sadd.s32 s3, s0;
	s7 =	sshll.u32 s1, $0x4;
	[dreg:$0x4] =	wrdreg s14;
	v13 =	vsel vm5, $0x107, v13;
	v14 =	vsel vm5, $0x100, v14;
	v15 =	vsel vm5, $0x101, v15  }
0x13: {  	s5 =	ssub.s32 $0x2, s1;
	s0 =	sadd.s32 $0x63800, s0;
	[dreg:$0x5] =	wrdreg s7;
	v13 =	vsel vm3, $0x101, v13;
	v14 =	vsel vm3, $0x102, v14;
	v15 =	vsel vm3, $0x103, v15  }
0x14: {  	s15 =	sshll.u32 s1, $0x5;
	s6 =	sshrl.u32 s5, $0x1;
	[dreg:$0x9] =	wrdreg s17;
	vm3 =	vcmask $0x3734;
	v13 =	vsel vm4, $0x102, v13;
	v14 =	vsel vm4, $0x103, v14  }
0x15: {  	s12 =	sor.u32 s8, s7;
	s18 =	sadd.s32 $0x543800, s3;
	[dreg:$0x6] =	wrdreg s16;
	v15 =	vsel vm4, $0x104, v15;
	v13 =	vsel vm12, $0x103, v13;
	v14 =	vsel vm12, $0x104, v14  }
.Ltmp0:
0x16: {  	s5 =	ssub.s32 s5, s6;
	s6 =	sshll.u32 s12, $0x1;
	v15 =	vsel vm12, $0x105, v15;
	v13 =	vsel vm13, $0x104, v13;
	v14 =	vsel vm13, $0x105, v14;
	(pc) =	sbr.rel .LBB2_1-.Ltmp0, $4  }
0x17: {  	p0 =	seq.s32 s1, $0x0;
	[dreg:$0xa] =	wrdreg s18;
	s6 =	sadd.s32 s0, s6;
	v15 =	vsel vm13, $0x106, v15;
	v13 =	vsel vm14, $0x105, v13;
	v16 =	vsel vm14, $0x106, v14  }
0x18: {  	s17 =	simm.s32 $0x2000;
	s0 =	sadd.s32 s0, s15;
	[dreg:$0x7] =	wrdreg s6;
	v15 =	vsel vm14, $0x107, v15;
	v14 =	vor.u32 $0x20, v3;
	v13 =	vsel vm3, $0x106, v13  }
0x19: {  	s9 =	smul.u32 $0x19700, s12;
	s19 =	smax.u32 s5, $0x1;
	[dreg:$0x8] =	wrdreg s0;
	v16 =	vsel vm3, $0x107, v16;
	v17 =	vsel vm3, $0x100, v15;
	v13 =	vsel vm15, $0x107, v13  }
0x1a: {  	s18 =	simm.s32 $0x1000;
	s15 =	simm.s32 $0x2;
	[dreg:$0xb] =	wrdreg s19;
	v15 =	vsel vm15, $0x100, v16;
	v16 =	vor.u32 $0x30, v3;
	v17 =	vsel vm15, $0x101, v17  }
.LBB2_29:
0x1b: {  	s1 =	rddreg [dreg:$0xc]  }
0x1c: {  	s0 =	rddreg [dreg:$0xb];
	s1 =	sadd.s32 $0x1, s1  }
0x1d: {  	p1 =	sne.s32 s1, s0  }
.Ltmp1:
0x1e: {  	_ = 	snop;
	(pc) =	sbr.rel @!p1 .LBB2_30-.Ltmp1, $2  }
0x1f: {  	_ =	sdelay $0x2  }
0x20: {  	[dreg:$0xc] =	wrdreg s1  }
.LBB2_1:
0x21: {  	s1 =	simm.s32 $0x0  }
0x22: {  	s0 =	sand.u32 $0x1F800, s1;
	s1 =	sand.u32 $0x380, s1  }
0x23: {  	s0 =	sor.u32 s1, s0  }
0x24: {  	[tilespmem:s0+$0x7FF0] =	vst v1  }
0x25: {  	[tilespmem:s0+$0x7B80] =	vst v1  }
0x26: {  	[tilespmem:s0+$0x7B90] =	vst v1  }
0x27: {  	[tilespmem:s0+$0x7BA0] =	vst v1  }
0x28: {  	[tilespmem:s0+$0x7BB0] =	vst v1  }
0x29: {  	[tilespmem:s0+$0x7BC0] =	vst v1  }
0x2a: {  	[tilespmem:s0+$0x7BD0] =	vst v1  }
0x2b: {  	[tilespmem:s0+$0x7BE0] =	vst v1  }
0x2c: {  	[tilespmem:s0+$0x7BF0] =	vst v1  }
0x2d: {  	[tilespmem:s0+$0x7F80] =	vst v1  }
0x2e: {  	[tilespmem:s0+$0x7F90] =	vst v1  }
0x2f: {  	[tilespmem:s0+$0x7FA0] =	vst v1  }
0x30: {  	[tilespmem:s0+$0x7FB0] =	vst v1  }
0x31: {  	s3 =	simm.s32 $0x100;
	s1 =	simm.s32 $0x80;
	[tilespmem:s0+$0x7FC0] =	vst v1  }
0x32: {  	s5 =	sand.u32 $0x1F800, s3;
	s3 =	simm.s32 $0x200;
	s6 =	sand.u32 $0x380, s1;
	[tilespmem:s0+$0x7FD0] =	vst v1  }
.LBB2_2:
0x33: {  	p1 =	sne.s32 s3, $0x10700;
	[tilespmem:s0+$0x7FE0] =	vst v1;
	s0 =	sor.u32 s6, s5  }
0x34: {  	[tilespmem:s0+$0x7FF0] =	vst v1  }
0x35: {  	[tilespmem:s0+$0x7B80] =	vst v1  }
0x36: {  	[tilespmem:s0+$0x7B90] =	vst v1  }
0x37: {  	[tilespmem:s0+$0x7BA0] =	vst v1  }
0x38: {  	[tilespmem:s0+$0x7BB0] =	vst v1  }
0x39: {  	[tilespmem:s0+$0x7BC0] =	vst v1  }
0x3a: {  	[tilespmem:s0+$0x7BD0] =	vst v1  }
0x3b: {  	[tilespmem:s0+$0x7BE0] =	vst v1  }
0x3c: {  	[tilespmem:s0+$0x7BF0] =	vst v1  }
0x3d: {  	[tilespmem:s0+$0x7F80] =	vst v1  }
.Ltmp2:
0x3e: {  	[tilespmem:s0+$0x7F90] =	vst v1;
	(pc) =	sbr.rel @p1 .LBB2_2-.Ltmp2, $4  }
0x3f: {  	[tilespmem:s0+$0x7FA0] =	vst v1  }
0x40: {  	[tilespmem:s0+$0x7FB0] =	vst v1  }
0x41: {  	s1 =	sadd.s32 $0x80, s1;
	[tilespmem:s0+$0x7FC0] =	vst v1  }
0x42: {  	s5 =	sand.u32 $0x1F800, s3;
	s3 =	sadd.s32 $0x100, s3;
	s6 =	sand.u32 $0x380, s1;
	[tilespmem:s0+$0x7FD0] =	vst v1  }
0x43: {  	s1 =	sor.u32 s6, s5;
	[tilespmem:s0+$0x7FE0] =	vst v1  }
0x44: {  	[tilespmem:s1+$0x7FF0] =	vst v1  }
0x45: {  	[tilespmem:s1+$0x7B80] =	vst v1  }
0x46: {  	[tilespmem:s1+$0x7B90] =	vst v1  }
0x47: {  	[tilespmem:s1+$0x7BA0] =	vst v1  }
0x48: {  	[tilespmem:s1+$0x7BB0] =	vst v1  }
0x49: {  	[tilespmem:s1+$0x7BC0] =	vst v1  }
0x4a: {  	[tilespmem:s1+$0x7BD0] =	vst v1  }
0x4b: {  	[tilespmem:s1+$0x7BE0] =	vst v1  }
0x4c: {  	[tilespmem:s1+$0x7BF0] =	vst v1  }
0x4d: {  	[tilespmem:s1+$0x7F80] =	vst v1  }
0x4e: {  	[tilespmem:s1+$0x7F90] =	vst v1  }
.Ltmp3:
0x4f: {  	[tilespmem:s1+$0x7FA0] =	vst v1;
	(pc) =	sbr.rel .LBB2_4-.Ltmp3, $4  }
0x50: {  	[tilespmem:s1+$0x7FB0] =	vst v1  }
0x51: {  	[tilespmem:s1+$0x7FC0] =	vst v1  }
0x52: {  	[tilespmem:s1+$0x7FD0] =	vst v1  }
0x53: {  	s10 =	simm.s32 $0x0;
	[tilespmem:s1+$0x7FE0] =	vst v1  }
.LBB2_27:
0x54: {  	[bflag:$0x0] =	sbarrier.arrive $0xFFFF  }
.LBB2_28:
0x55: {  	s10 =	sadd.s32 $0x1, s10  }
0x56: {  	p1 =	sne.s32 s10, $0x7  }
.Ltmp4:
0x57: {  	_ = 	snop;
	(pc) =	sbr.rel @!p1 .LBB2_29-.Ltmp4, $2  }
0x58: {  	_ =	sdelay $0x1  }
0x59: {  	[bflag:$0x0] =	sbarrier.arrive $0xFFFF;
	_ =	sdelay $0x1  }
.LBB2_4:
0x5a: {  	s0 =	sadd.s32 $0x7, s10  }
0x5b: {  	s0 =	smov.u32 @p0 s10  }
0x5c: {  	p1 =	sgt.u32 s0, $0xC  }
.Ltmp5:
0x5d: {  	_ = 	snop;
	(pc) =	sbr.rel @p1 .LBB2_27-.Ltmp5, $1  }
0x5e: {  	_ =	sdelay $0x3  }
0x5f: {  	[dreg:$0xd] =	wrdreg s10  }
0x60: {  	[dreg:$0xe] =	wrdreg s0;
	s20 =	sshll.u32 s0, $0xC  }
0x61: {  	s0 =	simm.s32 $0x0;
	s6 =	simm.s32 $0x0;
	s1 =	simm.s32 $0x0;
	v18 =	vmov s20  }
.LBB2_6:
0x62: {  	s3 =	smul.u32 $0xFA0, s1;
	_ =	sdelay $0x1  }
0x63: {  	s3 =	sadd.s32 s16, s3  }
0x64: {  	s3 =	sshrl.u32 s3, $0x3  }
0x65: {  	s5 =	sadd.s32 s13, s3  }
0x66: {  	[tilespmem:s0], [sflag:$0x2] =	stream.linear.gather [hbm4b:s5+s0], $0xFA0, $0x38;
	[tilespmem:$0x18380] =	vst v63  }
0x67: {  	_ =	swait.ge [sflag:s15], $0xFA0  }
0x68: {  	[sflag:s15] =	ssyncset.done $0x0  }
0x69: {  	s3 =	sadd.s32 s14, s3;
	[sflag:s15] =	ssyncadd.s32 $0xFFFFF060  }
0x6a: {  	[tilespmem:s18], [sflag:$0x2] =	stream.linear.gather [hbm4b:s3+s0], $0xFA0, $0x38;
	[tilespmem:$0x18380] =	vst v63  }
0x6b: {  	_ =	swait.ge [sflag:s15], $0xFA0  }
0x6c: {  	[sflag:s15] =	ssyncset.done $0x0  }
0x6d: {  	s10 =	simm.s32 $0x0;
	[sflag:s15] =	ssyncadd.s32 $0xFFFFF060  }
0x6e: {  	v19 =	vld [tilespmem:s10+$0x1000];
	_ =	sdelay $0x4  }
0x6f: {  	v19 =	vsub.s32 v19, v18  }
0x70: {  	vm3 =	vlt.u32 v19, $0x1000  }
0x71: {  	v20 =	vsel vm3, $0x1, v2  }
0x72: {  	(xrf0) =	vadd.scan.msk.s32 $0xffff, v20;
	_ =	sdelay $0x5  }
0x73: {  	v20, _, _ =	vpop (xrf0)  }
0x74: {  	(v2sf) =	vpush v20, $0xF;
	_ =	sdelay $0xb  }
0x75: {  	s11 =	sand.u32 $0x7FF, s6  }
0x76: {  	v21 =	vmov s11  }
0x77: {  	v21 =	vadd.s32 $0xFFFFFFFF, v21  }
0x78: {  	v21 =	vbroadcast v21, $0x0;
	v22 =	vld [tilespmem:s10+$0x0];
	s12 =	spop (v2sf)  }
0x79: {  	s3 =	sadd.s32 s6, s12  }
0x7a: {  	s7 =	sshra.s32 s6, $0xB;
	v20 =	vadd.s32 v20, v21;
	s19 =	sshra.s32 s3, $0xB  }
0x7b: {  	p2 =	sle.s32 s19, s7  }
0x7c: {  	s5 =	sand.u32 @!p2 $0xFFFFF800, s6  }
0x7d: {  	v21 =	vshll.u32 v22, $0xD;
	s5 =	sadd.s32 @!p2 s9, s5  }
0x7e: {  	v19 =	vor.u32 v19, v21;
	s6 =	simm.s32 @!p2 $0x2;
	s5 =	sshrl.u32 @!p2 s5, $0x3  }
0x7f: {  	[tilespmem:v20+s17+$0x0] =	vst.idx.msk vm3, v19;
	s7 =	simm.s32 @!p2 $0x0;
	s8 =	simm.s32 @!p2 $0x2000;
	s5 =	sadd.s32 @!p2 s2, s5  }
0x80: {  	[hbm4b:s5+s7] =	stream.linear.scatter @!p2 [tilespmem:s8], [sflag:$0x2], $0x800, $0x38;
	[tilespmem:$0x18380] =	vst v63  }
0x81: {  	_ =	swait.ge @!p2 [sflag:s6], $0x800  }
0x82: {  	s20 =	sand.u32 $0x7FF, s3;
	[sflag:s6] =	ssyncset.done @!p2 $0x0  }
0x83: {  	v19 =	vmov s20;
	[sflag:s6] =	ssyncadd.s32 @!p2 $0xFFFFF800  }
0x84: {  	v19 =	vadd.s32 $0xFFFFFFFF, v19;
	s7 =	simm.s32 $0x80;
	s5 =	smov.u32 s3;
	s6 =	simm.s32 $0x40;
	v20 =	vld @!p2 [tilespmem:$0x2800]  }
.LBB2_7:
0x85: {  	_ =	sdelay $0x3  }
0x86: {  	s8 =	sshra.s32 s6, $0x2;
	s6 =	smov.u32 s7;
	s7 =	sadd.s32 $0x40, s7;
	[tilespmem:$0x2000] =	vst @!p2 v20  }
0x87: {  	p1 =	sne.s32 s7, $0x3E80;
	v20 =	vld [tilespmem:s8+$0x1000];
	_ =	sdelay $0x4  }
0x88: {  	v20 =	vsub.s32 v20, v18  }
0x89: {  	vm3 =	vlt.u32 v20, $0x1000  }
0x8a: {  	v21 =	vsel vm3, $0x1, v2  }
0x8b: {  	(xrf0) =	vadd.scan.msk.s32 $0xffff, v21;
	_ =	sdelay $0x4  }
0x8c: {  	v19 =	vbroadcast v19, $0x0;
	v21 =	vld [tilespmem:s8+$0x0]  }
0x8d: {  	v22, _, _ =	vpop (xrf0)  }
0x8e: {  	v19 =	vadd.s32 v22, v19;
	(v2sf) =	vpush v22, $0xF;
	_ =	sdelay $0x2  }
0x8f: {  	v21 =	vshll.u32 v21, $0xD  }
0x90: {  	v20 =	vor.u32 v20, v21  }
0x91: {  	[tilespmem:v19+s17+$0x0] =	vst.idx.msk vm3, v20;
	_ =	sdelay $0x9  }
0x92: {  	s8 =	spop (v2sf)  }
0x93: {  	s3 =	sadd.s32 s3, s8  }
0x94: {  	s11 =	sshra.s32 s5, $0xB;
	s8 =	sand.u32 $0x7FF, s3;
	s10 =	sshra.s32 s3, $0xB  }
0x95: {  	v19 =	vmov s8;
	p2 =	sle.s32 s10, s11  }
0x96: {  	v19 =	vadd.s32 $0xFFFFFFFF, v19;
	s8 =	sand.u32 @!p2 $0xFFFFF800, s5;
	s5 =	smov.u32 s3  }
0x97: {  	s8 =	sadd.s32 @!p2 s9, s8  }
0x98: {  	s10 =	simm.s32 @!p2 $0x2;
	s8 =	sshrl.u32 @!p2 s8, $0x3  }
0x99: {  	s11 =	simm.s32 @!p2 $0x0;
	s12 =	simm.s32 @!p2 $0x2000;
	s8 =	sadd.s32 @!p2 s2, s8  }
0x9a: {  	[hbm4b:s8+s11] =	stream.linear.scatter @!p2 [tilespmem:s12], [sflag:$0x2], $0x800, $0x38;
	[tilespmem:$0x18380] =	vst v63  }
.Ltmp6:
0x9b: {  	_ = 	snop;
	(pc) =	sbr.rel @p1 .LBB2_7-.Ltmp6, $4  }
0x9c: {  	_ =	swait.ge @!p2 [sflag:s10], $0x800  }
0x9d: {  	[sflag:s10] =	ssyncset.done @!p2 $0x0  }
0x9e: {  	[sflag:s10] =	ssyncadd.s32 @!p2 $0xFFFFF800  }
0x9f: {  	v20 =	vld @!p2 [tilespmem:$0x2800]  }
0xa0: {  	_ =	sdelay $0x3  }
0xa1: {  	s6 =	sshra.s32 s6, $0x2;
	[tilespmem:$0x2000] =	vst @!p2 v20  }
0xa2: {  	v20 =	vld [tilespmem:s6+$0x1000];
	_ =	sdelay $0x4  }
0xa3: {  	v20 =	vsub.s32 v20, v18  }
0xa4: {  	vm3 =	vlt.u32 v20, $0x1000  }
0xa5: {  	v21 =	vsel vm3, $0x1, v2  }
0xa6: {  	(xrf0) =	vadd.scan.msk.s32 $0xffff, v21;
	_ =	sdelay $0x5  }
0xa7: {  	v21, _, _ =	vpop (xrf0)  }
0xa8: {  	(v2sf) =	vpush v21, $0xF;
	_ =	sdelay $0xe  }
0xa9: {  	v19 =	vbroadcast v19, $0x0;
	v22 =	vld [tilespmem:s6+$0x0];
	s20 =	spop (v2sf)  }
0xaa: {  	s6 =	sadd.s32 s3, s20  }
0xab: {  	s7 =	sshra.s32 s5, $0xB;
	v19 =	vadd.s32 v21, v19;
	s3 =	sshra.s32 s6, $0xB  }
0xac: {  	p1 =	sle.s32 s3, s7  }
0xad: {  	s3 =	sand.u32 @!p1 $0xFFFFF800, s5  }
0xae: {  	v63 =	vshll.u32 v22, $0xD;
	s3 =	sadd.s32 @!p1 s9, s3  }
0xaf: {  	v20 =	vor.u32 v20, v63;
	s5 =	simm.s32 @!p1 $0x2;
	s3 =	sshrl.u32 @!p1 s3, $0x3  }
0xb0: {  	[tilespmem:v19+s17+$0x0] =	vst.idx.msk vm3, v20;
	s7 =	simm.s32 @!p1 $0x0;
	s8 =	simm.s32 @!p1 $0x2000;
	s3 =	sadd.s32 @!p1 s2, s3  }
0xb1: {  	[hbm4b:s3+s7] =	stream.linear.scatter @!p1 [tilespmem:s8], [sflag:$0x2], $0x800, $0x38;
	[tilespmem:$0x18380] =	vst v63  }
0xb2: {  	_ =	swait.ge @!p1 [sflag:s5], $0x800  }
0xb3: {  	[sflag:s5] =	ssyncset.done @!p1 $0x0  }
0xb4: {  	s1 =	sadd.s32 $0x1, s1;
	[sflag:s5] =	ssyncadd.s32 @!p1 $0xFFFFF800  }
0xb5: {  	p2 =	sne.s32 s1, $0x19;
	v19 =	vld @!p1 [tilespmem:$0x2800]  }
.Ltmp7:
0xb6: {  	_ = 	snop;
	(pc) =	sbr.rel @p2 .LBB2_6-.Ltmp7, $2  }
0xb7: {  	_ =	sdelay $0x2  }
0xb8: {  	[tilespmem:$0x2000] =	vst @!p1 v19  }
0xb9: {  	s0 =	sand.u32 $0xFFFFF800, s6  }
0xba: {  	s0 =	sadd.s32 s9, s0  }
0xbb: {  	s0 =	sshrl.u32 s0, $0x3  }
0xbc: {  	s3 =	simm.s32 $0x0;
	s0 =	sadd.s32 s2, s0  }
0xbd: {  	[hbm4b:s0+s3] =	stream.linear.scatter [tilespmem:s17], [sflag:$0x2], $0x800, $0x38;
	[tilespmem:$0x18380] =	vst v63  }
0xbe: {  	_ =	swait.ge [sflag:s15], $0x800  }
0xbf: {  	v18 =	vmov s6;
	[sflag:s15] =	ssyncset.done $0x0  }
0xc0: {  	v18 =	vnsel vm0, $0x0, v18;
	[sflag:s15] =	ssyncadd.s32 $0xFFFFF800  }
0xc1: {  	s1 =	simm.s32 $0x7A00;
	s18 =	rddreg [dreg:$0x7];
	[tilespmem:$0x7A00] =	vst v18  }
0xc2: {  	[hbm4b:s18+s3] =	stream.linear.scatter [tilespmem:s1], [sflag:$0x2], $0x10, $0x38;
	[tilespmem:$0x18380] =	vst v63  }
0xc3: {  	_ =	swait.ge [sflag:s15], $0x10  }
0xc4: {  	[sflag:s15] =	ssyncset.done $0x0  }
0xc5: {  	[sflag:s15] =	ssyncadd.s32 $0xFFFFFFF0  }
0xc6: {  	[bflag:$0x0] =	sbarrier.arrive $0xFFFF  }
.Ltmp8:
0xc7: {  	s20 =	simm.s32 $0x7A80;
	s19 =	rddreg [dreg:$0x8];
	(pc) =	sbr.rel .LBB2_10-.Ltmp8, $4  }
0xc8: {  	[tilespmem:s20], [sflag:$0x2] =	stream.linear.gather [hbm4b:s19+s3], $0x100, $0x38;
	[tilespmem:$0x18380] =	vst v63  }
0xc9: {  	_ =	swait.ge [sflag:s15], $0x100  }
0xca: {  	[sflag:s15] =	ssyncset.done $0x0  }
0xcb: {  	s5 =	simm.s32 $0x0;
	[sflag:s15] =	ssyncadd.s32 $0xFFFFFF00  }
.LBB2_19:
0xcc: {  	s5 =	rddreg [dreg:$0xf]  }
0xcd: {  	s5 =	sadd.s32 $0x1, s5  }
0xce: {  	p1 =	sne.s32 s5, $0x10  }
.Ltmp9:
0xcf: {  	_ = 	snop;
	(pc) =	sbr.rel @!p1 .LBB2_20-.Ltmp9, $1  }
0xd0: {  	_ =	sdelay $0x3  }
.LBB2_10:
0xd1: {  	s1 =	sshll.u32 s5, $0x4  }
0xd2: {  	s1 =	sand.u32 $0x3FFFFFF0, s1  }
0xd3: {  	v18 =	vld [tilespmem:s1+$0x7A80];
	_ =	sdelay $0x4  }
0xd4: {  	v18 =	vnsel vm1, $0x0, v18  }
0xd5: {  	(xrf0) =	vadd.scan.msk.s32 $0xffff, v18;
	_ =	sdelay $0x5  }
0xd6: {  	v18, _, _ =	vpop (xrf0)  }
0xd7: {  	(v2sf) =	vpush v18, $0xF;
	_ =	sdelay $0xe  }
0xd8: {  	s18 =	spop (v2sf)  }
0xd9: {  	s20 =	sadd.s32 $0x7FF, s18  }
0xda: {  	s19 =	sshra.s32 s20, $0xB  }
0xdb: {  	p1 =	slt.s32 s19, $0x1  }
.Ltmp10:
0xdc: {  	_ = 	snop;
	(pc) =	sbr.rel @p1 .LBB2_19-.Ltmp10, $2  }
0xdd: {  	_ =	sdelay $0x2  }
0xde: {  	[dreg:$0xf] =	wrdreg s5  }
.Ltmp11:
0xdf: {  	(pc) =	sbr.rel .LBB2_12-.Ltmp11, $4  }
0xe0: {  	_ = 	snop  }
0xe1: {  	s0 =	rddreg [dreg:$0x5]  }
0xe2: {  	s1 =	sadd.s32 s0, s5  }
0xe3: {  	s12 =	simm.s32 $0x0;
	s10 =	simm.s32 $0x0;
	s1 =	smul.u32 $0x19700, s1  }
.LBB2_18:
0xe4: {  	s0 =	sand.u32 $0xFFFFFFC0, s11  }
0xe5: {  	v18 =	vld [tilespmem:s0+$0x2880];
	_ =	sdelay $0x4  }
0xe6: {  	[tilespmem:$0x2880] =	vst v18  }
0xe7: {  	v18 =	vld [tilespmem:s0+$0x2890];
	_ =	sdelay $0x4  }
0xe8: {  	[tilespmem:$0x2890] =	vst v18  }
0xe9: {  	v18 =	vld [tilespmem:s0+$0x28A0];
	_ =	sdelay $0x4  }
0xea: {  	s10 =	sadd.s32 $0x1, s10;
	[tilespmem:$0x28A0] =	vst v18  }
0xeb: {  	p1 =	sne.s32 s10, s19;
	v18 =	vld [tilespmem:s0+$0x28B0]  }
.Ltmp12:
0xec: {  	_ = 	snop;
	(pc) =	sbr.rel @!p1 .LBB2_19-.Ltmp12, $2  }
0xed: {  	_ =	sdelay $0x2  }
0xee: {  	s3 =	sand.u32 $0x3F, s11;
	s18 =	sadd.s32 $0xFFFFF800, s18;
	[tilespmem:$0x28B0] =	vst v18  }
.LBB2_12:
0xef: {  	s5 =	sshll.u32 s10, $0xB  }
0xf0: {  	s5 =	sadd.s32 s1, s5  }
0xf1: {  	s5 =	sshrl.u32 s5, $0x3  }
0xf2: {  	s0 =	simm.s32 $0x3100;
	s5 =	sadd.s32 s2, s5  }
0xf3: {  	[tilespmem:s0], [sflag:$0x2] =	stream.linear.gather [hbm4b:s5+s12], $0x800, $0x38;
	[tilespmem:$0x18380] =	vst v63  }
0xf4: {  	_ =	swait.ge [sflag:s15], $0x800  }
0xf5: {  	[sflag:s15] =	ssyncset.done $0x0  }
0xf6: {  	s20 =	simm.s32 $0x0;
	[sflag:s15] =	ssyncadd.s32 $0xFFFFF800  }
0xf7: {  	v18 =	vld [tilespmem:s20+$0x3100];
	_ =	sdelay $0x4  }
0xf8: {  	v19 =	vshrl.u32 v18, $0x8  }
0xf9: {  	v20 =	vmov s18;
	v19 =	vand.u32 $0x1F, v19  }
0xfa: {  	vm4 =	vgt.s32 v20, v3;
	vm3 =	veq.s32 v19, v0  }
0xfb: {  	vm3 =	vmand vm4, vm3  }
0xfc: {  	v19 =	vsel vm3, $0x1, v2  }
0xfd: {  	(xrf0) =	vadd.scan.msk.s32 $0xffff, v19;
	_ =	sdelay $0x2  }
0xfe: {  	v19 =	vmov s3  }
0xff: {  	v19 =	vadd.s32 $0xFFFFFFFF, v19  }
0x100: {  	v19 =	vbroadcast v19, $0x0  }
0x101: {  	v63, _, _ =	vpop (xrf0)  }
0x102: {  	v19 =	vadd.s32 v63, v19;
	(v2sf) =	vpush v63, $0xF;
	_ =	sdelay $0x3  }
0x103: {  	v18 =	vand.u32 $0xFFFFE0FF, v18  }
0x104: {  	s7 =	simm.s32 $0x10;
	s6 =	simm.s32 $0x80;
	s5 =	smov.u32 s18;
	[tilespmem:v19+s21+$0x0] =	vst.idx.msk vm3, v18  }
.LBB2_13:
0x105: {  	p1 =	sne.s32 s6, $0x1FC0;
	v18 =	vld [tilespmem:s7+$0x3100];
	_ =	sdelay $0x4  }
0x106: {  	s5 =	sadd.s32 $0xFFFFFFF0, s5;
	v19 =	vshrl.u32 v18, $0x8;
	v18 =	vand.u32 $0xFFFFE0FF, v18  }
0x107: {  	v20 =	vmov s5;
	v19 =	vand.u32 $0x1F, v19  }
0x108: {  	vm4 =	vgt.s32 v20, v3;
	vm3 =	veq.s32 v19, v0  }
0x109: {  	vm3 =	vmand vm4, vm3  }
0x10a: {  	v19 =	vsel vm3, $0x1, v2;
	s7 =	spop (v2sf)  }
0x10b: {  	(xrf0) =	vadd.scan.msk.s32 $0xffff, v19;
	s3 =	sadd.s32 s3, s7  }
0x10c: {  	v19 =	vmov s3  }
0x10d: {  	v19 =	vadd.s32 $0xFFFFFFFF, v19  }
0x10e: {  	v19 =	vbroadcast v19, $0x0;
	_ =	sdelay $0x2  }
0x10f: {  	v20, _, _ =	vpop (xrf0)  }
0x110: {  	v19 =	vadd.s32 v20, v19;
	(v2sf) =	vpush v20, $0xF  }
.Ltmp13:
0x111: {  	(pc) =	sbr.rel @p1 .LBB2_13-.Ltmp13, $2  }
0x112: {  	_ =	sdelay $0x2  }
0x113: {  	s7 =	sshra.s32 s6, $0x2;
	s6 =	sadd.s32 $0x40, s6;
	[tilespmem:v19+s21+$0x0] =	vst.idx.msk vm3, v18  }
0x114: {  	v18 =	vld [tilespmem:s7+$0x3100];
	_ =	sdelay $0x4  }
0x115: {  	s5 =	sadd.s32 $0xFFFFFFF0, s5;
	v19 =	vshrl.u32 v18, $0x8  }
0x116: {  	v20 =	vmov s5;
	v19 =	vand.u32 $0x1F, v19  }
0x117: {  	vm4 =	vgt.s32 v20, v3;
	vm3 =	veq.s32 v19, v0  }
0x118: {  	vm3 =	vmand vm4, vm3  }
0x119: {  	v19 =	vsel vm3, $0x1, v2  }
0x11a: {  	(xrf0) =	vadd.scan.msk.s32 $0xffff, v19;
	_ =	sdelay $0x5  }
0x11b: {  	v19, _, _ =	vpop (xrf0)  }
0x11c: {  	(v2sf) =	vpush v19, $0xF;
	_ =	sdelay $0xb  }
0x11d: {  	s16 =	spop (v2sf)  }
0x11e: {  	s3 =	sadd.s32 s3, s16  }
0x11f: {  	v63 =	vmov s3  }
0x120: {  	v20 =	vadd.s32 $0xFFFFFFFF, v63;
	s20 =	spop (v2sf)  }
0x121: {  	v20 =	vbroadcast v20, $0x0;
	s11 =	sadd.s32 s3, s20  }
0x122: {  	s13 =	sshra.s32 s11, $0x6  }
0x123: {  	v19 =	vadd.s32 v19, v20;
	p1 =	slt.s32 s13, $0x1  }
.Ltmp14:
0x124: {  	_ = 	snop;
	(pc) =	sbr.rel @p1 .LBB2_18-.Ltmp14, $3  }
0x125: {  	_ =	sdelay $0x1  }
0x126: {  	v18 =	vand.u32 $0xFFFFE0FF, v18  }
0x127: {  	s14 =	simm.s32 $0x0;
	s16 =	simm.s32 $0x0;
	[tilespmem:v19+s21+$0x0] =	vst.idx.msk vm3, v18  }
.LBB2_15:
0x128: {  	s3 =	sshll.u32 s16, $0x8  }
0x129: {  	s3 =	sshra.s32 s3, $0x2  }
0x12a: {  	v18 =	vld [tilespmem:s3+$0x2880];
	_ =	sdelay $0x4  }
0x12b: {  	v19 =	vshra.s32 v18, $0xD  }
0x12c: {  	v18 =	vand.u32 $0x1FF, v18;
	[tilespmem:$0x3900] =	vst v19  }
0x12d: {  	[tilespmem:$0x3980] =	vst v18  }
0x12e: {  	v18 =	vld [tilespmem:s3+$0x2890];
	_ =	sdelay $0x4  }
0x12f: {  	v19 =	vshra.s32 v18, $0xD  }
0x130: {  	v18 =	vand.u32 $0x1FF, v18;
	[tilespmem:$0x3910] =	vst v19  }
0x131: {  	[tilespmem:$0x3990] =	vst v18  }
0x132: {  	v18 =	vld [tilespmem:s3+$0x28A0]  }
0x133: {  	v19 =	vld [tilespmem:$0x3900];
	_ =	sdelay $0x3  }
0x134: {  	v20 =	vshra.s32 v18, $0xD  }
0x135: {  	v62 =	vshll.u32 v19, $0x1;
	v18 =	vand.u32 $0x1FF, v18;
	[tilespmem:$0x3920] =	vst v20  }
0x136: {  	[tilespmem:$0x39A0] =	vst v18;
	v18 =	vand.u32 $0x7, v19;
	v19 =	vand.u32 $0xFFFFFFF0, v62  }
0x137: {  	v63 =	vld [tilespmem:s3+$0x28B0];
	v18 =	vor.u32 v18, v19  }
0x138: {  	v19 =	vperm.xlane v18, v4;
	_ =	sdelay $0x1  }
0x139: {  	v18 =	vperm.xlane v18, v7;
	v19 =	vadd.s32 v5, v19;
	_ =	sdelay $0x1  }
0x13a: {  	v18 =	vadd.s32 v5, v18;
	v21 =	vshra.s32 v63, $0xD  }
0x13b: {  	v20 =	vand.u32 $0x1FF, v63;
	[tilespmem:$0x3930] =	vst v21  }
0x13c: {  	[tilespmem:$0x39B0] =	vst v20  }
0x13d: {  	[tilespmem:s22], [sflag:$0x1] =	stream.indirect_vreg.gather [hbm4b:s4+s14], $0x80, v19, vm2, $0xb8;
	[tilespmem:$0x18380] =	vst v63  }
0x13e: {  	_ = 	snop  }
0x13f: {  	[tilespmem:s23], [sflag:$0x1] =	stream.indirect_vreg.gather [hbm4b:s4+s14], $0x80, v18, vm2, $0xb8;
	[tilespmem:$0x18380] =	vst v63  }
0x140: {  	v18 =	vld [tilespmem:$0x3910];
	_ =	sdelay $0x4  }
0x141: {  	v19 =	vshll.u32 v18, $0x1  }
0x142: {  	v18 =	vand.u32 $0x7, v18;
	v19 =	vand.u32 $0xFFFFFFF0, v19  }
0x143: {  	v18 =	vor.u32 v18, v19  }
0x144: {  	v19 =	vperm.xlane v18, v4;
	_ =	sdelay $0x1  }
0x145: {  	v18 =	vperm.xlane v18, v7;
	v19 =	vadd.s32 v5, v19;
	_ =	sdelay $0x1  }
0x146: {  	v18 =	vadd.s32 v5, v18;
	_ =	sdelay $0x2  }
0x147: {  	[tilespmem:s24], [sflag:$0x1] =	stream.indirect_vreg.gather [hbm4b:s4+s14], $0x80, v19, vm2, $0xb8;
	[tilespmem:$0x18380] =	vst v63  }
0x148: {  	_ = 	snop  }
0x149: {  	[tilespmem:s25], [sflag:$0x1] =	stream.indirect_vreg.gather [hbm4b:s4+s14], $0x80, v18, vm2, $0xb8;
	[tilespmem:$0x18380] =	vst v63  }
0x14a: {  	v18 =	vld [tilespmem:$0x3920];
	_ =	sdelay $0x4  }
0x14b: {  	v19 =	vshll.u32 v18, $0x1  }
0x14c: {  	v18 =	vand.u32 $0x7, v18;
	v19 =	vand.u32 $0xFFFFFFF0, v19  }
0x14d: {  	v18 =	vor.u32 v18, v19  }
0x14e: {  	v19 =	vperm.xlane v18, v4;
	_ =	sdelay $0x1  }
0x14f: {  	v18 =	vperm.xlane v18, v7;
	v19 =	vadd.s32 v5, v19;
	_ =	sdelay $0x1  }
0x150: {  	v18 =	vadd.s32 v5, v18;
	_ =	sdelay $0x2  }
0x151: {  	[tilespmem:s26], [sflag:$0x1] =	stream.indirect_vreg.gather [hbm4b:s4+s14], $0x80, v19, vm2, $0xb8;
	[tilespmem:$0x18380] =	vst v63  }
0x152: {  	_ = 	snop  }
0x153: {  	[tilespmem:s28], [sflag:$0x1] =	stream.indirect_vreg.gather [hbm4b:s4+s14], $0x80, v18, vm2, $0xb8;
	[tilespmem:$0x18380] =	vst v63  }
0x154: {  	v18 =	vld [tilespmem:$0x3930];
	_ =	sdelay $0x4  }
0x155: {  	v19 =	vshll.u32 v18, $0x1  }
0x156: {  	v18 =	vand.u32 $0x7, v18;
	v19 =	vand.u32 $0xFFFFFFF0, v19  }
0x157: {  	v18 =	vor.u32 v18, v19  }
0x158: {  	v19 =	vperm.xlane v18, v4;
	_ =	sdelay $0x1  }
0x159: {  	v18 =	vperm.xlane v18, v7;
	v19 =	vadd.s32 v5, v19;
	_ =	sdelay $0x1  }
0x15a: {  	v18 =	vadd.s32 v5, v18;
	_ =	sdelay $0x2  }
0x15b: {  	[tilespmem:s29], [sflag:$0x1] =	stream.indirect_vreg.gather [hbm4b:s4+s14], $0x80, v19, vm2, $0xb8;
	[tilespmem:$0x18380] =	vst v63  }
0x15c: {  	_ = 	snop  }
0x15d: {  	[tilespmem:s30], [sflag:$0x1] =	stream.indirect_vreg.gather [hbm4b:s4+s14], $0x80, v18, vm2, $0xb8;
	[tilespmem:$0x18380] =	vst v63  }
0x15e: {  	_ =	swait.ge [sflag:s31], $0x4000  }
0x15f: {  	[sflag:s31] =	ssyncset.done $0x0  }
0x160: {  	s6 =	sand.u32 $0x30, s14;
	[sflag:s31] =	ssyncadd.s32 $0xFFFFC000  }
0x161: {  	v18 =	vld [tilespmem:s6+$0x3980];
	_ =	sdelay $0x1  }
0x162: {  	s7 =	sand.u32 $0xF, s14  }
0x163: {  	v19 =	vmov s7  }
0x164: {  	vm3 =	veq.s32 v19, v3  }
0x165: {  	v18 =	vnsel vm3, $0x0, v18  }
0x166: {  	(xrf0) =	vadd.scan.msk.s32 $0xffff, v18;
	_ =	sdelay $0x5  }
0x167: {  	v18, _, _ =	vpop (xrf0)  }
0x168: {  	(v2sf) =	vpush v18, $0xF;
	_ =	sdelay $0xb  }
0x169: {  	s8 =	sand.u32 $0x3800, s14;
	s5 =	sand.u32 $0x380, s14  }
0x16a: {  	s3 =	sor.u32 s5, s8  }
0x16b: {  	v18 =	vld [tilespmem:s3+$0x3A00]  }
0x16c: {  	s20 =	spop (v2sf)  }
0x16d: {  	s6 =	sshll.u32 s20, $0x8;
	s5 =	sshll.u32 s20, $0x7  }
0x16e: {  	s6 =	sand.u32 $0xFFFFF800, s6;
	s5 =	sand.u32 $0x380, s5  }
0x16f: {  	s7 =	sor.u32 s5, s6  }
0x170: {  	[tilespmem:s7+$0x7B80] =	vst.add.f32.msk $0xffff, v18  }
0x171: {  	v18 =	vld [tilespmem:s3+$0x3A10];
	_ =	sdelay $0x4  }
0x172: {  	[tilespmem:s7+$0x7B90] =	vst.add.f32.msk $0xffff, v18  }
0x173: {  	v18 =	vld [tilespmem:s3+$0x3A20];
	_ =	sdelay $0x4  }
0x174: {  	[tilespmem:s7+$0x7BA0] =	vst.add.f32.msk $0xffff, v18  }
0x175: {  	v18 =	vld [tilespmem:s3+$0x3A30];
	_ =	sdelay $0x4  }
0x176: {  	[tilespmem:s7+$0x7BB0] =	vst.add.f32.msk $0xffff, v18  }
0x177: {  	v18 =	vld [tilespmem:s3+$0x3A40];
	_ =	sdelay $0x4  }
0x178: {  	[tilespmem:s7+$0x7BC0] =	vst.add.f32.msk $0xffff, v18  }
0x179: {  	v18 =	vld [tilespmem:s3+$0x3A50];
	_ =	sdelay $0x4  }
0x17a: {  	[tilespmem:s7+$0x7BD0] =	vst.add.f32.msk $0xffff, v18  }
0x17b: {  	v18 =	vld [tilespmem:s3+$0x3A60];
	_ =	sdelay $0x4  }
0x17c: {  	[tilespmem:s7+$0x7BE0] =	vst.add.f32.msk $0xffff, v18  }
0x17d: {  	v18 =	vld [tilespmem:s3+$0x3A70];
	_ =	sdelay $0x4  }
0x17e: {  	[tilespmem:s7+$0x7BF0] =	vst.add.f32.msk $0xffff, v18  }
0x17f: {  	v18 =	vld [tilespmem:s3+$0x3E00];
	_ =	sdelay $0x4  }
0x180: {  	[tilespmem:s7+$0x7F80] =	vst.add.f32.msk $0xffff, v18  }
0x181: {  	v18 =	vld [tilespmem:s3+$0x3E10];
	_ =	sdelay $0x4  }
0x182: {  	[tilespmem:s7+$0x7F90] =	vst.add.f32.msk $0xffff, v18  }
0x183: {  	v18 =	vld [tilespmem:s3+$0x3E20];
	_ =	sdelay $0x4  }
0x184: {  	[tilespmem:s7+$0x7FA0] =	vst.add.f32.msk $0xffff, v18  }
0x185: {  	v18 =	vld [tilespmem:s3+$0x3E30];
	_ =	sdelay $0x4  }
0x186: {  	[tilespmem:s7+$0x7FB0] =	vst.add.f32.msk $0xffff, v18  }
0x187: {  	v18 =	vld [tilespmem:s3+$0x3E40];
	_ =	sdelay $0x4  }
0x188: {  	[tilespmem:s7+$0x7FC0] =	vst.add.f32.msk $0xffff, v18  }
0x189: {  	v18 =	vld [tilespmem:s3+$0x3E50];
	_ =	sdelay $0x4  }
0x18a: {  	[tilespmem:s7+$0x7FD0] =	vst.add.f32.msk $0xffff, v18  }
0x18b: {  	v18 =	vld [tilespmem:s3+$0x3E60];
	_ =	sdelay $0x4  }
0x18c: {  	[tilespmem:s7+$0x7FE0] =	vst.add.f32.msk $0xffff, v18  }
0x18d: {  	v18 =	vld [tilespmem:s3+$0x3E70];
	_ =	sdelay $0x3  }
0x18e: {  	s5 =	simm.s32 $0x1;
	s6 =	simm.s32 $0x2  }
0x18f: {  	s8 =	sand.u32 $0x30, s5;
	s3 =	simm.s32 $0x0;
	[tilespmem:s7+$0x7FF0] =	vst.add.f32.msk $0xffff, v18;
	s7 =	simm.s32 $0x0  }
.LBB2_16:
0x190: {  	p1 =	sne.s32 s6, $0x3F;
	v18 =	vld [tilespmem:s8+$0x3980];
	_ =	sdelay $0x1  }
0x191: {  	s8 =	sand.u32 $0xF, s5;
	s5 =	smov.u32 s6  }
0x192: {  	v19 =	vmov s8  }
0x193: {  	vm3 =	veq.s32 v19, v3  }
0x194: {  	v18 =	vnsel vm3, $0x0, v18  }
0x195: {  	(xrf0) =	vadd.scan.msk.s32 $0xffff, v18;
	_ =	sdelay $0x5  }
0x196: {  	v18, _, _ =	vpop (xrf0)  }
0x197: {  	(v2sf) =	vpush v18, $0xF;
	_ =	sdelay $0xa  }
0x198: {  	s7 =	sadd.s32 $0x80, s7;
	s3 =	sadd.s32 $0x100, s3  }
0x199: {  	s8 =	sand.u32 $0x3800, s3;
	s20 =	sand.u32 $0x380, s7  }
0x19a: {  	s8 =	sor.u32 s20, s8  }
0x19b: {  	v18 =	vld [tilespmem:s8+$0x3A00]  }
0x19c: {  	s20 =	spop (v2sf)  }
0x19d: {  	s0 =	sshll.u32 s20, $0x8;
	s20 =	sshll.u32 s20, $0x7  }
0x19e: {  	s0 =	sand.u32 $0xFFFFF800, s0;
	s20 =	sand.u32 $0x380, s20  }
0x19f: {  	s20 =	sor.u32 s20, s0  }
0x1a0: {  	[tilespmem:s20+$0x7B80] =	vst.add.f32.msk $0xffff, v18  }
0x1a1: {  	v18 =	vld [tilespmem:s8+$0x3A10];
	_ =	sdelay $0x4  }
0x1a2: {  	[tilespmem:s20+$0x7B90] =	vst.add.f32.msk $0xffff, v18  }
0x1a3: {  	v18 =	vld [tilespmem:s8+$0x3A20];
	_ =	sdelay $0x4  }
0x1a4: {  	[tilespmem:s20+$0x7BA0] =	vst.add.f32.msk $0xffff, v18  }
0x1a5: {  	v18 =	vld [tilespmem:s8+$0x3A30];
	_ =	sdelay $0x4  }
0x1a6: {  	[tilespmem:s20+$0x7BB0] =	vst.add.f32.msk $0xffff, v18  }
0x1a7: {  	v18 =	vld [tilespmem:s8+$0x3A40];
	_ =	sdelay $0x4  }
0x1a8: {  	[tilespmem:s20+$0x7BC0] =	vst.add.f32.msk $0xffff, v18  }
0x1a9: {  	v18 =	vld [tilespmem:s8+$0x3A50];
	_ =	sdelay $0x4  }
0x1aa: {  	[tilespmem:s20+$0x7BD0] =	vst.add.f32.msk $0xffff, v18  }
0x1ab: {  	v18 =	vld [tilespmem:s8+$0x3A60];
	_ =	sdelay $0x4  }
0x1ac: {  	[tilespmem:s20+$0x7BE0] =	vst.add.f32.msk $0xffff, v18  }
0x1ad: {  	v18 =	vld [tilespmem:s8+$0x3A70];
	_ =	sdelay $0x4  }
0x1ae: {  	[tilespmem:s20+$0x7BF0] =	vst.add.f32.msk $0xffff, v18  }
0x1af: {  	v18 =	vld [tilespmem:s8+$0x3E00];
	_ =	sdelay $0x4  }
0x1b0: {  	[tilespmem:s20+$0x7F80] =	vst.add.f32.msk $0xffff, v18  }
0x1b1: {  	v18 =	vld [tilespmem:s8+$0x3E10];
	_ =	sdelay $0x4  }
0x1b2: {  	[tilespmem:s20+$0x7F90] =	vst.add.f32.msk $0xffff, v18  }
0x1b3: {  	v18 =	vld [tilespmem:s8+$0x3E20];
	_ =	sdelay $0x4  }
0x1b4: {  	[tilespmem:s20+$0x7FA0] =	vst.add.f32.msk $0xffff, v18  }
0x1b5: {  	v18 =	vld [tilespmem:s8+$0x3E30];
	_ =	sdelay $0x4  }
0x1b6: {  	[tilespmem:s20+$0x7FB0] =	vst.add.f32.msk $0xffff, v18  }
0x1b7: {  	v18 =	vld [tilespmem:s8+$0x3E40];
	_ =	sdelay $0x4  }
0x1b8: {  	[tilespmem:s20+$0x7FC0] =	vst.add.f32.msk $0xffff, v18  }
0x1b9: {  	v18 =	vld [tilespmem:s8+$0x3E50];
	_ =	sdelay $0x4  }
0x1ba: {  	[tilespmem:s20+$0x7FD0] =	vst.add.f32.msk $0xffff, v18  }
0x1bb: {  	v18 =	vld [tilespmem:s8+$0x3E60];
	_ =	sdelay $0x4  }
0x1bc: {  	[tilespmem:s20+$0x7FE0] =	vst.add.f32.msk $0xffff, v18  }
0x1bd: {  	v18 =	vld [tilespmem:s8+$0x3E70]  }
.Ltmp15:
0x1be: {  	(pc) =	sbr.rel @p1 .LBB2_16-.Ltmp15, $2  }
0x1bf: {  	_ =	sdelay $0x2  }
0x1c0: {  	s6 =	sadd.s32 $0x1, s6;
	s8 =	sand.u32 $0x30, s5;
	[tilespmem:s20+$0x7FF0] =	vst.add.f32.msk $0xffff, v18  }
0x1c1: {  	v18 =	vld [tilespmem:s8+$0x3980];
	_ =	sdelay $0x1  }
0x1c2: {  	s0 =	sand.u32 $0xF, s5  }
0x1c3: {  	v19 =	vmov s0  }
0x1c4: {  	vm3 =	veq.s32 v19, v3  }
0x1c5: {  	v18 =	vnsel vm3, $0x0, v18  }
0x1c6: {  	(xrf0) =	vadd.scan.msk.s32 $0xffff, v18;
	_ =	sdelay $0x5  }
0x1c7: {  	v18, _, _ =	vpop (xrf0)  }
0x1c8: {  	(v2sf) =	vpush v18, $0xF;
	_ =	sdelay $0xa  }
0x1c9: {  	s7 =	sadd.s32 $0x80, s7;
	s3 =	sadd.s32 $0x100, s3  }
0x1ca: {  	s3 =	sand.u32 $0x3800, s3;
	s0 =	sand.u32 $0x380, s7  }
0x1cb: {  	s0 =	sor.u32 s0, s3  }
0x1cc: {  	v18 =	vld [tilespmem:s0+$0x3A00]  }
0x1cd: {  	s8 =	spop (v2sf)  }
0x1ce: {  	s20 =	sshll.u32 s8, $0x8;
	s3 =	sshll.u32 s8, $0x7  }
0x1cf: {  	s5 =	sand.u32 $0xFFFFF800, s20;
	s3 =	sand.u32 $0x380, s3  }
0x1d0: {  	s3 =	sor.u32 s3, s5  }
0x1d1: {  	[tilespmem:s3+$0x7B80] =	vst.add.f32.msk $0xffff, v18  }
0x1d2: {  	v18 =	vld [tilespmem:s0+$0x3A10];
	_ =	sdelay $0x4  }
0x1d3: {  	[tilespmem:s3+$0x7B90] =	vst.add.f32.msk $0xffff, v18  }
0x1d4: {  	v18 =	vld [tilespmem:s0+$0x3A20];
	_ =	sdelay $0x4  }
0x1d5: {  	[tilespmem:s3+$0x7BA0] =	vst.add.f32.msk $0xffff, v18  }
0x1d6: {  	v18 =	vld [tilespmem:s0+$0x3A30];
	_ =	sdelay $0x4  }
0x1d7: {  	[tilespmem:s3+$0x7BB0] =	vst.add.f32.msk $0xffff, v18  }
0x1d8: {  	v18 =	vld [tilespmem:s0+$0x3A40];
	_ =	sdelay $0x4  }
0x1d9: {  	[tilespmem:s3+$0x7BC0] =	vst.add.f32.msk $0xffff, v18  }
0x1da: {  	v18 =	vld [tilespmem:s0+$0x3A50];
	_ =	sdelay $0x4  }
0x1db: {  	[tilespmem:s3+$0x7BD0] =	vst.add.f32.msk $0xffff, v18  }
0x1dc: {  	v18 =	vld [tilespmem:s0+$0x3A60];
	_ =	sdelay $0x4  }
0x1dd: {  	[tilespmem:s3+$0x7BE0] =	vst.add.f32.msk $0xffff, v18  }
0x1de: {  	v18 =	vld [tilespmem:s0+$0x3A70];
	_ =	sdelay $0x4  }
0x1df: {  	[tilespmem:s3+$0x7BF0] =	vst.add.f32.msk $0xffff, v18  }
0x1e0: {  	v18 =	vld [tilespmem:s0+$0x3E00];
	_ =	sdelay $0x4  }
0x1e1: {  	[tilespmem:s3+$0x7F80] =	vst.add.f32.msk $0xffff, v18  }
0x1e2: {  	v18 =	vld [tilespmem:s0+$0x3E10];
	_ =	sdelay $0x4  }
0x1e3: {  	[tilespmem:s3+$0x7F90] =	vst.add.f32.msk $0xffff, v18  }
0x1e4: {  	v18 =	vld [tilespmem:s0+$0x3E20];
	_ =	sdelay $0x4  }
0x1e5: {  	[tilespmem:s3+$0x7FA0] =	vst.add.f32.msk $0xffff, v18  }
0x1e6: {  	v18 =	vld [tilespmem:s0+$0x3E30];
	_ =	sdelay $0x4  }
0x1e7: {  	[tilespmem:s3+$0x7FB0] =	vst.add.f32.msk $0xffff, v18  }
0x1e8: {  	v18 =	vld [tilespmem:s0+$0x3E40];
	_ =	sdelay $0x4  }
0x1e9: {  	[tilespmem:s3+$0x7FC0] =	vst.add.f32.msk $0xffff, v18  }
0x1ea: {  	v18 =	vld [tilespmem:s0+$0x3E50];
	_ =	sdelay $0x4  }
0x1eb: {  	[tilespmem:s3+$0x7FD0] =	vst.add.f32.msk $0xffff, v18  }
0x1ec: {  	v18 =	vld [tilespmem:s0+$0x3E60];
	_ =	sdelay $0x4  }
0x1ed: {  	s16 =	sadd.s32 $0x1, s16;
	[tilespmem:s3+$0x7FE0] =	vst.add.f32.msk $0xffff, v18  }
0x1ee: {  	p1 =	sne.s32 s16, s13;
	v18 =	vld [tilespmem:s0+$0x3E70]  }
.Ltmp16:
0x1ef: {  	_ = 	snop;
	(pc) =	sbr.rel @p1 .LBB2_15-.Ltmp16, $4  }
.Ltmp17:
0x1f0: {  	_ = 	snop;
	(pc) =	sbr.rel @!p1 .LBB2_18-.Ltmp17, $4  }
0x1f1: {  	_ = 	snop  }
0x1f2: {  	_ = 	snop  }
0x1f3: {  	[tilespmem:s3+$0x7FF0] =	vst.add.f32.msk $0xffff, v18  }
0x1f4: {  	_ = 	snop  }
.LBB2_20:
0x1f5: {  	p1 =	seq.s32 s3, $0x0  }
.Ltmp18:
0x1f6: {  	_ = 	snop;
	(pc) =	sbr.rel @p1 .LBB2_24-.Ltmp18, $4  }
0x1f7: {  	s13 =	rddreg [dreg:$0x3]  }
0x1f8: {  	s14 =	rddreg [dreg:$0x4]  }
0x1f9: {  	s16 =	rddreg [dreg:$0x6]  }
0x1fa: {  	s18 =	simm.s32 $0x1000;
	s10 =	rddreg [dreg:$0xd]  }
0x1fb: {  	s0 =	smul.u32 $0x1D, s10  }
0x1fc: {  	s1 =	rddreg [dreg:$0x9]  }
0x1fd: {  	s0 =	sadd.s32 s1, s0  }
0x1fe: {  	v19 =	vld [tilespmem:$0x2880];
	v18 =	vmov s0  }
0x1ff: {  	v18 =	vshll.u32 v18, $0xD  }
0x200: {  	v20 =	vadd.s32 v6, v18  }
0x201: {  	v21 =	vmov s3;
	v20 =	vand.u32 $0x7FFE000, v20  }
0x202: {  	v22 =	vld [tilespmem:$0x2890];
	vm3 =	vgt.u32 v21, v3;
	v20 =	vor.u32 v11, v20  }
0x203: {  	v19 =	vsel vm3, v19, v20  }
0x204: {  	v23 =	vld [tilespmem:$0x28A0];
	v57 =	vadd.s32 v10, v18;
	v24 =	vshra.s32 v19, $0xD  }
0x205: {  	v25 =	vld [tilespmem:$0x28B0];
	v20 =	vand.u32 $0x7FFE000, v57;
	[tilespmem:$0x3900] =	vst v24  }
0x206: {  	v58 =	vadd.s32 v9, v18;
	vm3 =	vgt.u32 v21, v12;
	v20 =	vor.u32 v13, v20;
	v26 =	vld [tilespmem:$0x3900]  }
0x207: {  	v59 =	vand.u32 $0x7FFE000, v58;
	v20 =	vsel vm3, v22, v20  }
0x208: {  	v18 =	vadd.s32 v8, v18;
	v60 =	vor.u32 v15, v59;
	vm3 =	vgt.u32 v21, v14;
	[tilespmem:$0x2890] =	vst v20  }
0x209: {  	v18 =	vand.u32 $0x7FFE000, v18;
	v20 =	vsel vm3, v23, v60;
	v61 =	vld [tilespmem:$0x2890]  }
0x20a: {  	v18 =	vor.u32 v17, v18;
	vm3 =	vgt.u32 v21, v16;
	[tilespmem:$0x28A0] =	vst v20  }
0x20b: {  	v18 =	vsel vm3, v25, v18;
	v20 =	vld [tilespmem:$0x28A0];
	v62 =	vshll.u32 v26, $0x1  }
0x20c: {  	[tilespmem:$0x28B0] =	vst v18;
	v18 =	vand.u32 $0x7, v26;
	v21 =	vand.u32 $0xFFFFFFF0, v62  }
0x20d: {  	[tilespmem:$0x2880] =	vst v19;
	v19 =	vand.u32 $0x1FF, v19;
	v63 =	vld [tilespmem:$0x28B0];
	v18 =	vor.u32 v18, v21  }
0x20e: {  	[tilespmem:$0x3980] =	vst v19;
	v19 =	vshra.s32 v61, $0xD;
	v21 =	vperm.xlane v18, v4  }
0x20f: {  	[tilespmem:$0x3910] =	vst v19;
	v19 =	vand.u32 $0x1FF, v61  }
0x210: {  	[tilespmem:$0x3990] =	vst v19;
	v19 =	vshra.s32 v20, $0xD;
	v18 =	vperm.xlane v18, v7;
	v21 =	vadd.s32 v5, v21  }
0x211: {  	[tilespmem:$0x3920] =	vst v19;
	v19 =	vand.u32 $0x1FF, v20  }
0x212: {  	[tilespmem:$0x39A0] =	vst v19;
	v19 =	vshra.s32 v63, $0xD;
	v18 =	vadd.s32 v5, v18  }
0x213: {  	[tilespmem:$0x3930] =	vst v19;
	v19 =	vand.u32 $0x1FF, v63  }
0x214: {  	s0 =	simm.s32 $0x0;
	[tilespmem:$0x39B0] =	vst v19  }
0x215: {  	[tilespmem:s22], [sflag:$0x1] =	stream.indirect_vreg.gather [hbm4b:s4+s0], $0x80, v21, vm2, $0xb8;
	[tilespmem:$0x18380] =	vst v63  }
0x216: {  	_ = 	snop  }
0x217: {  	[tilespmem:s23], [sflag:$0x1] =	stream.indirect_vreg.gather [hbm4b:s4+s0], $0x80, v18, vm2, $0xb8;
	[tilespmem:$0x18380] =	vst v63  }
0x218: {  	v18 =	vld [tilespmem:$0x3910];
	_ =	sdelay $0x4  }
0x219: {  	v19 =	vshll.u32 v18, $0x1  }
0x21a: {  	v18 =	vand.u32 $0x7, v18;
	v19 =	vand.u32 $0xFFFFFFF0, v19  }
0x21b: {  	v18 =	vor.u32 v18, v19  }
0x21c: {  	v19 =	vperm.xlane v18, v4;
	_ =	sdelay $0x1  }
0x21d: {  	v18 =	vperm.xlane v18, v7;
	v19 =	vadd.s32 v5, v19;
	_ =	sdelay $0x1  }
0x21e: {  	v18 =	vadd.s32 v5, v18;
	_ =	sdelay $0x2  }
0x21f: {  	[tilespmem:s24], [sflag:$0x1] =	stream.indirect_vreg.gather [hbm4b:s4+s0], $0x80, v19, vm2, $0xb8;
	[tilespmem:$0x18380] =	vst v63  }
0x220: {  	_ = 	snop  }
0x221: {  	[tilespmem:s25], [sflag:$0x1] =	stream.indirect_vreg.gather [hbm4b:s4+s0], $0x80, v18, vm2, $0xb8;
	[tilespmem:$0x18380] =	vst v63  }
0x222: {  	v18 =	vld [tilespmem:$0x3920];
	_ =	sdelay $0x4  }
0x223: {  	v19 =	vshll.u32 v18, $0x1  }
0x224: {  	v18 =	vand.u32 $0x7, v18;
	v19 =	vand.u32 $0xFFFFFFF0, v19  }
0x225: {  	v18 =	vor.u32 v18, v19  }
0x226: {  	v19 =	vperm.xlane v18, v4;
	_ =	sdelay $0x1  }
0x227: {  	v18 =	vperm.xlane v18, v7;
	v19 =	vadd.s32 v5, v19;
	_ =	sdelay $0x1  }
0x228: {  	v18 =	vadd.s32 v5, v18;
	_ =	sdelay $0x2  }
0x229: {  	[tilespmem:s26], [sflag:$0x1] =	stream.indirect_vreg.gather [hbm4b:s4+s0], $0x80, v19, vm2, $0xb8;
	[tilespmem:$0x18380] =	vst v63  }
0x22a: {  	_ = 	snop  }
0x22b: {  	[tilespmem:s28], [sflag:$0x1] =	stream.indirect_vreg.gather [hbm4b:s4+s0], $0x80, v18, vm2, $0xb8;
	[tilespmem:$0x18380] =	vst v63  }
0x22c: {  	v18 =	vld [tilespmem:$0x3930];
	_ =	sdelay $0x4  }
0x22d: {  	v19 =	vshll.u32 v18, $0x1  }
0x22e: {  	v18 =	vand.u32 $0x7, v18;
	v19 =	vand.u32 $0xFFFFFFF0, v19  }
0x22f: {  	v18 =	vor.u32 v18, v19  }
0x230: {  	v19 =	vperm.xlane v18, v4;
	_ =	sdelay $0x1  }
0x231: {  	v18 =	vperm.xlane v18, v7;
	v19 =	vadd.s32 v5, v19;
	_ =	sdelay $0x1  }
0x232: {  	v18 =	vadd.s32 v5, v18;
	_ =	sdelay $0x2  }
0x233: {  	[tilespmem:s29], [sflag:$0x1] =	stream.indirect_vreg.gather [hbm4b:s4+s0], $0x80, v19, vm2, $0xb8;
	[tilespmem:$0x18380] =	vst v63  }
0x234: {  	_ = 	snop  }
0x235: {  	[tilespmem:s30], [sflag:$0x1] =	stream.indirect_vreg.gather [hbm4b:s4+s0], $0x80, v18, vm2, $0xb8;
	[tilespmem:$0x18380] =	vst v63  }
0x236: {  	_ =	swait.ge [sflag:s31], $0x4000  }
0x237: {  	[sflag:s31] =	ssyncset.done $0x0  }
0x238: {  	s8 =	sand.u32 $0x30, s0;
	[sflag:s31] =	ssyncadd.s32 $0xFFFFC000  }
0x239: {  	v18 =	vld [tilespmem:s8+$0x3980];
	_ =	sdelay $0x1  }
0x23a: {  	s11 =	sand.u32 $0xF, s0  }
0x23b: {  	v19 =	vmov s11  }
0x23c: {  	vm3 =	veq.s32 v19, v3  }
0x23d: {  	v18 =	vnsel vm3, $0x0, v18  }
0x23e: {  	(xrf0) =	vadd.scan.msk.s32 $0xffff, v18;
	_ =	sdelay $0x5  }
0x23f: {  	v18, _, _ =	vpop (xrf0)  }
0x240: {  	(v2sf) =	vpush v18, $0xF;
	_ =	sdelay $0xb  }
0x241: {  	s12 =	sand.u32 $0x3800, s0;
	s19 =	sand.u32 $0x380, s0  }
0x242: {  	s1 =	sor.u32 s19, s12  }
0x243: {  	v18 =	vld [tilespmem:s1+$0x3A00]  }
0x244: {  	s20 =	spop (v2sf)  }
0x245: {  	s5 =	sshll.u32 s20, $0x8;
	s3 =	sshll.u32 s20, $0x7  }
0x246: {  	s5 =	sand.u32 $0xFFFFF800, s5;
	s3 =	sand.u32 $0x380, s3  }
0x247: {  	s7 =	sor.u32 s3, s5  }
0x248: {  	[tilespmem:s7+$0x7B80] =	vst.add.f32.msk $0xffff, v18  }
0x249: {  	v18 =	vld [tilespmem:s1+$0x3A10];
	_ =	sdelay $0x4  }
0x24a: {  	[tilespmem:s7+$0x7B90] =	vst.add.f32.msk $0xffff, v18  }
0x24b: {  	v18 =	vld [tilespmem:s1+$0x3A20];
	_ =	sdelay $0x4  }
0x24c: {  	[tilespmem:s7+$0x7BA0] =	vst.add.f32.msk $0xffff, v18  }
0x24d: {  	v18 =	vld [tilespmem:s1+$0x3A30];
	_ =	sdelay $0x4  }
0x24e: {  	[tilespmem:s7+$0x7BB0] =	vst.add.f32.msk $0xffff, v18  }
0x24f: {  	v18 =	vld [tilespmem:s1+$0x3A40];
	_ =	sdelay $0x4  }
0x250: {  	[tilespmem:s7+$0x7BC0] =	vst.add.f32.msk $0xffff, v18  }
0x251: {  	v18 =	vld [tilespmem:s1+$0x3A50];
	_ =	sdelay $0x4  }
0x252: {  	[tilespmem:s7+$0x7BD0] =	vst.add.f32.msk $0xffff, v18  }
0x253: {  	v18 =	vld [tilespmem:s1+$0x3A60];
	_ =	sdelay $0x4  }
0x254: {  	[tilespmem:s7+$0x7BE0] =	vst.add.f32.msk $0xffff, v18  }
0x255: {  	v18 =	vld [tilespmem:s1+$0x3A70];
	_ =	sdelay $0x4  }
0x256: {  	[tilespmem:s7+$0x7BF0] =	vst.add.f32.msk $0xffff, v18  }
0x257: {  	v18 =	vld [tilespmem:s1+$0x3E00];
	_ =	sdelay $0x4  }
0x258: {  	[tilespmem:s7+$0x7F80] =	vst.add.f32.msk $0xffff, v18  }
0x259: {  	v18 =	vld [tilespmem:s1+$0x3E10];
	_ =	sdelay $0x4  }
0x25a: {  	[tilespmem:s7+$0x7F90] =	vst.add.f32.msk $0xffff, v18  }
0x25b: {  	v18 =	vld [tilespmem:s1+$0x3E20];
	_ =	sdelay $0x4  }
0x25c: {  	[tilespmem:s7+$0x7FA0] =	vst.add.f32.msk $0xffff, v18  }
0x25d: {  	v18 =	vld [tilespmem:s1+$0x3E30];
	_ =	sdelay $0x4  }
0x25e: {  	[tilespmem:s7+$0x7FB0] =	vst.add.f32.msk $0xffff, v18  }
0x25f: {  	v18 =	vld [tilespmem:s1+$0x3E40];
	_ =	sdelay $0x4  }
0x260: {  	[tilespmem:s7+$0x7FC0] =	vst.add.f32.msk $0xffff, v18  }
0x261: {  	v18 =	vld [tilespmem:s1+$0x3E50];
	_ =	sdelay $0x4  }
0x262: {  	[tilespmem:s7+$0x7FD0] =	vst.add.f32.msk $0xffff, v18  }
0x263: {  	v18 =	vld [tilespmem:s1+$0x3E60];
	_ =	sdelay $0x4  }
0x264: {  	[tilespmem:s7+$0x7FE0] =	vst.add.f32.msk $0xffff, v18  }
0x265: {  	v18 =	vld [tilespmem:s1+$0x3E70];
	_ =	sdelay $0x3  }
0x266: {  	s3 =	simm.s32 $0x1  }
0x267: {  	s5 =	simm.s32 $0x2;
	s6 =	sand.u32 $0x30, s3;
	s1 =	simm.s32 $0x0;
	[tilespmem:s7+$0x7FF0] =	vst.add.f32.msk $0xffff, v18  }
.LBB2_22:
0x268: {  	p1 =	sne.s32 s5, $0x3F;
	v18 =	vld [tilespmem:s6+$0x3980];
	_ =	sdelay $0x1  }
0x269: {  	s6 =	sand.u32 $0xF, s3;
	s3 =	smov.u32 s5  }
0x26a: {  	v19 =	vmov s6  }
0x26b: {  	vm3 =	veq.s32 v19, v3  }
0x26c: {  	v18 =	vnsel vm3, $0x0, v18  }
0x26d: {  	(xrf0) =	vadd.scan.msk.s32 $0xffff, v18;
	_ =	sdelay $0x5  }
0x26e: {  	v18, _, _ =	vpop (xrf0)  }
0x26f: {  	(v2sf) =	vpush v18, $0xF;
	_ =	sdelay $0xa  }
0x270: {  	s0 =	sadd.s32 $0x80, s0;
	s1 =	sadd.s32 $0x100, s1  }
0x271: {  	s6 =	sand.u32 $0x3800, s1;
	s7 =	sand.u32 $0x380, s0  }
0x272: {  	s6 =	sor.u32 s7, s6  }
0x273: {  	v18 =	vld [tilespmem:s6+$0x3A00]  }
0x274: {  	s7 =	spop (v2sf)  }
0x275: {  	s8 =	sshll.u32 s7, $0x8;
	s7 =	sshll.u32 s7, $0x7  }
0x276: {  	s8 =	sand.u32 $0xFFFFF800, s8;
	s7 =	sand.u32 $0x380, s7  }
0x277: {  	s7 =	sor.u32 s7, s8  }
0x278: {  	[tilespmem:s7+$0x7B80] =	vst.add.f32.msk $0xffff, v18  }
0x279: {  	v18 =	vld [tilespmem:s6+$0x3A10];
	_ =	sdelay $0x4  }
0x27a: {  	[tilespmem:s7+$0x7B90] =	vst.add.f32.msk $0xffff, v18  }
0x27b: {  	v18 =	vld [tilespmem:s6+$0x3A20];
	_ =	sdelay $0x4  }
0x27c: {  	[tilespmem:s7+$0x7BA0] =	vst.add.f32.msk $0xffff, v18  }
0x27d: {  	v18 =	vld [tilespmem:s6+$0x3A30];
	_ =	sdelay $0x4  }
0x27e: {  	[tilespmem:s7+$0x7BB0] =	vst.add.f32.msk $0xffff, v18  }
0x27f: {  	v18 =	vld [tilespmem:s6+$0x3A40];
	_ =	sdelay $0x4  }
0x280: {  	[tilespmem:s7+$0x7BC0] =	vst.add.f32.msk $0xffff, v18  }
0x281: {  	v18 =	vld [tilespmem:s6+$0x3A50];
	_ =	sdelay $0x4  }
0x282: {  	[tilespmem:s7+$0x7BD0] =	vst.add.f32.msk $0xffff, v18  }
0x283: {  	v18 =	vld [tilespmem:s6+$0x3A60];
	_ =	sdelay $0x4  }
0x284: {  	[tilespmem:s7+$0x7BE0] =	vst.add.f32.msk $0xffff, v18  }
0x285: {  	v18 =	vld [tilespmem:s6+$0x3A70];
	_ =	sdelay $0x4  }
0x286: {  	[tilespmem:s7+$0x7BF0] =	vst.add.f32.msk $0xffff, v18  }
0x287: {  	v18 =	vld [tilespmem:s6+$0x3E00];
	_ =	sdelay $0x4  }
0x288: {  	[tilespmem:s7+$0x7F80] =	vst.add.f32.msk $0xffff, v18  }
0x289: {  	v18 =	vld [tilespmem:s6+$0x3E10];
	_ =	sdelay $0x4  }
0x28a: {  	[tilespmem:s7+$0x7F90] =	vst.add.f32.msk $0xffff, v18  }
0x28b: {  	v18 =	vld [tilespmem:s6+$0x3E20];
	_ =	sdelay $0x4  }
0x28c: {  	[tilespmem:s7+$0x7FA0] =	vst.add.f32.msk $0xffff, v18  }
0x28d: {  	v18 =	vld [tilespmem:s6+$0x3E30];
	_ =	sdelay $0x4  }
0x28e: {  	[tilespmem:s7+$0x7FB0] =	vst.add.f32.msk $0xffff, v18  }
0x28f: {  	v18 =	vld [tilespmem:s6+$0x3E40];
	_ =	sdelay $0x4  }
0x290: {  	[tilespmem:s7+$0x7FC0] =	vst.add.f32.msk $0xffff, v18  }
0x291: {  	v18 =	vld [tilespmem:s6+$0x3E50];
	_ =	sdelay $0x4  }
0x292: {  	[tilespmem:s7+$0x7FD0] =	vst.add.f32.msk $0xffff, v18  }
0x293: {  	v18 =	vld [tilespmem:s6+$0x3E60];
	_ =	sdelay $0x4  }
0x294: {  	[tilespmem:s7+$0x7FE0] =	vst.add.f32.msk $0xffff, v18  }
0x295: {  	v18 =	vld [tilespmem:s6+$0x3E70]  }
.Ltmp19:
0x296: {  	(pc) =	sbr.rel @p1 .LBB2_22-.Ltmp19, $2  }
0x297: {  	_ =	sdelay $0x2  }
0x298: {  	s5 =	sadd.s32 $0x1, s5;
	s6 =	sand.u32 $0x30, s3;
	[tilespmem:s7+$0x7FF0] =	vst.add.f32.msk $0xffff, v18  }
0x299: {  	v18 =	vld [tilespmem:s6+$0x3980];
	_ =	sdelay $0x1  }
0x29a: {  	s3 =	sand.u32 $0xF, s3  }
0x29b: {  	v19 =	vmov s3  }
0x29c: {  	vm3 =	veq.s32 v19, v3  }
0x29d: {  	v18 =	vnsel vm3, $0x0, v18  }
0x29e: {  	(xrf0) =	vadd.scan.msk.s32 $0xffff, v18;
	_ =	sdelay $0x5  }
0x29f: {  	v18, _, _ =	vpop (xrf0)  }
0x2a0: {  	(v2sf) =	vpush v18, $0xF;
	_ =	sdelay $0xa  }
0x2a1: {  	s0 =	sadd.s32 $0x80, s0;
	s1 =	sadd.s32 $0x100, s1  }
0x2a2: {  	s1 =	sand.u32 $0x3800, s1;
	s0 =	sand.u32 $0x380, s0  }
0x2a3: {  	s0 =	sor.u32 s0, s1  }
0x2a4: {  	v18 =	vld [tilespmem:s0+$0x3A00]  }
0x2a5: {  	s19 =	spop (v2sf)  }
0x2a6: {  	s20 =	sshll.u32 s19, $0x8;
	s1 =	sshll.u32 s19, $0x7  }
0x2a7: {  	s3 =	sand.u32 $0xFFFFF800, s20;
	s1 =	sand.u32 $0x380, s1  }
0x2a8: {  	s1 =	sor.u32 s1, s3  }
0x2a9: {  	[tilespmem:s1+$0x7B80] =	vst.add.f32.msk $0xffff, v18  }
0x2aa: {  	v18 =	vld [tilespmem:s0+$0x3A10];
	_ =	sdelay $0x4  }
0x2ab: {  	[tilespmem:s1+$0x7B90] =	vst.add.f32.msk $0xffff, v18  }
0x2ac: {  	v18 =	vld [tilespmem:s0+$0x3A20];
	_ =	sdelay $0x4  }
0x2ad: {  	[tilespmem:s1+$0x7BA0] =	vst.add.f32.msk $0xffff, v18  }
0x2ae: {  	v18 =	vld [tilespmem:s0+$0x3A30];
	_ =	sdelay $0x4  }
0x2af: {  	[tilespmem:s1+$0x7BB0] =	vst.add.f32.msk $0xffff, v18  }
0x2b0: {  	v18 =	vld [tilespmem:s0+$0x3A40];
	_ =	sdelay $0x4  }
0x2b1: {  	[tilespmem:s1+$0x7BC0] =	vst.add.f32.msk $0xffff, v18  }
0x2b2: {  	v18 =	vld [tilespmem:s0+$0x3A50];
	_ =	sdelay $0x4  }
0x2b3: {  	[tilespmem:s1+$0x7BD0] =	vst.add.f32.msk $0xffff, v18  }
0x2b4: {  	v18 =	vld [tilespmem:s0+$0x3A60];
	_ =	sdelay $0x4  }
0x2b5: {  	[tilespmem:s1+$0x7BE0] =	vst.add.f32.msk $0xffff, v18  }
0x2b6: {  	v18 =	vld [tilespmem:s0+$0x3A70];
	_ =	sdelay $0x4  }
0x2b7: {  	[tilespmem:s1+$0x7BF0] =	vst.add.f32.msk $0xffff, v18  }
0x2b8: {  	v18 =	vld [tilespmem:s0+$0x3E00];
	_ =	sdelay $0x4  }
0x2b9: {  	[tilespmem:s1+$0x7F80] =	vst.add.f32.msk $0xffff, v18  }
0x2ba: {  	v18 =	vld [tilespmem:s0+$0x3E10];
	_ =	sdelay $0x4  }
0x2bb: {  	[tilespmem:s1+$0x7F90] =	vst.add.f32.msk $0xffff, v18  }
0x2bc: {  	v18 =	vld [tilespmem:s0+$0x3E20];
	_ =	sdelay $0x4  }
0x2bd: {  	[tilespmem:s1+$0x7FA0] =	vst.add.f32.msk $0xffff, v18  }
0x2be: {  	v18 =	vld [tilespmem:s0+$0x3E30];
	_ =	sdelay $0x4  }
0x2bf: {  	[tilespmem:s1+$0x7FB0] =	vst.add.f32.msk $0xffff, v18  }
0x2c0: {  	v18 =	vld [tilespmem:s0+$0x3E40];
	_ =	sdelay $0x4  }
0x2c1: {  	[tilespmem:s1+$0x7FC0] =	vst.add.f32.msk $0xffff, v18  }
0x2c2: {  	v18 =	vld [tilespmem:s0+$0x3E50];
	_ =	sdelay $0x4  }
0x2c3: {  	[tilespmem:s1+$0x7FD0] =	vst.add.f32.msk $0xffff, v18  }
0x2c4: {  	v18 =	vld [tilespmem:s0+$0x3E60];
	_ =	sdelay $0x4  }
0x2c5: {  	[tilespmem:s1+$0x7FE0] =	vst.add.f32.msk $0xffff, v18  }
0x2c6: {  	v18 =	vld [tilespmem:s0+$0x3E70];
	_ =	sdelay $0x4  }
0x2c7: {  	[tilespmem:s1+$0x7FF0] =	vst.add.f32.msk $0xffff, v18  }
.LBB2_24:
0x2c8: {  	s0 =	rddreg [dreg:$0xe]  }
0x2c9: {  	s1 =	rddreg [dreg:$0xa];
	s0 =	sshll.u32 s0, $0x11  }
0x2ca: {  	s12 =	simm.s32 $0x0;
	s3 =	simm.s32 $0x7B80;
	s0 =	sadd.s32 s0, s1  }
0x2cb: {  	[hbm4b:s0+s12] =	stream.linear.scatter [tilespmem:s3], [sflag:$0x2], $0x10000, $0x38;
	[tilespmem:$0x18380] =	vst v63  }
0x2cc: {  	_ =	swait.ge [sflag:s15], $0x10000  }
0x2cd: {  	s19 =	sand.u32 $0x1F800, s12;
	s1 =	sand.u32 $0x380, s12;
	[sflag:s15] =	ssyncset.done $0x0  }
0x2ce: {  	s0 =	sor.u32 s1, s19;
	[sflag:s15] =	ssyncadd.s32 $0xFFFF0000  }
0x2cf: {  	[tilespmem:s0+$0x7FF0] =	vst v1  }
0x2d0: {  	[tilespmem:s0+$0x7B80] =	vst v1  }
0x2d1: {  	[tilespmem:s0+$0x7B90] =	vst v1  }
0x2d2: {  	[tilespmem:s0+$0x7BA0] =	vst v1  }
0x2d3: {  	[tilespmem:s0+$0x7BB0] =	vst v1  }
0x2d4: {  	[tilespmem:s0+$0x7BC0] =	vst v1  }
0x2d5: {  	[tilespmem:s0+$0x7BD0] =	vst v1  }
0x2d6: {  	[tilespmem:s0+$0x7BE0] =	vst v1  }
0x2d7: {  	[tilespmem:s0+$0x7BF0] =	vst v1  }
0x2d8: {  	[tilespmem:s0+$0x7F80] =	vst v1  }
0x2d9: {  	[tilespmem:s0+$0x7F90] =	vst v1  }
0x2da: {  	[tilespmem:s0+$0x7FA0] =	vst v1  }
0x2db: {  	[tilespmem:s0+$0x7FB0] =	vst v1  }
0x2dc: {  	s20 =	simm.s32 $0x100;
	s1 =	simm.s32 $0x80;
	[tilespmem:s0+$0x7FC0] =	vst v1  }
0x2dd: {  	s5 =	sand.u32 $0x1F800, s20;
	s3 =	simm.s32 $0x200;
	s6 =	sand.u32 $0x380, s1;
	[tilespmem:s0+$0x7FD0] =	vst v1  }
.LBB2_25:
0x2de: {  	p1 =	seq.s32 s3, $0x10700;
	[tilespmem:s0+$0x7FE0] =	vst v1;
	s0 =	sor.u32 s6, s5  }
0x2df: {  	[tilespmem:s0+$0x7FF0] =	vst v1  }
0x2e0: {  	[tilespmem:s0+$0x7B80] =	vst v1  }
0x2e1: {  	[tilespmem:s0+$0x7B90] =	vst v1  }
0x2e2: {  	[tilespmem:s0+$0x7BA0] =	vst v1  }
0x2e3: {  	[tilespmem:s0+$0x7BB0] =	vst v1  }
0x2e4: {  	[tilespmem:s0+$0x7BC0] =	vst v1  }
0x2e5: {  	[tilespmem:s0+$0x7BD0] =	vst v1  }
0x2e6: {  	[tilespmem:s0+$0x7BE0] =	vst v1  }
0x2e7: {  	[tilespmem:s0+$0x7BF0] =	vst v1  }
0x2e8: {  	[tilespmem:s0+$0x7F80] =	vst v1  }
.Ltmp20:
0x2e9: {  	[tilespmem:s0+$0x7F90] =	vst v1;
	(pc) =	sbr.rel @!p1 .LBB2_25-.Ltmp20, $4  }
0x2ea: {  	[tilespmem:s0+$0x7FA0] =	vst v1  }
0x2eb: {  	[tilespmem:s0+$0x7FB0] =	vst v1  }
0x2ec: {  	s1 =	sadd.s32 $0x80, s1;
	[tilespmem:s0+$0x7FC0] =	vst v1  }
0x2ed: {  	s5 =	sand.u32 $0x1F800, s3;
	s3 =	sadd.s32 $0x100, s3;
	s6 =	sand.u32 $0x380, s1;
	[tilespmem:s0+$0x7FD0] =	vst v1  }
0x2ee: {  	s1 =	sor.u32 s6, s5;
	[tilespmem:s0+$0x7FE0] =	vst v1  }
0x2ef: {  	[tilespmem:s1+$0x7FF0] =	vst v1  }
0x2f0: {  	[tilespmem:s1+$0x7B80] =	vst v1  }
0x2f1: {  	[tilespmem:s1+$0x7B90] =	vst v1  }
0x2f2: {  	[tilespmem:s1+$0x7BA0] =	vst v1  }
0x2f3: {  	[tilespmem:s1+$0x7BB0] =	vst v1  }
0x2f4: {  	[tilespmem:s1+$0x7BC0] =	vst v1  }
0x2f5: {  	[tilespmem:s1+$0x7BD0] =	vst v1  }
0x2f6: {  	[tilespmem:s1+$0x7BE0] =	vst v1  }
0x2f7: {  	[tilespmem:s1+$0x7BF0] =	vst v1  }
0x2f8: {  	[tilespmem:s1+$0x7F80] =	vst v1  }
0x2f9: {  	[tilespmem:s1+$0x7F90] =	vst v1  }
.Ltmp21:
0x2fa: {  	[tilespmem:s1+$0x7FA0] =	vst v1;
	(pc) =	sbr.rel .LBB2_28-.Ltmp21, $4  }
0x2fb: {  	[tilespmem:s1+$0x7FB0] =	vst v1  }
0x2fc: {  	[tilespmem:s1+$0x7FC0] =	vst v1  }
0x2fd: {  	[tilespmem:s1+$0x7FD0] =	vst v1  }
0x2fe: {  	[tilespmem:s1+$0x7FE0] =	vst v1  }
.LBB2_30:
0x2ff: {  	_ =	sfence.sel $0x180000  }
0x300: {  	[bflag:$0x0] =	sbarrier.arrive $0xFFFF  }
0x301: {  	_ =	strace $0x90000047  }
0x302: {  	s0 =	stileid.u32;
	[bflag:$0x2] =	sbarrier.arrive $0xFFFF  }
0x303: {  	p0 =	sne.s32 s0, $0x0;
	s0 =	rddreg [dreg:$0x2]  }
0x304: {  	s0 =	sadd.s32 @!p0 $0x100000, s0  }
0x305: {  	[sflag:s0] =	ssyncadd.tile.s32 @!p0 $0x1;
	_ =	shalt  }
.Lfunc_end2:
_tile_overlayer_lowered:
.L_overlay_start_2:
0x306: {  	(tag) =	ssettag $0x2  }
0x307: {  	s0 =	rddreg [dreg:$0x0];
	s2 =	stileid.u32  }
0x308: {  	s1 =	rddreg [dreg:$0x1];
	p0 =	sne.s32 s2, $0x0  }
0x309: {  	s3 =	rddreg [dreg:$0x2];
	[bflag:$0x3] =	sbarrier.arrive $0xFFFF;
	s2 =	simm.s32 @!p0 $0x1C02  }
0x30a: {  	[timem:s3], [sflag:s2] =	dma.local @!p0 [hbm:s0], s1  }
0x30b: {  	s0 =	simm.s32 @!p0 $0x2  }
0x30c: {  	_ =	swait.ge @!p0 [sflag:s0], s1  }
0x30d: {  	s1 =	ssub.s32 @!p0 $0x0, s1;
	[sflag:s0] =	ssyncset.done @!p0 $0x0  }
0x30e: {  	[sflag:s0] =	ssyncadd.s32 @!p0 s1  }
0x30f: {  	[bflag:$0x3] =	sbarrier.arrive $0xFFFF  }
0x310: {  	_ =	shalt  }

</sc_bundles>
